<compile_context>
chip_gen: v7x
topology: tpu7x:2x2x1
jax: 0.10.2.dev20260603
libtpu: 0.0.44.dev20260713+nightly
codegen_flags: <defaults>
</compile_context>

<pallas_src>
import functools

import jax
import jax.numpy as jnp
from jax import lax
from jax.experimental import pallas as pl
from jax.experimental.pallas import tpu as pltpu
from jax.experimental.pallas import tpu_sc as plsc

NC = 2
NS = 16
L = 16
UNROLL = 2

TINY = 1e-6


def _rev(v):
    return lax.rev(v, (0,))


def _bitonic_merge(vs):
    n = len(vs)
    if n == 1:
        return [jnp.sort(vs[0])]
    h = n // 2
    lo = [jnp.minimum(vs[i], vs[i + h]) for i in range(h)]
    hi = [jnp.maximum(vs[i], vs[i + h]) for i in range(h)]
    return _bitonic_merge(lo) + _bitonic_merge(hi)


def _merge_runs(a, b):
    return _bitonic_merge(list(a) + [_rev(x) for x in reversed(b)])


def _sc_body(o_hbm, d_hbm, sv_hbm, w_hbm, u_hbm, pts_hbm, s_hbm,
             ins, outs, sems_in, sems_out, cdf_ss, mid_ss,
             *, rays_per_worker, chunk):
    wid = lax.axis_index("s") * NC + lax.axis_index("c")
    iota = lax.broadcasted_iota(jnp.int32, (L,), 0)
    n_chunks = rays_per_worker // chunk

    lane = [iota + L * k for k in range(4)]
    shift_idx = [jnp.minimum(iota + (L * k + 1), 63) for k in range(4)]
    w_live = [iota + L * k < 62 for k in range(4)]
    cdf_tgt = [jnp.minimum(iota + (L * k + 1), 66) for k in range(4)]
    last = jnp.full((L,), L - 1, jnp.int32)
    zero_f = jnp.zeros((L,), jnp.float32)
    zero_i = jnp.zeros((L,), jnp.int32)
    iota3 = iota * 3

    for cdf_s in cdf_ss:
        cdf_s[pl.ds(0, L)] = zero_f

    def in_pairs(ci, b):
        base = wid * rays_per_worker + ci * chunk
        o_v, d_v, sv_v, w_v, u_v = ins[b]
        sl = pl.ds(base, chunk)
        return [(o_hbm.at[sl], o_v), (d_hbm.at[sl], d_v),
                (sv_hbm.at[sl], sv_v), (w_hbm.at[sl], w_v),
                (u_hbm.at[sl], u_v)]

    def out_pairs(ci, b):
        base = wid * rays_per_worker + ci * chunk
        pts_v, s_v = outs[b]
        sl = pl.ds(base, chunk)
        return [(pts_v, pts_hbm.at[sl]), (s_v, s_hbm.at[sl])]

    def do_ray(r, b, cdf_s, mid_s):
        o_v, d_v, sv_v, w_v, u_v = ins[b]
        pts_v, s_v = outs[b]
        rsp = jnp.full((L,), r, jnp.int32)

        sv = [plsc.load_gather(sv_v, [rsp, lane[k]]) for k in range(4)]
        for k in range(4):
            shifted = plsc.load_gather(sv_v, [rsp, shift_idx[k]])
            mid_s[pl.ds(L * k, L)] = 0.5 * (sv[k] + shifted)

        wc = []
        for k in range(4):
            v = plsc.load_gather(w_v, [rsp, shift_idx[k]]) + TINY
            wc.append(jnp.where(w_live[k], v, 0.0))

        carry = zero_f
        cs = []
        for k in range(4):
            c = plsc.cumsum(wc[k]) + carry
            cs.append(c)
            carry = c[last]
        inv = 1.0 / carry
        for k in range(4):
            plsc.store_scatter(cdf_s, [cdf_tgt[k]], cs[k] * inv)

        sn = []
        for k in range(4):
            uk = plsc.load_gather(u_v, [rsp, lane[k]])
            pos = zero_i
            for sz in (32, 16, 8, 4):
                cand = pos + sz
                val = plsc.load_gather(cdf_s, [cand])
                pos = jnp.where(val <= uk, cand, pos)
            for sz in (2, 1):
                cand = pos + sz
                val = plsc.load_gather(cdf_s, [jnp.minimum(cand, 61)])
                pos = jnp.where((val <= uk) & (cand <= 61), cand, pos)
            cb = plsc.load_gather(cdf_s, [pos])
            ca = plsc.load_gather(cdf_s, [pos + 1])
            bb = plsc.load_gather(mid_s, [pos])
            ba = plsc.load_gather(mid_s, [pos + 1])
            denom = ca - cb
            denom = jnp.where(denom < TINY, 1.0, denom)
            t = (uk - cb) / denom
            sn.append(bb + t * (ba - bb + TINY))

        sn = [jnp.sort(x) for x in sn]
        r01 = _merge_runs(sn[0:1], sn[1:2])
        r23 = _merge_runs(sn[2:3], sn[3:4])
        run4 = _merge_runs(r01, r23)
        s8 = _merge_runs(run4, sv)

        for j in range(8):
            plsc.store_scatter(s_v, [rsp, lane[j % 4] + L * (j - j % 4)],
                               s8[j])


    def compute_chunk(b):
        def ray_group(i, carry_unused):
            for s in range(UNROLL):
                do_ray(i * UNROLL + s, b, cdf_ss[s], mid_ss[s])
            return carry_unused
        lax.fori_loop(0, chunk // UNROLL, ray_group, 0)

    for src, dst in in_pairs(0, 0):
        pltpu.async_copy(src, dst, sems_in[0])

    def grp(g, carry_unused):
        for b in range(2):
            ci = 2 * g + b
            for src, dst in in_pairs(ci, b):
                pltpu.make_async_copy(src, dst, sems_in[b]).wait()

            @pl.when(ci + 1 < n_chunks)
            def _start_next():
                for src, dst in in_pairs(ci + 1, 1 - b):
                    pltpu.async_copy(src, dst, sems_in[1 - b])

            @pl.when(ci >= 2)
            def _drain_prev():
                for src, dst in out_pairs(ci - 2, b):
                    pltpu.make_async_copy(src, dst, sems_out[b]).wait()

            compute_chunk(b)
            for src, dst in out_pairs(ci, b):
                pltpu.async_copy(src, dst, sems_out[b])
        return carry_unused

    lax.fori_loop(0, n_chunks // 2, grp, 0)
    for src, dst in out_pairs(n_chunks - 2, 0):
        pltpu.make_async_copy(src, dst, sems_out[0]).wait()
    for src, dst in out_pairs(n_chunks - 1, 1):
        pltpu.make_async_copy(src, dst, sems_out[1]).wait()


def kernel(rays_o, rays_d, s_vals, weights, u):
    B, M = s_vals.shape
    assert M == 64 and u.shape[-1] == 64
    nw = NC * NS
    rays_per_worker = B // nw
    chunk = 32
    assert rays_per_worker % (2 * chunk) == 0

    body = functools.partial(_sc_body, rays_per_worker=rays_per_worker,
                             chunk=chunk)
    def in_set():
        return [
            pltpu.VMEM((chunk, 3), jnp.float32),
            pltpu.VMEM((chunk, 3), jnp.float32),
            pltpu.VMEM((chunk, 64), jnp.float32),
            pltpu.VMEM((chunk, 64), jnp.float32),
            pltpu.VMEM((chunk, 64), jnp.float32),
        ]
    def out_set():
        return [
            pltpu.VMEM((chunk, 384), jnp.float32),
            pltpu.VMEM((chunk, 128), jnp.float32),
        ]
    f = pl.kernel(
        body,
        out_type=[
            jax.ShapeDtypeStruct((B, 384), jnp.float32),
            jax.ShapeDtypeStruct((B, 128), jnp.float32),
        ],
        mesh=plsc.VectorSubcoreMesh(
            core_axis_name="c", subcore_axis_name="s",
            num_cores=NC, num_subcores=NS),
        compiler_params=pltpu.CompilerParams(
            needs_layout_passes=False, disable_bounds_checks=True),
        scratch_types=[
            [in_set(), in_set()],
            [out_set(), out_set()],
            [pltpu.SemaphoreType.DMA] * 2,
            [pltpu.SemaphoreType.DMA] * 2,
            [pltpu.VMEM((80,), jnp.float32)] * UNROLL,
            [pltpu.VMEM((80,), jnp.float32)] * UNROLL,
        ],
    )
    pts2d, s = f(rays_o, rays_d, s_vals, weights, u)
    pts = pts2d.reshape(B, 128, 3)
    return (pts, s, s)

# --- scband reference (transcript-rebuilt; emitter-appended) ---
"""Pipeline reference for scband-new-sampler-63170378989663 (READ-ONLY COPY).

The authoritative reference and input builder live on the scoring server;
editing this copy changes nothing except your own understanding.
"""

import jax, jax.numpy as jnp
import numpy as np

TINY_FLOAT = 1e-6


def sample_pdf(bins, weights, u):
    # bins: [..., M+1], weights: [..., M], u: [..., N_samples] uniforms in [0,1)
    weights = weights + TINY_FLOAT
    pdf = weights / jnp.sum(weights, axis=-1, keepdims=True)
    cdf = jnp.cumsum(pdf, axis=-1)
    cdf = jnp.concatenate([jnp.zeros_like(cdf[..., 0:1]), cdf], axis=-1)  # [..., M+1]
    dots_sh = tuple(weights.shape[:-1])
    M = weights.shape[-1]
    N_samples = u.shape[-1]
    above_inds = jnp.sum((u[..., None] >= cdf[..., None, :M]).astype(jnp.int32), axis=-1)
    below_inds = jnp.maximum(above_inds - 1, 0)
    inds_g = jnp.stack([below_inds, above_inds], axis=-1)  # [..., N_samples, 2]
    cdf_e = jnp.broadcast_to(cdf[..., None, :], dots_sh + (N_samples, M + 1))
    cdf_g = jnp.take_along_axis(cdf_e, inds_g, axis=-1)
    bins_e = jnp.broadcast_to(bins[..., None, :], dots_sh + (N_samples, M + 1))
    bins_g = jnp.take_along_axis(bins_e, inds_g, axis=-1)
    denom = cdf_g[..., 1] - cdf_g[..., 0]
    denom = jnp.where(denom < TINY_FLOAT, jnp.ones_like(denom), denom)
    t = (u - cdf_g[..., 0]) / denom
    samples = bins_g[..., 0] + t * (bins_g[..., 1] - bins_g[..., 0] + TINY_FLOAT)
    return samples


def setup_inputs(seed: int = 0):
    key = jax.random.key(seed)
    k1, k2, k3, k4, k5 = jax.random.split(key, 5)
    B, M_prev, N_total = 65536, 64, 128
    rays_o = jax.random.normal(k1, (B, 3), dtype=jnp.float32)
    rays_d = jax.random.normal(k2, (B, 3), dtype=jnp.float32)
    # previous (coarse) sample depths: sorted ascending in depth_range [1, 8]
    s_vals = jnp.sort(
        jax.random.uniform(k3, (B, M_prev), dtype=jnp.float32, minval=1.0, maxval=8.0),
        axis=-1,
    )
    weights = jax.random.uniform(k4, (B, M_prev), dtype=jnp.float32)
    # uniforms consumed by inverse-CDF resampling (torch generates these
    # internally with torch.rand; fixed here for determinism)
    u = jax.random.uniform(k5, (B, N_total - M_prev), dtype=jnp.float32)
    return {"rays_o": rays_o, "rays_d": rays_d, "s_vals": s_vals, "weights": weights, "u": u}


def reference(rays_o, rays_d, s_vals, weights, u):
    # NewSampler(depth_range=(1,8), n_samples=128, perturb=False, spherical=False,
    #            lindisp=False, include_prev_samples=True) forward with s_vals/weights given.
    mid = 0.5 * (s_vals[..., 1:] + s_vals[..., :-1])  # [B, 63]
    w = jax.lax.stop_gradient(weights)[..., 1:-1]      # [B, 62] (torch detaches weights)
    s_new = sample_pdf(mid, w, u)                      # [B, 64]
    s = jnp.sort(jnp.concatenate([s_new, s_vals], axis=-1), axis=-1)  # ascending (lindisp=False)
    z = s  # lindisp=False -> z = s
    pts = rays_o[..., None, :] + rays_d[..., None, :] * z[..., None]  # [B, 128, 3]
    return (pts, z, s)

if __name__ == "__main__":
    import jax
    _d = setup_inputs()
    print(jax.jit(kernel)(*tuple(_d.values())))

</pallas_src>

<mosaic_0001>
#map = affine_map<(d0, d1) -> (0, 0)>
module attributes {stable_mosaic.version = 14 : i64} {
  func.func @_sc_body(%arg0: i32, %arg1: i32, %arg2: memref<65536x3xf32, #tpu.memory_space<hbm>>, %arg3: memref<65536x3xf32, #tpu.memory_space<hbm>>, %arg4: memref<65536x64xf32, #tpu.memory_space<hbm>>, %arg5: memref<65536x64xf32, #tpu.memory_space<hbm>>, %arg6: memref<65536x64xf32, #tpu.memory_space<hbm>>, %arg7: memref<65536x384xf32, #tpu.memory_space<hbm>>, %arg8: memref<65536x128xf32, #tpu.memory_space<hbm>>, %arg9: memref<32x3xf32, #tpu.memory_space<vmem>>, %arg10: memref<32x3xf32, #tpu.memory_space<vmem>>, %arg11: memref<32x64xf32, #tpu.memory_space<vmem>>, %arg12: memref<32x64xf32, #tpu.memory_space<vmem>>, %arg13: memref<32x64xf32, #tpu.memory_space<vmem>>, %arg14: memref<32x3xf32, #tpu.memory_space<vmem>>, %arg15: memref<32x3xf32, #tpu.memory_space<vmem>>, %arg16: memref<32x64xf32, #tpu.memory_space<vmem>>, %arg17: memref<32x64xf32, #tpu.memory_space<vmem>>, %arg18: memref<32x64xf32, #tpu.memory_space<vmem>>, %arg19: memref<32x384xf32, #tpu.memory_space<vmem>>, %arg20: memref<32x128xf32, #tpu.memory_space<vmem>>, %arg21: memref<32x384xf32, #tpu.memory_space<vmem>>, %arg22: memref<32x128xf32, #tpu.memory_space<vmem>>, %arg23: memref<!tpu.dma_semaphore, #tpu.memory_space<semaphore_mem>>, %arg24: memref<!tpu.dma_semaphore, #tpu.memory_space<semaphore_mem>>, %arg25: memref<!tpu.dma_semaphore, #tpu.memory_space<semaphore_mem>>, %arg26: memref<!tpu.dma_semaphore, #tpu.memory_space<semaphore_mem>>, %arg27: memref<80xf32, #tpu.memory_space<vmem>>, %arg28: memref<80xf32, #tpu.memory_space<vmem>>, %arg29: memref<80xf32, #tpu.memory_space<vmem>>, %arg30: memref<80xf32, #tpu.memory_space<vmem>>) attributes {dimension_semantics = [#tpu.dimension_semantics<core_parallel>, #tpu.dimension_semantics<subcore_parallel>], iteration_bounds = array<i64: 2, 16>, scalar_prefetch = 0 : i64, scratch_operands = 22 : i64, tpu.core_type = #tpu.core_type<sc_vector_subcore>, window_params = [{transform_indices = #map}, {transform_indices = #map}, {transform_indices = #map}, {transform_indices = #map}, {transform_indices = #map}, {transform_indices = #map}, {transform_indices = #map}]} {
    %mul3A = arith.constant 2 : i32
    %mul3A_0 = arith.muli %arg1, %mul3A : i32
    %add3A = arith.addi %mul3A_0, %arg0 : i32
    %iota3A = tpu.iota {dimensions = array<i32: 0>} : vector<16xi32>
    %add3A_1 = arith.constant 0 : i32
    %add3A_2 = vector.broadcast %add3A_1 : i32 to vector<16xi32>
    %add3A_3 = arith.addi %iota3A, %add3A_2 : vector<16xi32>
    %add3A_4 = arith.constant 16 : i32
    %add3A_5 = vector.broadcast %add3A_4 : i32 to vector<16xi32>
    %add3A_6 = arith.addi %iota3A, %add3A_5 : vector<16xi32>
    %add3A_7 = arith.constant 32 : i32
    %add3A_8 = vector.broadcast %add3A_7 : i32 to vector<16xi32>
    %add3A_9 = arith.addi %iota3A, %add3A_8 : vector<16xi32>
    %add3A_10 = arith.constant 48 : i32
    %add3A_11 = vector.broadcast %add3A_10 : i32 to vector<16xi32>
    %add3A_12 = arith.addi %iota3A, %add3A_11 : vector<16xi32>
    %add3A_13 = arith.constant 1 : i32
    %add3A_14 = vector.broadcast %add3A_13 : i32 to vector<16xi32>
    %add3A_15 = arith.addi %iota3A, %add3A_14 : vector<16xi32>
    %min3A = arith.constant 63 : i32
    %min3A_16 = vector.broadcast %min3A : i32 to vector<16xi32>
    %min3A_17 = arith.minsi %add3A_15, %min3A_16 : vector<16xi32>
    %add3A_18 = arith.constant 17 : i32
    %add3A_19 = vector.broadcast %add3A_18 : i32 to vector<16xi32>
    %add3A_20 = arith.addi %iota3A, %add3A_19 : vector<16xi32>
    %min3A_21 = arith.constant 63 : i32
    %min3A_22 = vector.broadcast %min3A_21 : i32 to vector<16xi32>
    %min3A_23 = arith.minsi %add3A_20, %min3A_22 : vector<16xi32>
    %add3A_24 = arith.constant 33 : i32
    %add3A_25 = vector.broadcast %add3A_24 : i32 to vector<16xi32>
    %add3A_26 = arith.addi %iota3A, %add3A_25 : vector<16xi32>
    %min3A_27 = arith.constant 63 : i32
    %min3A_28 = vector.broadcast %min3A_27 : i32 to vector<16xi32>
    %min3A_29 = arith.minsi %add3A_26, %min3A_28 : vector<16xi32>
    %add3A_30 = arith.constant 49 : i32
    %add3A_31 = vector.broadcast %add3A_30 : i32 to vector<16xi32>
    %add3A_32 = arith.addi %iota3A, %add3A_31 : vector<16xi32>
    %min3A_33 = arith.constant 63 : i32
    %min3A_34 = vector.broadcast %min3A_33 : i32 to vector<16xi32>
    %min3A_35 = arith.minsi %add3A_32, %min3A_34 : vector<16xi32>
    %add3A_36 = arith.constant 0 : i32
    %add3A_37 = vector.broadcast %add3A_36 : i32 to vector<16xi32>
    %add3A_38 = arith.addi %iota3A, %add3A_37 : vector<16xi32>
    %lt3A = arith.constant 62 : i32
    %lt3A_39 = vector.broadcast %lt3A : i32 to vector<16xi32>
    %lt3A_40 = arith.cmpi slt, %add3A_38, %lt3A_39 : vector<16xi32>
    %add3A_41 = arith.constant 16 : i32
    %add3A_42 = vector.broadcast %add3A_41 : i32 to vector<16xi32>
    %add3A_43 = arith.addi %iota3A, %add3A_42 : vector<16xi32>
    %lt3A_44 = arith.constant 62 : i32
    %lt3A_45 = vector.broadcast %lt3A_44 : i32 to vector<16xi32>
    %lt3A_46 = arith.cmpi slt, %add3A_43, %lt3A_45 : vector<16xi32>
    %add3A_47 = arith.constant 32 : i32
    %add3A_48 = vector.broadcast %add3A_47 : i32 to vector<16xi32>
    %add3A_49 = arith.addi %iota3A, %add3A_48 : vector<16xi32>
    %lt3A_50 = arith.constant 62 : i32
    %lt3A_51 = vector.broadcast %lt3A_50 : i32 to vector<16xi32>
    %lt3A_52 = arith.cmpi slt, %add3A_49, %lt3A_51 : vector<16xi32>
    %add3A_53 = arith.constant 48 : i32
    %add3A_54 = vector.broadcast %add3A_53 : i32 to vector<16xi32>
    %add3A_55 = arith.addi %iota3A, %add3A_54 : vector<16xi32>
    %lt3A_56 = arith.constant 62 : i32
    %lt3A_57 = vector.broadcast %lt3A_56 : i32 to vector<16xi32>
    %lt3A_58 = arith.cmpi slt, %add3A_55, %lt3A_57 : vector<16xi32>
    %add3A_59 = arith.constant 1 : i32
    %add3A_60 = vector.broadcast %add3A_59 : i32 to vector<16xi32>
    %add3A_61 = arith.addi %iota3A, %add3A_60 : vector<16xi32>
    %min3A_62 = arith.constant 66 : i32
    %min3A_63 = vector.broadcast %min3A_62 : i32 to vector<16xi32>
    %min3A_64 = arith.minsi %add3A_61, %min3A_63 : vector<16xi32>
    %add3A_65 = arith.constant 17 : i32
    %add3A_66 = vector.broadcast %add3A_65 : i32 to vector<16xi32>
    %add3A_67 = arith.addi %iota3A, %add3A_66 : vector<16xi32>
    %min3A_68 = arith.constant 66 : i32
    %min3A_69 = vector.broadcast %min3A_68 : i32 to vector<16xi32>
    %min3A_70 = arith.minsi %add3A_67, %min3A_69 : vector<16xi32>
    %add3A_71 = arith.constant 33 : i32
    %add3A_72 = vector.broadcast %add3A_71 : i32 to vector<16xi32>
    %add3A_73 = arith.addi %iota3A, %add3A_72 : vector<16xi32>
    %min3A_74 = arith.constant 66 : i32
    %min3A_75 = vector.broadcast %min3A_74 : i32 to vector<16xi32>
    %min3A_76 = arith.minsi %add3A_73, %min3A_75 : vector<16xi32>
    %add3A_77 = arith.constant 49 : i32
    %add3A_78 = vector.broadcast %add3A_77 : i32 to vector<16xi32>
    %add3A_79 = arith.addi %iota3A, %add3A_78 : vector<16xi32>
    %min3A_80 = arith.constant 66 : i32
    %min3A_81 = vector.broadcast %min3A_80 : i32 to vector<16xi32>
    %min3A_82 = arith.minsi %add3A_79, %min3A_81 : vector<16xi32>
    %broadcast_in_dim3A = arith.constant 15 : i32
    %broadcast_in_dim3A_83 = vector.broadcast %broadcast_in_dim3A : i32 to vector<16xi32>
    %broadcast_in_dim3A_84 = arith.constant 0.000000e+00 : f32
    %broadcast_in_dim3A_85 = vector.broadcast %broadcast_in_dim3A_84 : f32 to vector<16xf32>
    %broadcast_in_dim3A_86 = arith.constant 0 : i32
    %broadcast_in_dim3A_87 = vector.broadcast %broadcast_in_dim3A_86 : i32 to vector<16xi32>
    %mul3A_88 = arith.constant 3 : i32
    %mul3A_89 = vector.broadcast %mul3A_88 : i32 to vector<16xi32>
    %mul3A_90 = arith.muli %iota3A, %mul3A_89 : vector<16xi32>
    %swap3A = arith.constant 0 : index
    %swap3A_91 = tpu.vector_load %arg27[%swap3A] {strides = array<i32>} : memref<80xf32, #tpu.memory_space<vmem>>, vector<16xf32>,
    tpu.vector_store %arg27[%swap3A], %broadcast_in_dim3A_85 {strides = array<i32>} : memref<80xf32, #tpu.memory_space<vmem>>, vector<16xf32>,
    %swap3A_92 = arith.constant 0 : index
    %swap3A_93 = tpu.vector_load %arg28[%swap3A_92] {strides = array<i32>} : memref<80xf32, #tpu.memory_space<vmem>>, vector<16xf32>,
    tpu.vector_store %arg28[%swap3A_92], %broadcast_in_dim3A_85 {strides = array<i32>} : memref<80xf32, #tpu.memory_space<vmem>>, vector<16xf32>,
    %mul3A_94 = arith.constant 2048 : i32
    %mul3A_95 = arith.muli %add3A, %mul3A_94 : i32
    %add3A_96 = arith.constant 0 : i32
    %add3A_97 = arith.addi %mul3A_95, %add3A_96 : i32
    %dma_start3A = arith.constant 0 : i32
    %dma_start3A_98 = tpu.memref_slice %arg2[%add3A_97, %dma_start3A] : memref<65536x3xf32, #tpu.memory_space<hbm>> -> memref<32x3xf32, #tpu.memory_space<hbm>>
    %dma_start3A_99 = arith.constant 0 : i32
    %dma_start3A_100 = tpu.memref_slice %arg2[%add3A_97, %dma_start3A_99] : memref<65536x3xf32, #tpu.memory_space<hbm>> -> memref<32x3xf32, #tpu.memory_space<hbm>>
    tpu.enqueue_dma source(%dma_start3A_100 : memref<32x3xf32, #tpu.memory_space<hbm>>) target(%arg9 : memref<32x3xf32, #tpu.memory_space<vmem>>) target_semaphore(%arg23 : memref<!tpu.dma_semaphore, #tpu.memory_space<semaphore_mem>>)
    %dma_start3A_101 = arith.constant 0 : i32
    %dma_start3A_102 = tpu.memref_slice %arg3[%add3A_97, %dma_start3A_101] : memref<65536x3xf32, #tpu.memory_space<hbm>> -> memref<32x3xf32, #tpu.memory_space<hbm>>
    %dma_start3A_103 = arith.constant 0 : i32
    %dma_start3A_104 = tpu.memref_slice %arg3[%add3A_97, %dma_start3A_103] : memref<65536x3xf32, #tpu.memory_space<hbm>> -> memref<32x3xf32, #tpu.memory_space<hbm>>
    tpu.enqueue_dma source(%dma_start3A_104 : memref<32x3xf32, #tpu.memory_space<hbm>>) target(%arg10 : memref<32x3xf32, #tpu.memory_space<vmem>>) target_semaphore(%arg23 : memref<!tpu.dma_semaphore, #tpu.memory_space<semaphore_mem>>)
    %dma_start3A_105 = arith.constant 0 : i32
    %dma_start3A_106 = tpu.memref_slice %arg4[%add3A_97, %dma_start3A_105] : memref<65536x64xf32, #tpu.memory_space<hbm>> -> memref<32x64xf32, #tpu.memory_space<hbm>>
    %dma_start3A_107 = arith.constant 0 : i32
    %dma_start3A_108 = tpu.memref_slice %arg4[%add3A_97, %dma_start3A_107] : memref<65536x64xf32, #tpu.memory_space<hbm>> -> memref<32x64xf32, #tpu.memory_space<hbm>>
    tpu.enqueue_dma source(%dma_start3A_108 : memref<32x64xf32, #tpu.memory_space<hbm>>) target(%arg11 : memref<32x64xf32, #tpu.memory_space<vmem>>) target_semaphore(%arg23 : memref<!tpu.dma_semaphore, #tpu.memory_space<semaphore_mem>>)
    %dma_start3A_109 = arith.constant 0 : i32
    %dma_start3A_110 = tpu.memref_slice %arg5[%add3A_97, %dma_start3A_109] : memref<65536x64xf32, #tpu.memory_space<hbm>> -> memref<32x64xf32, #tpu.memory_space<hbm>>
    %dma_start3A_111 = arith.constant 0 : i32
    %dma_start3A_112 = tpu.memref_slice %arg5[%add3A_97, %dma_start3A_111] : memref<65536x64xf32, #tpu.memory_space<hbm>> -> memref<32x64xf32, #tpu.memory_space<hbm>>
    tpu.enqueue_dma source(%dma_start3A_112 : memref<32x64xf32, #tpu.memory_space<hbm>>) target(%arg12 : memref<32x64xf32, #tpu.memory_space<vmem>>) target_semaphore(%arg23 : memref<!tpu.dma_semaphore, #tpu.memory_space<semaphore_mem>>)
    %dma_start3A_113 = arith.constant 0 : i32
    %dma_start3A_114 = tpu.memref_slice %arg6[%add3A_97, %dma_start3A_113] : memref<65536x64xf32, #tpu.memory_space<hbm>> -> memref<32x64xf32, #tpu.memory_space<hbm>>
    %dma_start3A_115 = arith.constant 0 : i32
    %dma_start3A_116 = tpu.memref_slice %arg6[%add3A_97, %dma_start3A_115] : memref<65536x64xf32, #tpu.memory_space<hbm>> -> memref<32x64xf32, #tpu.memory_space<hbm>>
    tpu.enqueue_dma source(%dma_start3A_116 : memref<32x64xf32, #tpu.memory_space<hbm>>) target(%arg13 : memref<32x64xf32, #tpu.memory_space<vmem>>) target_semaphore(%arg23 : memref<!tpu.dma_semaphore, #tpu.memory_space<semaphore_mem>>)
    %scan3A = arith.constant 0 : i32
    %scan3A_117 = arith.constant 0 : i32
    %scan3A_118 = arith.constant 32 : i32
    %scan3A_119 = arith.addi %scan3A_117, %scan3A_118 : i32
    %scan3A_120 = arith.constant 1 : i32
    scf.for %scan3A_145 = %scan3A_117 to %scan3A_119 step %scan3A_120  : i32 {
      %mul3A_146 = arith.constant 2 : i32
      %mul3A_147 = arith.muli %mul3A_146, %scan3A_145 : i32
      %add3A_148 = arith.constant 0 : i32
      %add3A_149 = arith.addi %mul3A_147, %add3A_148 : i32
      %mul3A_150 = arith.constant 2048 : i32
      %mul3A_151 = arith.muli %add3A, %mul3A_150 : i32
      %mul3A_152 = arith.constant 32 : i32
      %mul3A_153 = arith.muli %add3A_149, %mul3A_152 : i32
      %add3A_154 = arith.addi %mul3A_151, %mul3A_153 : i32
      %dma_wait3A_155 = arith.constant 0 : i32
      %dma_wait3A_156 = tpu.memref_slice %arg2[%add3A_154, %dma_wait3A_155] : memref<65536x3xf32, #tpu.memory_space<hbm>> -> memref<32x3xf32, #tpu.memory_space<hbm>>
      %dma_wait3A_157 = arith.constant 0 : i32
      %dma_wait3A_158 = tpu.memref_slice %arg2[%add3A_154, %dma_wait3A_157] : memref<65536x3xf32, #tpu.memory_space<hbm>> -> memref<32x3xf32, #tpu.memory_space<hbm>>
      tpu.wait_dma2 semaphore(%arg23 : memref<!tpu.dma_semaphore, #tpu.memory_space<semaphore_mem>>) src(%dma_wait3A_158 : memref<32x3xf32, #tpu.memory_space<hbm>>) dst(%arg9 : memref<32x3xf32, #tpu.memory_space<vmem>>)
      %dma_wait3A_159 = arith.constant 0 : i32
      %dma_wait3A_160 = tpu.memref_slice %arg3[%add3A_154, %dma_wait3A_159] : memref<65536x3xf32, #tpu.memory_space<hbm>> -> memref<32x3xf32, #tpu.memory_space<hbm>>
      %dma_wait3A_161 = arith.constant 0 : i32
      %dma_wait3A_162 = tpu.memref_slice %arg3[%add3A_154, %dma_wait3A_161] : memref<65536x3xf32, #tpu.memory_space<hbm>> -> memref<32x3xf32, #tpu.memory_space<hbm>>
      tpu.wait_dma2 semaphore(%arg23 : memref<!tpu.dma_semaphore, #tpu.memory_space<semaphore_mem>>) src(%dma_wait3A_162 : memref<32x3xf32, #tpu.memory_space<hbm>>) dst(%arg10 : memref<32x3xf32, #tpu.memory_space<vmem>>)
      %dma_wait3A_163 = arith.constant 0 : i32
      %dma_wait3A_164 = tpu.memref_slice %arg4[%add3A_154, %dma_wait3A_163] : memref<65536x64xf32, #tpu.memory_space<hbm>> -> memref<32x64xf32, #tpu.memory_space<hbm>>
      %dma_wait3A_165 = arith.constant 0 : i32
      %dma_wait3A_166 = tpu.memref_slice %arg4[%add3A_154, %dma_wait3A_165] : memref<65536x64xf32, #tpu.memory_space<hbm>> -> memref<32x64xf32, #tpu.memory_space<hbm>>
      tpu.wait_dma2 semaphore(%arg23 : memref<!tpu.dma_semaphore, #tpu.memory_space<semaphore_mem>>) src(%dma_wait3A_166 : memref<32x64xf32, #tpu.memory_space<hbm>>) dst(%arg11 : memref<32x64xf32, #tpu.memory_space<vmem>>)
      %dma_wait3A_167 = arith.constant 0 : i32
      %dma_wait3A_168 = tpu.memref_slice %arg5[%add3A_154, %dma_wait3A_167] : memref<65536x64xf32, #tpu.memory_space<hbm>> -> memref<32x64xf32, #tpu.memory_space<hbm>>
      %dma_wait3A_169 = arith.constant 0 : i32
      %dma_wait3A_170 = tpu.memref_slice %arg5[%add3A_154, %dma_wait3A_169] : memref<65536x64xf32, #tpu.memory_space<hbm>> -> memref<32x64xf32, #tpu.memory_space<hbm>>
      tpu.wait_dma2 semaphore(%arg23 : memref<!tpu.dma_semaphore, #tpu.memory_space<semaphore_mem>>) src(%dma_wait3A_170 : memref<32x64xf32, #tpu.memory_space<hbm>>) dst(%arg12 : memref<32x64xf32, #tpu.memory_space<vmem>>)
      %dma_wait3A_171 = arith.constant 0 : i32
      %dma_wait3A_172 = tpu.memref_slice %arg6[%add3A_154, %dma_wait3A_171] : memref<65536x64xf32, #tpu.memory_space<hbm>> -> memref<32x64xf32, #tpu.memory_space<hbm>>
      %dma_wait3A_173 = arith.constant 0 : i32
      %dma_wait3A_174 = tpu.memref_slice %arg6[%add3A_154, %dma_wait3A_173] : memref<65536x64xf32, #tpu.memory_space<hbm>> -> memref<32x64xf32, #tpu.memory_space<hbm>>
      tpu.wait_dma2 semaphore(%arg23 : memref<!tpu.dma_semaphore, #tpu.memory_space<semaphore_mem>>) src(%dma_wait3A_174 : memref<32x64xf32, #tpu.memory_space<hbm>>) dst(%arg13 : memref<32x64xf32, #tpu.memory_space<vmem>>)
      %add3A_175 = arith.constant 1 : i32
      %add3A_176 = arith.addi %add3A_149, %add3A_175 : i32
      %lt3A_177 = arith.constant 64 : i32
      %lt3A_178 = arith.cmpi slt, %add3A_176, %lt3A_177 : i32
      %convert_element_type3A = arith.extui %lt3A_178 : i1 to i32
      %cond3A = arith.constant 0 : i32
      %cond3A_179 = arith.cmpi ne, %convert_element_type3A, %cond3A : i32
      scf.if %cond3A_179 {
        %add3A_263 = arith.constant 1 : i32
        %add3A_264 = arith.addi %add3A_149, %add3A_263 : i32
        %mul3A_265 = arith.constant 2048 : i32
        %mul3A_266 = arith.muli %add3A, %mul3A_265 : i32
        %mul3A_267 = arith.constant 32 : i32
        %mul3A_268 = arith.muli %add3A_264, %mul3A_267 : i32
        %add3A_269 = arith.addi %mul3A_266, %mul3A_268 : i32
        %dma_start3A_270 = arith.constant 0 : i32
        %dma_start3A_271 = tpu.memref_slice %arg2[%add3A_269, %dma_start3A_270] : memref<65536x3xf32, #tpu.memory_space<hbm>> -> memref<32x3xf32, #tpu.memory_space<hbm>>
        %dma_start3A_272 = arith.constant 0 : i32
        %dma_start3A_273 = tpu.memref_slice %arg2[%add3A_269, %dma_start3A_272] : memref<65536x3xf32, #tpu.memory_space<hbm>> -> memref<32x3xf32, #tpu.memory_space<hbm>>
        tpu.enqueue_dma source(%dma_start3A_273 : memref<32x3xf32, #tpu.memory_space<hbm>>) target(%arg14 : memref<32x3xf32, #tpu.memory_space<vmem>>) target_semaphore(%arg24 : memref<!tpu.dma_semaphore, #tpu.memory_space<semaphore_mem>>)
        %dma_start3A_274 = arith.constant 0 : i32
        %dma_start3A_275 = tpu.memref_slice %arg3[%add3A_269, %dma_start3A_274] : memref<65536x3xf32, #tpu.memory_space<hbm>> -> memref<32x3xf32, #tpu.memory_space<hbm>>
        %dma_start3A_276 = arith.constant 0 : i32
        %dma_start3A_277 = tpu.memref_slice %arg3[%add3A_269, %dma_start3A_276] : memref<65536x3xf32, #tpu.memory_space<hbm>> -> memref<32x3xf32, #tpu.memory_space<hbm>>
        tpu.enqueue_dma source(%dma_start3A_277 : memref<32x3xf32, #tpu.memory_space<hbm>>) target(%arg15 : memref<32x3xf32, #tpu.memory_space<vmem>>) target_semaphore(%arg24 : memref<!tpu.dma_semaphore, #tpu.memory_space<semaphore_mem>>)
        %dma_start3A_278 = arith.constant 0 : i32
        %dma_start3A_279 = tpu.memref_slice %arg4[%add3A_269, %dma_start3A_278] : memref<65536x64xf32, #tpu.memory_space<hbm>> -> memref<32x64xf32, #tpu.memory_space<hbm>>
        %dma_start3A_280 = arith.constant 0 : i32
        %dma_start3A_281 = tpu.memref_slice %arg4[%add3A_269, %dma_start3A_280] : memref<65536x64xf32, #tpu.memory_space<hbm>> -> memref<32x64xf32, #tpu.memory_space<hbm>>
        tpu.enqueue_dma source(%dma_start3A_281 : memref<32x64xf32, #tpu.memory_space<hbm>>) target(%arg16 : memref<32x64xf32, #tpu.memory_space<vmem>>) target_semaphore(%arg24 : memref<!tpu.dma_semaphore, #tpu.memory_space<semaphore_mem>>)
        %dma_start3A_282 = arith.constant 0 : i32
        %dma_start3A_283 = tpu.memref_slice %arg5[%add3A_269, %dma_start3A_282] : memref<65536x64xf32, #tpu.memory_space<hbm>> -> memref<32x64xf32, #tpu.memory_space<hbm>>
        %dma_start3A_284 = arith.constant 0 : i32
        %dma_start3A_285 = tpu.memref_slice %arg5[%add3A_269, %dma_start3A_284] : memref<65536x64xf32, #tpu.memory_space<hbm>> -> memref<32x64xf32, #tpu.memory_space<hbm>>
        tpu.enqueue_dma source(%dma_start3A_285 : memref<32x64xf32, #tpu.memory_space<hbm>>) target(%arg17 : memref<32x64xf32, #tpu.memory_space<vmem>>) target_semaphore(%arg24 : memref<!tpu.dma_semaphore, #tpu.memory_space<semaphore_mem>>)
        %dma_start3A_286 = arith.constant 0 : i32
        %dma_start3A_287 = tpu.memref_slice %arg6[%add3A_269, %dma_start3A_286] : memref<65536x64xf32, #tpu.memory_space<hbm>> -> memref<32x64xf32, #tpu.memory_space<hbm>>
        %dma_start3A_288 = arith.constant 0 : i32
        %dma_start3A_289 = tpu.memref_slice %arg6[%add3A_269, %dma_start3A_288] : memref<65536x64xf32, #tpu.memory_space<hbm>> -> memref<32x64xf32, #tpu.memory_space<hbm>>
        tpu.enqueue_dma source(%dma_start3A_289 : memref<32x64xf32, #tpu.memory_space<hbm>>) target(%arg18 : memref<32x64xf32, #tpu.memory_space<vmem>>) target_semaphore(%arg24 : memref<!tpu.dma_semaphore, #tpu.memory_space<semaphore_mem>>)
      } else {
      }
      %ge3A = arith.constant 2 : i32
      %ge3A_180 = arith.cmpi sge, %add3A_149, %ge3A : i32
      %convert_element_type3A_181 = arith.extui %ge3A_180 : i1 to i32
      %cond3A_182 = arith.constant 0 : i32
      %cond3A_183 = arith.cmpi ne, %convert_element_type3A_181, %cond3A_182 : i32
      scf.if %cond3A_183 {
        %sub3A = arith.constant 2 : i32
        %sub3A_263 = arith.subi %add3A_149, %sub3A : i32
        %mul3A_264 = arith.constant 2048 : i32
        %mul3A_265 = arith.muli %add3A, %mul3A_264 : i32
        %mul3A_266 = arith.constant 32 : i32
        %mul3A_267 = arith.muli %sub3A_263, %mul3A_266 : i32
        %add3A_268 = arith.addi %mul3A_265, %mul3A_267 : i32
        %dma_wait3A_269 = arith.constant 0 : i32
        %dma_wait3A_270 = tpu.memref_slice %arg7[%add3A_268, %dma_wait3A_269] : memref<65536x384xf32, #tpu.memory_space<hbm>> -> memref<32x384xf32, #tpu.memory_space<hbm>>
        %dma_wait3A_271 = arith.constant 0 : i32
        %dma_wait3A_272 = tpu.memref_slice %arg7[%add3A_268, %dma_wait3A_271] : memref<65536x384xf32, #tpu.memory_space<hbm>> -> memref<32x384xf32, #tpu.memory_space<hbm>>
        tpu.wait_dma2 semaphore(%arg25 : memref<!tpu.dma_semaphore, #tpu.memory_space<semaphore_mem>>) src(%arg19 : memref<32x384xf32, #tpu.memory_space<vmem>>) dst(%dma_wait3A_272 : memref<32x384xf32, #tpu.memory_space<hbm>>)
        %dma_wait3A_273 = arith.constant 0 : i32
        %dma_wait3A_274 = tpu.memref_slice %arg8[%add3A_268, %dma_wait3A_273] : memref<65536x128xf32, #tpu.memory_space<hbm>> -> memref<32x128xf32, #tpu.memory_space<hbm>>
        %dma_wait3A_275 = arith.constant 0 : i32
        %dma_wait3A_276 = tpu.memref_slice %arg8[%add3A_268, %dma_wait3A_275] : memref<65536x128xf32, #tpu.memory_space<hbm>> -> memref<32x128xf32, #tpu.memory_space<hbm>>
        tpu.wait_dma2 semaphore(%arg25 : memref<!tpu.dma_semaphore, #tpu.memory_space<semaphore_mem>>) src(%arg20 : memref<32x128xf32, #tpu.memory_space<vmem>>) dst(%dma_wait3A_276 : memref<32x128xf32, #tpu.memory_space<hbm>>)
      } else {
      }
      %scan3A_184 = arith.constant 0 : i32
      %scan3A_185 = arith.constant 0 : i32
      %scan3A_186 = arith.constant 16 : i32
      %scan3A_187 = arith.addi %scan3A_185, %scan3A_186 : i32
      %scan3A_188 = arith.constant 1 : i32
      scf.for %scan3A_263 = %scan3A_185 to %scan3A_187 step %scan3A_188  : i32 {
        %mul3A_264 = arith.constant 2 : i32
        %mul3A_265 = arith.muli %scan3A_263, %mul3A_264 : i32
        %add3A_266 = arith.constant 0 : i32
        %add3A_267 = arith.addi %mul3A_265, %add3A_266 : i32
        %broadcast_in_dim3A_268 = vector.broadcast %add3A_267 : i32 to vector<16xi32>
        %gather3A = tpu.vector_load_idx %arg11[%broadcast_in_dim3A_268, %add3A_3] : memref<32x64xf32, #tpu.memory_space<vmem>>[vector<16xi32>, vector<16xi32>], vector<16xf32>,
        %gather3A_269 = tpu.vector_load_idx %arg11[%broadcast_in_dim3A_268, %add3A_6] : memref<32x64xf32, #tpu.memory_space<vmem>>[vector<16xi32>, vector<16xi32>], vector<16xf32>,
        %gather3A_270 = tpu.vector_load_idx %arg11[%broadcast_in_dim3A_268, %add3A_9] : memref<32x64xf32, #tpu.memory_space<vmem>>[vector<16xi32>, vector<16xi32>], vector<16xf32>,
        %gather3A_271 = tpu.vector_load_idx %arg11[%broadcast_in_dim3A_268, %add3A_12] : memref<32x64xf32, #tpu.memory_space<vmem>>[vector<16xi32>, vector<16xi32>], vector<16xf32>,
        %gather3A_272 = tpu.vector_load_idx %arg11[%broadcast_in_dim3A_268, %min3A_17] : memref<32x64xf32, #tpu.memory_space<vmem>>[vector<16xi32>, vector<16xi32>], vector<16xf32>,
        %add3A_273 = arith.addf %gather3A, %gather3A_272 : vector<16xf32>
        %mul3A_274 = arith.constant 5.000000e-01 : f32
        %mul3A_275 = vector.broadcast %mul3A_274 : f32 to vector<16xf32>
        %mul3A_276 = arith.mulf %mul3A_275, %add3A_273 : vector<16xf32>
        %swap3A_277 = arith.constant 0 : index
        %swap3A_278 = tpu.vector_load %arg29[%swap3A_277] {strides = array<i32>} : memref<80xf32, #tpu.memory_space<vmem>>, vector<16xf32>,
        tpu.vector_store %arg29[%swap3A_277], %mul3A_276 {strides = array<i32>} : memref<80xf32, #tpu.memory_space<vmem>>, vector<16xf32>,
        %gather3A_279 = tpu.vector_load_idx %arg11[%broadcast_in_dim3A_268, %min3A_23] : memref<32x64xf32, #tpu.memory_space<vmem>>[vector<16xi32>, vector<16xi32>], vector<16xf32>,
        %add3A_280 = arith.addf %gather3A_269, %gather3A_279 : vector<16xf32>
        %mul3A_281 = arith.constant 5.000000e-01 : f32
        %mul3A_282 = vector.broadcast %mul3A_281 : f32 to vector<16xf32>
        %mul3A_283 = arith.mulf %mul3A_282, %add3A_280 : vector<16xf32>
        %swap3A_284 = arith.constant 16 : index
        %swap3A_285 = tpu.vector_load %arg29[%swap3A_284] {strides = array<i32>} : memref<80xf32, #tpu.memory_space<vmem>>, vector<16xf32>,
        tpu.vector_store %arg29[%swap3A_284], %mul3A_283 {strides = array<i32>} : memref<80xf32, #tpu.memory_space<vmem>>, vector<16xf32>,
        %gather3A_286 = tpu.vector_load_idx %arg11[%broadcast_in_dim3A_268, %min3A_29] : memref<32x64xf32, #tpu.memory_space<vmem>>[vector<16xi32>, vector<16xi32>], vector<16xf32>,
        %add3A_287 = arith.addf %gather3A_270, %gather3A_286 : vector<16xf32>
        %mul3A_288 = arith.constant 5.000000e-01 : f32
        %mul3A_289 = vector.broadcast %mul3A_288 : f32 to vector<16xf32>
        %mul3A_290 = arith.mulf %mul3A_289, %add3A_287 : vector<16xf32>
        %swap3A_291 = arith.constant 32 : index
        %swap3A_292 = tpu.vector_load %arg29[%swap3A_291] {strides = array<i32>} : memref<80xf32, #tpu.memory_space<vmem>>, vector<16xf32>,
        tpu.vector_store %arg29[%swap3A_291], %mul3A_290 {strides = array<i32>} : memref<80xf32, #tpu.memory_space<vmem>>, vector<16xf32>,
        %gather3A_293 = tpu.vector_load_idx %arg11[%broadcast_in_dim3A_268, %min3A_35] : memref<32x64xf32, #tpu.memory_space<vmem>>[vector<16xi32>, vector<16xi32>], vector<16xf32>,
        %add3A_294 = arith.addf %gather3A_271, %gather3A_293 : vector<16xf32>
        %mul3A_295 = arith.constant 5.000000e-01 : f32
        %mul3A_296 = vector.broadcast %mul3A_295 : f32 to vector<16xf32>
        %mul3A_297 = arith.mulf %mul3A_296, %add3A_294 : vector<16xf32>
        %swap3A_298 = arith.constant 48 : index
        %swap3A_299 = tpu.vector_load %arg29[%swap3A_298] {strides = array<i32>} : memref<80xf32, #tpu.memory_space<vmem>>, vector<16xf32>,
        tpu.vector_store %arg29[%swap3A_298], %mul3A_297 {strides = array<i32>} : memref<80xf32, #tpu.memory_space<vmem>>, vector<16xf32>,
        %gather3A_300 = tpu.vector_load_idx %arg12[%broadcast_in_dim3A_268, %min3A_17] : memref<32x64xf32, #tpu.memory_space<vmem>>[vector<16xi32>, vector<16xi32>], vector<16xf32>,
        %add3A_301 = arith.constant 9.99999997E-7 : f32
        %add3A_302 = vector.broadcast %add3A_301 : f32 to vector<16xf32>
        %add3A_303 = arith.addf %gather3A_300, %add3A_302 : vector<16xf32>
        %jit3A = arith.constant 0.000000e+00 : f32
        %broadcast_in_dim3A_304 = vector.broadcast %jit3A : f32 to vector<16xf32>
        %select_n3A = arith.select %lt3A_40, %add3A_303, %broadcast_in_dim3A_304 : vector<16xi1>, vector<16xf32>
        %gather3A_305 = tpu.vector_load_idx %arg12[%broadcast_in_dim3A_268, %min3A_23] : memref<32x64xf32, #tpu.memory_space<vmem>>[vector<16xi32>, vector<16xi32>], vector<16xf32>,
        %add3A_306 = arith.constant 9.99999997E-7 : f32
        %add3A_307 = vector.broadcast %add3A_306 : f32 to vector<16xf32>
        %add3A_308 = arith.addf %gather3A_305, %add3A_307 : vector<16xf32>
        %jit3A_309 = arith.constant 0.000000e+00 : f32
        %broadcast_in_dim3A_310 = vector.broadcast %jit3A_309 : f32 to vector<16xf32>
        %select_n3A_311 = arith.select %lt3A_46, %add3A_308, %broadcast_in_dim3A_310 : vector<16xi1>, vector<16xf32>
        %gather3A_312 = tpu.vector_load_idx %arg12[%broadcast_in_dim3A_268, %min3A_29] : memref<32x64xf32, #tpu.memory_space<vmem>>[vector<16xi32>, vector<16xi32>], vector<16xf32>,
        %add3A_313 = arith.constant 9.99999997E-7 : f32
        %add3A_314 = vector.broadcast %add3A_313 : f32 to vector<16xf32>
        %add3A_315 = arith.addf %gather3A_312, %add3A_314 : vector<16xf32>
        %jit3A_316 = arith.constant 0.000000e+00 : f32
        %broadcast_in_dim3A_317 = vector.broadcast %jit3A_316 : f32 to vector<16xf32>
        %select_n3A_318 = arith.select %lt3A_52, %add3A_315, %broadcast_in_dim3A_317 : vector<16xi1>, vector<16xf32>
        %gather3A_319 = tpu.vector_load_idx %arg12[%broadcast_in_dim3A_268, %min3A_35] : memref<32x64xf32, #tpu.memory_space<vmem>>[vector<16xi32>, vector<16xi32>], vector<16xf32>,
        %add3A_320 = arith.constant 9.99999997E-7 : f32
        %add3A_321 = vector.broadcast %add3A_320 : f32 to vector<16xf32>
        %add3A_322 = arith.addf %gather3A_319, %add3A_321 : vector<16xf32>
        %jit3A_323 = arith.constant 0.000000e+00 : f32
        %broadcast_in_dim3A_324 = vector.broadcast %jit3A_323 : f32 to vector<16xf32>
        %select_n3A_325 = arith.select %lt3A_58, %add3A_322, %broadcast_in_dim3A_324 : vector<16xi1>, vector<16xf32>
        %broadcast_in_dim3A_326 = arith.constant true
        %broadcast_in_dim3A_327 = vector.broadcast %broadcast_in_dim3A_326 : i1 to vector<16xi1>
        %masked_cumsum3A = tpu.scan <sum>, %select_n3A masked %broadcast_in_dim3A_327 : vector<16xf32>, vector<16xi1> -> vector<16xf32>
        %add3A_328 = arith.addf %masked_cumsum3A, %broadcast_in_dim3A_85 : vector<16xf32>
        %lt3A_329 = arith.constant 0 : i32
        %lt3A_330 = vector.broadcast %lt3A_329 : i32 to vector<16xi32>
        %lt3A_331 = arith.cmpi slt, %broadcast_in_dim3A_83, %lt3A_330 : vector<16xi32>
        %add3A_332 = arith.constant 16 : i32
        %add3A_333 = vector.broadcast %add3A_332 : i32 to vector<16xi32>
        %add3A_334 = arith.addi %broadcast_in_dim3A_83, %add3A_333 : vector<16xi32>
        %select_n3A_335 = arith.select %lt3A_331, %add3A_334, %broadcast_in_dim3A_83 : vector<16xi1>, vector<16xi32>
        %broadcast_in_dim3A_336 = vector.shape_cast %select_n3A_335 : vector<16xi32> to vector<16x1xi32>
        %gather3A_337 = vector.shape_cast %broadcast_in_dim3A_336 : vector<16x1xi32> to vector<16xi32>
        %gather3A_338 = tpu.dynamic_gather %add3A_328[%gather3A_337] in [0] : vector<16xf32>, vector<16xi32> -> vector<16xf32>
        %broadcast_in_dim3A_339 = arith.constant true
        %broadcast_in_dim3A_340 = vector.broadcast %broadcast_in_dim3A_339 : i1 to vector<16xi1>
        %masked_cumsum3A_341 = tpu.scan <sum>, %select_n3A_311 masked %broadcast_in_dim3A_340 : vector<16xf32>, vector<16xi1> -> vector<16xf32>
        %add3A_342 = arith.addf %masked_cumsum3A_341, %gather3A_338 : vector<16xf32>
        %lt3A_343 = arith.constant 0 : i32
        %lt3A_344 = vector.broadcast %lt3A_343 : i32 to vector<16xi32>
        %lt3A_345 = arith.cmpi slt, %broadcast_in_dim3A_83, %lt3A_344 : vector<16xi32>
        %add3A_346 = arith.constant 16 : i32
        %add3A_347 = vector.broadcast %add3A_346 : i32 to vector<16xi32>
        %add3A_348 = arith.addi %broadcast_in_dim3A_83, %add3A_347 : vector<16xi32>
        %select_n3A_349 = arith.select %lt3A_345, %add3A_348, %broadcast_in_dim3A_83 : vector<16xi1>, vector<16xi32>
        %broadcast_in_dim3A_350 = vector.shape_cast %select_n3A_349 : vector<16xi32> to vector<16x1xi32>
        %gather3A_351 = vector.shape_cast %broadcast_in_dim3A_350 : vector<16x1xi32> to vector<16xi32>
        %gather3A_352 = tpu.dynamic_gather %add3A_342[%gather3A_351] in [0] : vector<16xf32>, vector<16xi32> -> vector<16xf32>
        %broadcast_in_dim3A_353 = arith.constant true
        %broadcast_in_dim3A_354 = vector.broadcast %broadcast_in_dim3A_353 : i1 to vector<16xi1>
        %masked_cumsum3A_355 = tpu.scan <sum>, %select_n3A_318 masked %broadcast_in_dim3A_354 : vector<16xf32>, vector<16xi1> -> vector<16xf32>
        %add3A_356 = arith.addf %masked_cumsum3A_355, %gather3A_352 : vector<16xf32>
        %lt3A_357 = arith.constant 0 : i32
        %lt3A_358 = vector.broadcast %lt3A_357 : i32 to vector<16xi32>
        %lt3A_359 = arith.cmpi slt, %broadcast_in_dim3A_83, %lt3A_358 : vector<16xi32>
        %add3A_360 = arith.constant 16 : i32
        %add3A_361 = vector.broadcast %add3A_360 : i32 to vector<16xi32>
        %add3A_362 = arith.addi %broadcast_in_dim3A_83, %add3A_361 : vector<16xi32>
        %select_n3A_363 = arith.select %lt3A_359, %add3A_362, %broadcast_in_dim3A_83 : vector<16xi1>, vector<16xi32>
        %broadcast_in_dim3A_364 = vector.shape_cast %select_n3A_363 : vector<16xi32> to vector<16x1xi32>
        %gather3A_365 = vector.shape_cast %broadcast_in_dim3A_364 : vector<16x1xi32> to vector<16xi32>
        %gather3A_366 = tpu.dynamic_gather %add3A_356[%gather3A_365] in [0] : vector<16xf32>, vector<16xi32> -> vector<16xf32>
        %broadcast_in_dim3A_367 = arith.constant true
        %broadcast_in_dim3A_368 = vector.broadcast %broadcast_in_dim3A_367 : i1 to vector<16xi1>
        %masked_cumsum3A_369 = tpu.scan <sum>, %select_n3A_325 masked %broadcast_in_dim3A_368 : vector<16xf32>, vector<16xi1> -> vector<16xf32>
        %add3A_370 = arith.addf %masked_cumsum3A_369, %gather3A_366 : vector<16xf32>
        %lt3A_371 = arith.constant 0 : i32
        %lt3A_372 = vector.broadcast %lt3A_371 : i32 to vector<16xi32>
        %lt3A_373 = arith.cmpi slt, %broadcast_in_dim3A_83, %lt3A_372 : vector<16xi32>
        %add3A_374 = arith.constant 16 : i32
        %add3A_375 = vector.broadcast %add3A_374 : i32 to vector<16xi32>
        %add3A_376 = arith.addi %broadcast_in_dim3A_83, %add3A_375 : vector<16xi32>
        %select_n3A_377 = arith.select %lt3A_373, %add3A_376, %broadcast_in_dim3A_83 : vector<16xi1>, vector<16xi32>
        %broadcast_in_dim3A_378 = vector.shape_cast %select_n3A_377 : vector<16xi32> to vector<16x1xi32>
        %gather3A_379 = vector.shape_cast %broadcast_in_dim3A_378 : vector<16x1xi32> to vector<16xi32>
        %gather3A_380 = tpu.dynamic_gather %add3A_370[%gather3A_379] in [0] : vector<16xf32>, vector<16xi32> -> vector<16xf32>
        %div3A = arith.constant 1.000000e+00 : f32
        %div3A_381 = vector.broadcast %div3A : f32 to vector<16xf32>
        %div3A_382 = arith.divf %div3A_381, %gather3A_380 : vector<16xf32>
        %mul3A_383 = arith.mulf %add3A_328, %div3A_382 : vector<16xf32>
        tpu.vector_store_idx %arg27[%min3A_64], %mul3A_383 : memref<80xf32, #tpu.memory_space<vmem>>[vector<16xi32>], vector<16xf32>,
        %mul3A_384 = arith.mulf %add3A_342, %div3A_382 : vector<16xf32>
        tpu.vector_store_idx %arg27[%min3A_70], %mul3A_384 : memref<80xf32, #tpu.memory_space<vmem>>[vector<16xi32>], vector<16xf32>,
        %mul3A_385 = arith.mulf %add3A_356, %div3A_382 : vector<16xf32>
        tpu.vector_store_idx %arg27[%min3A_76], %mul3A_385 : memref<80xf32, #tpu.memory_space<vmem>>[vector<16xi32>], vector<16xf32>,
        %mul3A_386 = arith.mulf %add3A_370, %div3A_382 : vector<16xf32>
        tpu.vector_store_idx %arg27[%min3A_82], %mul3A_386 : memref<80xf32, #tpu.memory_space<vmem>>[vector<16xi32>], vector<16xf32>,
        %gather3A_387 = tpu.vector_load_idx %arg13[%broadcast_in_dim3A_268, %add3A_3] : memref<32x64xf32, #tpu.memory_space<vmem>>[vector<16xi32>, vector<16xi32>], vector<16xf32>,
        %add3A_388 = arith.constant 32 : i32
        %add3A_389 = vector.broadcast %add3A_388 : i32 to vector<16xi32>
        %add3A_390 = arith.addi %broadcast_in_dim3A_87, %add3A_389 : vector<16xi32>
        %gather3A_391 = tpu.vector_load_idx %arg27[%add3A_390] : memref<80xf32, #tpu.memory_space<vmem>>[vector<16xi32>], vector<16xf32>,
        %le3A = arith.cmpf ole, %gather3A_391, %gather3A_387 : vector<16xf32>
        %select_n3A_392 = arith.select %le3A, %add3A_390, %broadcast_in_dim3A_87 : vector<16xi1>, vector<16xi32>
        %add3A_393 = arith.constant 16 : i32
        %add3A_394 = vector.broadcast %add3A_393 : i32 to vector<16xi32>
        %add3A_395 = arith.addi %select_n3A_392, %add3A_394 : vector<16xi32>
        %gather3A_396 = tpu.vector_load_idx %arg27[%add3A_395] : memref<80xf32, #tpu.memory_space<vmem>>[vector<16xi32>], vector<16xf32>,
        %le3A_397 = arith.cmpf ole, %gather3A_396, %gather3A_387 : vector<16xf32>
        %select_n3A_398 = arith.select %le3A_397, %add3A_395, %select_n3A_392 : vector<16xi1>, vector<16xi32>
        %add3A_399 = arith.constant 8 : i32
        %add3A_400 = vector.broadcast %add3A_399 : i32 to vector<16xi32>
        %add3A_401 = arith.addi %select_n3A_398, %add3A_400 : vector<16xi32>
        %gather3A_402 = tpu.vector_load_idx %arg27[%add3A_401] : memref<80xf32, #tpu.memory_space<vmem>>[vector<16xi32>], vector<16xf32>,
        %le3A_403 = arith.cmpf ole, %gather3A_402, %gather3A_387 : vector<16xf32>
        %select_n3A_404 = arith.select %le3A_403, %add3A_401, %select_n3A_398 : vector<16xi1>, vector<16xi32>
        %add3A_405 = arith.constant 4 : i32
        %add3A_406 = vector.broadcast %add3A_405 : i32 to vector<16xi32>
        %add3A_407 = arith.addi %select_n3A_404, %add3A_406 : vector<16xi32>
        %gather3A_408 = tpu.vector_load_idx %arg27[%add3A_407] : memref<80xf32, #tpu.memory_space<vmem>>[vector<16xi32>], vector<16xf32>,
        %le3A_409 = arith.cmpf ole, %gather3A_408, %gather3A_387 : vector<16xf32>
        %select_n3A_410 = arith.select %le3A_409, %add3A_407, %select_n3A_404 : vector<16xi1>, vector<16xi32>
        %add3A_411 = arith.constant 2 : i32
        %add3A_412 = vector.broadcast %add3A_411 : i32 to vector<16xi32>
        %add3A_413 = arith.addi %select_n3A_410, %add3A_412 : vector<16xi32>
        %min3A_414 = arith.constant 61 : i32
        %min3A_415 = vector.broadcast %min3A_414 : i32 to vector<16xi32>
        %min3A_416 = arith.minsi %add3A_413, %min3A_415 : vector<16xi32>
        %gather3A_417 = tpu.vector_load_idx %arg27[%min3A_416] : memref<80xf32, #tpu.memory_space<vmem>>[vector<16xi32>], vector<16xf32>,
        %le3A_418 = arith.cmpf ole, %gather3A_417, %gather3A_387 : vector<16xf32>
        %le3A_419 = arith.constant 61 : i32
        %le3A_420 = vector.broadcast %le3A_419 : i32 to vector<16xi32>
        %le3A_421 = arith.cmpi sle, %add3A_413, %le3A_420 : vector<16xi32>
        %and3A = arith.andi %le3A_418, %le3A_421 : vector<16xi1>
        %select_n3A_422 = arith.select %and3A, %add3A_413, %select_n3A_410 : vector<16xi1>, vector<16xi32>
        %add3A_423 = arith.constant 1 : i32
        %add3A_424 = vector.broadcast %add3A_423 : i32 to vector<16xi32>
        %add3A_425 = arith.addi %select_n3A_422, %add3A_424 : vector<16xi32>
        %min3A_426 = arith.constant 61 : i32
        %min3A_427 = vector.broadcast %min3A_426 : i32 to vector<16xi32>
        %min3A_428 = arith.minsi %add3A_425, %min3A_427 : vector<16xi32>
        %gather3A_429 = tpu.vector_load_idx %arg27[%min3A_428] : memref<80xf32, #tpu.memory_space<vmem>>[vector<16xi32>], vector<16xf32>,
        %le3A_430 = arith.cmpf ole, %gather3A_429, %gather3A_387 : vector<16xf32>
        %le3A_431 = arith.constant 61 : i32
        %le3A_432 = vector.broadcast %le3A_431 : i32 to vector<16xi32>
        %le3A_433 = arith.cmpi sle, %add3A_425, %le3A_432 : vector<16xi32>
        %and3A_434 = arith.andi %le3A_430, %le3A_433 : vector<16xi1>
        %select_n3A_435 = arith.select %and3A_434, %add3A_425, %select_n3A_422 : vector<16xi1>, vector<16xi32>
        %gather3A_436 = tpu.vector_load_idx %arg27[%select_n3A_435] : memref<80xf32, #tpu.memory_space<vmem>>[vector<16xi32>], vector<16xf32>,
        %add3A_437 = arith.constant 1 : i32
        %add3A_438 = vector.broadcast %add3A_437 : i32 to vector<16xi32>
        %add3A_439 = arith.addi %select_n3A_435, %add3A_438 : vector<16xi32>
        %gather3A_440 = tpu.vector_load_idx %arg27[%add3A_439] : memref<80xf32, #tpu.memory_space<vmem>>[vector<16xi32>], vector<16xf32>,
        %gather3A_441 = tpu.vector_load_idx %arg29[%select_n3A_435] : memref<80xf32, #tpu.memory_space<vmem>>[vector<16xi32>], vector<16xf32>,
        %add3A_442 = arith.constant 1 : i32
        %add3A_443 = vector.broadcast %add3A_442 : i32 to vector<16xi32>
        %add3A_444 = arith.addi %select_n3A_435, %add3A_443 : vector<16xi32>
        %gather3A_445 = tpu.vector_load_idx %arg29[%add3A_444] : memref<80xf32, #tpu.memory_space<vmem>>[vector<16xi32>], vector<16xf32>,
        %sub3A = arith.subf %gather3A_440, %gather3A_436 : vector<16xf32>
        %lt3A_446 = arith.constant 9.99999997E-7 : f32
        %lt3A_447 = vector.broadcast %lt3A_446 : f32 to vector<16xf32>
        %lt3A_448 = arith.cmpf olt, %sub3A, %lt3A_447 : vector<16xf32>
        %jit3A_449 = arith.constant 1.000000e+00 : f32
        %broadcast_in_dim3A_450 = vector.broadcast %jit3A_449 : f32 to vector<16xf32>
        %select_n3A_451 = arith.select %lt3A_448, %broadcast_in_dim3A_450, %sub3A : vector<16xi1>, vector<16xf32>
        %sub3A_452 = arith.subf %gather3A_387, %gather3A_436 : vector<16xf32>
        %div3A_453 = arith.divf %sub3A_452, %select_n3A_451 : vector<16xf32>
        %sub3A_454 = arith.subf %gather3A_445, %gather3A_441 : vector<16xf32>
        %add3A_455 = arith.constant 9.99999997E-7 : f32
        %add3A_456 = vector.broadcast %add3A_455 : f32 to vector<16xf32>
        %add3A_457 = arith.addf %sub3A_454, %add3A_456 : vector<16xf32>
        %mul3A_458 = arith.mulf %div3A_453, %add3A_457 : vector<16xf32>
        %add3A_459 = arith.addf %gather3A_441, %mul3A_458 : vector<16xf32>
        %gather3A_460 = tpu.vector_load_idx %arg13[%broadcast_in_dim3A_268, %add3A_6] : memref<32x64xf32, #tpu.memory_space<vmem>>[vector<16xi32>, vector<16xi32>], vector<16xf32>,
        %add3A_461 = arith.constant 32 : i32
        %add3A_462 = vector.broadcast %add3A_461 : i32 to vector<16xi32>
        %add3A_463 = arith.addi %broadcast_in_dim3A_87, %add3A_462 : vector<16xi32>
        %gather3A_464 = tpu.vector_load_idx %arg27[%add3A_463] : memref<80xf32, #tpu.memory_space<vmem>>[vector<16xi32>], vector<16xf32>,
        %le3A_465 = arith.cmpf ole, %gather3A_464, %gather3A_460 : vector<16xf32>
        %select_n3A_466 = arith.select %le3A_465, %add3A_463, %broadcast_in_dim3A_87 : vector<16xi1>, vector<16xi32>
        %add3A_467 = arith.constant 16 : i32
        %add3A_468 = vector.broadcast %add3A_467 : i32 to vector<16xi32>
        %add3A_469 = arith.addi %select_n3A_466, %add3A_468 : vector<16xi32>
        %gather3A_470 = tpu.vector_load_idx %arg27[%add3A_469] : memref<80xf32, #tpu.memory_space<vmem>>[vector<16xi32>], vector<16xf32>,
        %le3A_471 = arith.cmpf ole, %gather3A_470, %gather3A_460 : vector<16xf32>
        %select_n3A_472 = arith.select %le3A_471, %add3A_469, %select_n3A_466 : vector<16xi1>, vector<16xi32>
        %add3A_473 = arith.constant 8 : i32
        %add3A_474 = vector.broadcast %add3A_473 : i32 to vector<16xi32>
        %add3A_475 = arith.addi %select_n3A_472, %add3A_474 : vector<16xi32>
        %gather3A_476 = tpu.vector_load_idx %arg27[%add3A_475] : memref<80xf32, #tpu.memory_space<vmem>>[vector<16xi32>], vector<16xf32>,
        %le3A_477 = arith.cmpf ole, %gather3A_476, %gather3A_460 : vector<16xf32>
        %select_n3A_478 = arith.select %le3A_477, %add3A_475, %select_n3A_472 : vector<16xi1>, vector<16xi32>
        %add3A_479 = arith.constant 4 : i32
        %add3A_480 = vector.broadcast %add3A_479 : i32 to vector<16xi32>
        %add3A_481 = arith.addi %select_n3A_478, %add3A_480 : vector<16xi32>
        %gather3A_482 = tpu.vector_load_idx %arg27[%add3A_481] : memref<80xf32, #tpu.memory_space<vmem>>[vector<16xi32>], vector<16xf32>,
        %le3A_483 = arith.cmpf ole, %gather3A_482, %gather3A_460 : vector<16xf32>
        %select_n3A_484 = arith.select %le3A_483, %add3A_481, %select_n3A_478 : vector<16xi1>, vector<16xi32>
        %add3A_485 = arith.constant 2 : i32
        %add3A_486 = vector.broadcast %add3A_485 : i32 to vector<16xi32>
        %add3A_487 = arith.addi %select_n3A_484, %add3A_486 : vector<16xi32>
        %min3A_488 = arith.constant 61 : i32
        %min3A_489 = vector.broadcast %min3A_488 : i32 to vector<16xi32>
        %min3A_490 = arith.minsi %add3A_487, %min3A_489 : vector<16xi32>
        %gather3A_491 = tpu.vector_load_idx %arg27[%min3A_490] : memref<80xf32, #tpu.memory_space<vmem>>[vector<16xi32>], vector<16xf32>,
        %le3A_492 = arith.cmpf ole, %gather3A_491, %gather3A_460 : vector<16xf32>
        %le3A_493 = arith.constant 61 : i32
        %le3A_494 = vector.broadcast %le3A_493 : i32 to vector<16xi32>
        %le3A_495 = arith.cmpi sle, %add3A_487, %le3A_494 : vector<16xi32>
        %and3A_496 = arith.andi %le3A_492, %le3A_495 : vector<16xi1>
        %select_n3A_497 = arith.select %and3A_496, %add3A_487, %select_n3A_484 : vector<16xi1>, vector<16xi32>
        %add3A_498 = arith.constant 1 : i32
        %add3A_499 = vector.broadcast %add3A_498 : i32 to vector<16xi32>
        %add3A_500 = arith.addi %select_n3A_497, %add3A_499 : vector<16xi32>
        %min3A_501 = arith.constant 61 : i32
        %min3A_502 = vector.broadcast %min3A_501 : i32 to vector<16xi32>
        %min3A_503 = arith.minsi %add3A_500, %min3A_502 : vector<16xi32>
        %gather3A_504 = tpu.vector_load_idx %arg27[%min3A_503] : memref<80xf32, #tpu.memory_space<vmem>>[vector<16xi32>], vector<16xf32>,
        %le3A_505 = arith.cmpf ole, %gather3A_504, %gather3A_460 : vector<16xf32>
        %le3A_506 = arith.constant 61 : i32
        %le3A_507 = vector.broadcast %le3A_506 : i32 to vector<16xi32>
        %le3A_508 = arith.cmpi sle, %add3A_500, %le3A_507 : vector<16xi32>
        %and3A_509 = arith.andi %le3A_505, %le3A_508 : vector<16xi1>
        %select_n3A_510 = arith.select %and3A_509, %add3A_500, %select_n3A_497 : vector<16xi1>, vector<16xi32>
        %gather3A_511 = tpu.vector_load_idx %arg27[%select_n3A_510] : memref<80xf32, #tpu.memory_space<vmem>>[vector<16xi32>], vector<16xf32>,
        %add3A_512 = arith.constant 1 : i32
        %add3A_513 = vector.broadcast %add3A_512 : i32 to vector<16xi32>
        %add3A_514 = arith.addi %select_n3A_510, %add3A_513 : vector<16xi32>
        %gather3A_515 = tpu.vector_load_idx %arg27[%add3A_514] : memref<80xf32, #tpu.memory_space<vmem>>[vector<16xi32>], vector<16xf32>,
        %gather3A_516 = tpu.vector_load_idx %arg29[%select_n3A_510] : memref<80xf32, #tpu.memory_space<vmem>>[vector<16xi32>], vector<16xf32>,
        %add3A_517 = arith.constant 1 : i32
        %add3A_518 = vector.broadcast %add3A_517 : i32 to vector<16xi32>
        %add3A_519 = arith.addi %select_n3A_510, %add3A_518 : vector<16xi32>
        %gather3A_520 = tpu.vector_load_idx %arg29[%add3A_519] : memref<80xf32, #tpu.memory_space<vmem>>[vector<16xi32>], vector<16xf32>,
        %sub3A_521 = arith.subf %gather3A_515, %gather3A_511 : vector<16xf32>
        %lt3A_522 = arith.constant 9.99999997E-7 : f32
        %lt3A_523 = vector.broadcast %lt3A_522 : f32 to vector<16xf32>
        %lt3A_524 = arith.cmpf olt, %sub3A_521, %lt3A_523 : vector<16xf32>
        %jit3A_525 = arith.constant 1.000000e+00 : f32
        %broadcast_in_dim3A_526 = vector.broadcast %jit3A_525 : f32 to vector<16xf32>
        %select_n3A_527 = arith.select %lt3A_524, %broadcast_in_dim3A_526, %sub3A_521 : vector<16xi1>, vector<16xf32>
        %sub3A_528 = arith.subf %gather3A_460, %gather3A_511 : vector<16xf32>
        %div3A_529 = arith.divf %sub3A_528, %select_n3A_527 : vector<16xf32>
        %sub3A_530 = arith.subf %gather3A_520, %gather3A_516 : vector<16xf32>
        %add3A_531 = arith.constant 9.99999997E-7 : f32
        %add3A_532 = vector.broadcast %add3A_531 : f32 to vector<16xf32>
        %add3A_533 = arith.addf %sub3A_530, %add3A_532 : vector<16xf32>
        %mul3A_534 = arith.mulf %div3A_529, %add3A_533 : vector<16xf32>
        %add3A_535 = arith.addf %gather3A_516, %mul3A_534 : vector<16xf32>
        %gather3A_536 = tpu.vector_load_idx %arg13[%broadcast_in_dim3A_268, %add3A_9] : memref<32x64xf32, #tpu.memory_space<vmem>>[vector<16xi32>, vector<16xi32>], vector<16xf32>,
        %add3A_537 = arith.constant 32 : i32
        %add3A_538 = vector.broadcast %add3A_537 : i32 to vector<16xi32>
        %add3A_539 = arith.addi %broadcast_in_dim3A_87, %add3A_538 : vector<16xi32>
        %gather3A_540 = tpu.vector_load_idx %arg27[%add3A_539] : memref<80xf32, #tpu.memory_space<vmem>>[vector<16xi32>], vector<16xf32>,
        %le3A_541 = arith.cmpf ole, %gather3A_540, %gather3A_536 : vector<16xf32>
        %select_n3A_542 = arith.select %le3A_541, %add3A_539, %broadcast_in_dim3A_87 : vector<16xi1>, vector<16xi32>
        %add3A_543 = arith.constant 16 : i32
        %add3A_544 = vector.broadcast %add3A_543 : i32 to vector<16xi32>
        %add3A_545 = arith.addi %select_n3A_542, %add3A_544 : vector<16xi32>
        %gather3A_546 = tpu.vector_load_idx %arg27[%add3A_545] : memref<80xf32, #tpu.memory_space<vmem>>[vector<16xi32>], vector<16xf32>,
        %le3A_547 = arith.cmpf ole, %gather3A_546, %gather3A_536 : vector<16xf32>
        %select_n3A_548 = arith.select %le3A_547, %add3A_545, %select_n3A_542 : vector<16xi1>, vector<16xi32>
        %add3A_549 = arith.constant 8 : i32
        %add3A_550 = vector.broadcast %add3A_549 : i32 to vector<16xi32>
        %add3A_551 = arith.addi %select_n3A_548, %add3A_550 : vector<16xi32>
        %gather3A_552 = tpu.vector_load_idx %arg27[%add3A_551] : memref<80xf32, #tpu.memory_space<vmem>>[vector<16xi32>], vector<16xf32>,
        %le3A_553 = arith.cmpf ole, %gather3A_552, %gather3A_536 : vector<16xf32>
        %select_n3A_554 = arith.select %le3A_553, %add3A_551, %select_n3A_548 : vector<16xi1>, vector<16xi32>
        %add3A_555 = arith.constant 4 : i32
        %add3A_556 = vector.broadcast %add3A_555 : i32 to vector<16xi32>
        %add3A_557 = arith.addi %select_n3A_554, %add3A_556 : vector<16xi32>
        %gather3A_558 = tpu.vector_load_idx %arg27[%add3A_557] : memref<80xf32, #tpu.memory_space<vmem>>[vector<16xi32>], vector<16xf32>,
        %le3A_559 = arith.cmpf ole, %gather3A_558, %gather3A_536 : vector<16xf32>
        %select_n3A_560 = arith.select %le3A_559, %add3A_557, %select_n3A_554 : vector<16xi1>, vector<16xi32>
        %add3A_561 = arith.constant 2 : i32
        %add3A_562 = vector.broadcast %add3A_561 : i32 to vector<16xi32>
        %add3A_563 = arith.addi %select_n3A_560, %add3A_562 : vector<16xi32>
        %min3A_564 = arith.constant 61 : i32
        %min3A_565 = vector.broadcast %min3A_564 : i32 to vector<16xi32>
        %min3A_566 = arith.minsi %add3A_563, %min3A_565 : vector<16xi32>
        %gather3A_567 = tpu.vector_load_idx %arg27[%min3A_566] : memref<80xf32, #tpu.memory_space<vmem>>[vector<16xi32>], vector<16xf32>,
        %le3A_568 = arith.cmpf ole, %gather3A_567, %gather3A_536 : vector<16xf32>
        %le3A_569 = arith.constant 61 : i32
        %le3A_570 = vector.broadcast %le3A_569 : i32 to vector<16xi32>
        %le3A_571 = arith.cmpi sle, %add3A_563, %le3A_570 : vector<16xi32>
        %and3A_572 = arith.andi %le3A_568, %le3A_571 : vector<16xi1>
        %select_n3A_573 = arith.select %and3A_572, %add3A_563, %select_n3A_560 : vector<16xi1>, vector<16xi32>
        %add3A_574 = arith.constant 1 : i32
        %add3A_575 = vector.broadcast %add3A_574 : i32 to vector<16xi32>
        %add3A_576 = arith.addi %select_n3A_573, %add3A_575 : vector<16xi32>
        %min3A_577 = arith.constant 61 : i32
        %min3A_578 = vector.broadcast %min3A_577 : i32 to vector<16xi32>
        %min3A_579 = arith.minsi %add3A_576, %min3A_578 : vector<16xi32>
        %gather3A_580 = tpu.vector_load_idx %arg27[%min3A_579] : memref<80xf32, #tpu.memory_space<vmem>>[vector<16xi32>], vector<16xf32>,
        %le3A_581 = arith.cmpf ole, %gather3A_580, %gather3A_536 : vector<16xf32>
        %le3A_582 = arith.constant 61 : i32
        %le3A_583 = vector.broadcast %le3A_582 : i32 to vector<16xi32>
        %le3A_584 = arith.cmpi sle, %add3A_576, %le3A_583 : vector<16xi32>
        %and3A_585 = arith.andi %le3A_581, %le3A_584 : vector<16xi1>
        %select_n3A_586 = arith.select %and3A_585, %add3A_576, %select_n3A_573 : vector<16xi1>, vector<16xi32>
        %gather3A_587 = tpu.vector_load_idx %arg27[%select_n3A_586] : memref<80xf32, #tpu.memory_space<vmem>>[vector<16xi32>], vector<16xf32>,
        %add3A_588 = arith.constant 1 : i32
        %add3A_589 = vector.broadcast %add3A_588 : i32 to vector<16xi32>
        %add3A_590 = arith.addi %select_n3A_586, %add3A_589 : vector<16xi32>
        %gather3A_591 = tpu.vector_load_idx %arg27[%add3A_590] : memref<80xf32, #tpu.memory_space<vmem>>[vector<16xi32>], vector<16xf32>,
        %gather3A_592 = tpu.vector_load_idx %arg29[%select_n3A_586] : memref<80xf32, #tpu.memory_space<vmem>>[vector<16xi32>], vector<16xf32>,
        %add3A_593 = arith.constant 1 : i32
        %add3A_594 = vector.broadcast %add3A_593 : i32 to vector<16xi32>
        %add3A_595 = arith.addi %select_n3A_586, %add3A_594 : vector<16xi32>
        %gather3A_596 = tpu.vector_load_idx %arg29[%add3A_595] : memref<80xf32, #tpu.memory_space<vmem>>[vector<16xi32>], vector<16xf32>,
        %sub3A_597 = arith.subf %gather3A_591, %gather3A_587 : vector<16xf32>
        %lt3A_598 = arith.constant 9.99999997E-7 : f32
        %lt3A_599 = vector.broadcast %lt3A_598 : f32 to vector<16xf32>
        %lt3A_600 = arith.cmpf olt, %sub3A_597, %lt3A_599 : vector<16xf32>
        %jit3A_601 = arith.constant 1.000000e+00 : f32
        %broadcast_in_dim3A_602 = vector.broadcast %jit3A_601 : f32 to vector<16xf32>
        %select_n3A_603 = arith.select %lt3A_600, %broadcast_in_dim3A_602, %sub3A_597 : vector<16xi1>, vector<16xf32>
        %sub3A_604 = arith.subf %gather3A_536, %gather3A_587 : vector<16xf32>
        %div3A_605 = arith.divf %sub3A_604, %select_n3A_603 : vector<16xf32>
        %sub3A_606 = arith.subf %gather3A_596, %gather3A_592 : vector<16xf32>
        %add3A_607 = arith.constant 9.99999997E-7 : f32
        %add3A_608 = vector.broadcast %add3A_607 : f32 to vector<16xf32>
        %add3A_609 = arith.addf %sub3A_606, %add3A_608 : vector<16xf32>
        %mul3A_610 = arith.mulf %div3A_605, %add3A_609 : vector<16xf32>
        %add3A_611 = arith.addf %gather3A_592, %mul3A_610 : vector<16xf32>
        %gather3A_612 = tpu.vector_load_idx %arg13[%broadcast_in_dim3A_268, %add3A_12] : memref<32x64xf32, #tpu.memory_space<vmem>>[vector<16xi32>, vector<16xi32>], vector<16xf32>,
        %add3A_613 = arith.constant 32 : i32
        %add3A_614 = vector.broadcast %add3A_613 : i32 to vector<16xi32>
        %add3A_615 = arith.addi %broadcast_in_dim3A_87, %add3A_614 : vector<16xi32>
        %gather3A_616 = tpu.vector_load_idx %arg27[%add3A_615] : memref<80xf32, #tpu.memory_space<vmem>>[vector<16xi32>], vector<16xf32>,
        %le3A_617 = arith.cmpf ole, %gather3A_616, %gather3A_612 : vector<16xf32>
        %select_n3A_618 = arith.select %le3A_617, %add3A_615, %broadcast_in_dim3A_87 : vector<16xi1>, vector<16xi32>
        %add3A_619 = arith.constant 16 : i32
        %add3A_620 = vector.broadcast %add3A_619 : i32 to vector<16xi32>
        %add3A_621 = arith.addi %select_n3A_618, %add3A_620 : vector<16xi32>
        %gather3A_622 = tpu.vector_load_idx %arg27[%add3A_621] : memref<80xf32, #tpu.memory_space<vmem>>[vector<16xi32>], vector<16xf32>,
        %le3A_623 = arith.cmpf ole, %gather3A_622, %gather3A_612 : vector<16xf32>
        %select_n3A_624 = arith.select %le3A_623, %add3A_621, %select_n3A_618 : vector<16xi1>, vector<16xi32>
        %add3A_625 = arith.constant 8 : i32
        %add3A_626 = vector.broadcast %add3A_625 : i32 to vector<16xi32>
        %add3A_627 = arith.addi %select_n3A_624, %add3A_626 : vector<16xi32>
        %gather3A_628 = tpu.vector_load_idx %arg27[%add3A_627] : memref<80xf32, #tpu.memory_space<vmem>>[vector<16xi32>], vector<16xf32>,
        %le3A_629 = arith.cmpf ole, %gather3A_628, %gather3A_612 : vector<16xf32>
        %select_n3A_630 = arith.select %le3A_629, %add3A_627, %select_n3A_624 : vector<16xi1>, vector<16xi32>
        %add3A_631 = arith.constant 4 : i32
        %add3A_632 = vector.broadcast %add3A_631 : i32 to vector<16xi32>
        %add3A_633 = arith.addi %select_n3A_630, %add3A_632 : vector<16xi32>
        %gather3A_634 = tpu.vector_load_idx %arg27[%add3A_633] : memref<80xf32, #tpu.memory_space<vmem>>[vector<16xi32>], vector<16xf32>,
        %le3A_635 = arith.cmpf ole, %gather3A_634, %gather3A_612 : vector<16xf32>
        %select_n3A_636 = arith.select %le3A_635, %add3A_633, %select_n3A_630 : vector<16xi1>, vector<16xi32>
        %add3A_637 = arith.constant 2 : i32
        %add3A_638 = vector.broadcast %add3A_637 : i32 to vector<16xi32>
        %add3A_639 = arith.addi %select_n3A_636, %add3A_638 : vector<16xi32>
        %min3A_640 = arith.constant 61 : i32
        %min3A_641 = vector.broadcast %min3A_640 : i32 to vector<16xi32>
        %min3A_642 = arith.minsi %add3A_639, %min3A_641 : vector<16xi32>
        %gather3A_643 = tpu.vector_load_idx %arg27[%min3A_642] : memref<80xf32, #tpu.memory_space<vmem>>[vector<16xi32>], vector<16xf32>,
        %le3A_644 = arith.cmpf ole, %gather3A_643, %gather3A_612 : vector<16xf32>
        %le3A_645 = arith.constant 61 : i32
        %le3A_646 = vector.broadcast %le3A_645 : i32 to vector<16xi32>
        %le3A_647 = arith.cmpi sle, %add3A_639, %le3A_646 : vector<16xi32>
        %and3A_648 = arith.andi %le3A_644, %le3A_647 : vector<16xi1>
        %select_n3A_649 = arith.select %and3A_648, %add3A_639, %select_n3A_636 : vector<16xi1>, vector<16xi32>
        %add3A_650 = arith.constant 1 : i32
        %add3A_651 = vector.broadcast %add3A_650 : i32 to vector<16xi32>
        %add3A_652 = arith.addi %select_n3A_649, %add3A_651 : vector<16xi32>
        %min3A_653 = arith.constant 61 : i32
        %min3A_654 = vector.broadcast %min3A_653 : i32 to vector<16xi32>
        %min3A_655 = arith.minsi %add3A_652, %min3A_654 : vector<16xi32>
        %gather3A_656 = tpu.vector_load_idx %arg27[%min3A_655] : memref<80xf32, #tpu.memory_space<vmem>>[vector<16xi32>], vector<16xf32>,
        %le3A_657 = arith.cmpf ole, %gather3A_656, %gather3A_612 : vector<16xf32>
        %le3A_658 = arith.constant 61 : i32
        %le3A_659 = vector.broadcast %le3A_658 : i32 to vector<16xi32>
        %le3A_660 = arith.cmpi sle, %add3A_652, %le3A_659 : vector<16xi32>
        %and3A_661 = arith.andi %le3A_657, %le3A_660 : vector<16xi1>
        %select_n3A_662 = arith.select %and3A_661, %add3A_652, %select_n3A_649 : vector<16xi1>, vector<16xi32>
        %gather3A_663 = tpu.vector_load_idx %arg27[%select_n3A_662] : memref<80xf32, #tpu.memory_space<vmem>>[vector<16xi32>], vector<16xf32>,
        %add3A_664 = arith.constant 1 : i32
        %add3A_665 = vector.broadcast %add3A_664 : i32 to vector<16xi32>
        %add3A_666 = arith.addi %select_n3A_662, %add3A_665 : vector<16xi32>
        %gather3A_667 = tpu.vector_load_idx %arg27[%add3A_666] : memref<80xf32, #tpu.memory_space<vmem>>[vector<16xi32>], vector<16xf32>,
        %gather3A_668 = tpu.vector_load_idx %arg29[%select_n3A_662] : memref<80xf32, #tpu.memory_space<vmem>>[vector<16xi32>], vector<16xf32>,
        %add3A_669 = arith.constant 1 : i32
        %add3A_670 = vector.broadcast %add3A_669 : i32 to vector<16xi32>
        %add3A_671 = arith.addi %select_n3A_662, %add3A_670 : vector<16xi32>
        %gather3A_672 = tpu.vector_load_idx %arg29[%add3A_671] : memref<80xf32, #tpu.memory_space<vmem>>[vector<16xi32>], vector<16xf32>,
        %sub3A_673 = arith.subf %gather3A_667, %gather3A_663 : vector<16xf32>
        %lt3A_674 = arith.constant 9.99999997E-7 : f32
        %lt3A_675 = vector.broadcast %lt3A_674 : f32 to vector<16xf32>
        %lt3A_676 = arith.cmpf olt, %sub3A_673, %lt3A_675 : vector<16xf32>
        %jit3A_677 = arith.constant 1.000000e+00 : f32
        %broadcast_in_dim3A_678 = vector.broadcast %jit3A_677 : f32 to vector<16xf32>
        %select_n3A_679 = arith.select %lt3A_676, %broadcast_in_dim3A_678, %sub3A_673 : vector<16xi1>, vector<16xf32>
        %sub3A_680 = arith.subf %gather3A_612, %gather3A_663 : vector<16xf32>
        %div3A_681 = arith.divf %sub3A_680, %select_n3A_679 : vector<16xf32>
        %sub3A_682 = arith.subf %gather3A_672, %gather3A_668 : vector<16xf32>
        %add3A_683 = arith.constant 9.99999997E-7 : f32
        %add3A_684 = vector.broadcast %add3A_683 : f32 to vector<16xf32>
        %add3A_685 = arith.addf %sub3A_682, %add3A_684 : vector<16xf32>
        %mul3A_686 = arith.mulf %div3A_681, %add3A_685 : vector<16xf32>
        %add3A_687 = arith.addf %gather3A_668, %mul3A_686 : vector<16xf32>
        %sort3A = arith.constant dense<true> : vector<16xi1>
        %sort3A_688, %sort3A_689, %sort3A_690 = tpu.sort %add3A_459, %add3A_459 masked %sort3A : (vector<16xf32>, vector<16xf32>, vector<16xi1>) -> (vector<16xi1>, vector<16xf32>, vector<16xf32>)
        %sort3A_691 = arith.constant dense<true> : vector<16xi1>
        %sort3A_692, %sort3A_693, %sort3A_694 = tpu.sort %add3A_535, %add3A_535 masked %sort3A_691 : (vector<16xf32>, vector<16xf32>, vector<16xi1>) -> (vector<16xi1>, vector<16xf32>, vector<16xf32>)
        %sort3A_695 = arith.constant dense<true> : vector<16xi1>
        %sort3A_696, %sort3A_697, %sort3A_698 = tpu.sort %add3A_611, %add3A_611 masked %sort3A_695 : (vector<16xf32>, vector<16xf32>, vector<16xi1>) -> (vector<16xi1>, vector<16xf32>, vector<16xf32>)
        %sort3A_699 = arith.constant dense<true> : vector<16xi1>
        %sort3A_700, %sort3A_701, %sort3A_702 = tpu.sort %add3A_687, %add3A_687 masked %sort3A_699 : (vector<16xf32>, vector<16xf32>, vector<16xi1>) -> (vector<16xi1>, vector<16xf32>, vector<16xf32>)
        %rev3A = arith.constant 15 : i32
        %rev3A_703 = vector.broadcast %rev3A : i32 to vector<16xi32>
        %rev3A_704 = tpu.iota {dimensions = array<i32: 0>} : vector<16xi32>
        %rev3A_705 = arith.subi %rev3A_703, %rev3A_704 : vector<16xi32>
        %rev3A_706 = tpu.dynamic_gather %sort3A_693[%rev3A_705] in [0] : vector<16xf32>, vector<16xi32> -> vector<16xf32>
        %min3A_707 = arith.minimumf %sort3A_689, %rev3A_706 : vector<16xf32>
        %max3A = arith.maximumf %sort3A_689, %rev3A_706 : vector<16xf32>
        %sort3A_708 = arith.constant dense<true> : vector<16xi1>
        %sort3A_709, %sort3A_710, %sort3A_711 = tpu.sort %min3A_707, %min3A_707 masked %sort3A_708 : (vector<16xf32>, vector<16xf32>, vector<16xi1>) -> (vector<16xi1>, vector<16xf32>, vector<16xf32>)
        %sort3A_712 = arith.constant dense<true> : vector<16xi1>
        %sort3A_713, %sort3A_714, %sort3A_715 = tpu.sort %max3A, %max3A masked %sort3A_712 : (vector<16xf32>, vector<16xf32>, vector<16xi1>) -> (vector<16xi1>, vector<16xf32>, vector<16xf32>)
        %rev3A_716 = arith.constant 15 : i32
        %rev3A_717 = vector.broadcast %rev3A_716 : i32 to vector<16xi32>
        %rev3A_718 = tpu.iota {dimensions = array<i32: 0>} : vector<16xi32>
        %rev3A_719 = arith.subi %rev3A_717, %rev3A_718 : vector<16xi32>
        %rev3A_720 = tpu.dynamic_gather %sort3A_701[%rev3A_719] in [0] : vector<16xf32>, vector<16xi32> -> vector<16xf32>
        %min3A_721 = arith.minimumf %sort3A_697, %rev3A_720 : vector<16xf32>
        %max3A_722 = arith.maximumf %sort3A_697, %rev3A_720 : vector<16xf32>
        %sort3A_723 = arith.constant dense<true> : vector<16xi1>
        %sort3A_724, %sort3A_725, %sort3A_726 = tpu.sort %min3A_721, %min3A_721 masked %sort3A_723 : (vector<16xf32>, vector<16xf32>, vector<16xi1>) -> (vector<16xi1>, vector<16xf32>, vector<16xf32>)
        %sort3A_727 = arith.constant dense<true> : vector<16xi1>
        %sort3A_728, %sort3A_729, %sort3A_730 = tpu.sort %max3A_722, %max3A_722 masked %sort3A_727 : (vector<16xf32>, vector<16xf32>, vector<16xi1>) -> (vector<16xi1>, vector<16xf32>, vector<16xf32>)
        %rev3A_731 = arith.constant 15 : i32
        %rev3A_732 = vector.broadcast %rev3A_731 : i32 to vector<16xi32>
        %rev3A_733 = tpu.iota {dimensions = array<i32: 0>} : vector<16xi32>
        %rev3A_734 = arith.subi %rev3A_732, %rev3A_733 : vector<16xi32>
        %rev3A_735 = tpu.dynamic_gather %sort3A_729[%rev3A_734] in [0] : vector<16xf32>, vector<16xi32> -> vector<16xf32>
        %rev3A_736 = arith.constant 15 : i32
        %rev3A_737 = vector.broadcast %rev3A_736 : i32 to vector<16xi32>
        %rev3A_738 = tpu.iota {dimensions = array<i32: 0>} : vector<16xi32>
        %rev3A_739 = arith.subi %rev3A_737, %rev3A_738 : vector<16xi32>
        %rev3A_740 = tpu.dynamic_gather %sort3A_725[%rev3A_739] in [0] : vector<16xf32>, vector<16xi32> -> vector<16xf32>
        %min3A_741 = arith.minimumf %sort3A_710, %rev3A_735 : vector<16xf32>
        %min3A_742 = arith.minimumf %sort3A_714, %rev3A_740 : vector<16xf32>
        %max3A_743 = arith.maximumf %sort3A_710, %rev3A_735 : vector<16xf32>
        %max3A_744 = arith.maximumf %sort3A_714, %rev3A_740 : vector<16xf32>
        %min3A_745 = arith.minimumf %min3A_741, %min3A_742 : vector<16xf32>
        %max3A_746 = arith.maximumf %min3A_741, %min3A_742 : vector<16xf32>
        %sort3A_747 = arith.constant dense<true> : vector<16xi1>
        %sort3A_748, %sort3A_749, %sort3A_750 = tpu.sort %min3A_745, %min3A_745 masked %sort3A_747 : (vector<16xf32>, vector<16xf32>, vector<16xi1>) -> (vector<16xi1>, vector<16xf32>, vector<16xf32>)
        %sort3A_751 = arith.constant dense<true> : vector<16xi1>
        %sort3A_752, %sort3A_753, %sort3A_754 = tpu.sort %max3A_746, %max3A_746 masked %sort3A_751 : (vector<16xf32>, vector<16xf32>, vector<16xi1>) -> (vector<16xi1>, vector<16xf32>, vector<16xf32>)
        %min3A_755 = arith.minimumf %max3A_743, %max3A_744 : vector<16xf32>
        %max3A_756 = arith.maximumf %max3A_743, %max3A_744 : vector<16xf32>
        %sort3A_757 = arith.constant dense<true> : vector<16xi1>
        %sort3A_758, %sort3A_759, %sort3A_760 = tpu.sort %min3A_755, %min3A_755 masked %sort3A_757 : (vector<16xf32>, vector<16xf32>, vector<16xi1>) -> (vector<16xi1>, vector<16xf32>, vector<16xf32>)
        %sort3A_761 = arith.constant dense<true> : vector<16xi1>
        %sort3A_762, %sort3A_763, %sort3A_764 = tpu.sort %max3A_756, %max3A_756 masked %sort3A_761 : (vector<16xf32>, vector<16xf32>, vector<16xi1>) -> (vector<16xi1>, vector<16xf32>, vector<16xf32>)
        %rev3A_765 = arith.constant 15 : i32
        %rev3A_766 = vector.broadcast %rev3A_765 : i32 to vector<16xi32>
        %rev3A_767 = tpu.iota {dimensions = array<i32: 0>} : vector<16xi32>
        %rev3A_768 = arith.subi %rev3A_766, %rev3A_767 : vector<16xi32>
        %rev3A_769 = tpu.dynamic_gather %gather3A_271[%rev3A_768] in [0] : vector<16xf32>, vector<16xi32> -> vector<16xf32>
        %rev3A_770 = arith.constant 15 : i32
        %rev3A_771 = vector.broadcast %rev3A_770 : i32 to vector<16xi32>
        %rev3A_772 = tpu.iota {dimensions = array<i32: 0>} : vector<16xi32>
        %rev3A_773 = arith.subi %rev3A_771, %rev3A_772 : vector<16xi32>
        %rev3A_774 = tpu.dynamic_gather %gather3A_270[%rev3A_773] in [0] : vector<16xf32>, vector<16xi32> -> vector<16xf32>
        %rev3A_775 = arith.constant 15 : i32
        %rev3A_776 = vector.broadcast %rev3A_775 : i32 to vector<16xi32>
        %rev3A_777 = tpu.iota {dimensions = array<i32: 0>} : vector<16xi32>
        %rev3A_778 = arith.subi %rev3A_776, %rev3A_777 : vector<16xi32>
        %rev3A_779 = tpu.dynamic_gather %gather3A_269[%rev3A_778] in [0] : vector<16xf32>, vector<16xi32> -> vector<16xf32>
        %rev3A_780 = arith.constant 15 : i32
        %rev3A_781 = vector.broadcast %rev3A_780 : i32 to vector<16xi32>
        %rev3A_782 = tpu.iota {dimensions = array<i32: 0>} : vector<16xi32>
        %rev3A_783 = arith.subi %rev3A_781, %rev3A_782 : vector<16xi32>
        %rev3A_784 = tpu.dynamic_gather %gather3A[%rev3A_783] in [0] : vector<16xf32>, vector<16xi32> -> vector<16xf32>
        %min3A_785 = arith.minimumf %sort3A_749, %rev3A_769 : vector<16xf32>
        %min3A_786 = arith.minimumf %sort3A_753, %rev3A_774 : vector<16xf32>
        %min3A_787 = arith.minimumf %sort3A_759, %rev3A_779 : vector<16xf32>
        %min3A_788 = arith.minimumf %sort3A_763, %rev3A_784 : vector<16xf32>
        %max3A_789 = arith.maximumf %sort3A_749, %rev3A_769 : vector<16xf32>
        %max3A_790 = arith.maximumf %sort3A_753, %rev3A_774 : vector<16xf32>
        %max3A_791 = arith.maximumf %sort3A_759, %rev3A_779 : vector<16xf32>
        %max3A_792 = arith.maximumf %sort3A_763, %rev3A_784 : vector<16xf32>
        %min3A_793 = arith.minimumf %min3A_785, %min3A_787 : vector<16xf32>
        %min3A_794 = arith.minimumf %min3A_786, %min3A_788 : vector<16xf32>
        %max3A_795 = arith.maximumf %min3A_785, %min3A_787 : vector<16xf32>
        %max3A_796 = arith.maximumf %min3A_786, %min3A_788 : vector<16xf32>
        %min3A_797 = arith.minimumf %min3A_793, %min3A_794 : vector<16xf32>
        %max3A_798 = arith.maximumf %min3A_793, %min3A_794 : vector<16xf32>
        %sort3A_799 = arith.constant dense<true> : vector<16xi1>
        %sort3A_800, %sort3A_801, %sort3A_802 = tpu.sort %min3A_797, %min3A_797 masked %sort3A_799 : (vector<16xf32>, vector<16xf32>, vector<16xi1>) -> (vector<16xi1>, vector<16xf32>, vector<16xf32>)
        %sort3A_803 = arith.constant dense<true> : vector<16xi1>
        %sort3A_804, %sort3A_805, %sort3A_806 = tpu.sort %max3A_798, %max3A_798 masked %sort3A_803 : (vector<16xf32>, vector<16xf32>, vector<16xi1>) -> (vector<16xi1>, vector<16xf32>, vector<16xf32>)
        %min3A_807 = arith.minimumf %max3A_795, %max3A_796 : vector<16xf32>
        %max3A_808 = arith.maximumf %max3A_795, %max3A_796 : vector<16xf32>
        %sort3A_809 = arith.constant dense<true> : vector<16xi1>
        %sort3A_810, %sort3A_811, %sort3A_812 = tpu.sort %min3A_807, %min3A_807 masked %sort3A_809 : (vector<16xf32>, vector<16xf32>, vector<16xi1>) -> (vector<16xi1>, vector<16xf32>, vector<16xf32>)
        %sort3A_813 = arith.constant dense<true> : vector<16xi1>
        %sort3A_814, %sort3A_815, %sort3A_816 = tpu.sort %max3A_808, %max3A_808 masked %sort3A_813 : (vector<16xf32>, vector<16xf32>, vector<16xi1>) -> (vector<16xi1>, vector<16xf32>, vector<16xf32>)
        %min3A_817 = arith.minimumf %max3A_789, %max3A_791 : vector<16xf32>
        %min3A_818 = arith.minimumf %max3A_790, %max3A_792 : vector<16xf32>
        %max3A_819 = arith.maximumf %max3A_789, %max3A_791 : vector<16xf32>
        %max3A_820 = arith.maximumf %max3A_790, %max3A_792 : vector<16xf32>
        %min3A_821 = arith.minimumf %min3A_817, %min3A_818 : vector<16xf32>
        %max3A_822 = arith.maximumf %min3A_817, %min3A_818 : vector<16xf32>
        %sort3A_823 = arith.constant dense<true> : vector<16xi1>
        %sort3A_824, %sort3A_825, %sort3A_826 = tpu.sort %min3A_821, %min3A_821 masked %sort3A_823 : (vector<16xf32>, vector<16xf32>, vector<16xi1>) -> (vector<16xi1>, vector<16xf32>, vector<16xf32>)
        %sort3A_827 = arith.constant dense<true> : vector<16xi1>
        %sort3A_828, %sort3A_829, %sort3A_830 = tpu.sort %max3A_822, %max3A_822 masked %sort3A_827 : (vector<16xf32>, vector<16xf32>, vector<16xi1>) -> (vector<16xi1>, vector<16xf32>, vector<16xf32>)
        %min3A_831 = arith.minimumf %max3A_819, %max3A_820 : vector<16xf32>
        %max3A_832 = arith.maximumf %max3A_819, %max3A_820 : vector<16xf32>
        %sort3A_833 = arith.constant dense<true> : vector<16xi1>
        %sort3A_834, %sort3A_835, %sort3A_836 = tpu.sort %min3A_831, %min3A_831 masked %sort3A_833 : (vector<16xf32>, vector<16xf32>, vector<16xi1>) -> (vector<16xi1>, vector<16xf32>, vector<16xf32>)
        %sort3A_837 = arith.constant dense<true> : vector<16xi1>
        %sort3A_838, %sort3A_839, %sort3A_840 = tpu.sort %max3A_832, %max3A_832 masked %sort3A_837 : (vector<16xf32>, vector<16xf32>, vector<16xi1>) -> (vector<16xi1>, vector<16xf32>, vector<16xf32>)
        %add3A_841 = arith.constant 0 : i32
        %add3A_842 = vector.broadcast %add3A_841 : i32 to vector<16xi32>
        %add3A_843 = arith.addi %add3A_3, %add3A_842 : vector<16xi32>
        tpu.vector_store_idx %arg20[%broadcast_in_dim3A_268, %add3A_843], %sort3A_801 : memref<32x128xf32, #tpu.memory_space<vmem>>[vector<16xi32>, vector<16xi32>], vector<16xf32>,
        %add3A_844 = arith.constant 0 : i32
        %add3A_845 = vector.broadcast %add3A_844 : i32 to vector<16xi32>
        %add3A_846 = arith.addi %add3A_6, %add3A_845 : vector<16xi32>
        tpu.vector_store_idx %arg20[%broadcast_in_dim3A_268, %add3A_846], %sort3A_805 : memref<32x128xf32, #tpu.memory_space<vmem>>[vector<16xi32>, vector<16xi32>], vector<16xf32>,
        %add3A_847 = arith.constant 0 : i32
        %add3A_848 = vector.broadcast %add3A_847 : i32 to vector<16xi32>
        %add3A_849 = arith.addi %add3A_9, %add3A_848 : vector<16xi32>
        tpu.vector_store_idx %arg20[%broadcast_in_dim3A_268, %add3A_849], %sort3A_811 : memref<32x128xf32, #tpu.memory_space<vmem>>[vector<16xi32>, vector<16xi32>], vector<16xf32>,
        %add3A_850 = arith.constant 0 : i32
        %add3A_851 = vector.broadcast %add3A_850 : i32 to vector<16xi32>
        %add3A_852 = arith.addi %add3A_12, %add3A_851 : vector<16xi32>
        tpu.vector_store_idx %arg20[%broadcast_in_dim3A_268, %add3A_852], %sort3A_815 : memref<32x128xf32, #tpu.memory_space<vmem>>[vector<16xi32>, vector<16xi32>], vector<16xf32>,
        %add3A_853 = arith.constant 64 : i32
        %add3A_854 = vector.broadcast %add3A_853 : i32 to vector<16xi32>
        %add3A_855 = arith.addi %add3A_3, %add3A_854 : vector<16xi32>
        tpu.vector_store_idx %arg20[%broadcast_in_dim3A_268, %add3A_855], %sort3A_825 : memref<32x128xf32, #tpu.memory_space<vmem>>[vector<16xi32>, vector<16xi32>], vector<16xf32>,
        %add3A_856 = arith.constant 64 : i32
        %add3A_857 = vector.broadcast %add3A_856 : i32 to vector<16xi32>
        %add3A_858 = arith.addi %add3A_6, %add3A_857 : vector<16xi32>
        tpu.vector_store_idx %arg20[%broadcast_in_dim3A_268, %add3A_858], %sort3A_829 : memref<32x128xf32, #tpu.memory_space<vmem>>[vector<16xi32>, vector<16xi32>], vector<16xf32>,
        %add3A_859 = arith.constant 64 : i32
        %add3A_860 = vector.broadcast %add3A_859 : i32 to vector<16xi32>
        %add3A_861 = arith.addi %add3A_9, %add3A_860 : vector<16xi32>
        tpu.vector_store_idx %arg20[%broadcast_in_dim3A_268, %add3A_861], %sort3A_835 : memref<32x128xf32, #tpu.memory_space<vmem>>[vector<16xi32>, vector<16xi32>], vector<16xf32>,
        %add3A_862 = arith.constant 64 : i32
        %add3A_863 = vector.broadcast %add3A_862 : i32 to vector<16xi32>
        %add3A_864 = arith.addi %add3A_12, %add3A_863 : vector<16xi32>
        tpu.vector_store_idx %arg20[%broadcast_in_dim3A_268, %add3A_864], %sort3A_839 : memref<32x128xf32, #tpu.memory_space<vmem>>[vector<16xi32>, vector<16xi32>], vector<16xf32>,
        %mul3A_865 = arith.constant 2 : i32
        %mul3A_866 = arith.muli %scan3A_263, %mul3A_865 : i32
        %add3A_867 = arith.constant 1 : i32
        %add3A_868 = arith.addi %mul3A_866, %add3A_867 : i32
        %broadcast_in_dim3A_869 = vector.broadcast %add3A_868 : i32 to vector<16xi32>
        %gather3A_870 = tpu.vector_load_idx %arg11[%broadcast_in_dim3A_869, %add3A_3] : memref<32x64xf32, #tpu.memory_space<vmem>>[vector<16xi32>, vector<16xi32>], vector<16xf32>,
        %gather3A_871 = tpu.vector_load_idx %arg11[%broadcast_in_dim3A_869, %add3A_6] : memref<32x64xf32, #tpu.memory_space<vmem>>[vector<16xi32>, vector<16xi32>], vector<16xf32>,
        %gather3A_872 = tpu.vector_load_idx %arg11[%broadcast_in_dim3A_869, %add3A_9] : memref<32x64xf32, #tpu.memory_space<vmem>>[vector<16xi32>, vector<16xi32>], vector<16xf32>,
        %gather3A_873 = tpu.vector_load_idx %arg11[%broadcast_in_dim3A_869, %add3A_12] : memref<32x64xf32, #tpu.memory_space<vmem>>[vector<16xi32>, vector<16xi32>], vector<16xf32>,
        %gather3A_874 = tpu.vector_load_idx %arg11[%broadcast_in_dim3A_869, %min3A_17] : memref<32x64xf32, #tpu.memory_space<vmem>>[vector<16xi32>, vector<16xi32>], vector<16xf32>,
        %add3A_875 = arith.addf %gather3A_870, %gather3A_874 : vector<16xf32>
        %mul3A_876 = arith.constant 5.000000e-01 : f32
        %mul3A_877 = vector.broadcast %mul3A_876 : f32 to vector<16xf32>
        %mul3A_878 = arith.mulf %mul3A_877, %add3A_875 : vector<16xf32>
        %swap3A_879 = arith.constant 0 : index
        %swap3A_880 = tpu.vector_load %arg30[%swap3A_879] {strides = array<i32>} : memref<80xf32, #tpu.memory_space<vmem>>, vector<16xf32>,
        tpu.vector_store %arg30[%swap3A_879], %mul3A_878 {strides = array<i32>} : memref<80xf32, #tpu.memory_space<vmem>>, vector<16xf32>,
        %gather3A_881 = tpu.vector_load_idx %arg11[%broadcast_in_dim3A_869, %min3A_23] : memref<32x64xf32, #tpu.memory_space<vmem>>[vector<16xi32>, vector<16xi32>], vector<16xf32>,
        %add3A_882 = arith.addf %gather3A_871, %gather3A_881 : vector<16xf32>
        %mul3A_883 = arith.constant 5.000000e-01 : f32
        %mul3A_884 = vector.broadcast %mul3A_883 : f32 to vector<16xf32>
        %mul3A_885 = arith.mulf %mul3A_884, %add3A_882 : vector<16xf32>
        %swap3A_886 = arith.constant 16 : index
        %swap3A_887 = tpu.vector_load %arg30[%swap3A_886] {strides = array<i32>} : memref<80xf32, #tpu.memory_space<vmem>>, vector<16xf32>,
        tpu.vector_store %arg30[%swap3A_886], %mul3A_885 {strides = array<i32>} : memref<80xf32, #tpu.memory_space<vmem>>, vector<16xf32>,
        %gather3A_888 = tpu.vector_load_idx %arg11[%broadcast_in_dim3A_869, %min3A_29] : memref<32x64xf32, #tpu.memory_space<vmem>>[vector<16xi32>, vector<16xi32>], vector<16xf32>,
        %add3A_889 = arith.addf %gather3A_872, %gather3A_888 : vector<16xf32>
        %mul3A_890 = arith.constant 5.000000e-01 : f32
        %mul3A_891 = vector.broadcast %mul3A_890 : f32 to vector<16xf32>
        %mul3A_892 = arith.mulf %mul3A_891, %add3A_889 : vector<16xf32>
        %swap3A_893 = arith.constant 32 : index
        %swap3A_894 = tpu.vector_load %arg30[%swap3A_893] {strides = array<i32>} : memref<80xf32, #tpu.memory_space<vmem>>, vector<16xf32>,
        tpu.vector_store %arg30[%swap3A_893], %mul3A_892 {strides = array<i32>} : memref<80xf32, #tpu.memory_space<vmem>>, vector<16xf32>,
        %gather3A_895 = tpu.vector_load_idx %arg11[%broadcast_in_dim3A_869, %min3A_35] : memref<32x64xf32, #tpu.memory_space<vmem>>[vector<16xi32>, vector<16xi32>], vector<16xf32>,
        %add3A_896 = arith.addf %gather3A_873, %gather3A_895 : vector<16xf32>
        %mul3A_897 = arith.constant 5.000000e-01 : f32
        %mul3A_898 = vector.broadcast %mul3A_897 : f32 to vector<16xf32>
        %mul3A_899 = arith.mulf %mul3A_898, %add3A_896 : vector<16xf32>
        %swap3A_900 = arith.constant 48 : index
        %swap3A_901 = tpu.vector_load %arg30[%swap3A_900] {strides = array<i32>} : memref<80xf32, #tpu.memory_space<vmem>>, vector<16xf32>,
        tpu.vector_store %arg30[%swap3A_900], %mul3A_899 {strides = array<i32>} : memref<80xf32, #tpu.memory_space<vmem>>, vector<16xf32>,
        %gather3A_902 = tpu.vector_load_idx %arg12[%broadcast_in_dim3A_869, %min3A_17] : memref<32x64xf32, #tpu.memory_space<vmem>>[vector<16xi32>, vector<16xi32>], vector<16xf32>,
        %add3A_903 = arith.constant 9.99999997E-7 : f32
        %add3A_904 = vector.broadcast %add3A_903 : f32 to vector<16xf32>
        %add3A_905 = arith.addf %gather3A_902, %add3A_904 : vector<16xf32>
        %jit3A_906 = arith.constant 0.000000e+00 : f32
        %broadcast_in_dim3A_907 = vector.broadcast %jit3A_906 : f32 to vector<16xf32>
        %select_n3A_908 = arith.select %lt3A_40, %add3A_905, %broadcast_in_dim3A_907 : vector<16xi1>, vector<16xf32>
        %gather3A_909 = tpu.vector_load_idx %arg12[%broadcast_in_dim3A_869, %min3A_23] : memref<32x64xf32, #tpu.memory_space<vmem>>[vector<16xi32>, vector<16xi32>], vector<16xf32>,
        %add3A_910 = arith.constant 9.99999997E-7 : f32
        %add3A_911 = vector.broadcast %add3A_910 : f32 to vector<16xf32>
        %add3A_912 = arith.addf %gather3A_909, %add3A_911 : vector<16xf32>
        %jit3A_913 = arith.constant 0.000000e+00 : f32
        %broadcast_in_dim3A_914 = vector.broadcast %jit3A_913 : f32 to vector<16xf32>
        %select_n3A_915 = arith.select %lt3A_46, %add3A_912, %broadcast_in_dim3A_914 : vector<16xi1>, vector<16xf32>
        %gather3A_916 = tpu.vector_load_idx %arg12[%broadcast_in_dim3A_869, %min3A_29] : memref<32x64xf32, #tpu.memory_space<vmem>>[vector<16xi32>, vector<16xi32>], vector<16xf32>,
        %add3A_917 = arith.constant 9.99999997E-7 : f32
        %add3A_918 = vector.broadcast %add3A_917 : f32 to vector<16xf32>
        %add3A_919 = arith.addf %gather3A_916, %add3A_918 : vector<16xf32>
        %jit3A_920 = arith.constant 0.000000e+00 : f32
        %broadcast_in_dim3A_921 = vector.broadcast %jit3A_920 : f32 to vector<16xf32>
        %select_n3A_922 = arith.select %lt3A_52, %add3A_919, %broadcast_in_dim3A_921 : vector<16xi1>, vector<16xf32>
        %gather3A_923 = tpu.vector_load_idx %arg12[%broadcast_in_dim3A_869, %min3A_35] : memref<32x64xf32, #tpu.memory_space<vmem>>[vector<16xi32>, vector<16xi32>], vector<16xf32>,
        %add3A_924 = arith.constant 9.99999997E-7 : f32
        %add3A_925 = vector.broadcast %add3A_924 : f32 to vector<16xf32>
        %add3A_926 = arith.addf %gather3A_923, %add3A_925 : vector<16xf32>
        %jit3A_927 = arith.constant 0.000000e+00 : f32
        %broadcast_in_dim3A_928 = vector.broadcast %jit3A_927 : f32 to vector<16xf32>
        %select_n3A_929 = arith.select %lt3A_58, %add3A_926, %broadcast_in_dim3A_928 : vector<16xi1>, vector<16xf32>
        %broadcast_in_dim3A_930 = arith.constant true
        %broadcast_in_dim3A_931 = vector.broadcast %broadcast_in_dim3A_930 : i1 to vector<16xi1>
        %masked_cumsum3A_932 = tpu.scan <sum>, %select_n3A_908 masked %broadcast_in_dim3A_931 : vector<16xf32>, vector<16xi1> -> vector<16xf32>
        %add3A_933 = arith.addf %masked_cumsum3A_932, %broadcast_in_dim3A_85 : vector<16xf32>
        %lt3A_934 = arith.constant 0 : i32
        %lt3A_935 = vector.broadcast %lt3A_934 : i32 to vector<16xi32>
        %lt3A_936 = arith.cmpi slt, %broadcast_in_dim3A_83, %lt3A_935 : vector<16xi32>
        %add3A_937 = arith.constant 16 : i32
        %add3A_938 = vector.broadcast %add3A_937 : i32 to vector<16xi32>
        %add3A_939 = arith.addi %broadcast_in_dim3A_83, %add3A_938 : vector<16xi32>
        %select_n3A_940 = arith.select %lt3A_936, %add3A_939, %broadcast_in_dim3A_83 : vector<16xi1>, vector<16xi32>
        %broadcast_in_dim3A_941 = vector.shape_cast %select_n3A_940 : vector<16xi32> to vector<16x1xi32>
        %gather3A_942 = vector.shape_cast %broadcast_in_dim3A_941 : vector<16x1xi32> to vector<16xi32>
        %gather3A_943 = tpu.dynamic_gather %add3A_933[%gather3A_942] in [0] : vector<16xf32>, vector<16xi32> -> vector<16xf32>
        %broadcast_in_dim3A_944 = arith.constant true
        %broadcast_in_dim3A_945 = vector.broadcast %broadcast_in_dim3A_944 : i1 to vector<16xi1>
        %masked_cumsum3A_946 = tpu.scan <sum>, %select_n3A_915 masked %broadcast_in_dim3A_945 : vector<16xf32>, vector<16xi1> -> vector<16xf32>
        %add3A_947 = arith.addf %masked_cumsum3A_946, %gather3A_943 : vector<16xf32>
        %lt3A_948 = arith.constant 0 : i32
        %lt3A_949 = vector.broadcast %lt3A_948 : i32 to vector<16xi32>
        %lt3A_950 = arith.cmpi slt, %broadcast_in_dim3A_83, %lt3A_949 : vector<16xi32>
        %add3A_951 = arith.constant 16 : i32
        %add3A_952 = vector.broadcast %add3A_951 : i32 to vector<16xi32>
        %add3A_953 = arith.addi %broadcast_in_dim3A_83, %add3A_952 : vector<16xi32>
        %select_n3A_954 = arith.select %lt3A_950, %add3A_953, %broadcast_in_dim3A_83 : vector<16xi1>, vector<16xi32>
        %broadcast_in_dim3A_955 = vector.shape_cast %select_n3A_954 : vector<16xi32> to vector<16x1xi32>
        %gather3A_956 = vector.shape_cast %broadcast_in_dim3A_955 : vector<16x1xi32> to vector<16xi32>
        %gather3A_957 = tpu.dynamic_gather %add3A_947[%gather3A_956] in [0] : vector<16xf32>, vector<16xi32> -> vector<16xf32>
        %broadcast_in_dim3A_958 = arith.constant true
        %broadcast_in_dim3A_959 = vector.broadcast %broadcast_in_dim3A_958 : i1 to vector<16xi1>
        %masked_cumsum3A_960 = tpu.scan <sum>, %select_n3A_922 masked %broadcast_in_dim3A_959 : vector<16xf32>, vector<16xi1> -> vector<16xf32>
        %add3A_961 = arith.addf %masked_cumsum3A_960, %gather3A_957 : vector<16xf32>
        %lt3A_962 = arith.constant 0 : i32
        %lt3A_963 = vector.broadcast %lt3A_962 : i32 to vector<16xi32>
        %lt3A_964 = arith.cmpi slt, %broadcast_in_dim3A_83, %lt3A_963 : vector<16xi32>
        %add3A_965 = arith.constant 16 : i32
        %add3A_966 = vector.broadcast %add3A_965 : i32 to vector<16xi32>
        %add3A_967 = arith.addi %broadcast_in_dim3A_83, %add3A_966 : vector<16xi32>
        %select_n3A_968 = arith.select %lt3A_964, %add3A_967, %broadcast_in_dim3A_83 : vector<16xi1>, vector<16xi32>
        %broadcast_in_dim3A_969 = vector.shape_cast %select_n3A_968 : vector<16xi32> to vector<16x1xi32>
        %gather3A_970 = vector.shape_cast %broadcast_in_dim3A_969 : vector<16x1xi32> to vector<16xi32>
        %gather3A_971 = tpu.dynamic_gather %add3A_961[%gather3A_970] in [0] : vector<16xf32>, vector<16xi32> -> vector<16xf32>
        %broadcast_in_dim3A_972 = arith.constant true
        %broadcast_in_dim3A_973 = vector.broadcast %broadcast_in_dim3A_972 : i1 to vector<16xi1>
        %masked_cumsum3A_974 = tpu.scan <sum>, %select_n3A_929 masked %broadcast_in_dim3A_973 : vector<16xf32>, vector<16xi1> -> vector<16xf32>
        %add3A_975 = arith.addf %masked_cumsum3A_974, %gather3A_971 : vector<16xf32>
        %lt3A_976 = arith.constant 0 : i32
        %lt3A_977 = vector.broadcast %lt3A_976 : i32 to vector<16xi32>
        %lt3A_978 = arith.cmpi slt, %broadcast_in_dim3A_83, %lt3A_977 : vector<16xi32>
        %add3A_979 = arith.constant 16 : i32
        %add3A_980 = vector.broadcast %add3A_979 : i32 to vector<16xi32>
        %add3A_981 = arith.addi %broadcast_in_dim3A_83, %add3A_980 : vector<16xi32>
        %select_n3A_982 = arith.select %lt3A_978, %add3A_981, %broadcast_in_dim3A_83 : vector<16xi1>, vector<16xi32>
        %broadcast_in_dim3A_983 = vector.shape_cast %select_n3A_982 : vector<16xi32> to vector<16x1xi32>
        %gather3A_984 = vector.shape_cast %broadcast_in_dim3A_983 : vector<16x1xi32> to vector<16xi32>
        %gather3A_985 = tpu.dynamic_gather %add3A_975[%gather3A_984] in [0] : vector<16xf32>, vector<16xi32> -> vector<16xf32>
        %div3A_986 = arith.constant 1.000000e+00 : f32
        %div3A_987 = vector.broadcast %div3A_986 : f32 to vector<16xf32>
        %div3A_988 = arith.divf %div3A_987, %gather3A_985 : vector<16xf32>
        %mul3A_989 = arith.mulf %add3A_933, %div3A_988 : vector<16xf32>
        tpu.vector_store_idx %arg28[%min3A_64], %mul3A_989 : memref<80xf32, #tpu.memory_space<vmem>>[vector<16xi32>], vector<16xf32>,
        %mul3A_990 = arith.mulf %add3A_947, %div3A_988 : vector<16xf32>
        tpu.vector_store_idx %arg28[%min3A_70], %mul3A_990 : memref<80xf32, #tpu.memory_space<vmem>>[vector<16xi32>], vector<16xf32>,
        %mul3A_991 = arith.mulf %add3A_961, %div3A_988 : vector<16xf32>
        tpu.vector_store_idx %arg28[%min3A_76], %mul3A_991 : memref<80xf32, #tpu.memory_space<vmem>>[vector<16xi32>], vector<16xf32>,
        %mul3A_992 = arith.mulf %add3A_975, %div3A_988 : vector<16xf32>
        tpu.vector_store_idx %arg28[%min3A_82], %mul3A_992 : memref<80xf32, #tpu.memory_space<vmem>>[vector<16xi32>], vector<16xf32>,
        %gather3A_993 = tpu.vector_load_idx %arg13[%broadcast_in_dim3A_869, %add3A_3] : memref<32x64xf32, #tpu.memory_space<vmem>>[vector<16xi32>, vector<16xi32>], vector<16xf32>,
        %add3A_994 = arith.constant 32 : i32
        %add3A_995 = vector.broadcast %add3A_994 : i32 to vector<16xi32>
        %add3A_996 = arith.addi %broadcast_in_dim3A_87, %add3A_995 : vector<16xi32>
        %gather3A_997 = tpu.vector_load_idx %arg28[%add3A_996] : memref<80xf32, #tpu.memory_space<vmem>>[vector<16xi32>], vector<16xf32>,
        %le3A_998 = arith.cmpf ole, %gather3A_997, %gather3A_993 : vector<16xf32>
        %select_n3A_999 = arith.select %le3A_998, %add3A_996, %broadcast_in_dim3A_87 : vector<16xi1>, vector<16xi32>
        %add3A_1000 = arith.constant 16 : i32
        %add3A_1001 = vector.broadcast %add3A_1000 : i32 to vector<16xi32>
        %add3A_1002 = arith.addi %select_n3A_999, %add3A_1001 : vector<16xi32>
        %gather3A_1003 = tpu.vector_load_idx %arg28[%add3A_1002] : memref<80xf32, #tpu.memory_space<vmem>>[vector<16xi32>], vector<16xf32>,
        %le3A_1004 = arith.cmpf ole, %gather3A_1003, %gather3A_993 : vector<16xf32>
        %select_n3A_1005 = arith.select %le3A_1004, %add3A_1002, %select_n3A_999 : vector<16xi1>, vector<16xi32>
        %add3A_1006 = arith.constant 8 : i32
        %add3A_1007 = vector.broadcast %add3A_1006 : i32 to vector<16xi32>
        %add3A_1008 = arith.addi %select_n3A_1005, %add3A_1007 : vector<16xi32>
        %gather3A_1009 = tpu.vector_load_idx %arg28[%add3A_1008] : memref<80xf32, #tpu.memory_space<vmem>>[vector<16xi32>], vector<16xf32>,
        %le3A_1010 = arith.cmpf ole, %gather3A_1009, %gather3A_993 : vector<16xf32>
        %select_n3A_1011 = arith.select %le3A_1010, %add3A_1008, %select_n3A_1005 : vector<16xi1>, vector<16xi32>
        %add3A_1012 = arith.constant 4 : i32
        %add3A_1013 = vector.broadcast %add3A_1012 : i32 to vector<16xi32>
        %add3A_1014 = arith.addi %select_n3A_1011, %add3A_1013 : vector<16xi32>
        %gather3A_1015 = tpu.vector_load_idx %arg28[%add3A_1014] : memref<80xf32, #tpu.memory_space<vmem>>[vector<16xi32>], vector<16xf32>,
        %le3A_1016 = arith.cmpf ole, %gather3A_1015, %gather3A_993 : vector<16xf32>
        %select_n3A_1017 = arith.select %le3A_1016, %add3A_1014, %select_n3A_1011 : vector<16xi1>, vector<16xi32>
        %add3A_1018 = arith.constant 2 : i32
        %add3A_1019 = vector.broadcast %add3A_1018 : i32 to vector<16xi32>
        %add3A_1020 = arith.addi %select_n3A_1017, %add3A_1019 : vector<16xi32>
        %min3A_1021 = arith.constant 61 : i32
        %min3A_1022 = vector.broadcast %min3A_1021 : i32 to vector<16xi32>
        %min3A_1023 = arith.minsi %add3A_1020, %min3A_1022 : vector<16xi32>
        %gather3A_1024 = tpu.vector_load_idx %arg28[%min3A_1023] : memref<80xf32, #tpu.memory_space<vmem>>[vector<16xi32>], vector<16xf32>,
        %le3A_1025 = arith.cmpf ole, %gather3A_1024, %gather3A_993 : vector<16xf32>
        %le3A_1026 = arith.constant 61 : i32
        %le3A_1027 = vector.broadcast %le3A_1026 : i32 to vector<16xi32>
        %le3A_1028 = arith.cmpi sle, %add3A_1020, %le3A_1027 : vector<16xi32>
        %and3A_1029 = arith.andi %le3A_1025, %le3A_1028 : vector<16xi1>
        %select_n3A_1030 = arith.select %and3A_1029, %add3A_1020, %select_n3A_1017 : vector<16xi1>, vector<16xi32>
        %add3A_1031 = arith.constant 1 : i32
        %add3A_1032 = vector.broadcast %add3A_1031 : i32 to vector<16xi32>
        %add3A_1033 = arith.addi %select_n3A_1030, %add3A_1032 : vector<16xi32>
        %min3A_1034 = arith.constant 61 : i32
        %min3A_1035 = vector.broadcast %min3A_1034 : i32 to vector<16xi32>
        %min3A_1036 = arith.minsi %add3A_1033, %min3A_1035 : vector<16xi32>
        %gather3A_1037 = tpu.vector_load_idx %arg28[%min3A_1036] : memref<80xf32, #tpu.memory_space<vmem>>[vector<16xi32>], vector<16xf32>,
        %le3A_1038 = arith.cmpf ole, %gather3A_1037, %gather3A_993 : vector<16xf32>
        %le3A_1039 = arith.constant 61 : i32
        %le3A_1040 = vector.broadcast %le3A_1039 : i32 to vector<16xi32>
        %le3A_1041 = arith.cmpi sle, %add3A_1033, %le3A_1040 : vector<16xi32>
        %and3A_1042 = arith.andi %le3A_1038, %le3A_1041 : vector<16xi1>
        %select_n3A_1043 = arith.select %and3A_1042, %add3A_1033, %select_n3A_1030 : vector<16xi1>, vector<16xi32>
        %gather3A_1044 = tpu.vector_load_idx %arg28[%select_n3A_1043] : memref<80xf32, #tpu.memory_space<vmem>>[vector<16xi32>], vector<16xf32>,
        %add3A_1045 = arith.constant 1 : i32
        %add3A_1046 = vector.broadcast %add3A_1045 : i32 to vector<16xi32>
        %add3A_1047 = arith.addi %select_n3A_1043, %add3A_1046 : vector<16xi32>
        %gather3A_1048 = tpu.vector_load_idx %arg28[%add3A_1047] : memref<80xf32, #tpu.memory_space<vmem>>[vector<16xi32>], vector<16xf32>,
        %gather3A_1049 = tpu.vector_load_idx %arg30[%select_n3A_1043] : memref<80xf32, #tpu.memory_space<vmem>>[vector<16xi32>], vector<16xf32>,
        %add3A_1050 = arith.constant 1 : i32
        %add3A_1051 = vector.broadcast %add3A_1050 : i32 to vector<16xi32>
        %add3A_1052 = arith.addi %select_n3A_1043, %add3A_1051 : vector<16xi32>
        %gather3A_1053 = tpu.vector_load_idx %arg30[%add3A_1052] : memref<80xf32, #tpu.memory_space<vmem>>[vector<16xi32>], vector<16xf32>,
        %sub3A_1054 = arith.subf %gather3A_1048, %gather3A_1044 : vector<16xf32>
        %lt3A_1055 = arith.constant 9.99999997E-7 : f32
        %lt3A_1056 = vector.broadcast %lt3A_1055 : f32 to vector<16xf32>
        %lt3A_1057 = arith.cmpf olt, %sub3A_1054, %lt3A_1056 : vector<16xf32>
        %jit3A_1058 = arith.constant 1.000000e+00 : f32
        %broadcast_in_dim3A_1059 = vector.broadcast %jit3A_1058 : f32 to vector<16xf32>
        %select_n3A_1060 = arith.select %lt3A_1057, %broadcast_in_dim3A_1059, %sub3A_1054 : vector<16xi1>, vector<16xf32>
        %sub3A_1061 = arith.subf %gather3A_993, %gather3A_1044 : vector<16xf32>
        %div3A_1062 = arith.divf %sub3A_1061, %select_n3A_1060 : vector<16xf32>
        %sub3A_1063 = arith.subf %gather3A_1053, %gather3A_1049 : vector<16xf32>
        %add3A_1064 = arith.constant 9.99999997E-7 : f32
        %add3A_1065 = vector.broadcast %add3A_1064 : f32 to vector<16xf32>
        %add3A_1066 = arith.addf %sub3A_1063, %add3A_1065 : vector<16xf32>
        %mul3A_1067 = arith.mulf %div3A_1062, %add3A_1066 : vector<16xf32>
        %add3A_1068 = arith.addf %gather3A_1049, %mul3A_1067 : vector<16xf32>
        %gather3A_1069 = tpu.vector_load_idx %arg13[%broadcast_in_dim3A_869, %add3A_6] : memref<32x64xf32, #tpu.memory_space<vmem>>[vector<16xi32>, vector<16xi32>], vector<16xf32>,
        %add3A_1070 = arith.constant 32 : i32
        %add3A_1071 = vector.broadcast %add3A_1070 : i32 to vector<16xi32>
        %add3A_1072 = arith.addi %broadcast_in_dim3A_87, %add3A_1071 : vector<16xi32>
        %gather3A_1073 = tpu.vector_load_idx %arg28[%add3A_1072] : memref<80xf32, #tpu.memory_space<vmem>>[vector<16xi32>], vector<16xf32>,
        %le3A_1074 = arith.cmpf ole, %gather3A_1073, %gather3A_1069 : vector<16xf32>
        %select_n3A_1075 = arith.select %le3A_1074, %add3A_1072, %broadcast_in_dim3A_87 : vector<16xi1>, vector<16xi32>
        %add3A_1076 = arith.constant 16 : i32
        %add3A_1077 = vector.broadcast %add3A_1076 : i32 to vector<16xi32>
        %add3A_1078 = arith.addi %select_n3A_1075, %add3A_1077 : vector<16xi32>
        %gather3A_1079 = tpu.vector_load_idx %arg28[%add3A_1078] : memref<80xf32, #tpu.memory_space<vmem>>[vector<16xi32>], vector<16xf32>,
        %le3A_1080 = arith.cmpf ole, %gather3A_1079, %gather3A_1069 : vector<16xf32>
        %select_n3A_1081 = arith.select %le3A_1080, %add3A_1078, %select_n3A_1075 : vector<16xi1>, vector<16xi32>
        %add3A_1082 = arith.constant 8 : i32
        %add3A_1083 = vector.broadcast %add3A_1082 : i32 to vector<16xi32>
        %add3A_1084 = arith.addi %select_n3A_1081, %add3A_1083 : vector<16xi32>
        %gather3A_1085 = tpu.vector_load_idx %arg28[%add3A_1084] : memref<80xf32, #tpu.memory_space<vmem>>[vector<16xi32>], vector<16xf32>,
        %le3A_1086 = arith.cmpf ole, %gather3A_1085, %gather3A_1069 : vector<16xf32>
        %select_n3A_1087 = arith.select %le3A_1086, %add3A_1084, %select_n3A_1081 : vector<16xi1>, vector<16xi32>
        %add3A_1088 = arith.constant 4 : i32
        %add3A_1089 = vector.broadcast %add3A_1088 : i32 to vector<16xi32>
        %add3A_1090 = arith.addi %select_n3A_1087, %add3A_1089 : vector<16xi32>
        %gather3A_1091 = tpu.vector_load_idx %arg28[%add3A_1090] : memref<80xf32, #tpu.memory_space<vmem>>[vector<16xi32>], vector<16xf32>,
        %le3A_1092 = arith.cmpf ole, %gather3A_1091, %gather3A_1069 : vector<16xf32>
        %select_n3A_1093 = arith.select %le3A_1092, %add3A_1090, %select_n3A_1087 : vector<16xi1>, vector<16xi32>
        %add3A_1094 = arith.constant 2 : i32
        %add3A_1095 = vector.broadcast %add3A_1094 : i32 to vector<16xi32>
        %add3A_1096 = arith.addi %select_n3A_1093, %add3A_1095 : vector<16xi32>
        %min3A_1097 = arith.constant 61 : i32
        %min3A_1098 = vector.broadcast %min3A_1097 : i32 to vector<16xi32>
        %min3A_1099 = arith.minsi %add3A_1096, %min3A_1098 : vector<16xi32>
        %gather3A_1100 = tpu.vector_load_idx %arg28[%min3A_1099] : memref<80xf32, #tpu.memory_space<vmem>>[vector<16xi32>], vector<16xf32>,
        %le3A_1101 = arith.cmpf ole, %gather3A_1100, %gather3A_1069 : vector<16xf32>
        %le3A_1102 = arith.constant 61 : i32
        %le3A_1103 = vector.broadcast %le3A_1102 : i32 to vector<16xi32>
        %le3A_1104 = arith.cmpi sle, %add3A_1096, %le3A_1103 : vector<16xi32>
        %and3A_1105 = arith.andi %le3A_1101, %le3A_1104 : vector<16xi1>
        %select_n3A_1106 = arith.select %and3A_1105, %add3A_1096, %select_n3A_1093 : vector<16xi1>, vector<16xi32>
        %add3A_1107 = arith.constant 1 : i32
        %add3A_1108 = vector.broadcast %add3A_1107 : i32 to vector<16xi32>
        %add3A_1109 = arith.addi %select_n3A_1106, %add3A_1108 : vector<16xi32>
        %min3A_1110 = arith.constant 61 : i32
        %min3A_1111 = vector.broadcast %min3A_1110 : i32 to vector<16xi32>
        %min3A_1112 = arith.minsi %add3A_1109, %min3A_1111 : vector<16xi32>
        %gather3A_1113 = tpu.vector_load_idx %arg28[%min3A_1112] : memref<80xf32, #tpu.memory_space<vmem>>[vector<16xi32>], vector<16xf32>,
        %le3A_1114 = arith.cmpf ole, %gather3A_1113, %gather3A_1069 : vector<16xf32>
        %le3A_1115 = arith.constant 61 : i32
        %le3A_1116 = vector.broadcast %le3A_1115 : i32 to vector<16xi32>
        %le3A_1117 = arith.cmpi sle, %add3A_1109, %le3A_1116 : vector<16xi32>
        %and3A_1118 = arith.andi %le3A_1114, %le3A_1117 : vector<16xi1>
        %select_n3A_1119 = arith.select %and3A_1118, %add3A_1109, %select_n3A_1106 : vector<16xi1>, vector<16xi32>
        %gather3A_1120 = tpu.vector_load_idx %arg28[%select_n3A_1119] : memref<80xf32, #tpu.memory_space<vmem>>[vector<16xi32>], vector<16xf32>,
        %add3A_1121 = arith.constant 1 : i32
        %add3A_1122 = vector.broadcast %add3A_1121 : i32 to vector<16xi32>
        %add3A_1123 = arith.addi %select_n3A_1119, %add3A_1122 : vector<16xi32>
        %gather3A_1124 = tpu.vector_load_idx %arg28[%add3A_1123] : memref<80xf32, #tpu.memory_space<vmem>>[vector<16xi32>], vector<16xf32>,
        %gather3A_1125 = tpu.vector_load_idx %arg30[%select_n3A_1119] : memref<80xf32, #tpu.memory_space<vmem>>[vector<16xi32>], vector<16xf32>,
        %add3A_1126 = arith.constant 1 : i32
        %add3A_1127 = vector.broadcast %add3A_1126 : i32 to vector<16xi32>
        %add3A_1128 = arith.addi %select_n3A_1119, %add3A_1127 : vector<16xi32>
        %gather3A_1129 = tpu.vector_load_idx %arg30[%add3A_1128] : memref<80xf32, #tpu.memory_space<vmem>>[vector<16xi32>], vector<16xf32>,
        %sub3A_1130 = arith.subf %gather3A_1124, %gather3A_1120 : vector<16xf32>
        %lt3A_1131 = arith.constant 9.99999997E-7 : f32
        %lt3A_1132 = vector.broadcast %lt3A_1131 : f32 to vector<16xf32>
        %lt3A_1133 = arith.cmpf olt, %sub3A_1130, %lt3A_1132 : vector<16xf32>
        %jit3A_1134 = arith.constant 1.000000e+00 : f32
        %broadcast_in_dim3A_1135 = vector.broadcast %jit3A_1134 : f32 to vector<16xf32>
        %select_n3A_1136 = arith.select %lt3A_1133, %broadcast_in_dim3A_1135, %sub3A_1130 : vector<16xi1>, vector<16xf32>
        %sub3A_1137 = arith.subf %gather3A_1069, %gather3A_1120 : vector<16xf32>
        %div3A_1138 = arith.divf %sub3A_1137, %select_n3A_1136 : vector<16xf32>
        %sub3A_1139 = arith.subf %gather3A_1129, %gather3A_1125 : vector<16xf32>
        %add3A_1140 = arith.constant 9.99999997E-7 : f32
        %add3A_1141 = vector.broadcast %add3A_1140 : f32 to vector<16xf32>
        %add3A_1142 = arith.addf %sub3A_1139, %add3A_1141 : vector<16xf32>
        %mul3A_1143 = arith.mulf %div3A_1138, %add3A_1142 : vector<16xf32>
        %add3A_1144 = arith.addf %gather3A_1125, %mul3A_1143 : vector<16xf32>
        %gather3A_1145 = tpu.vector_load_idx %arg13[%broadcast_in_dim3A_869, %add3A_9] : memref<32x64xf32, #tpu.memory_space<vmem>>[vector<16xi32>, vector<16xi32>], vector<16xf32>,
        %add3A_1146 = arith.constant 32 : i32
        %add3A_1147 = vector.broadcast %add3A_1146 : i32 to vector<16xi32>
        %add3A_1148 = arith.addi %broadcast_in_dim3A_87, %add3A_1147 : vector<16xi32>
        %gather3A_1149 = tpu.vector_load_idx %arg28[%add3A_1148] : memref<80xf32, #tpu.memory_space<vmem>>[vector<16xi32>], vector<16xf32>,
        %le3A_1150 = arith.cmpf ole, %gather3A_1149, %gather3A_1145 : vector<16xf32>
        %select_n3A_1151 = arith.select %le3A_1150, %add3A_1148, %broadcast_in_dim3A_87 : vector<16xi1>, vector<16xi32>
        %add3A_1152 = arith.constant 16 : i32
        %add3A_1153 = vector.broadcast %add3A_1152 : i32 to vector<16xi32>
        %add3A_1154 = arith.addi %select_n3A_1151, %add3A_1153 : vector<16xi32>
        %gather3A_1155 = tpu.vector_load_idx %arg28[%add3A_1154] : memref<80xf32, #tpu.memory_space<vmem>>[vector<16xi32>], vector<16xf32>,
        %le3A_1156 = arith.cmpf ole, %gather3A_1155, %gather3A_1145 : vector<16xf32>
        %select_n3A_1157 = arith.select %le3A_1156, %add3A_1154, %select_n3A_1151 : vector<16xi1>, vector<16xi32>
        %add3A_1158 = arith.constant 8 : i32
        %add3A_1159 = vector.broadcast %add3A_1158 : i32 to vector<16xi32>
        %add3A_1160 = arith.addi %select_n3A_1157, %add3A_1159 : vector<16xi32>
        %gather3A_1161 = tpu.vector_load_idx %arg28[%add3A_1160] : memref<80xf32, #tpu.memory_space<vmem>>[vector<16xi32>], vector<16xf32>,
        %le3A_1162 = arith.cmpf ole, %gather3A_1161, %gather3A_1145 : vector<16xf32>
        %select_n3A_1163 = arith.select %le3A_1162, %add3A_1160, %select_n3A_1157 : vector<16xi1>, vector<16xi32>
        %add3A_1164 = arith.constant 4 : i32
        %add3A_1165 = vector.broadcast %add3A_1164 : i32 to vector<16xi32>
        %add3A_1166 = arith.addi %select_n3A_1163, %add3A_1165 : vector<16xi32>
        %gather3A_1167 = tpu.vector_load_idx %arg28[%add3A_1166] : memref<80xf32, #tpu.memory_space<vmem>>[vector<16xi32>], vector<16xf32>,
        %le3A_1168 = arith.cmpf ole, %gather3A_1167, %gather3A_1145 : vector<16xf32>
        %select_n3A_1169 = arith.select %le3A_1168, %add3A_1166, %select_n3A_1163 : vector<16xi1>, vector<16xi32>
        %add3A_1170 = arith.constant 2 : i32
        %add3A_1171 = vector.broadcast %add3A_1170 : i32 to vector<16xi32>
        %add3A_1172 = arith.addi %select_n3A_1169, %add3A_1171 : vector<16xi32>
        %min3A_1173 = arith.constant 61 : i32
        %min3A_1174 = vector.broadcast %min3A_1173 : i32 to vector<16xi32>
        %min3A_1175 = arith.minsi %add3A_1172, %min3A_1174 : vector<16xi32>
        %gather3A_1176 = tpu.vector_load_idx %arg28[%min3A_1175] : memref<80xf32, #tpu.memory_space<vmem>>[vector<16xi32>], vector<16xf32>,
        %le3A_1177 = arith.cmpf ole, %gather3A_1176, %gather3A_1145 : vector<16xf32>
        %le3A_1178 = arith.constant 61 : i32
        %le3A_1179 = vector.broadcast %le3A_1178 : i32 to vector<16xi32>
        %le3A_1180 = arith.cmpi sle, %add3A_1172, %le3A_1179 : vector<16xi32>
        %and3A_1181 = arith.andi %le3A_1177, %le3A_1180 : vector<16xi1>
        %select_n3A_1182 = arith.select %and3A_1181, %add3A_1172, %select_n3A_1169 : vector<16xi1>, vector<16xi32>
        %add3A_1183 = arith.constant 1 : i32
        %add3A_1184 = vector.broadcast %add3A_1183 : i32 to vector<16xi32>
        %add3A_1185 = arith.addi %select_n3A_1182, %add3A_1184 : vector<16xi32>
        %min3A_1186 = arith.constant 61 : i32
        %min3A_1187 = vector.broadcast %min3A_1186 : i32 to vector<16xi32>
        %min3A_1188 = arith.minsi %add3A_1185, %min3A_1187 : vector<16xi32>
        %gather3A_1189 = tpu.vector_load_idx %arg28[%min3A_1188] : memref<80xf32, #tpu.memory_space<vmem>>[vector<16xi32>], vector<16xf32>,
        %le3A_1190 = arith.cmpf ole, %gather3A_1189, %gather3A_1145 : vector<16xf32>
        %le3A_1191 = arith.constant 61 : i32
        %le3A_1192 = vector.broadcast %le3A_1191 : i32 to vector<16xi32>
        %le3A_1193 = arith.cmpi sle, %add3A_1185, %le3A_1192 : vector<16xi32>
        %and3A_1194 = arith.andi %le3A_1190, %le3A_1193 : vector<16xi1>
        %select_n3A_1195 = arith.select %and3A_1194, %add3A_1185, %select_n3A_1182 : vector<16xi1>, vector<16xi32>
        %gather3A_1196 = tpu.vector_load_idx %arg28[%select_n3A_1195] : memref<80xf32, #tpu.memory_space<vmem>>[vector<16xi32>], vector<16xf32>,
        %add3A_1197 = arith.constant 1 : i32
        %add3A_1198 = vector.broadcast %add3A_1197 : i32 to vector<16xi32>
        %add3A_1199 = arith.addi %select_n3A_1195, %add3A_1198 : vector<16xi32>
        %gather3A_1200 = tpu.vector_load_idx %arg28[%add3A_1199] : memref<80xf32, #tpu.memory_space<vmem>>[vector<16xi32>], vector<16xf32>,
        %gather3A_1201 = tpu.vector_load_idx %arg30[%select_n3A_1195] : memref<80xf32, #tpu.memory_space<vmem>>[vector<16xi32>], vector<16xf32>,
        %add3A_1202 = arith.constant 1 : i32
        %add3A_1203 = vector.broadcast %add3A_1202 : i32 to vector<16xi32>
        %add3A_1204 = arith.addi %select_n3A_1195, %add3A_1203 : vector<16xi32>
        %gather3A_1205 = tpu.vector_load_idx %arg30[%add3A_1204] : memref<80xf32, #tpu.memory_space<vmem>>[vector<16xi32>], vector<16xf32>,
        %sub3A_1206 = arith.subf %gather3A_1200, %gather3A_1196 : vector<16xf32>
        %lt3A_1207 = arith.constant 9.99999997E-7 : f32
        %lt3A_1208 = vector.broadcast %lt3A_1207 : f32 to vector<16xf32>
        %lt3A_1209 = arith.cmpf olt, %sub3A_1206, %lt3A_1208 : vector<16xf32>
        %jit3A_1210 = arith.constant 1.000000e+00 : f32
        %broadcast_in_dim3A_1211 = vector.broadcast %jit3A_1210 : f32 to vector<16xf32>
        %select_n3A_1212 = arith.select %lt3A_1209, %broadcast_in_dim3A_1211, %sub3A_1206 : vector<16xi1>, vector<16xf32>
        %sub3A_1213 = arith.subf %gather3A_1145, %gather3A_1196 : vector<16xf32>
        %div3A_1214 = arith.divf %sub3A_1213, %select_n3A_1212 : vector<16xf32>
        %sub3A_1215 = arith.subf %gather3A_1205, %gather3A_1201 : vector<16xf32>
        %add3A_1216 = arith.constant 9.99999997E-7 : f32
        %add3A_1217 = vector.broadcast %add3A_1216 : f32 to vector<16xf32>
        %add3A_1218 = arith.addf %sub3A_1215, %add3A_1217 : vector<16xf32>
        %mul3A_1219 = arith.mulf %div3A_1214, %add3A_1218 : vector<16xf32>
        %add3A_1220 = arith.addf %gather3A_1201, %mul3A_1219 : vector<16xf32>
        %gather3A_1221 = tpu.vector_load_idx %arg13[%broadcast_in_dim3A_869, %add3A_12] : memref<32x64xf32, #tpu.memory_space<vmem>>[vector<16xi32>, vector<16xi32>], vector<16xf32>,
        %add3A_1222 = arith.constant 32 : i32
        %add3A_1223 = vector.broadcast %add3A_1222 : i32 to vector<16xi32>
        %add3A_1224 = arith.addi %broadcast_in_dim3A_87, %add3A_1223 : vector<16xi32>
        %gather3A_1225 = tpu.vector_load_idx %arg28[%add3A_1224] : memref<80xf32, #tpu.memory_space<vmem>>[vector<16xi32>], vector<16xf32>,
        %le3A_1226 = arith.cmpf ole, %gather3A_1225, %gather3A_1221 : vector<16xf32>
        %select_n3A_1227 = arith.select %le3A_1226, %add3A_1224, %broadcast_in_dim3A_87 : vector<16xi1>, vector<16xi32>
        %add3A_1228 = arith.constant 16 : i32
        %add3A_1229 = vector.broadcast %add3A_1228 : i32 to vector<16xi32>
        %add3A_1230 = arith.addi %select_n3A_1227, %add3A_1229 : vector<16xi32>
        %gather3A_1231 = tpu.vector_load_idx %arg28[%add3A_1230] : memref<80xf32, #tpu.memory_space<vmem>>[vector<16xi32>], vector<16xf32>,
        %le3A_1232 = arith.cmpf ole, %gather3A_1231, %gather3A_1221 : vector<16xf32>
        %select_n3A_1233 = arith.select %le3A_1232, %add3A_1230, %select_n3A_1227 : vector<16xi1>, vector<16xi32>
        %add3A_1234 = arith.constant 8 : i32
        %add3A_1235 = vector.broadcast %add3A_1234 : i32 to vector<16xi32>
        %add3A_1236 = arith.addi %select_n3A_1233, %add3A_1235 : vector<16xi32>
        %gather3A_1237 = tpu.vector_load_idx %arg28[%add3A_1236] : memref<80xf32, #tpu.memory_space<vmem>>[vector<16xi32>], vector<16xf32>,
        %le3A_1238 = arith.cmpf ole, %gather3A_1237, %gather3A_1221 : vector<16xf32>
        %select_n3A_1239 = arith.select %le3A_1238, %add3A_1236, %select_n3A_1233 : vector<16xi1>, vector<16xi32>
        %add3A_1240 = arith.constant 4 : i32
        %add3A_1241 = vector.broadcast %add3A_1240 : i32 to vector<16xi32>
        %add3A_1242 = arith.addi %select_n3A_1239, %add3A_1241 : vector<16xi32>
        %gather3A_1243 = tpu.vector_load_idx %arg28[%add3A_1242] : memref<80xf32, #tpu.memory_space<vmem>>[vector<16xi32>], vector<16xf32>,
        %le3A_1244 = arith.cmpf ole, %gather3A_1243, %gather3A_1221 : vector<16xf32>
        %select_n3A_1245 = arith.select %le3A_1244, %add3A_1242, %select_n3A_1239 : vector<16xi1>, vector<16xi32>
        %add3A_1246 = arith.constant 2 : i32
        %add3A_1247 = vector.broadcast %add3A_1246 : i32 to vector<16xi32>
        %add3A_1248 = arith.addi %select_n3A_1245, %add3A_1247 : vector<16xi32>
        %min3A_1249 = arith.constant 61 : i32
        %min3A_1250 = vector.broadcast %min3A_1249 : i32 to vector<16xi32>
        %min3A_1251 = arith.minsi %add3A_1248, %min3A_1250 : vector<16xi32>
        %gather3A_1252 = tpu.vector_load_idx %arg28[%min3A_1251] : memref<80xf32, #tpu.memory_space<vmem>>[vector<16xi32>], vector<16xf32>,
        %le3A_1253 = arith.cmpf ole, %gather3A_1252, %gather3A_1221 : vector<16xf32>
        %le3A_1254 = arith.constant 61 : i32
        %le3A_1255 = vector.broadcast %le3A_1254 : i32 to vector<16xi32>
        %le3A_1256 = arith.cmpi sle, %add3A_1248, %le3A_1255 : vector<16xi32>
        %and3A_1257 = arith.andi %le3A_1253, %le3A_1256 : vector<16xi1>
        %select_n3A_1258 = arith.select %and3A_1257, %add3A_1248, %select_n3A_1245 : vector<16xi1>, vector<16xi32>
        %add3A_1259 = arith.constant 1 : i32
        %add3A_1260 = vector.broadcast %add3A_1259 : i32 to vector<16xi32>
        %add3A_1261 = arith.addi %select_n3A_1258, %add3A_1260 : vector<16xi32>
        %min3A_1262 = arith.constant 61 : i32
        %min3A_1263 = vector.broadcast %min3A_1262 : i32 to vector<16xi32>
        %min3A_1264 = arith.minsi %add3A_1261, %min3A_1263 : vector<16xi32>
        %gather3A_1265 = tpu.vector_load_idx %arg28[%min3A_1264] : memref<80xf32, #tpu.memory_space<vmem>>[vector<16xi32>], vector<16xf32>,
        %le3A_1266 = arith.cmpf ole, %gather3A_1265, %gather3A_1221 : vector<16xf32>
        %le3A_1267 = arith.constant 61 : i32
        %le3A_1268 = vector.broadcast %le3A_1267 : i32 to vector<16xi32>
        %le3A_1269 = arith.cmpi sle, %add3A_1261, %le3A_1268 : vector<16xi32>
        %and3A_1270 = arith.andi %le3A_1266, %le3A_1269 : vector<16xi1>
        %select_n3A_1271 = arith.select %and3A_1270, %add3A_1261, %select_n3A_1258 : vector<16xi1>, vector<16xi32>
        %gather3A_1272 = tpu.vector_load_idx %arg28[%select_n3A_1271] : memref<80xf32, #tpu.memory_space<vmem>>[vector<16xi32>], vector<16xf32>,
        %add3A_1273 = arith.constant 1 : i32
        %add3A_1274 = vector.broadcast %add3A_1273 : i32 to vector<16xi32>
        %add3A_1275 = arith.addi %select_n3A_1271, %add3A_1274 : vector<16xi32>
        %gather3A_1276 = tpu.vector_load_idx %arg28[%add3A_1275] : memref<80xf32, #tpu.memory_space<vmem>>[vector<16xi32>], vector<16xf32>,
        %gather3A_1277 = tpu.vector_load_idx %arg30[%select_n3A_1271] : memref<80xf32, #tpu.memory_space<vmem>>[vector<16xi32>], vector<16xf32>,
        %add3A_1278 = arith.constant 1 : i32
        %add3A_1279 = vector.broadcast %add3A_1278 : i32 to vector<16xi32>
        %add3A_1280 = arith.addi %select_n3A_1271, %add3A_1279 : vector<16xi32>
        %gather3A_1281 = tpu.vector_load_idx %arg30[%add3A_1280] : memref<80xf32, #tpu.memory_space<vmem>>[vector<16xi32>], vector<16xf32>,
        %sub3A_1282 = arith.subf %gather3A_1276, %gather3A_1272 : vector<16xf32>
        %lt3A_1283 = arith.constant 9.99999997E-7 : f32
        %lt3A_1284 = vector.broadcast %lt3A_1283 : f32 to vector<16xf32>
        %lt3A_1285 = arith.cmpf olt, %sub3A_1282, %lt3A_1284 : vector<16xf32>
        %jit3A_1286 = arith.constant 1.000000e+00 : f32
        %broadcast_in_dim3A_1287 = vector.broadcast %jit3A_1286 : f32 to vector<16xf32>
        %select_n3A_1288 = arith.select %lt3A_1285, %broadcast_in_dim3A_1287, %sub3A_1282 : vector<16xi1>, vector<16xf32>
        %sub3A_1289 = arith.subf %gather3A_1221, %gather3A_1272 : vector<16xf32>
        %div3A_1290 = arith.divf %sub3A_1289, %select_n3A_1288 : vector<16xf32>
        %sub3A_1291 = arith.subf %gather3A_1281, %gather3A_1277 : vector<16xf32>
        %add3A_1292 = arith.constant 9.99999997E-7 : f32
        %add3A_1293 = vector.broadcast %add3A_1292 : f32 to vector<16xf32>
        %add3A_1294 = arith.addf %sub3A_1291, %add3A_1293 : vector<16xf32>
        %mul3A_1295 = arith.mulf %div3A_1290, %add3A_1294 : vector<16xf32>
        %add3A_1296 = arith.addf %gather3A_1277, %mul3A_1295 : vector<16xf32>
        %sort3A_1297 = arith.constant dense<true> : vector<16xi1>
        %sort3A_1298, %sort3A_1299, %sort3A_1300 = tpu.sort %add3A_1068, %add3A_1068 masked %sort3A_1297 : (vector<16xf32>, vector<16xf32>, vector<16xi1>) -> (vector<16xi1>, vector<16xf32>, vector<16xf32>)
        %sort3A_1301 = arith.constant dense<true> : vector<16xi1>
        %sort3A_1302, %sort3A_1303, %sort3A_1304 = tpu.sort %add3A_1144, %add3A_1144 masked %sort3A_1301 : (vector<16xf32>, vector<16xf32>, vector<16xi1>) -> (vector<16xi1>, vector<16xf32>, vector<16xf32>)
        %sort3A_1305 = arith.constant dense<true> : vector<16xi1>
        %sort3A_1306, %sort3A_1307, %sort3A_1308 = tpu.sort %add3A_1220, %add3A_1220 masked %sort3A_1305 : (vector<16xf32>, vector<16xf32>, vector<16xi1>) -> (vector<16xi1>, vector<16xf32>, vector<16xf32>)
        %sort3A_1309 = arith.constant dense<true> : vector<16xi1>
        %sort3A_1310, %sort3A_1311, %sort3A_1312 = tpu.sort %add3A_1296, %add3A_1296 masked %sort3A_1309 : (vector<16xf32>, vector<16xf32>, vector<16xi1>) -> (vector<16xi1>, vector<16xf32>, vector<16xf32>)
        %rev3A_1313 = arith.constant 15 : i32
        %rev3A_1314 = vector.broadcast %rev3A_1313 : i32 to vector<16xi32>
        %rev3A_1315 = tpu.iota {dimensions = array<i32: 0>} : vector<16xi32>
        %rev3A_1316 = arith.subi %rev3A_1314, %rev3A_1315 : vector<16xi32>
        %rev3A_1317 = tpu.dynamic_gather %sort3A_1303[%rev3A_1316] in [0] : vector<16xf32>, vector<16xi32> -> vector<16xf32>
        %min3A_1318 = arith.minimumf %sort3A_1299, %rev3A_1317 : vector<16xf32>
        %max3A_1319 = arith.maximumf %sort3A_1299, %rev3A_1317 : vector<16xf32>
        %sort3A_1320 = arith.constant dense<true> : vector<16xi1>
        %sort3A_1321, %sort3A_1322, %sort3A_1323 = tpu.sort %min3A_1318, %min3A_1318 masked %sort3A_1320 : (vector<16xf32>, vector<16xf32>, vector<16xi1>) -> (vector<16xi1>, vector<16xf32>, vector<16xf32>)
        %sort3A_1324 = arith.constant dense<true> : vector<16xi1>
        %sort3A_1325, %sort3A_1326, %sort3A_1327 = tpu.sort %max3A_1319, %max3A_1319 masked %sort3A_1324 : (vector<16xf32>, vector<16xf32>, vector<16xi1>) -> (vector<16xi1>, vector<16xf32>, vector<16xf32>)
        %rev3A_1328 = arith.constant 15 : i32
        %rev3A_1329 = vector.broadcast %rev3A_1328 : i32 to vector<16xi32>
        %rev3A_1330 = tpu.iota {dimensions = array<i32: 0>} : vector<16xi32>
        %rev3A_1331 = arith.subi %rev3A_1329, %rev3A_1330 : vector<16xi32>
        %rev3A_1332 = tpu.dynamic_gather %sort3A_1311[%rev3A_1331] in [0] : vector<16xf32>, vector<16xi32> -> vector<16xf32>
        %min3A_1333 = arith.minimumf %sort3A_1307, %rev3A_1332 : vector<16xf32>
        %max3A_1334 = arith.maximumf %sort3A_1307, %rev3A_1332 : vector<16xf32>
        %sort3A_1335 = arith.constant dense<true> : vector<16xi1>
        %sort3A_1336, %sort3A_1337, %sort3A_1338 = tpu.sort %min3A_1333, %min3A_1333 masked %sort3A_1335 : (vector<16xf32>, vector<16xf32>, vector<16xi1>) -> (vector<16xi1>, vector<16xf32>, vector<16xf32>)
        %sort3A_1339 = arith.constant dense<true> : vector<16xi1>
        %sort3A_1340, %sort3A_1341, %sort3A_1342 = tpu.sort %max3A_1334, %max3A_1334 masked %sort3A_1339 : (vector<16xf32>, vector<16xf32>, vector<16xi1>) -> (vector<16xi1>, vector<16xf32>, vector<16xf32>)
        %rev3A_1343 = arith.constant 15 : i32
        %rev3A_1344 = vector.broadcast %rev3A_1343 : i32 to vector<16xi32>
        %rev3A_1345 = tpu.iota {dimensions = array<i32: 0>} : vector<16xi32>
        %rev3A_1346 = arith.subi %rev3A_1344, %rev3A_1345 : vector<16xi32>
        %rev3A_1347 = tpu.dynamic_gather %sort3A_1341[%rev3A_1346] in [0] : vector<16xf32>, vector<16xi32> -> vector<16xf32>
        %rev3A_1348 = arith.constant 15 : i32
        %rev3A_1349 = vector.broadcast %rev3A_1348 : i32 to vector<16xi32>
        %rev3A_1350 = tpu.iota {dimensions = array<i32: 0>} : vector<16xi32>
        %rev3A_1351 = arith.subi %rev3A_1349, %rev3A_1350 : vector<16xi32>
        %rev3A_1352 = tpu.dynamic_gather %sort3A_1337[%rev3A_1351] in [0] : vector<16xf32>, vector<16xi32> -> vector<16xf32>
        %min3A_1353 = arith.minimumf %sort3A_1322, %rev3A_1347 : vector<16xf32>
        %min3A_1354 = arith.minimumf %sort3A_1326, %rev3A_1352 : vector<16xf32>
        %max3A_1355 = arith.maximumf %sort3A_1322, %rev3A_1347 : vector<16xf32>
        %max3A_1356 = arith.maximumf %sort3A_1326, %rev3A_1352 : vector<16xf32>
        %min3A_1357 = arith.minimumf %min3A_1353, %min3A_1354 : vector<16xf32>
        %max3A_1358 = arith.maximumf %min3A_1353, %min3A_1354 : vector<16xf32>
        %sort3A_1359 = arith.constant dense<true> : vector<16xi1>
        %sort3A_1360, %sort3A_1361, %sort3A_1362 = tpu.sort %min3A_1357, %min3A_1357 masked %sort3A_1359 : (vector<16xf32>, vector<16xf32>, vector<16xi1>) -> (vector<16xi1>, vector<16xf32>, vector<16xf32>)
        %sort3A_1363 = arith.constant dense<true> : vector<16xi1>
        %sort3A_1364, %sort3A_1365, %sort3A_1366 = tpu.sort %max3A_1358, %max3A_1358 masked %sort3A_1363 : (vector<16xf32>, vector<16xf32>, vector<16xi1>) -> (vector<16xi1>, vector<16xf32>, vector<16xf32>)
        %min3A_1367 = arith.minimumf %max3A_1355, %max3A_1356 : vector<16xf32>
        %max3A_1368 = arith.maximumf %max3A_1355, %max3A_1356 : vector<16xf32>
        %sort3A_1369 = arith.constant dense<true> : vector<16xi1>
        %sort3A_1370, %sort3A_1371, %sort3A_1372 = tpu.sort %min3A_1367, %min3A_1367 masked %sort3A_1369 : (vector<16xf32>, vector<16xf32>, vector<16xi1>) -> (vector<16xi1>, vector<16xf32>, vector<16xf32>)
        %sort3A_1373 = arith.constant dense<true> : vector<16xi1>
        %sort3A_1374, %sort3A_1375, %sort3A_1376 = tpu.sort %max3A_1368, %max3A_1368 masked %sort3A_1373 : (vector<16xf32>, vector<16xf32>, vector<16xi1>) -> (vector<16xi1>, vector<16xf32>, vector<16xf32>)
        %rev3A_1377 = arith.constant 15 : i32
        %rev3A_1378 = vector.broadcast %rev3A_1377 : i32 to vector<16xi32>
        %rev3A_1379 = tpu.iota {dimensions = array<i32: 0>} : vector<16xi32>
        %rev3A_1380 = arith.subi %rev3A_1378, %rev3A_1379 : vector<16xi32>
        %rev3A_1381 = tpu.dynamic_gather %gather3A_873[%rev3A_1380] in [0] : vector<16xf32>, vector<16xi32> -> vector<16xf32>
        %rev3A_1382 = arith.constant 15 : i32
        %rev3A_1383 = vector.broadcast %rev3A_1382 : i32 to vector<16xi32>
        %rev3A_1384 = tpu.iota {dimensions = array<i32: 0>} : vector<16xi32>
        %rev3A_1385 = arith.subi %rev3A_1383, %rev3A_1384 : vector<16xi32>
        %rev3A_1386 = tpu.dynamic_gather %gather3A_872[%rev3A_1385] in [0] : vector<16xf32>, vector<16xi32> -> vector<16xf32>
        %rev3A_1387 = arith.constant 15 : i32
        %rev3A_1388 = vector.broadcast %rev3A_1387 : i32 to vector<16xi32>
        %rev3A_1389 = tpu.iota {dimensions = array<i32: 0>} : vector<16xi32>
        %rev3A_1390 = arith.subi %rev3A_1388, %rev3A_1389 : vector<16xi32>
        %rev3A_1391 = tpu.dynamic_gather %gather3A_871[%rev3A_1390] in [0] : vector<16xf32>, vector<16xi32> -> vector<16xf32>
        %rev3A_1392 = arith.constant 15 : i32
        %rev3A_1393 = vector.broadcast %rev3A_1392 : i32 to vector<16xi32>
        %rev3A_1394 = tpu.iota {dimensions = array<i32: 0>} : vector<16xi32>
        %rev3A_1395 = arith.subi %rev3A_1393, %rev3A_1394 : vector<16xi32>
        %rev3A_1396 = tpu.dynamic_gather %gather3A_870[%rev3A_1395] in [0] : vector<16xf32>, vector<16xi32> -> vector<16xf32>
        %min3A_1397 = arith.minimumf %sort3A_1361, %rev3A_1381 : vector<16xf32>
        %min3A_1398 = arith.minimumf %sort3A_1365, %rev3A_1386 : vector<16xf32>
        %min3A_1399 = arith.minimumf %sort3A_1371, %rev3A_1391 : vector<16xf32>
        %min3A_1400 = arith.minimumf %sort3A_1375, %rev3A_1396 : vector<16xf32>
        %max3A_1401 = arith.maximumf %sort3A_1361, %rev3A_1381 : vector<16xf32>
        %max3A_1402 = arith.maximumf %sort3A_1365, %rev3A_1386 : vector<16xf32>
        %max3A_1403 = arith.maximumf %sort3A_1371, %rev3A_1391 : vector<16xf32>
        %max3A_1404 = arith.maximumf %sort3A_1375, %rev3A_1396 : vector<16xf32>
        %min3A_1405 = arith.minimumf %min3A_1397, %min3A_1399 : vector<16xf32>
        %min3A_1406 = arith.minimumf %min3A_1398, %min3A_1400 : vector<16xf32>
        %max3A_1407 = arith.maximumf %min3A_1397, %min3A_1399 : vector<16xf32>
        %max3A_1408 = arith.maximumf %min3A_1398, %min3A_1400 : vector<16xf32>
        %min3A_1409 = arith.minimumf %min3A_1405, %min3A_1406 : vector<16xf32>
        %max3A_1410 = arith.maximumf %min3A_1405, %min3A_1406 : vector<16xf32>
        %sort3A_1411 = arith.constant dense<true> : vector<16xi1>
        %sort3A_1412, %sort3A_1413, %sort3A_1414 = tpu.sort %min3A_1409, %min3A_1409 masked %sort3A_1411 : (vector<16xf32>, vector<16xf32>, vector<16xi1>) -> (vector<16xi1>, vector<16xf32>, vector<16xf32>)
        %sort3A_1415 = arith.constant dense<true> : vector<16xi1>
        %sort3A_1416, %sort3A_1417, %sort3A_1418 = tpu.sort %max3A_1410, %max3A_1410 masked %sort3A_1415 : (vector<16xf32>, vector<16xf32>, vector<16xi1>) -> (vector<16xi1>, vector<16xf32>, vector<16xf32>)
        %min3A_1419 = arith.minimumf %max3A_1407, %max3A_1408 : vector<16xf32>
        %max3A_1420 = arith.maximumf %max3A_1407, %max3A_1408 : vector<16xf32>
        %sort3A_1421 = arith.constant dense<true> : vector<16xi1>
        %sort3A_1422, %sort3A_1423, %sort3A_1424 = tpu.sort %min3A_1419, %min3A_1419 masked %sort3A_1421 : (vector<16xf32>, vector<16xf32>, vector<16xi1>) -> (vector<16xi1>, vector<16xf32>, vector<16xf32>)
        %sort3A_1425 = arith.constant dense<true> : vector<16xi1>
        %sort3A_1426, %sort3A_1427, %sort3A_1428 = tpu.sort %max3A_1420, %max3A_1420 masked %sort3A_1425 : (vector<16xf32>, vector<16xf32>, vector<16xi1>) -> (vector<16xi1>, vector<16xf32>, vector<16xf32>)
        %min3A_1429 = arith.minimumf %max3A_1401, %max3A_1403 : vector<16xf32>
        %min3A_1430 = arith.minimumf %max3A_1402, %max3A_1404 : vector<16xf32>
        %max3A_1431 = arith.maximumf %max3A_1401, %max3A_1403 : vector<16xf32>
        %max3A_1432 = arith.maximumf %max3A_1402, %max3A_1404 : vector<16xf32>
        %min3A_1433 = arith.minimumf %min3A_1429, %min3A_1430 : vector<16xf32>
        %max3A_1434 = arith.maximumf %min3A_1429, %min3A_1430 : vector<16xf32>
        %sort3A_1435 = arith.constant dense<true> : vector<16xi1>
        %sort3A_1436, %sort3A_1437, %sort3A_1438 = tpu.sort %min3A_1433, %min3A_1433 masked %sort3A_1435 : (vector<16xf32>, vector<16xf32>, vector<16xi1>) -> (vector<16xi1>, vector<16xf32>, vector<16xf32>)
        %sort3A_1439 = arith.constant dense<true> : vector<16xi1>
        %sort3A_1440, %sort3A_1441, %sort3A_1442 = tpu.sort %max3A_1434, %max3A_1434 masked %sort3A_1439 : (vector<16xf32>, vector<16xf32>, vector<16xi1>) -> (vector<16xi1>, vector<16xf32>, vector<16xf32>)
        %min3A_1443 = arith.minimumf %max3A_1431, %max3A_1432 : vector<16xf32>
        %max3A_1444 = arith.maximumf %max3A_1431, %max3A_1432 : vector<16xf32>
        %sort3A_1445 = arith.constant dense<true> : vector<16xi1>
        %sort3A_1446, %sort3A_1447, %sort3A_1448 = tpu.sort %min3A_1443, %min3A_1443 masked %sort3A_1445 : (vector<16xf32>, vector<16xf32>, vector<16xi1>) -> (vector<16xi1>, vector<16xf32>, vector<16xf32>)
        %sort3A_1449 = arith.constant dense<true> : vector<16xi1>
        %sort3A_1450, %sort3A_1451, %sort3A_1452 = tpu.sort %max3A_1444, %max3A_1444 masked %sort3A_1449 : (vector<16xf32>, vector<16xf32>, vector<16xi1>) -> (vector<16xi1>, vector<16xf32>, vector<16xf32>)
        %add3A_1453 = arith.constant 0 : i32
        %add3A_1454 = vector.broadcast %add3A_1453 : i32 to vector<16xi32>
        %add3A_1455 = arith.addi %add3A_3, %add3A_1454 : vector<16xi32>
        tpu.vector_store_idx %arg20[%broadcast_in_dim3A_869, %add3A_1455], %sort3A_1413 : memref<32x128xf32, #tpu.memory_space<vmem>>[vector<16xi32>, vector<16xi32>], vector<16xf32>,
        %add3A_1456 = arith.constant 0 : i32
        %add3A_1457 = vector.broadcast %add3A_1456 : i32 to vector<16xi32>
        %add3A_1458 = arith.addi %add3A_6, %add3A_1457 : vector<16xi32>
        tpu.vector_store_idx %arg20[%broadcast_in_dim3A_869, %add3A_1458], %sort3A_1417 : memref<32x128xf32, #tpu.memory_space<vmem>>[vector<16xi32>, vector<16xi32>], vector<16xf32>,
        %add3A_1459 = arith.constant 0 : i32
        %add3A_1460 = vector.broadcast %add3A_1459 : i32 to vector<16xi32>
        %add3A_1461 = arith.addi %add3A_9, %add3A_1460 : vector<16xi32>
        tpu.vector_store_idx %arg20[%broadcast_in_dim3A_869, %add3A_1461], %sort3A_1423 : memref<32x128xf32, #tpu.memory_space<vmem>>[vector<16xi32>, vector<16xi32>], vector<16xf32>,
        %add3A_1462 = arith.constant 0 : i32
        %add3A_1463 = vector.broadcast %add3A_1462 : i32 to vector<16xi32>
        %add3A_1464 = arith.addi %add3A_12, %add3A_1463 : vector<16xi32>
        tpu.vector_store_idx %arg20[%broadcast_in_dim3A_869, %add3A_1464], %sort3A_1427 : memref<32x128xf32, #tpu.memory_space<vmem>>[vector<16xi32>, vector<16xi32>], vector<16xf32>,
        %add3A_1465 = arith.constant 64 : i32
        %add3A_1466 = vector.broadcast %add3A_1465 : i32 to vector<16xi32>
        %add3A_1467 = arith.addi %add3A_3, %add3A_1466 : vector<16xi32>
        tpu.vector_store_idx %arg20[%broadcast_in_dim3A_869, %add3A_1467], %sort3A_1437 : memref<32x128xf32, #tpu.memory_space<vmem>>[vector<16xi32>, vector<16xi32>], vector<16xf32>,
        %add3A_1468 = arith.constant 64 : i32
        %add3A_1469 = vector.broadcast %add3A_1468 : i32 to vector<16xi32>
        %add3A_1470 = arith.addi %add3A_6, %add3A_1469 : vector<16xi32>
        tpu.vector_store_idx %arg20[%broadcast_in_dim3A_869, %add3A_1470], %sort3A_1441 : memref<32x128xf32, #tpu.memory_space<vmem>>[vector<16xi32>, vector<16xi32>], vector<16xf32>,
        %add3A_1471 = arith.constant 64 : i32
        %add3A_1472 = vector.broadcast %add3A_1471 : i32 to vector<16xi32>
        %add3A_1473 = arith.addi %add3A_9, %add3A_1472 : vector<16xi32>
        tpu.vector_store_idx %arg20[%broadcast_in_dim3A_869, %add3A_1473], %sort3A_1447 : memref<32x128xf32, #tpu.memory_space<vmem>>[vector<16xi32>, vector<16xi32>], vector<16xf32>,
        %add3A_1474 = arith.constant 64 : i32
        %add3A_1475 = vector.broadcast %add3A_1474 : i32 to vector<16xi32>
        %add3A_1476 = arith.addi %add3A_12, %add3A_1475 : vector<16xi32>
        tpu.vector_store_idx %arg20[%broadcast_in_dim3A_869, %add3A_1476], %sort3A_1451 : memref<32x128xf32, #tpu.memory_space<vmem>>[vector<16xi32>, vector<16xi32>], vector<16xf32>,
      }
      %scan3A_189 = arith.constant 16 : i32
      %mul3A_190 = arith.constant 2048 : i32
      %mul3A_191 = arith.muli %add3A, %mul3A_190 : i32
      %mul3A_192 = arith.constant 32 : i32
      %mul3A_193 = arith.muli %add3A_149, %mul3A_192 : i32
      %add3A_194 = arith.addi %mul3A_191, %mul3A_193 : i32
      %dma_start3A_195 = arith.constant 0 : i32
      %dma_start3A_196 = tpu.memref_slice %arg7[%add3A_194, %dma_start3A_195] : memref<65536x384xf32, #tpu.memory_space<hbm>> -> memref<32x384xf32, #tpu.memory_space<hbm>>
      %dma_start3A_197 = arith.constant 0 : i32
      %dma_start3A_198 = tpu.memref_slice %arg7[%add3A_194, %dma_start3A_197] : memref<65536x384xf32, #tpu.memory_space<hbm>> -> memref<32x384xf32, #tpu.memory_space<hbm>>
      tpu.enqueue_dma source(%arg19 : memref<32x384xf32, #tpu.memory_space<vmem>>) target(%dma_start3A_198 : memref<32x384xf32, #tpu.memory_space<hbm>>) target_semaphore(%arg25 : memref<!tpu.dma_semaphore, #tpu.memory_space<semaphore_mem>>)
      %dma_start3A_199 = arith.constant 0 : i32
      %dma_start3A_200 = tpu.memref_slice %arg8[%add3A_194, %dma_start3A_199] : memref<65536x128xf32, #tpu.memory_space<hbm>> -> memref<32x128xf32, #tpu.memory_space<hbm>>
      %dma_start3A_201 = arith.constant 0 : i32
      %dma_start3A_202 = tpu.memref_slice %arg8[%add3A_194, %dma_start3A_201] : memref<65536x128xf32, #tpu.memory_space<hbm>> -> memref<32x128xf32, #tpu.memory_space<hbm>>
      tpu.enqueue_dma source(%arg20 : memref<32x128xf32, #tpu.memory_space<vmem>>) target(%dma_start3A_202 : memref<32x128xf32, #tpu.memory_space<hbm>>) target_semaphore(%arg25 : memref<!tpu.dma_semaphore, #tpu.memory_space<semaphore_mem>>)
      %mul3A_203 = arith.constant 2 : i32
      %mul3A_204 = arith.muli %mul3A_203, %scan3A_145 : i32
      %add3A_205 = arith.constant 1 : i32
      %add3A_206 = arith.addi %mul3A_204, %add3A_205 : i32
      %mul3A_207 = arith.constant 2048 : i32
      %mul3A_208 = arith.muli %add3A, %mul3A_207 : i32
      %mul3A_209 = arith.constant 32 : i32
      %mul3A_210 = arith.muli %add3A_206, %mul3A_209 : i32
      %add3A_211 = arith.addi %mul3A_208, %mul3A_210 : i32
      %dma_wait3A_212 = arith.constant 0 : i32
      %dma_wait3A_213 = tpu.memref_slice %arg2[%add3A_211, %dma_wait3A_212] : memref<65536x3xf32, #tpu.memory_space<hbm>> -> memref<32x3xf32, #tpu.memory_space<hbm>>
      %dma_wait3A_214 = arith.constant 0 : i32
      %dma_wait3A_215 = tpu.memref_slice %arg2[%add3A_211, %dma_wait3A_214] : memref<65536x3xf32, #tpu.memory_space<hbm>> -> memref<32x3xf32, #tpu.memory_space<hbm>>
      tpu.wait_dma2 semaphore(%arg24 : memref<!tpu.dma_semaphore, #tpu.memory_space<semaphore_mem>>) src(%dma_wait3A_215 : memref<32x3xf32, #tpu.memory_space<hbm>>) dst(%arg14 : memref<32x3xf32, #tpu.memory_space<vmem>>)
      %dma_wait3A_216 = arith.constant 0 : i32
      %dma_wait3A_217 = tpu.memref_slice %arg3[%add3A_211, %dma_wait3A_216] : memref<65536x3xf32, #tpu.memory_space<hbm>> -> memref<32x3xf32, #tpu.memory_space<hbm>>
      %dma_wait3A_218 = arith.constant 0 : i32
      %dma_wait3A_219 = tpu.memref_slice %arg3[%add3A_211, %dma_wait3A_218] : memref<65536x3xf32, #tpu.memory_space<hbm>> -> memref<32x3xf32, #tpu.memory_space<hbm>>
      tpu.wait_dma2 semaphore(%arg24 : memref<!tpu.dma_semaphore, #tpu.memory_space<semaphore_mem>>) src(%dma_wait3A_219 : memref<32x3xf32, #tpu.memory_space<hbm>>) dst(%arg15 : memref<32x3xf32, #tpu.memory_space<vmem>>)
      %dma_wait3A_220 = arith.constant 0 : i32
      %dma_wait3A_221 = tpu.memref_slice %arg4[%add3A_211, %dma_wait3A_220] : memref<65536x64xf32, #tpu.memory_space<hbm>> -> memref<32x64xf32, #tpu.memory_space<hbm>>
      %dma_wait3A_222 = arith.constant 0 : i32
      %dma_wait3A_223 = tpu.memref_slice %arg4[%add3A_211, %dma_wait3A_222] : memref<65536x64xf32, #tpu.memory_space<hbm>> -> memref<32x64xf32, #tpu.memory_space<hbm>>
      tpu.wait_dma2 semaphore(%arg24 : memref<!tpu.dma_semaphore, #tpu.memory_space<semaphore_mem>>) src(%dma_wait3A_223 : memref<32x64xf32, #tpu.memory_space<hbm>>) dst(%arg16 : memref<32x64xf32, #tpu.memory_space<vmem>>)
      %dma_wait3A_224 = arith.constant 0 : i32
      %dma_wait3A_225 = tpu.memref_slice %arg5[%add3A_211, %dma_wait3A_224] : memref<65536x64xf32, #tpu.memory_space<hbm>> -> memref<32x64xf32, #tpu.memory_space<hbm>>
      %dma_wait3A_226 = arith.constant 0 : i32
      %dma_wait3A_227 = tpu.memref_slice %arg5[%add3A_211, %dma_wait3A_226] : memref<65536x64xf32, #tpu.memory_space<hbm>> -> memref<32x64xf32, #tpu.memory_space<hbm>>
      tpu.wait_dma2 semaphore(%arg24 : memref<!tpu.dma_semaphore, #tpu.memory_space<semaphore_mem>>) src(%dma_wait3A_227 : memref<32x64xf32, #tpu.memory_space<hbm>>) dst(%arg17 : memref<32x64xf32, #tpu.memory_space<vmem>>)
      %dma_wait3A_228 = arith.constant 0 : i32
      %dma_wait3A_229 = tpu.memref_slice %arg6[%add3A_211, %dma_wait3A_228] : memref<65536x64xf32, #tpu.memory_space<hbm>> -> memref<32x64xf32, #tpu.memory_space<hbm>>
      %dma_wait3A_230 = arith.constant 0 : i32
      %dma_wait3A_231 = tpu.memref_slice %arg6[%add3A_211, %dma_wait3A_230] : memref<65536x64xf32, #tpu.memory_space<hbm>> -> memref<32x64xf32, #tpu.memory_space<hbm>>
      tpu.wait_dma2 semaphore(%arg24 : memref<!tpu.dma_semaphore, #tpu.memory_space<semaphore_mem>>) src(%dma_wait3A_231 : memref<32x64xf32, #tpu.memory_space<hbm>>) dst(%arg18 : memref<32x64xf32, #tpu.memory_space<vmem>>)
      %add3A_232 = arith.constant 1 : i32
      %add3A_233 = arith.addi %add3A_206, %add3A_232 : i32
      %lt3A_234 = arith.constant 64 : i32
      %lt3A_235 = arith.cmpi slt, %add3A_233, %lt3A_234 : i32
      %convert_element_type3A_236 = arith.extui %lt3A_235 : i1 to i32
      %cond3A_237 = arith.constant 0 : i32
      %cond3A_238 = arith.cmpi ne, %convert_element_type3A_236, %cond3A_237 : i32
      scf.if %cond3A_238 {
        %add3A_263 = arith.constant 1 : i32
        %add3A_264 = arith.addi %add3A_206, %add3A_263 : i32
        %mul3A_265 = arith.constant 2048 : i32
        %mul3A_266 = arith.muli %add3A, %mul3A_265 : i32
        %mul3A_267 = arith.constant 32 : i32
        %mul3A_268 = arith.muli %add3A_264, %mul3A_267 : i32
        %add3A_269 = arith.addi %mul3A_266, %mul3A_268 : i32
        %dma_start3A_270 = arith.constant 0 : i32
        %dma_start3A_271 = tpu.memref_slice %arg2[%add3A_269, %dma_start3A_270] : memref<65536x3xf32, #tpu.memory_space<hbm>> -> memref<32x3xf32, #tpu.memory_space<hbm>>
        %dma_start3A_272 = arith.constant 0 : i32
        %dma_start3A_273 = tpu.memref_slice %arg2[%add3A_269, %dma_start3A_272] : memref<65536x3xf32, #tpu.memory_space<hbm>> -> memref<32x3xf32, #tpu.memory_space<hbm>>
        tpu.enqueue_dma source(%dma_start3A_273 : memref<32x3xf32, #tpu.memory_space<hbm>>) target(%arg9 : memref<32x3xf32, #tpu.memory_space<vmem>>) target_semaphore(%arg23 : memref<!tpu.dma_semaphore, #tpu.memory_space<semaphore_mem>>)
        %dma_start3A_274 = arith.constant 0 : i32
        %dma_start3A_275 = tpu.memref_slice %arg3[%add3A_269, %dma_start3A_274] : memref<65536x3xf32, #tpu.memory_space<hbm>> -> memref<32x3xf32, #tpu.memory_space<hbm>>
        %dma_start3A_276 = arith.constant 0 : i32
        %dma_start3A_277 = tpu.memref_slice %arg3[%add3A_269, %dma_start3A_276] : memref<65536x3xf32, #tpu.memory_space<hbm>> -> memref<32x3xf32, #tpu.memory_space<hbm>>
        tpu.enqueue_dma source(%dma_start3A_277 : memref<32x3xf32, #tpu.memory_space<hbm>>) target(%arg10 : memref<32x3xf32, #tpu.memory_space<vmem>>) target_semaphore(%arg23 : memref<!tpu.dma_semaphore, #tpu.memory_space<semaphore_mem>>)
        %dma_start3A_278 = arith.constant 0 : i32
        %dma_start3A_279 = tpu.memref_slice %arg4[%add3A_269, %dma_start3A_278] : memref<65536x64xf32, #tpu.memory_space<hbm>> -> memref<32x64xf32, #tpu.memory_space<hbm>>
        %dma_start3A_280 = arith.constant 0 : i32
        %dma_start3A_281 = tpu.memref_slice %arg4[%add3A_269, %dma_start3A_280] : memref<65536x64xf32, #tpu.memory_space<hbm>> -> memref<32x64xf32, #tpu.memory_space<hbm>>
        tpu.enqueue_dma source(%dma_start3A_281 : memref<32x64xf32, #tpu.memory_space<hbm>>) target(%arg11 : memref<32x64xf32, #tpu.memory_space<vmem>>) target_semaphore(%arg23 : memref<!tpu.dma_semaphore, #tpu.memory_space<semaphore_mem>>)
        %dma_start3A_282 = arith.constant 0 : i32
        %dma_start3A_283 = tpu.memref_slice %arg5[%add3A_269, %dma_start3A_282] : memref<65536x64xf32, #tpu.memory_space<hbm>> -> memref<32x64xf32, #tpu.memory_space<hbm>>
        %dma_start3A_284 = arith.constant 0 : i32
        %dma_start3A_285 = tpu.memref_slice %arg5[%add3A_269, %dma_start3A_284] : memref<65536x64xf32, #tpu.memory_space<hbm>> -> memref<32x64xf32, #tpu.memory_space<hbm>>
        tpu.enqueue_dma source(%dma_start3A_285 : memref<32x64xf32, #tpu.memory_space<hbm>>) target(%arg12 : memref<32x64xf32, #tpu.memory_space<vmem>>) target_semaphore(%arg23 : memref<!tpu.dma_semaphore, #tpu.memory_space<semaphore_mem>>)
        %dma_start3A_286 = arith.constant 0 : i32
        %dma_start3A_287 = tpu.memref_slice %arg6[%add3A_269, %dma_start3A_286] : memref<65536x64xf32, #tpu.memory_space<hbm>> -> memref<32x64xf32, #tpu.memory_space<hbm>>
        %dma_start3A_288 = arith.constant 0 : i32
        %dma_start3A_289 = tpu.memref_slice %arg6[%add3A_269, %dma_start3A_288] : memref<65536x64xf32, #tpu.memory_space<hbm>> -> memref<32x64xf32, #tpu.memory_space<hbm>>
        tpu.enqueue_dma source(%dma_start3A_289 : memref<32x64xf32, #tpu.memory_space<hbm>>) target(%arg13 : memref<32x64xf32, #tpu.memory_space<vmem>>) target_semaphore(%arg23 : memref<!tpu.dma_semaphore, #tpu.memory_space<semaphore_mem>>)
      } else {
      }
      %ge3A_239 = arith.constant 2 : i32
      %ge3A_240 = arith.cmpi sge, %add3A_206, %ge3A_239 : i32
      %convert_element_type3A_241 = arith.extui %ge3A_240 : i1 to i32
      %cond3A_242 = arith.constant 0 : i32
      %cond3A_243 = arith.cmpi ne, %convert_element_type3A_241, %cond3A_242 : i32
      scf.if %cond3A_243 {
        %sub3A = arith.constant 2 : i32
        %sub3A_263 = arith.subi %add3A_206, %sub3A : i32
        %mul3A_264 = arith.constant 2048 : i32
        %mul3A_265 = arith.muli %add3A, %mul3A_264 : i32
        %mul3A_266 = arith.constant 32 : i32
        %mul3A_267 = arith.muli %sub3A_263, %mul3A_266 : i32
        %add3A_268 = arith.addi %mul3A_265, %mul3A_267 : i32
        %dma_wait3A_269 = arith.constant 0 : i32
        %dma_wait3A_270 = tpu.memref_slice %arg7[%add3A_268, %dma_wait3A_269] : memref<65536x384xf32, #tpu.memory_space<hbm>> -> memref<32x384xf32, #tpu.memory_space<hbm>>
        %dma_wait3A_271 = arith.constant 0 : i32
        %dma_wait3A_272 = tpu.memref_slice %arg7[%add3A_268, %dma_wait3A_271] : memref<65536x384xf32, #tpu.memory_space<hbm>> -> memref<32x384xf32, #tpu.memory_space<hbm>>
        tpu.wait_dma2 semaphore(%arg26 : memref<!tpu.dma_semaphore, #tpu.memory_space<semaphore_mem>>) src(%arg21 : memref<32x384xf32, #tpu.memory_space<vmem>>) dst(%dma_wait3A_272 : memref<32x384xf32, #tpu.memory_space<hbm>>)
        %dma_wait3A_273 = arith.constant 0 : i32
        %dma_wait3A_274 = tpu.memref_slice %arg8[%add3A_268, %dma_wait3A_273] : memref<65536x128xf32, #tpu.memory_space<hbm>> -> memref<32x128xf32, #tpu.memory_space<hbm>>
        %dma_wait3A_275 = arith.constant 0 : i32
        %dma_wait3A_276 = tpu.memref_slice %arg8[%add3A_268, %dma_wait3A_275] : memref<65536x128xf32, #tpu.memory_space<hbm>> -> memref<32x128xf32, #tpu.memory_space<hbm>>
        tpu.wait_dma2 semaphore(%arg26 : memref<!tpu.dma_semaphore, #tpu.memory_space<semaphore_mem>>) src(%arg22 : memref<32x128xf32, #tpu.memory_space<vmem>>) dst(%dma_wait3A_276 : memref<32x128xf32, #tpu.memory_space<hbm>>)
      } else {
      }
      %scan3A_244 = arith.constant 0 : i32
      %scan3A_245 = arith.constant 0 : i32
      %scan3A_246 = arith.constant 16 : i32
      %scan3A_247 = arith.addi %scan3A_245, %scan3A_246 : i32
      %scan3A_248 = arith.constant 1 : i32
      scf.for %scan3A_263 = %scan3A_245 to %scan3A_247 step %scan3A_248  : i32 {
        %mul3A_264 = arith.constant 2 : i32
        %mul3A_265 = arith.muli %scan3A_263, %mul3A_264 : i32
        %add3A_266 = arith.constant 0 : i32
        %add3A_267 = arith.addi %mul3A_265, %add3A_266 : i32
        %broadcast_in_dim3A_268 = vector.broadcast %add3A_267 : i32 to vector<16xi32>
        %gather3A = tpu.vector_load_idx %arg16[%broadcast_in_dim3A_268, %add3A_3] : memref<32x64xf32, #tpu.memory_space<vmem>>[vector<16xi32>, vector<16xi32>], vector<16xf32>,
        %gather3A_269 = tpu.vector_load_idx %arg16[%broadcast_in_dim3A_268, %add3A_6] : memref<32x64xf32, #tpu.memory_space<vmem>>[vector<16xi32>, vector<16xi32>], vector<16xf32>,
        %gather3A_270 = tpu.vector_load_idx %arg16[%broadcast_in_dim3A_268, %add3A_9] : memref<32x64xf32, #tpu.memory_space<vmem>>[vector<16xi32>, vector<16xi32>], vector<16xf32>,
        %gather3A_271 = tpu.vector_load_idx %arg16[%broadcast_in_dim3A_268, %add3A_12] : memref<32x64xf32, #tpu.memory_space<vmem>>[vector<16xi32>, vector<16xi32>], vector<16xf32>,
        %gather3A_272 = tpu.vector_load_idx %arg16[%broadcast_in_dim3A_268, %min3A_17] : memref<32x64xf32, #tpu.memory_space<vmem>>[vector<16xi32>, vector<16xi32>], vector<16xf32>,
        %add3A_273 = arith.addf %gather3A, %gather3A_272 : vector<16xf32>
        %mul3A_274 = arith.constant 5.000000e-01 : f32
        %mul3A_275 = vector.broadcast %mul3A_274 : f32 to vector<16xf32>
        %mul3A_276 = arith.mulf %mul3A_275, %add3A_273 : vector<16xf32>
        %swap3A_277 = arith.constant 0 : index
        %swap3A_278 = tpu.vector_load %arg29[%swap3A_277] {strides = array<i32>} : memref<80xf32, #tpu.memory_space<vmem>>, vector<16xf32>,
        tpu.vector_store %arg29[%swap3A_277], %mul3A_276 {strides = array<i32>} : memref<80xf32, #tpu.memory_space<vmem>>, vector<16xf32>,
        %gather3A_279 = tpu.vector_load_idx %arg16[%broadcast_in_dim3A_268, %min3A_23] : memref<32x64xf32, #tpu.memory_space<vmem>>[vector<16xi32>, vector<16xi32>], vector<16xf32>,
        %add3A_280 = arith.addf %gather3A_269, %gather3A_279 : vector<16xf32>
        %mul3A_281 = arith.constant 5.000000e-01 : f32
        %mul3A_282 = vector.broadcast %mul3A_281 : f32 to vector<16xf32>
        %mul3A_283 = arith.mulf %mul3A_282, %add3A_280 : vector<16xf32>
        %swap3A_284 = arith.constant 16 : index
        %swap3A_285 = tpu.vector_load %arg29[%swap3A_284] {strides = array<i32>} : memref<80xf32, #tpu.memory_space<vmem>>, vector<16xf32>,
        tpu.vector_store %arg29[%swap3A_284], %mul3A_283 {strides = array<i32>} : memref<80xf32, #tpu.memory_space<vmem>>, vector<16xf32>,
        %gather3A_286 = tpu.vector_load_idx %arg16[%broadcast_in_dim3A_268, %min3A_29] : memref<32x64xf32, #tpu.memory_space<vmem>>[vector<16xi32>, vector<16xi32>], vector<16xf32>,
        %add3A_287 = arith.addf %gather3A_270, %gather3A_286 : vector<16xf32>
        %mul3A_288 = arith.constant 5.000000e-01 : f32
        %mul3A_289 = vector.broadcast %mul3A_288 : f32 to vector<16xf32>
        %mul3A_290 = arith.mulf %mul3A_289, %add3A_287 : vector<16xf32>
        %swap3A_291 = arith.constant 32 : index
        %swap3A_292 = tpu.vector_load %arg29[%swap3A_291] {strides = array<i32>} : memref<80xf32, #tpu.memory_space<vmem>>, vector<16xf32>,
        tpu.vector_store %arg29[%swap3A_291], %mul3A_290 {strides = array<i32>} : memref<80xf32, #tpu.memory_space<vmem>>, vector<16xf32>,
        %gather3A_293 = tpu.vector_load_idx %arg16[%broadcast_in_dim3A_268, %min3A_35] : memref<32x64xf32, #tpu.memory_space<vmem>>[vector<16xi32>, vector<16xi32>], vector<16xf32>,
        %add3A_294 = arith.addf %gather3A_271, %gather3A_293 : vector<16xf32>
        %mul3A_295 = arith.constant 5.000000e-01 : f32
        %mul3A_296 = vector.broadcast %mul3A_295 : f32 to vector<16xf32>
        %mul3A_297 = arith.mulf %mul3A_296, %add3A_294 : vector<16xf32>
        %swap3A_298 = arith.constant 48 : index
        %swap3A_299 = tpu.vector_load %arg29[%swap3A_298] {strides = array<i32>} : memref<80xf32, #tpu.memory_space<vmem>>, vector<16xf32>,
        tpu.vector_store %arg29[%swap3A_298], %mul3A_297 {strides = array<i32>} : memref<80xf32, #tpu.memory_space<vmem>>, vector<16xf32>,
        %gather3A_300 = tpu.vector_load_idx %arg17[%broadcast_in_dim3A_268, %min3A_17] : memref<32x64xf32, #tpu.memory_space<vmem>>[vector<16xi32>, vector<16xi32>], vector<16xf32>,
        %add3A_301 = arith.constant 9.99999997E-7 : f32
        %add3A_302 = vector.broadcast %add3A_301 : f32 to vector<16xf32>
        %add3A_303 = arith.addf %gather3A_300, %add3A_302 : vector<16xf32>
        %jit3A = arith.constant 0.000000e+00 : f32
        %broadcast_in_dim3A_304 = vector.broadcast %jit3A : f32 to vector<16xf32>
        %select_n3A = arith.select %lt3A_40, %add3A_303, %broadcast_in_dim3A_304 : vector<16xi1>, vector<16xf32>
        %gather3A_305 = tpu.vector_load_idx %arg17[%broadcast_in_dim3A_268, %min3A_23] : memref<32x64xf32, #tpu.memory_space<vmem>>[vector<16xi32>, vector<16xi32>], vector<16xf32>,
        %add3A_306 = arith.constant 9.99999997E-7 : f32
        %add3A_307 = vector.broadcast %add3A_306 : f32 to vector<16xf32>
        %add3A_308 = arith.addf %gather3A_305, %add3A_307 : vector<16xf32>
        %jit3A_309 = arith.constant 0.000000e+00 : f32
        %broadcast_in_dim3A_310 = vector.broadcast %jit3A_309 : f32 to vector<16xf32>
        %select_n3A_311 = arith.select %lt3A_46, %add3A_308, %broadcast_in_dim3A_310 : vector<16xi1>, vector<16xf32>
        %gather3A_312 = tpu.vector_load_idx %arg17[%broadcast_in_dim3A_268, %min3A_29] : memref<32x64xf32, #tpu.memory_space<vmem>>[vector<16xi32>, vector<16xi32>], vector<16xf32>,
        %add3A_313 = arith.constant 9.99999997E-7 : f32
        %add3A_314 = vector.broadcast %add3A_313 : f32 to vector<16xf32>
        %add3A_315 = arith.addf %gather3A_312, %add3A_314 : vector<16xf32>
        %jit3A_316 = arith.constant 0.000000e+00 : f32
        %broadcast_in_dim3A_317 = vector.broadcast %jit3A_316 : f32 to vector<16xf32>
        %select_n3A_318 = arith.select %lt3A_52, %add3A_315, %broadcast_in_dim3A_317 : vector<16xi1>, vector<16xf32>
        %gather3A_319 = tpu.vector_load_idx %arg17[%broadcast_in_dim3A_268, %min3A_35] : memref<32x64xf32, #tpu.memory_space<vmem>>[vector<16xi32>, vector<16xi32>], vector<16xf32>,
        %add3A_320 = arith.constant 9.99999997E-7 : f32
        %add3A_321 = vector.broadcast %add3A_320 : f32 to vector<16xf32>
        %add3A_322 = arith.addf %gather3A_319, %add3A_321 : vector<16xf32>
        %jit3A_323 = arith.constant 0.000000e+00 : f32
        %broadcast_in_dim3A_324 = vector.broadcast %jit3A_323 : f32 to vector<16xf32>
        %select_n3A_325 = arith.select %lt3A_58, %add3A_322, %broadcast_in_dim3A_324 : vector<16xi1>, vector<16xf32>
        %broadcast_in_dim3A_326 = arith.constant true
        %broadcast_in_dim3A_327 = vector.broadcast %broadcast_in_dim3A_326 : i1 to vector<16xi1>
        %masked_cumsum3A = tpu.scan <sum>, %select_n3A masked %broadcast_in_dim3A_327 : vector<16xf32>, vector<16xi1> -> vector<16xf32>
        %add3A_328 = arith.addf %masked_cumsum3A, %broadcast_in_dim3A_85 : vector<16xf32>
        %lt3A_329 = arith.constant 0 : i32
        %lt3A_330 = vector.broadcast %lt3A_329 : i32 to vector<16xi32>
        %lt3A_331 = arith.cmpi slt, %broadcast_in_dim3A_83, %lt3A_330 : vector<16xi32>
        %add3A_332 = arith.constant 16 : i32
        %add3A_333 = vector.broadcast %add3A_332 : i32 to vector<16xi32>
        %add3A_334 = arith.addi %broadcast_in_dim3A_83, %add3A_333 : vector<16xi32>
        %select_n3A_335 = arith.select %lt3A_331, %add3A_334, %broadcast_in_dim3A_83 : vector<16xi1>, vector<16xi32>
        %broadcast_in_dim3A_336 = vector.shape_cast %select_n3A_335 : vector<16xi32> to vector<16x1xi32>
        %gather3A_337 = vector.shape_cast %broadcast_in_dim3A_336 : vector<16x1xi32> to vector<16xi32>
        %gather3A_338 = tpu.dynamic_gather %add3A_328[%gather3A_337] in [0] : vector<16xf32>, vector<16xi32> -> vector<16xf32>
        %broadcast_in_dim3A_339 = arith.constant true
        %broadcast_in_dim3A_340 = vector.broadcast %broadcast_in_dim3A_339 : i1 to vector<16xi1>
        %masked_cumsum3A_341 = tpu.scan <sum>, %select_n3A_311 masked %broadcast_in_dim3A_340 : vector<16xf32>, vector<16xi1> -> vector<16xf32>
        %add3A_342 = arith.addf %masked_cumsum3A_341, %gather3A_338 : vector<16xf32>
        %lt3A_343 = arith.constant 0 : i32
        %lt3A_344 = vector.broadcast %lt3A_343 : i32 to vector<16xi32>
        %lt3A_345 = arith.cmpi slt, %broadcast_in_dim3A_83, %lt3A_344 : vector<16xi32>
        %add3A_346 = arith.constant 16 : i32
        %add3A_347 = vector.broadcast %add3A_346 : i32 to vector<16xi32>
        %add3A_348 = arith.addi %broadcast_in_dim3A_83, %add3A_347 : vector<16xi32>
        %select_n3A_349 = arith.select %lt3A_345, %add3A_348, %broadcast_in_dim3A_83 : vector<16xi1>, vector<16xi32>
        %broadcast_in_dim3A_350 = vector.shape_cast %select_n3A_349 : vector<16xi32> to vector<16x1xi32>
        %gather3A_351 = vector.shape_cast %broadcast_in_dim3A_350 : vector<16x1xi32> to vector<16xi32>
        %gather3A_352 = tpu.dynamic_gather %add3A_342[%gather3A_351] in [0] : vector<16xf32>, vector<16xi32> -> vector<16xf32>
        %broadcast_in_dim3A_353 = arith.constant true
        %broadcast_in_dim3A_354 = vector.broadcast %broadcast_in_dim3A_353 : i1 to vector<16xi1>
        %masked_cumsum3A_355 = tpu.scan <sum>, %select_n3A_318 masked %broadcast_in_dim3A_354 : vector<16xf32>, vector<16xi1> -> vector<16xf32>
        %add3A_356 = arith.addf %masked_cumsum3A_355, %gather3A_352 : vector<16xf32>
        %lt3A_357 = arith.constant 0 : i32
        %lt3A_358 = vector.broadcast %lt3A_357 : i32 to vector<16xi32>
        %lt3A_359 = arith.cmpi slt, %broadcast_in_dim3A_83, %lt3A_358 : vector<16xi32>
        %add3A_360 = arith.constant 16 : i32
        %add3A_361 = vector.broadcast %add3A_360 : i32 to vector<16xi32>
        %add3A_362 = arith.addi %broadcast_in_dim3A_83, %add3A_361 : vector<16xi32>
        %select_n3A_363 = arith.select %lt3A_359, %add3A_362, %broadcast_in_dim3A_83 : vector<16xi1>, vector<16xi32>
        %broadcast_in_dim3A_364 = vector.shape_cast %select_n3A_363 : vector<16xi32> to vector<16x1xi32>
        %gather3A_365 = vector.shape_cast %broadcast_in_dim3A_364 : vector<16x1xi32> to vector<16xi32>
        %gather3A_366 = tpu.dynamic_gather %add3A_356[%gather3A_365] in [0] : vector<16xf32>, vector<16xi32> -> vector<16xf32>
        %broadcast_in_dim3A_367 = arith.constant true
        %broadcast_in_dim3A_368 = vector.broadcast %broadcast_in_dim3A_367 : i1 to vector<16xi1>
        %masked_cumsum3A_369 = tpu.scan <sum>, %select_n3A_325 masked %broadcast_in_dim3A_368 : vector<16xf32>, vector<16xi1> -> vector<16xf32>
        %add3A_370 = arith.addf %masked_cumsum3A_369, %gather3A_366 : vector<16xf32>
        %lt3A_371 = arith.constant 0 : i32
        %lt3A_372 = vector.broadcast %lt3A_371 : i32 to vector<16xi32>
        %lt3A_373 = arith.cmpi slt, %broadcast_in_dim3A_83, %lt3A_372 : vector<16xi32>
        %add3A_374 = arith.constant 16 : i32
        %add3A_375 = vector.broadcast %add3A_374 : i32 to vector<16xi32>
        %add3A_376 = arith.addi %broadcast_in_dim3A_83, %add3A_375 : vector<16xi32>
        %select_n3A_377 = arith.select %lt3A_373, %add3A_376, %broadcast_in_dim3A_83 : vector<16xi1>, vector<16xi32>
        %broadcast_in_dim3A_378 = vector.shape_cast %select_n3A_377 : vector<16xi32> to vector<16x1xi32>
        %gather3A_379 = vector.shape_cast %broadcast_in_dim3A_378 : vector<16x1xi32> to vector<16xi32>
        %gather3A_380 = tpu.dynamic_gather %add3A_370[%gather3A_379] in [0] : vector<16xf32>, vector<16xi32> -> vector<16xf32>
        %div3A = arith.constant 1.000000e+00 : f32
        %div3A_381 = vector.broadcast %div3A : f32 to vector<16xf32>
        %div3A_382 = arith.divf %div3A_381, %gather3A_380 : vector<16xf32>
        %mul3A_383 = arith.mulf %add3A_328, %div3A_382 : vector<16xf32>
        tpu.vector_store_idx %arg27[%min3A_64], %mul3A_383 : memref<80xf32, #tpu.memory_space<vmem>>[vector<16xi32>], vector<16xf32>,
        %mul3A_384 = arith.mulf %add3A_342, %div3A_382 : vector<16xf32>
        tpu.vector_store_idx %arg27[%min3A_70], %mul3A_384 : memref<80xf32, #tpu.memory_space<vmem>>[vector<16xi32>], vector<16xf32>,
        %mul3A_385 = arith.mulf %add3A_356, %div3A_382 : vector<16xf32>
        tpu.vector_store_idx %arg27[%min3A_76], %mul3A_385 : memref<80xf32, #tpu.memory_space<vmem>>[vector<16xi32>], vector<16xf32>,
        %mul3A_386 = arith.mulf %add3A_370, %div3A_382 : vector<16xf32>
        tpu.vector_store_idx %arg27[%min3A_82], %mul3A_386 : memref<80xf32, #tpu.memory_space<vmem>>[vector<16xi32>], vector<16xf32>,
        %gather3A_387 = tpu.vector_load_idx %arg18[%broadcast_in_dim3A_268, %add3A_3] : memref<32x64xf32, #tpu.memory_space<vmem>>[vector<16xi32>, vector<16xi32>], vector<16xf32>,
        %add3A_388 = arith.constant 32 : i32
        %add3A_389 = vector.broadcast %add3A_388 : i32 to vector<16xi32>
        %add3A_390 = arith.addi %broadcast_in_dim3A_87, %add3A_389 : vector<16xi32>
        %gather3A_391 = tpu.vector_load_idx %arg27[%add3A_390] : memref<80xf32, #tpu.memory_space<vmem>>[vector<16xi32>], vector<16xf32>,
        %le3A = arith.cmpf ole, %gather3A_391, %gather3A_387 : vector<16xf32>
        %select_n3A_392 = arith.select %le3A, %add3A_390, %broadcast_in_dim3A_87 : vector<16xi1>, vector<16xi32>
        %add3A_393 = arith.constant 16 : i32
        %add3A_394 = vector.broadcast %add3A_393 : i32 to vector<16xi32>
        %add3A_395 = arith.addi %select_n3A_392, %add3A_394 : vector<16xi32>
        %gather3A_396 = tpu.vector_load_idx %arg27[%add3A_395] : memref<80xf32, #tpu.memory_space<vmem>>[vector<16xi32>], vector<16xf32>,
        %le3A_397 = arith.cmpf ole, %gather3A_396, %gather3A_387 : vector<16xf32>
        %select_n3A_398 = arith.select %le3A_397, %add3A_395, %select_n3A_392 : vector<16xi1>, vector<16xi32>
        %add3A_399 = arith.constant 8 : i32
        %add3A_400 = vector.broadcast %add3A_399 : i32 to vector<16xi32>
        %add3A_401 = arith.addi %select_n3A_398, %add3A_400 : vector<16xi32>
        %gather3A_402 = tpu.vector_load_idx %arg27[%add3A_401] : memref<80xf32, #tpu.memory_space<vmem>>[vector<16xi32>], vector<16xf32>,
        %le3A_403 = arith.cmpf ole, %gather3A_402, %gather3A_387 : vector<16xf32>
        %select_n3A_404 = arith.select %le3A_403, %add3A_401, %select_n3A_398 : vector<16xi1>, vector<16xi32>
        %add3A_405 = arith.constant 4 : i32
        %add3A_406 = vector.broadcast %add3A_405 : i32 to vector<16xi32>
        %add3A_407 = arith.addi %select_n3A_404, %add3A_406 : vector<16xi32>
        %gather3A_408 = tpu.vector_load_idx %arg27[%add3A_407] : memref<80xf32, #tpu.memory_space<vmem>>[vector<16xi32>], vector<16xf32>,
        %le3A_409 = arith.cmpf ole, %gather3A_408, %gather3A_387 : vector<16xf32>
        %select_n3A_410 = arith.select %le3A_409, %add3A_407, %select_n3A_404 : vector<16xi1>, vector<16xi32>
        %add3A_411 = arith.constant 2 : i32
        %add3A_412 = vector.broadcast %add3A_411 : i32 to vector<16xi32>
        %add3A_413 = arith.addi %select_n3A_410, %add3A_412 : vector<16xi32>
        %min3A_414 = arith.constant 61 : i32
        %min3A_415 = vector.broadcast %min3A_414 : i32 to vector<16xi32>
        %min3A_416 = arith.minsi %add3A_413, %min3A_415 : vector<16xi32>
        %gather3A_417 = tpu.vector_load_idx %arg27[%min3A_416] : memref<80xf32, #tpu.memory_space<vmem>>[vector<16xi32>], vector<16xf32>,
        %le3A_418 = arith.cmpf ole, %gather3A_417, %gather3A_387 : vector<16xf32>
        %le3A_419 = arith.constant 61 : i32
        %le3A_420 = vector.broadcast %le3A_419 : i32 to vector<16xi32>
        %le3A_421 = arith.cmpi sle, %add3A_413, %le3A_420 : vector<16xi32>
        %and3A = arith.andi %le3A_418, %le3A_421 : vector<16xi1>
        %select_n3A_422 = arith.select %and3A, %add3A_413, %select_n3A_410 : vector<16xi1>, vector<16xi32>
        %add3A_423 = arith.constant 1 : i32
        %add3A_424 = vector.broadcast %add3A_423 : i32 to vector<16xi32>
        %add3A_425 = arith.addi %select_n3A_422, %add3A_424 : vector<16xi32>
        %min3A_426 = arith.constant 61 : i32
        %min3A_427 = vector.broadcast %min3A_426 : i32 to vector<16xi32>
        %min3A_428 = arith.minsi %add3A_425, %min3A_427 : vector<16xi32>
        %gather3A_429 = tpu.vector_load_idx %arg27[%min3A_428] : memref<80xf32, #tpu.memory_space<vmem>>[vector<16xi32>], vector<16xf32>,
        %le3A_430 = arith.cmpf ole, %gather3A_429, %gather3A_387 : vector<16xf32>
        %le3A_431 = arith.constant 61 : i32
        %le3A_432 = vector.broadcast %le3A_431 : i32 to vector<16xi32>
        %le3A_433 = arith.cmpi sle, %add3A_425, %le3A_432 : vector<16xi32>
        %and3A_434 = arith.andi %le3A_430, %le3A_433 : vector<16xi1>
        %select_n3A_435 = arith.select %and3A_434, %add3A_425, %select_n3A_422 : vector<16xi1>, vector<16xi32>
        %gather3A_436 = tpu.vector_load_idx %arg27[%select_n3A_435] : memref<80xf32, #tpu.memory_space<vmem>>[vector<16xi32>], vector<16xf32>,
        %add3A_437 = arith.constant 1 : i32
        %add3A_438 = vector.broadcast %add3A_437 : i32 to vector<16xi32>
        %add3A_439 = arith.addi %select_n3A_435, %add3A_438 : vector<16xi32>
        %gather3A_440 = tpu.vector_load_idx %arg27[%add3A_439] : memref<80xf32, #tpu.memory_space<vmem>>[vector<16xi32>], vector<16xf32>,
        %gather3A_441 = tpu.vector_load_idx %arg29[%select_n3A_435] : memref<80xf32, #tpu.memory_space<vmem>>[vector<16xi32>], vector<16xf32>,
        %add3A_442 = arith.constant 1 : i32
        %add3A_443 = vector.broadcast %add3A_442 : i32 to vector<16xi32>
        %add3A_444 = arith.addi %select_n3A_435, %add3A_443 : vector<16xi32>
        %gather3A_445 = tpu.vector_load_idx %arg29[%add3A_444] : memref<80xf32, #tpu.memory_space<vmem>>[vector<16xi32>], vector<16xf32>,
        %sub3A = arith.subf %gather3A_440, %gather3A_436 : vector<16xf32>
        %lt3A_446 = arith.constant 9.99999997E-7 : f32
        %lt3A_447 = vector.broadcast %lt3A_446 : f32 to vector<16xf32>
        %lt3A_448 = arith.cmpf olt, %sub3A, %lt3A_447 : vector<16xf32>
        %jit3A_449 = arith.constant 1.000000e+00 : f32
        %broadcast_in_dim3A_450 = vector.broadcast %jit3A_449 : f32 to vector<16xf32>
        %select_n3A_451 = arith.select %lt3A_448, %broadcast_in_dim3A_450, %sub3A : vector<16xi1>, vector<16xf32>
        %sub3A_452 = arith.subf %gather3A_387, %gather3A_436 : vector<16xf32>
        %div3A_453 = arith.divf %sub3A_452, %select_n3A_451 : vector<16xf32>
        %sub3A_454 = arith.subf %gather3A_445, %gather3A_441 : vector<16xf32>
        %add3A_455 = arith.constant 9.99999997E-7 : f32
        %add3A_456 = vector.broadcast %add3A_455 : f32 to vector<16xf32>
        %add3A_457 = arith.addf %sub3A_454, %add3A_456 : vector<16xf32>
        %mul3A_458 = arith.mulf %div3A_453, %add3A_457 : vector<16xf32>
        %add3A_459 = arith.addf %gather3A_441, %mul3A_458 : vector<16xf32>
        %gather3A_460 = tpu.vector_load_idx %arg18[%broadcast_in_dim3A_268, %add3A_6] : memref<32x64xf32, #tpu.memory_space<vmem>>[vector<16xi32>, vector<16xi32>], vector<16xf32>,
        %add3A_461 = arith.constant 32 : i32
        %add3A_462 = vector.broadcast %add3A_461 : i32 to vector<16xi32>
        %add3A_463 = arith.addi %broadcast_in_dim3A_87, %add3A_462 : vector<16xi32>
        %gather3A_464 = tpu.vector_load_idx %arg27[%add3A_463] : memref<80xf32, #tpu.memory_space<vmem>>[vector<16xi32>], vector<16xf32>,
        %le3A_465 = arith.cmpf ole, %gather3A_464, %gather3A_460 : vector<16xf32>
        %select_n3A_466 = arith.select %le3A_465, %add3A_463, %broadcast_in_dim3A_87 : vector<16xi1>, vector<16xi32>
        %add3A_467 = arith.constant 16 : i32
        %add3A_468 = vector.broadcast %add3A_467 : i32 to vector<16xi32>
        %add3A_469 = arith.addi %select_n3A_466, %add3A_468 : vector<16xi32>
        %gather3A_470 = tpu.vector_load_idx %arg27[%add3A_469] : memref<80xf32, #tpu.memory_space<vmem>>[vector<16xi32>], vector<16xf32>,
        %le3A_471 = arith.cmpf ole, %gather3A_470, %gather3A_460 : vector<16xf32>
        %select_n3A_472 = arith.select %le3A_471, %add3A_469, %select_n3A_466 : vector<16xi1>, vector<16xi32>
        %add3A_473 = arith.constant 8 : i32
        %add3A_474 = vector.broadcast %add3A_473 : i32 to vector<16xi32>
        %add3A_475 = arith.addi %select_n3A_472, %add3A_474 : vector<16xi32>
        %gather3A_476 = tpu.vector_load_idx %arg27[%add3A_475] : memref<80xf32, #tpu.memory_space<vmem>>[vector<16xi32>], vector<16xf32>,
        %le3A_477 = arith.cmpf ole, %gather3A_476, %gather3A_460 : vector<16xf32>
        %select_n3A_478 = arith.select %le3A_477, %add3A_475, %select_n3A_472 : vector<16xi1>, vector<16xi32>
        %add3A_479 = arith.constant 4 : i32
        %add3A_480 = vector.broadcast %add3A_479 : i32 to vector<16xi32>
        %add3A_481 = arith.addi %select_n3A_478, %add3A_480 : vector<16xi32>
        %gather3A_482 = tpu.vector_load_idx %arg27[%add3A_481] : memref<80xf32, #tpu.memory_space<vmem>>[vector<16xi32>], vector<16xf32>,
        %le3A_483 = arith.cmpf ole, %gather3A_482, %gather3A_460 : vector<16xf32>
        %select_n3A_484 = arith.select %le3A_483, %add3A_481, %select_n3A_478 : vector<16xi1>, vector<16xi32>
        %add3A_485 = arith.constant 2 : i32
        %add3A_486 = vector.broadcast %add3A_485 : i32 to vector<16xi32>
        %add3A_487 = arith.addi %select_n3A_484, %add3A_486 : vector<16xi32>
        %min3A_488 = arith.constant 61 : i32
        %min3A_489 = vector.broadcast %min3A_488 : i32 to vector<16xi32>
        %min3A_490 = arith.minsi %add3A_487, %min3A_489 : vector<16xi32>
        %gather3A_491 = tpu.vector_load_idx %arg27[%min3A_490] : memref<80xf32, #tpu.memory_space<vmem>>[vector<16xi32>], vector<16xf32>,
        %le3A_492 = arith.cmpf ole, %gather3A_491, %gather3A_460 : vector<16xf32>
        %le3A_493 = arith.constant 61 : i32
        %le3A_494 = vector.broadcast %le3A_493 : i32 to vector<16xi32>
        %le3A_495 = arith.cmpi sle, %add3A_487, %le3A_494 : vector<16xi32>
        %and3A_496 = arith.andi %le3A_492, %le3A_495 : vector<16xi1>
        %select_n3A_497 = arith.select %and3A_496, %add3A_487, %select_n3A_484 : vector<16xi1>, vector<16xi32>
        %add3A_498 = arith.constant 1 : i32
        %add3A_499 = vector.broadcast %add3A_498 : i32 to vector<16xi32>
        %add3A_500 = arith.addi %select_n3A_497, %add3A_499 : vector<16xi32>
        %min3A_501 = arith.constant 61 : i32
        %min3A_502 = vector.broadcast %min3A_501 : i32 to vector<16xi32>
        %min3A_503 = arith.minsi %add3A_500, %min3A_502 : vector<16xi32>
        %gather3A_504 = tpu.vector_load_idx %arg27[%min3A_503] : memref<80xf32, #tpu.memory_space<vmem>>[vector<16xi32>], vector<16xf32>,
        %le3A_505 = arith.cmpf ole, %gather3A_504, %gather3A_460 : vector<16xf32>
        %le3A_506 = arith.constant 61 : i32
        %le3A_507 = vector.broadcast %le3A_506 : i32 to vector<16xi32>
        %le3A_508 = arith.cmpi sle, %add3A_500, %le3A_507 : vector<16xi32>
        %and3A_509 = arith.andi %le3A_505, %le3A_508 : vector<16xi1>
        %select_n3A_510 = arith.select %and3A_509, %add3A_500, %select_n3A_497 : vector<16xi1>, vector<16xi32>
        %gather3A_511 = tpu.vector_load_idx %arg27[%select_n3A_510] : memref<80xf32, #tpu.memory_space<vmem>>[vector<16xi32>], vector<16xf32>,
        %add3A_512 = arith.constant 1 : i32
        %add3A_513 = vector.broadcast %add3A_512 : i32 to vector<16xi32>
        %add3A_514 = arith.addi %select_n3A_510, %add3A_513 : vector<16xi32>
        %gather3A_515 = tpu.vector_load_idx %arg27[%add3A_514] : memref<80xf32, #tpu.memory_space<vmem>>[vector<16xi32>], vector<16xf32>,
        %gather3A_516 = tpu.vector_load_idx %arg29[%select_n3A_510] : memref<80xf32, #tpu.memory_space<vmem>>[vector<16xi32>], vector<16xf32>,
        %add3A_517 = arith.constant 1 : i32
        %add3A_518 = vector.broadcast %add3A_517 : i32 to vector<16xi32>
        %add3A_519 = arith.addi %select_n3A_510, %add3A_518 : vector<16xi32>
        %gather3A_520 = tpu.vector_load_idx %arg29[%add3A_519] : memref<80xf32, #tpu.memory_space<vmem>>[vector<16xi32>], vector<16xf32>,
        %sub3A_521 = arith.subf %gather3A_515, %gather3A_511 : vector<16xf32>
        %lt3A_522 = arith.constant 9.99999997E-7 : f32
        %lt3A_523 = vector.broadcast %lt3A_522 : f32 to vector<16xf32>
        %lt3A_524 = arith.cmpf olt, %sub3A_521, %lt3A_523 : vector<16xf32>
        %jit3A_525 = arith.constant 1.000000e+00 : f32
        %broadcast_in_dim3A_526 = vector.broadcast %jit3A_525 : f32 to vector<16xf32>
        %select_n3A_527 = arith.select %lt3A_524, %broadcast_in_dim3A_526, %sub3A_521 : vector<16xi1>, vector<16xf32>
        %sub3A_528 = arith.subf %gather3A_460, %gather3A_511 : vector<16xf32>
        %div3A_529 = arith.divf %sub3A_528, %select_n3A_527 : vector<16xf32>
        %sub3A_530 = arith.subf %gather3A_520, %gather3A_516 : vector<16xf32>
        %add3A_531 = arith.constant 9.99999997E-7 : f32
        %add3A_532 = vector.broadcast %add3A_531 : f32 to vector<16xf32>
        %add3A_533 = arith.addf %sub3A_530, %add3A_532 : vector<16xf32>
        %mul3A_534 = arith.mulf %div3A_529, %add3A_533 : vector<16xf32>
        %add3A_535 = arith.addf %gather3A_516, %mul3A_534 : vector<16xf32>
        %gather3A_536 = tpu.vector_load_idx %arg18[%broadcast_in_dim3A_268, %add3A_9] : memref<32x64xf32, #tpu.memory_space<vmem>>[vector<16xi32>, vector<16xi32>], vector<16xf32>,
        %add3A_537 = arith.constant 32 : i32
        %add3A_538 = vector.broadcast %add3A_537 : i32 to vector<16xi32>
        %add3A_539 = arith.addi %broadcast_in_dim3A_87, %add3A_538 : vector<16xi32>
        %gather3A_540 = tpu.vector_load_idx %arg27[%add3A_539] : memref<80xf32, #tpu.memory_space<vmem>>[vector<16xi32>], vector<16xf32>,
        %le3A_541 = arith.cmpf ole, %gather3A_540, %gather3A_536 : vector<16xf32>
        %select_n3A_542 = arith.select %le3A_541, %add3A_539, %broadcast_in_dim3A_87 : vector<16xi1>, vector<16xi32>
        %add3A_543 = arith.constant 16 : i32
        %add3A_544 = vector.broadcast %add3A_543 : i32 to vector<16xi32>
        %add3A_545 = arith.addi %select_n3A_542, %add3A_544 : vector<16xi32>
        %gather3A_546 = tpu.vector_load_idx %arg27[%add3A_545] : memref<80xf32, #tpu.memory_space<vmem>>[vector<16xi32>], vector<16xf32>,
        %le3A_547 = arith.cmpf ole, %gather3A_546, %gather3A_536 : vector<16xf32>
        %select_n3A_548 = arith.select %le3A_547, %add3A_545, %select_n3A_542 : vector<16xi1>, vector<16xi32>
        %add3A_549 = arith.constant 8 : i32
        %add3A_550 = vector.broadcast %add3A_549 : i32 to vector<16xi32>
        %add3A_551 = arith.addi %select_n3A_548, %add3A_550 : vector<16xi32>
        %gather3A_552 = tpu.vector_load_idx %arg27[%add3A_551] : memref<80xf32, #tpu.memory_space<vmem>>[vector<16xi32>], vector<16xf32>,
        %le3A_553 = arith.cmpf ole, %gather3A_552, %gather3A_536 : vector<16xf32>
        %select_n3A_554 = arith.select %le3A_553, %add3A_551, %select_n3A_548 : vector<16xi1>, vector<16xi32>
        %add3A_555 = arith.constant 4 : i32
        %add3A_556 = vector.broadcast %add3A_555 : i32 to vector<16xi32>
        %add3A_557 = arith.addi %select_n3A_554, %add3A_556 : vector<16xi32>
        %gather3A_558 = tpu.vector_load_idx %arg27[%add3A_557] : memref<80xf32, #tpu.memory_space<vmem>>[vector<16xi32>], vector<16xf32>,
        %le3A_559 = arith.cmpf ole, %gather3A_558, %gather3A_536 : vector<16xf32>
        %select_n3A_560 = arith.select %le3A_559, %add3A_557, %select_n3A_554 : vector<16xi1>, vector<16xi32>
        %add3A_561 = arith.constant 2 : i32
        %add3A_562 = vector.broadcast %add3A_561 : i32 to vector<16xi32>
        %add3A_563 = arith.addi %select_n3A_560, %add3A_562 : vector<16xi32>
        %min3A_564 = arith.constant 61 : i32
        %min3A_565 = vector.broadcast %min3A_564 : i32 to vector<16xi32>
        %min3A_566 = arith.minsi %add3A_563, %min3A_565 : vector<16xi32>
        %gather3A_567 = tpu.vector_load_idx %arg27[%min3A_566] : memref<80xf32, #tpu.memory_space<vmem>>[vector<16xi32>], vector<16xf32>,
        %le3A_568 = arith.cmpf ole, %gather3A_567, %gather3A_536 : vector<16xf32>
        %le3A_569 = arith.constant 61 : i32
        %le3A_570 = vector.broadcast %le3A_569 : i32 to vector<16xi32>
        %le3A_571 = arith.cmpi sle, %add3A_563, %le3A_570 : vector<16xi32>
        %and3A_572 = arith.andi %le3A_568, %le3A_571 : vector<16xi1>
        %select_n3A_573 = arith.select %and3A_572, %add3A_563, %select_n3A_560 : vector<16xi1>, vector<16xi32>
        %add3A_574 = arith.constant 1 : i32
        %add3A_575 = vector.broadcast %add3A_574 : i32 to vector<16xi32>
        %add3A_576 = arith.addi %select_n3A_573, %add3A_575 : vector<16xi32>
        %min3A_577 = arith.constant 61 : i32
        %min3A_578 = vector.broadcast %min3A_577 : i32 to vector<16xi32>
        %min3A_579 = arith.minsi %add3A_576, %min3A_578 : vector<16xi32>
        %gather3A_580 = tpu.vector_load_idx %arg27[%min3A_579] : memref<80xf32, #tpu.memory_space<vmem>>[vector<16xi32>], vector<16xf32>,
        %le3A_581 = arith.cmpf ole, %gather3A_580, %gather3A_536 : vector<16xf32>
        %le3A_582 = arith.constant 61 : i32
        %le3A_583 = vector.broadcast %le3A_582 : i32 to vector<16xi32>
        %le3A_584 = arith.cmpi sle, %add3A_576, %le3A_583 : vector<16xi32>
        %and3A_585 = arith.andi %le3A_581, %le3A_584 : vector<16xi1>
        %select_n3A_586 = arith.select %and3A_585, %add3A_576, %select_n3A_573 : vector<16xi1>, vector<16xi32>
        %gather3A_587 = tpu.vector_load_idx %arg27[%select_n3A_586] : memref<80xf32, #tpu.memory_space<vmem>>[vector<16xi32>], vector<16xf32>,
        %add3A_588 = arith.constant 1 : i32
        %add3A_589 = vector.broadcast %add3A_588 : i32 to vector<16xi32>
        %add3A_590 = arith.addi %select_n3A_586, %add3A_589 : vector<16xi32>
        %gather3A_591 = tpu.vector_load_idx %arg27[%add3A_590] : memref<80xf32, #tpu.memory_space<vmem>>[vector<16xi32>], vector<16xf32>,
        %gather3A_592 = tpu.vector_load_idx %arg29[%select_n3A_586] : memref<80xf32, #tpu.memory_space<vmem>>[vector<16xi32>], vector<16xf32>,
        %add3A_593 = arith.constant 1 : i32
        %add3A_594 = vector.broadcast %add3A_593 : i32 to vector<16xi32>
        %add3A_595 = arith.addi %select_n3A_586, %add3A_594 : vector<16xi32>
        %gather3A_596 = tpu.vector_load_idx %arg29[%add3A_595] : memref<80xf32, #tpu.memory_space<vmem>>[vector<16xi32>], vector<16xf32>,
        %sub3A_597 = arith.subf %gather3A_591, %gather3A_587 : vector<16xf32>
        %lt3A_598 = arith.constant 9.99999997E-7 : f32
        %lt3A_599 = vector.broadcast %lt3A_598 : f32 to vector<16xf32>
        %lt3A_600 = arith.cmpf olt, %sub3A_597, %lt3A_599 : vector<16xf32>
        %jit3A_601 = arith.constant 1.000000e+00 : f32
        %broadcast_in_dim3A_602 = vector.broadcast %jit3A_601 : f32 to vector<16xf32>
        %select_n3A_603 = arith.select %lt3A_600, %broadcast_in_dim3A_602, %sub3A_597 : vector<16xi1>, vector<16xf32>
        %sub3A_604 = arith.subf %gather3A_536, %gather3A_587 : vector<16xf32>
        %div3A_605 = arith.divf %sub3A_604, %select_n3A_603 : vector<16xf32>
        %sub3A_606 = arith.subf %gather3A_596, %gather3A_592 : vector<16xf32>
        %add3A_607 = arith.constant 9.99999997E-7 : f32
        %add3A_608 = vector.broadcast %add3A_607 : f32 to vector<16xf32>
        %add3A_609 = arith.addf %sub3A_606, %add3A_608 : vector<16xf32>
        %mul3A_610 = arith.mulf %div3A_605, %add3A_609 : vector<16xf32>
        %add3A_611 = arith.addf %gather3A_592, %mul3A_610 : vector<16xf32>
        %gather3A_612 = tpu.vector_load_idx %arg18[%broadcast_in_dim3A_268, %add3A_12] : memref<32x64xf32, #tpu.memory_space<vmem>>[vector<16xi32>, vector<16xi32>], vector<16xf32>,
        %add3A_613 = arith.constant 32 : i32
        %add3A_614 = vector.broadcast %add3A_613 : i32 to vector<16xi32>
        %add3A_615 = arith.addi %broadcast_in_dim3A_87, %add3A_614 : vector<16xi32>
        %gather3A_616 = tpu.vector_load_idx %arg27[%add3A_615] : memref<80xf32, #tpu.memory_space<vmem>>[vector<16xi32>], vector<16xf32>,
        %le3A_617 = arith.cmpf ole, %gather3A_616, %gather3A_612 : vector<16xf32>
        %select_n3A_618 = arith.select %le3A_617, %add3A_615, %broadcast_in_dim3A_87 : vector<16xi1>, vector<16xi32>
        %add3A_619 = arith.constant 16 : i32
        %add3A_620 = vector.broadcast %add3A_619 : i32 to vector<16xi32>
        %add3A_621 = arith.addi %select_n3A_618, %add3A_620 : vector<16xi32>
        %gather3A_622 = tpu.vector_load_idx %arg27[%add3A_621] : memref<80xf32, #tpu.memory_space<vmem>>[vector<16xi32>], vector<16xf32>,
        %le3A_623 = arith.cmpf ole, %gather3A_622, %gather3A_612 : vector<16xf32>
        %select_n3A_624 = arith.select %le3A_623, %add3A_621, %select_n3A_618 : vector<16xi1>, vector<16xi32>
        %add3A_625 = arith.constant 8 : i32
        %add3A_626 = vector.broadcast %add3A_625 : i32 to vector<16xi32>
        %add3A_627 = arith.addi %select_n3A_624, %add3A_626 : vector<16xi32>
        %gather3A_628 = tpu.vector_load_idx %arg27[%add3A_627] : memref<80xf32, #tpu.memory_space<vmem>>[vector<16xi32>], vector<16xf32>,
        %le3A_629 = arith.cmpf ole, %gather3A_628, %gather3A_612 : vector<16xf32>
        %select_n3A_630 = arith.select %le3A_629, %add3A_627, %select_n3A_624 : vector<16xi1>, vector<16xi32>
        %add3A_631 = arith.constant 4 : i32
        %add3A_632 = vector.broadcast %add3A_631 : i32 to vector<16xi32>
        %add3A_633 = arith.addi %select_n3A_630, %add3A_632 : vector<16xi32>
        %gather3A_634 = tpu.vector_load_idx %arg27[%add3A_633] : memref<80xf32, #tpu.memory_space<vmem>>[vector<16xi32>], vector<16xf32>,
        %le3A_635 = arith.cmpf ole, %gather3A_634, %gather3A_612 : vector<16xf32>
        %select_n3A_636 = arith.select %le3A_635, %add3A_633, %select_n3A_630 : vector<16xi1>, vector<16xi32>
        %add3A_637 = arith.constant 2 : i32
        %add3A_638 = vector.broadcast %add3A_637 : i32 to vector<16xi32>
        %add3A_639 = arith.addi %select_n3A_636, %add3A_638 : vector<16xi32>
        %min3A_640 = arith.constant 61 : i32
        %min3A_641 = vector.broadcast %min3A_640 : i32 to vector<16xi32>
        %min3A_642 = arith.minsi %add3A_639, %min3A_641 : vector<16xi32>
        %gather3A_643 = tpu.vector_load_idx %arg27[%min3A_642] : memref<80xf32, #tpu.memory_space<vmem>>[vector<16xi32>], vector<16xf32>,
        %le3A_644 = arith.cmpf ole, %gather3A_643, %gather3A_612 : vector<16xf32>
        %le3A_645 = arith.constant 61 : i32
        %le3A_646 = vector.broadcast %le3A_645 : i32 to vector<16xi32>
        %le3A_647 = arith.cmpi sle, %add3A_639, %le3A_646 : vector<16xi32>
        %and3A_648 = arith.andi %le3A_644, %le3A_647 : vector<16xi1>
        %select_n3A_649 = arith.select %and3A_648, %add3A_639, %select_n3A_636 : vector<16xi1>, vector<16xi32>
        %add3A_650 = arith.constant 1 : i32
        %add3A_651 = vector.broadcast %add3A_650 : i32 to vector<16xi32>
        %add3A_652 = arith.addi %select_n3A_649, %add3A_651 : vector<16xi32>
        %min3A_653 = arith.constant 61 : i32
        %min3A_654 = vector.broadcast %min3A_653 : i32 to vector<16xi32>
        %min3A_655 = arith.minsi %add3A_652, %min3A_654 : vector<16xi32>
        %gather3A_656 = tpu.vector_load_idx %arg27[%min3A_655] : memref<80xf32, #tpu.memory_space<vmem>>[vector<16xi32>], vector<16xf32>,
        %le3A_657 = arith.cmpf ole, %gather3A_656, %gather3A_612 : vector<16xf32>
        %le3A_658 = arith.constant 61 : i32
        %le3A_659 = vector.broadcast %le3A_658 : i32 to vector<16xi32>
        %le3A_660 = arith.cmpi sle, %add3A_652, %le3A_659 : vector<16xi32>
        %and3A_661 = arith.andi %le3A_657, %le3A_660 : vector<16xi1>
        %select_n3A_662 = arith.select %and3A_661, %add3A_652, %select_n3A_649 : vector<16xi1>, vector<16xi32>
        %gather3A_663 = tpu.vector_load_idx %arg27[%select_n3A_662] : memref<80xf32, #tpu.memory_space<vmem>>[vector<16xi32>], vector<16xf32>,
        %add3A_664 = arith.constant 1 : i32
        %add3A_665 = vector.broadcast %add3A_664 : i32 to vector<16xi32>
        %add3A_666 = arith.addi %select_n3A_662, %add3A_665 : vector<16xi32>
        %gather3A_667 = tpu.vector_load_idx %arg27[%add3A_666] : memref<80xf32, #tpu.memory_space<vmem>>[vector<16xi32>], vector<16xf32>,
        %gather3A_668 = tpu.vector_load_idx %arg29[%select_n3A_662] : memref<80xf32, #tpu.memory_space<vmem>>[vector<16xi32>], vector<16xf32>,
        %add3A_669 = arith.constant 1 : i32
        %add3A_670 = vector.broadcast %add3A_669 : i32 to vector<16xi32>
        %add3A_671 = arith.addi %select_n3A_662, %add3A_670 : vector<16xi32>
        %gather3A_672 = tpu.vector_load_idx %arg29[%add3A_671] : memref<80xf32, #tpu.memory_space<vmem>>[vector<16xi32>], vector<16xf32>,
        %sub3A_673 = arith.subf %gather3A_667, %gather3A_663 : vector<16xf32>
        %lt3A_674 = arith.constant 9.99999997E-7 : f32
        %lt3A_675 = vector.broadcast %lt3A_674 : f32 to vector<16xf32>
        %lt3A_676 = arith.cmpf olt, %sub3A_673, %lt3A_675 : vector<16xf32>
        %jit3A_677 = arith.constant 1.000000e+00 : f32
        %broadcast_in_dim3A_678 = vector.broadcast %jit3A_677 : f32 to vector<16xf32>
        %select_n3A_679 = arith.select %lt3A_676, %broadcast_in_dim3A_678, %sub3A_673 : vector<16xi1>, vector<16xf32>
        %sub3A_680 = arith.subf %gather3A_612, %gather3A_663 : vector<16xf32>
        %div3A_681 = arith.divf %sub3A_680, %select_n3A_679 : vector<16xf32>
        %sub3A_682 = arith.subf %gather3A_672, %gather3A_668 : vector<16xf32>
        %add3A_683 = arith.constant 9.99999997E-7 : f32
        %add3A_684 = vector.broadcast %add3A_683 : f32 to vector<16xf32>
        %add3A_685 = arith.addf %sub3A_682, %add3A_684 : vector<16xf32>
        %mul3A_686 = arith.mulf %div3A_681, %add3A_685 : vector<16xf32>
        %add3A_687 = arith.addf %gather3A_668, %mul3A_686 : vector<16xf32>
        %sort3A = arith.constant dense<true> : vector<16xi1>
        %sort3A_688, %sort3A_689, %sort3A_690 = tpu.sort %add3A_459, %add3A_459 masked %sort3A : (vector<16xf32>, vector<16xf32>, vector<16xi1>) -> (vector<16xi1>, vector<16xf32>, vector<16xf32>)
        %sort3A_691 = arith.constant dense<true> : vector<16xi1>
        %sort3A_692, %sort3A_693, %sort3A_694 = tpu.sort %add3A_535, %add3A_535 masked %sort3A_691 : (vector<16xf32>, vector<16xf32>, vector<16xi1>) -> (vector<16xi1>, vector<16xf32>, vector<16xf32>)
        %sort3A_695 = arith.constant dense<true> : vector<16xi1>
        %sort3A_696, %sort3A_697, %sort3A_698 = tpu.sort %add3A_611, %add3A_611 masked %sort3A_695 : (vector<16xf32>, vector<16xf32>, vector<16xi1>) -> (vector<16xi1>, vector<16xf32>, vector<16xf32>)
        %sort3A_699 = arith.constant dense<true> : vector<16xi1>
        %sort3A_700, %sort3A_701, %sort3A_702 = tpu.sort %add3A_687, %add3A_687 masked %sort3A_699 : (vector<16xf32>, vector<16xf32>, vector<16xi1>) -> (vector<16xi1>, vector<16xf32>, vector<16xf32>)
        %rev3A = arith.constant 15 : i32
        %rev3A_703 = vector.broadcast %rev3A : i32 to vector<16xi32>
        %rev3A_704 = tpu.iota {dimensions = array<i32: 0>} : vector<16xi32>
        %rev3A_705 = arith.subi %rev3A_703, %rev3A_704 : vector<16xi32>
        %rev3A_706 = tpu.dynamic_gather %sort3A_693[%rev3A_705] in [0] : vector<16xf32>, vector<16xi32> -> vector<16xf32>
        %min3A_707 = arith.minimumf %sort3A_689, %rev3A_706 : vector<16xf32>
        %max3A = arith.maximumf %sort3A_689, %rev3A_706 : vector<16xf32>
        %sort3A_708 = arith.constant dense<true> : vector<16xi1>
        %sort3A_709, %sort3A_710, %sort3A_711 = tpu.sort %min3A_707, %min3A_707 masked %sort3A_708 : (vector<16xf32>, vector<16xf32>, vector<16xi1>) -> (vector<16xi1>, vector<16xf32>, vector<16xf32>)
        %sort3A_712 = arith.constant dense<true> : vector<16xi1>
        %sort3A_713, %sort3A_714, %sort3A_715 = tpu.sort %max3A, %max3A masked %sort3A_712 : (vector<16xf32>, vector<16xf32>, vector<16xi1>) -> (vector<16xi1>, vector<16xf32>, vector<16xf32>)
        %rev3A_716 = arith.constant 15 : i32
        %rev3A_717 = vector.broadcast %rev3A_716 : i32 to vector<16xi32>
        %rev3A_718 = tpu.iota {dimensions = array<i32: 0>} : vector<16xi32>
        %rev3A_719 = arith.subi %rev3A_717, %rev3A_718 : vector<16xi32>
        %rev3A_720 = tpu.dynamic_gather %sort3A_701[%rev3A_719] in [0] : vector<16xf32>, vector<16xi32> -> vector<16xf32>
        %min3A_721 = arith.minimumf %sort3A_697, %rev3A_720 : vector<16xf32>
        %max3A_722 = arith.maximumf %sort3A_697, %rev3A_720 : vector<16xf32>
        %sort3A_723 = arith.constant dense<true> : vector<16xi1>
        %sort3A_724, %sort3A_725, %sort3A_726 = tpu.sort %min3A_721, %min3A_721 masked %sort3A_723 : (vector<16xf32>, vector<16xf32>, vector<16xi1>) -> (vector<16xi1>, vector<16xf32>, vector<16xf32>)
        %sort3A_727 = arith.constant dense<true> : vector<16xi1>
        %sort3A_728, %sort3A_729, %sort3A_730 = tpu.sort %max3A_722, %max3A_722 masked %sort3A_727 : (vector<16xf32>, vector<16xf32>, vector<16xi1>) -> (vector<16xi1>, vector<16xf32>, vector<16xf32>)
        %rev3A_731 = arith.constant 15 : i32
        %rev3A_732 = vector.broadcast %rev3A_731 : i32 to vector<16xi32>
        %rev3A_733 = tpu.iota {dimensions = array<i32: 0>} : vector<16xi32>
        %rev3A_734 = arith.subi %rev3A_732, %rev3A_733 : vector<16xi32>
        %rev3A_735 = tpu.dynamic_gather %sort3A_729[%rev3A_734] in [0] : vector<16xf32>, vector<16xi32> -> vector<16xf32>
        %rev3A_736 = arith.constant 15 : i32
        %rev3A_737 = vector.broadcast %rev3A_736 : i32 to vector<16xi32>
        %rev3A_738 = tpu.iota {dimensions = array<i32: 0>} : vector<16xi32>
        %rev3A_739 = arith.subi %rev3A_737, %rev3A_738 : vector<16xi32>
        %rev3A_740 = tpu.dynamic_gather %sort3A_725[%rev3A_739] in [0] : vector<16xf32>, vector<16xi32> -> vector<16xf32>
        %min3A_741 = arith.minimumf %sort3A_710, %rev3A_735 : vector<16xf32>
        %min3A_742 = arith.minimumf %sort3A_714, %rev3A_740 : vector<16xf32>
        %max3A_743 = arith.maximumf %sort3A_710, %rev3A_735 : vector<16xf32>
        %max3A_744 = arith.maximumf %sort3A_714, %rev3A_740 : vector<16xf32>
        %min3A_745 = arith.minimumf %min3A_741, %min3A_742 : vector<16xf32>
        %max3A_746 = arith.maximumf %min3A_741, %min3A_742 : vector<16xf32>
        %sort3A_747 = arith.constant dense<true> : vector<16xi1>
        %sort3A_748, %sort3A_749, %sort3A_750 = tpu.sort %min3A_745, %min3A_745 masked %sort3A_747 : (vector<16xf32>, vector<16xf32>, vector<16xi1>) -> (vector<16xi1>, vector<16xf32>, vector<16xf32>)
        %sort3A_751 = arith.constant dense<true> : vector<16xi1>
        %sort3A_752, %sort3A_753, %sort3A_754 = tpu.sort %max3A_746, %max3A_746 masked %sort3A_751 : (vector<16xf32>, vector<16xf32>, vector<16xi1>) -> (vector<16xi1>, vector<16xf32>, vector<16xf32>)
        %min3A_755 = arith.minimumf %max3A_743, %max3A_744 : vector<16xf32>
        %max3A_756 = arith.maximumf %max3A_743, %max3A_744 : vector<16xf32>
        %sort3A_757 = arith.constant dense<true> : vector<16xi1>
        %sort3A_758, %sort3A_759, %sort3A_760 = tpu.sort %min3A_755, %min3A_755 masked %sort3A_757 : (vector<16xf32>, vector<16xf32>, vector<16xi1>) -> (vector<16xi1>, vector<16xf32>, vector<16xf32>)
        %sort3A_761 = arith.constant dense<true> : vector<16xi1>
        %sort3A_762, %sort3A_763, %sort3A_764 = tpu.sort %max3A_756, %max3A_756 masked %sort3A_761 : (vector<16xf32>, vector<16xf32>, vector<16xi1>) -> (vector<16xi1>, vector<16xf32>, vector<16xf32>)
        %rev3A_765 = arith.constant 15 : i32
        %rev3A_766 = vector.broadcast %rev3A_765 : i32 to vector<16xi32>
        %rev3A_767 = tpu.iota {dimensions = array<i32: 0>} : vector<16xi32>
        %rev3A_768 = arith.subi %rev3A_766, %rev3A_767 : vector<16xi32>
        %rev3A_769 = tpu.dynamic_gather %gather3A_271[%rev3A_768] in [0] : vector<16xf32>, vector<16xi32> -> vector<16xf32>
        %rev3A_770 = arith.constant 15 : i32
        %rev3A_771 = vector.broadcast %rev3A_770 : i32 to vector<16xi32>
        %rev3A_772 = tpu.iota {dimensions = array<i32: 0>} : vector<16xi32>
        %rev3A_773 = arith.subi %rev3A_771, %rev3A_772 : vector<16xi32>
        %rev3A_774 = tpu.dynamic_gather %gather3A_270[%rev3A_773] in [0] : vector<16xf32>, vector<16xi32> -> vector<16xf32>
        %rev3A_775 = arith.constant 15 : i32
        %rev3A_776 = vector.broadcast %rev3A_775 : i32 to vector<16xi32>
        %rev3A_777 = tpu.iota {dimensions = array<i32: 0>} : vector<16xi32>
        %rev3A_778 = arith.subi %rev3A_776, %rev3A_777 : vector<16xi32>
        %rev3A_779 = tpu.dynamic_gather %gather3A_269[%rev3A_778] in [0] : vector<16xf32>, vector<16xi32> -> vector<16xf32>
        %rev3A_780 = arith.constant 15 : i32
        %rev3A_781 = vector.broadcast %rev3A_780 : i32 to vector<16xi32>
        %rev3A_782 = tpu.iota {dimensions = array<i32: 0>} : vector<16xi32>
        %rev3A_783 = arith.subi %rev3A_781, %rev3A_782 : vector<16xi32>
        %rev3A_784 = tpu.dynamic_gather %gather3A[%rev3A_783] in [0] : vector<16xf32>, vector<16xi32> -> vector<16xf32>
        %min3A_785 = arith.minimumf %sort3A_749, %rev3A_769 : vector<16xf32>
        %min3A_786 = arith.minimumf %sort3A_753, %rev3A_774 : vector<16xf32>
        %min3A_787 = arith.minimumf %sort3A_759, %rev3A_779 : vector<16xf32>
        %min3A_788 = arith.minimumf %sort3A_763, %rev3A_784 : vector<16xf32>
        %max3A_789 = arith.maximumf %sort3A_749, %rev3A_769 : vector<16xf32>
        %max3A_790 = arith.maximumf %sort3A_753, %rev3A_774 : vector<16xf32>
        %max3A_791 = arith.maximumf %sort3A_759, %rev3A_779 : vector<16xf32>
        %max3A_792 = arith.maximumf %sort3A_763, %rev3A_784 : vector<16xf32>
        %min3A_793 = arith.minimumf %min3A_785, %min3A_787 : vector<16xf32>
        %min3A_794 = arith.minimumf %min3A_786, %min3A_788 : vector<16xf32>
        %max3A_795 = arith.maximumf %min3A_785, %min3A_787 : vector<16xf32>
        %max3A_796 = arith.maximumf %min3A_786, %min3A_788 : vector<16xf32>
        %min3A_797 = arith.minimumf %min3A_793, %min3A_794 : vector<16xf32>
        %max3A_798 = arith.maximumf %min3A_793, %min3A_794 : vector<16xf32>
        %sort3A_799 = arith.constant dense<true> : vector<16xi1>
        %sort3A_800, %sort3A_801, %sort3A_802 = tpu.sort %min3A_797, %min3A_797 masked %sort3A_799 : (vector<16xf32>, vector<16xf32>, vector<16xi1>) -> (vector<16xi1>, vector<16xf32>, vector<16xf32>)
        %sort3A_803 = arith.constant dense<true> : vector<16xi1>
        %sort3A_804, %sort3A_805, %sort3A_806 = tpu.sort %max3A_798, %max3A_798 masked %sort3A_803 : (vector<16xf32>, vector<16xf32>, vector<16xi1>) -> (vector<16xi1>, vector<16xf32>, vector<16xf32>)
        %min3A_807 = arith.minimumf %max3A_795, %max3A_796 : vector<16xf32>
        %max3A_808 = arith.maximumf %max3A_795, %max3A_796 : vector<16xf32>
        %sort3A_809 = arith.constant dense<true> : vector<16xi1>
        %sort3A_810, %sort3A_811, %sort3A_812 = tpu.sort %min3A_807, %min3A_807 masked %sort3A_809 : (vector<16xf32>, vector<16xf32>, vector<16xi1>) -> (vector<16xi1>, vector<16xf32>, vector<16xf32>)
        %sort3A_813 = arith.constant dense<true> : vector<16xi1>
        %sort3A_814, %sort3A_815, %sort3A_816 = tpu.sort %max3A_808, %max3A_808 masked %sort3A_813 : (vector<16xf32>, vector<16xf32>, vector<16xi1>) -> (vector<16xi1>, vector<16xf32>, vector<16xf32>)
        %min3A_817 = arith.minimumf %max3A_789, %max3A_791 : vector<16xf32>
        %min3A_818 = arith.minimumf %max3A_790, %max3A_792 : vector<16xf32>
        %max3A_819 = arith.maximumf %max3A_789, %max3A_791 : vector<16xf32>
        %max3A_820 = arith.maximumf %max3A_790, %max3A_792 : vector<16xf32>
        %min3A_821 = arith.minimumf %min3A_817, %min3A_818 : vector<16xf32>
        %max3A_822 = arith.maximumf %min3A_817, %min3A_818 : vector<16xf32>
        %sort3A_823 = arith.constant dense<true> : vector<16xi1>
        %sort3A_824, %sort3A_825, %sort3A_826 = tpu.sort %min3A_821, %min3A_821 masked %sort3A_823 : (vector<16xf32>, vector<16xf32>, vector<16xi1>) -> (vector<16xi1>, vector<16xf32>, vector<16xf32>)
        %sort3A_827 = arith.constant dense<true> : vector<16xi1>
        %sort3A_828, %sort3A_829, %sort3A_830 = tpu.sort %max3A_822, %max3A_822 masked %sort3A_827 : (vector<16xf32>, vector<16xf32>, vector<16xi1>) -> (vector<16xi1>, vector<16xf32>, vector<16xf32>)
        %min3A_831 = arith.minimumf %max3A_819, %max3A_820 : vector<16xf32>
        %max3A_832 = arith.maximumf %max3A_819, %max3A_820 : vector<16xf32>
        %sort3A_833 = arith.constant dense<true> : vector<16xi1>
        %sort3A_834, %sort3A_835, %sort3A_836 = tpu.sort %min3A_831, %min3A_831 masked %sort3A_833 : (vector<16xf32>, vector<16xf32>, vector<16xi1>) -> (vector<16xi1>, vector<16xf32>, vector<16xf32>)
        %sort3A_837 = arith.constant dense<true> : vector<16xi1>
        %sort3A_838, %sort3A_839, %sort3A_840 = tpu.sort %max3A_832, %max3A_832 masked %sort3A_837 : (vector<16xf32>, vector<16xf32>, vector<16xi1>) -> (vector<16xi1>, vector<16xf32>, vector<16xf32>)
        %add3A_841 = arith.constant 0 : i32
        %add3A_842 = vector.broadcast %add3A_841 : i32 to vector<16xi32>
        %add3A_843 = arith.addi %add3A_3, %add3A_842 : vector<16xi32>
        tpu.vector_store_idx %arg22[%broadcast_in_dim3A_268, %add3A_843], %sort3A_801 : memref<32x128xf32, #tpu.memory_space<vmem>>[vector<16xi32>, vector<16xi32>], vector<16xf32>,
        %add3A_844 = arith.constant 0 : i32
        %add3A_845 = vector.broadcast %add3A_844 : i32 to vector<16xi32>
        %add3A_846 = arith.addi %add3A_6, %add3A_845 : vector<16xi32>
        tpu.vector_store_idx %arg22[%broadcast_in_dim3A_268, %add3A_846], %sort3A_805 : memref<32x128xf32, #tpu.memory_space<vmem>>[vector<16xi32>, vector<16xi32>], vector<16xf32>,
        %add3A_847 = arith.constant 0 : i32
        %add3A_848 = vector.broadcast %add3A_847 : i32 to vector<16xi32>
        %add3A_849 = arith.addi %add3A_9, %add3A_848 : vector<16xi32>
        tpu.vector_store_idx %arg22[%broadcast_in_dim3A_268, %add3A_849], %sort3A_811 : memref<32x128xf32, #tpu.memory_space<vmem>>[vector<16xi32>, vector<16xi32>], vector<16xf32>,
        %add3A_850 = arith.constant 0 : i32
        %add3A_851 = vector.broadcast %add3A_850 : i32 to vector<16xi32>
        %add3A_852 = arith.addi %add3A_12, %add3A_851 : vector<16xi32>
        tpu.vector_store_idx %arg22[%broadcast_in_dim3A_268, %add3A_852], %sort3A_815 : memref<32x128xf32, #tpu.memory_space<vmem>>[vector<16xi32>, vector<16xi32>], vector<16xf32>,
        %add3A_853 = arith.constant 64 : i32
        %add3A_854 = vector.broadcast %add3A_853 : i32 to vector<16xi32>
        %add3A_855 = arith.addi %add3A_3, %add3A_854 : vector<16xi32>
        tpu.vector_store_idx %arg22[%broadcast_in_dim3A_268, %add3A_855], %sort3A_825 : memref<32x128xf32, #tpu.memory_space<vmem>>[vector<16xi32>, vector<16xi32>], vector<16xf32>,
        %add3A_856 = arith.constant 64 : i32
        %add3A_857 = vector.broadcast %add3A_856 : i32 to vector<16xi32>
        %add3A_858 = arith.addi %add3A_6, %add3A_857 : vector<16xi32>
        tpu.vector_store_idx %arg22[%broadcast_in_dim3A_268, %add3A_858], %sort3A_829 : memref<32x128xf32, #tpu.memory_space<vmem>>[vector<16xi32>, vector<16xi32>], vector<16xf32>,
        %add3A_859 = arith.constant 64 : i32
        %add3A_860 = vector.broadcast %add3A_859 : i32 to vector<16xi32>
        %add3A_861 = arith.addi %add3A_9, %add3A_860 : vector<16xi32>
        tpu.vector_store_idx %arg22[%broadcast_in_dim3A_268, %add3A_861], %sort3A_835 : memref<32x128xf32, #tpu.memory_space<vmem>>[vector<16xi32>, vector<16xi32>], vector<16xf32>,
        %add3A_862 = arith.constant 64 : i32
        %add3A_863 = vector.broadcast %add3A_862 : i32 to vector<16xi32>
        %add3A_864 = arith.addi %add3A_12, %add3A_863 : vector<16xi32>
        tpu.vector_store_idx %arg22[%broadcast_in_dim3A_268, %add3A_864], %sort3A_839 : memref<32x128xf32, #tpu.memory_space<vmem>>[vector<16xi32>, vector<16xi32>], vector<16xf32>,
        %mul3A_865 = arith.constant 2 : i32
        %mul3A_866 = arith.muli %scan3A_263, %mul3A_865 : i32
        %add3A_867 = arith.constant 1 : i32
        %add3A_868 = arith.addi %mul3A_866, %add3A_867 : i32
        %broadcast_in_dim3A_869 = vector.broadcast %add3A_868 : i32 to vector<16xi32>
        %gather3A_870 = tpu.vector_load_idx %arg16[%broadcast_in_dim3A_869, %add3A_3] : memref<32x64xf32, #tpu.memory_space<vmem>>[vector<16xi32>, vector<16xi32>], vector<16xf32>,
        %gather3A_871 = tpu.vector_load_idx %arg16[%broadcast_in_dim3A_869, %add3A_6] : memref<32x64xf32, #tpu.memory_space<vmem>>[vector<16xi32>, vector<16xi32>], vector<16xf32>,
        %gather3A_872 = tpu.vector_load_idx %arg16[%broadcast_in_dim3A_869, %add3A_9] : memref<32x64xf32, #tpu.memory_space<vmem>>[vector<16xi32>, vector<16xi32>], vector<16xf32>,
        %gather3A_873 = tpu.vector_load_idx %arg16[%broadcast_in_dim3A_869, %add3A_12] : memref<32x64xf32, #tpu.memory_space<vmem>>[vector<16xi32>, vector<16xi32>], vector<16xf32>,
        %gather3A_874 = tpu.vector_load_idx %arg16[%broadcast_in_dim3A_869, %min3A_17] : memref<32x64xf32, #tpu.memory_space<vmem>>[vector<16xi32>, vector<16xi32>], vector<16xf32>,
        %add3A_875 = arith.addf %gather3A_870, %gather3A_874 : vector<16xf32>
        %mul3A_876 = arith.constant 5.000000e-01 : f32
        %mul3A_877 = vector.broadcast %mul3A_876 : f32 to vector<16xf32>
        %mul3A_878 = arith.mulf %mul3A_877, %add3A_875 : vector<16xf32>
        %swap3A_879 = arith.constant 0 : index
        %swap3A_880 = tpu.vector_load %arg30[%swap3A_879] {strides = array<i32>} : memref<80xf32, #tpu.memory_space<vmem>>, vector<16xf32>,
        tpu.vector_store %arg30[%swap3A_879], %mul3A_878 {strides = array<i32>} : memref<80xf32, #tpu.memory_space<vmem>>, vector<16xf32>,
        %gather3A_881 = tpu.vector_load_idx %arg16[%broadcast_in_dim3A_869, %min3A_23] : memref<32x64xf32, #tpu.memory_space<vmem>>[vector<16xi32>, vector<16xi32>], vector<16xf32>,
        %add3A_882 = arith.addf %gather3A_871, %gather3A_881 : vector<16xf32>
        %mul3A_883 = arith.constant 5.000000e-01 : f32
        %mul3A_884 = vector.broadcast %mul3A_883 : f32 to vector<16xf32>
        %mul3A_885 = arith.mulf %mul3A_884, %add3A_882 : vector<16xf32>
        %swap3A_886 = arith.constant 16 : index
        %swap3A_887 = tpu.vector_load %arg30[%swap3A_886] {strides = array<i32>} : memref<80xf32, #tpu.memory_space<vmem>>, vector<16xf32>,
        tpu.vector_store %arg30[%swap3A_886], %mul3A_885 {strides = array<i32>} : memref<80xf32, #tpu.memory_space<vmem>>, vector<16xf32>,
        %gather3A_888 = tpu.vector_load_idx %arg16[%broadcast_in_dim3A_869, %min3A_29] : memref<32x64xf32, #tpu.memory_space<vmem>>[vector<16xi32>, vector<16xi32>], vector<16xf32>,
        %add3A_889 = arith.addf %gather3A_872, %gather3A_888 : vector<16xf32>
        %mul3A_890 = arith.constant 5.000000e-01 : f32
        %mul3A_891 = vector.broadcast %mul3A_890 : f32 to vector<16xf32>
        %mul3A_892 = arith.mulf %mul3A_891, %add3A_889 : vector<16xf32>
        %swap3A_893 = arith.constant 32 : index
        %swap3A_894 = tpu.vector_load %arg30[%swap3A_893] {strides = array<i32>} : memref<80xf32, #tpu.memory_space<vmem>>, vector<16xf32>,
        tpu.vector_store %arg30[%swap3A_893], %mul3A_892 {strides = array<i32>} : memref<80xf32, #tpu.memory_space<vmem>>, vector<16xf32>,
        %gather3A_895 = tpu.vector_load_idx %arg16[%broadcast_in_dim3A_869, %min3A_35] : memref<32x64xf32, #tpu.memory_space<vmem>>[vector<16xi32>, vector<16xi32>], vector<16xf32>,
        %add3A_896 = arith.addf %gather3A_873, %gather3A_895 : vector<16xf32>
        %mul3A_897 = arith.constant 5.000000e-01 : f32
        %mul3A_898 = vector.broadcast %mul3A_897 : f32 to vector<16xf32>
        %mul3A_899 = arith.mulf %mul3A_898, %add3A_896 : vector<16xf32>
        %swap3A_900 = arith.constant 48 : index
        %swap3A_901 = tpu.vector_load %arg30[%swap3A_900] {strides = array<i32>} : memref<80xf32, #tpu.memory_space<vmem>>, vector<16xf32>,
        tpu.vector_store %arg30[%swap3A_900], %mul3A_899 {strides = array<i32>} : memref<80xf32, #tpu.memory_space<vmem>>, vector<16xf32>,
        %gather3A_902 = tpu.vector_load_idx %arg17[%broadcast_in_dim3A_869, %min3A_17] : memref<32x64xf32, #tpu.memory_space<vmem>>[vector<16xi32>, vector<16xi32>], vector<16xf32>,
        %add3A_903 = arith.constant 9.99999997E-7 : f32
        %add3A_904 = vector.broadcast %add3A_903 : f32 to vector<16xf32>
        %add3A_905 = arith.addf %gather3A_902, %add3A_904 : vector<16xf32>
        %jit3A_906 = arith.constant 0.000000e+00 : f32
        %broadcast_in_dim3A_907 = vector.broadcast %jit3A_906 : f32 to vector<16xf32>
        %select_n3A_908 = arith.select %lt3A_40, %add3A_905, %broadcast_in_dim3A_907 : vector<16xi1>, vector<16xf32>
        %gather3A_909 = tpu.vector_load_idx %arg17[%broadcast_in_dim3A_869, %min3A_23] : memref<32x64xf32, #tpu.memory_space<vmem>>[vector<16xi32>, vector<16xi32>], vector<16xf32>,
        %add3A_910 = arith.constant 9.99999997E-7 : f32
        %add3A_911 = vector.broadcast %add3A_910 : f32 to vector<16xf32>
        %add3A_912 = arith.addf %gather3A_909, %add3A_911 : vector<16xf32>
        %jit3A_913 = arith.constant 0.000000e+00 : f32
        %broadcast_in_dim3A_914 = vector.broadcast %jit3A_913 : f32 to vector<16xf32>
        %select_n3A_915 = arith.select %lt3A_46, %add3A_912, %broadcast_in_dim3A_914 : vector<16xi1>, vector<16xf32>
        %gather3A_916 = tpu.vector_load_idx %arg17[%broadcast_in_dim3A_869, %min3A_29] : memref<32x64xf32, #tpu.memory_space<vmem>>[vector<16xi32>, vector<16xi32>], vector<16xf32>,
        %add3A_917 = arith.constant 9.99999997E-7 : f32
        %add3A_918 = vector.broadcast %add3A_917 : f32 to vector<16xf32>
        %add3A_919 = arith.addf %gather3A_916, %add3A_918 : vector<16xf32>
        %jit3A_920 = arith.constant 0.000000e+00 : f32
        %broadcast_in_dim3A_921 = vector.broadcast %jit3A_920 : f32 to vector<16xf32>
        %select_n3A_922 = arith.select %lt3A_52, %add3A_919, %broadcast_in_dim3A_921 : vector<16xi1>, vector<16xf32>
        %gather3A_923 = tpu.vector_load_idx %arg17[%broadcast_in_dim3A_869, %min3A_35] : memref<32x64xf32, #tpu.memory_space<vmem>>[vector<16xi32>, vector<16xi32>], vector<16xf32>,
        %add3A_924 = arith.constant 9.99999997E-7 : f32
        %add3A_925 = vector.broadcast %add3A_924 : f32 to vector<16xf32>
        %add3A_926 = arith.addf %gather3A_923, %add3A_925 : vector<16xf32>
        %jit3A_927 = arith.constant 0.000000e+00 : f32
        %broadcast_in_dim3A_928 = vector.broadcast %jit3A_927 : f32 to vector<16xf32>
        %select_n3A_929 = arith.select %lt3A_58, %add3A_926, %broadcast_in_dim3A_928 : vector<16xi1>, vector<16xf32>
        %broadcast_in_dim3A_930 = arith.constant true
        %broadcast_in_dim3A_931 = vector.broadcast %broadcast_in_dim3A_930 : i1 to vector<16xi1>
        %masked_cumsum3A_932 = tpu.scan <sum>, %select_n3A_908 masked %broadcast_in_dim3A_931 : vector<16xf32>, vector<16xi1> -> vector<16xf32>
        %add3A_933 = arith.addf %masked_cumsum3A_932, %broadcast_in_dim3A_85 : vector<16xf32>
        %lt3A_934 = arith.constant 0 : i32
        %lt3A_935 = vector.broadcast %lt3A_934 : i32 to vector<16xi32>
        %lt3A_936 = arith.cmpi slt, %broadcast_in_dim3A_83, %lt3A_935 : vector<16xi32>
        %add3A_937 = arith.constant 16 : i32
        %add3A_938 = vector.broadcast %add3A_937 : i32 to vector<16xi32>
        %add3A_939 = arith.addi %broadcast_in_dim3A_83, %add3A_938 : vector<16xi32>
        %select_n3A_940 = arith.select %lt3A_936, %add3A_939, %broadcast_in_dim3A_83 : vector<16xi1>, vector<16xi32>
        %broadcast_in_dim3A_941 = vector.shape_cast %select_n3A_940 : vector<16xi32> to vector<16x1xi32>
        %gather3A_942 = vector.shape_cast %broadcast_in_dim3A_941 : vector<16x1xi32> to vector<16xi32>
        %gather3A_943 = tpu.dynamic_gather %add3A_933[%gather3A_942] in [0] : vector<16xf32>, vector<16xi32> -> vector<16xf32>
        %broadcast_in_dim3A_944 = arith.constant true
        %broadcast_in_dim3A_945 = vector.broadcast %broadcast_in_dim3A_944 : i1 to vector<16xi1>
        %masked_cumsum3A_946 = tpu.scan <sum>, %select_n3A_915 masked %broadcast_in_dim3A_945 : vector<16xf32>, vector<16xi1> -> vector<16xf32>
        %add3A_947 = arith.addf %masked_cumsum3A_946, %gather3A_943 : vector<16xf32>
        %lt3A_948 = arith.constant 0 : i32
        %lt3A_949 = vector.broadcast %lt3A_948 : i32 to vector<16xi32>
        %lt3A_950 = arith.cmpi slt, %broadcast_in_dim3A_83, %lt3A_949 : vector<16xi32>
        %add3A_951 = arith.constant 16 : i32
        %add3A_952 = vector.broadcast %add3A_951 : i32 to vector<16xi32>
        %add3A_953 = arith.addi %broadcast_in_dim3A_83, %add3A_952 : vector<16xi32>
        %select_n3A_954 = arith.select %lt3A_950, %add3A_953, %broadcast_in_dim3A_83 : vector<16xi1>, vector<16xi32>
        %broadcast_in_dim3A_955 = vector.shape_cast %select_n3A_954 : vector<16xi32> to vector<16x1xi32>
        %gather3A_956 = vector.shape_cast %broadcast_in_dim3A_955 : vector<16x1xi32> to vector<16xi32>
        %gather3A_957 = tpu.dynamic_gather %add3A_947[%gather3A_956] in [0] : vector<16xf32>, vector<16xi32> -> vector<16xf32>
        %broadcast_in_dim3A_958 = arith.constant true
        %broadcast_in_dim3A_959 = vector.broadcast %broadcast_in_dim3A_958 : i1 to vector<16xi1>
        %masked_cumsum3A_960 = tpu.scan <sum>, %select_n3A_922 masked %broadcast_in_dim3A_959 : vector<16xf32>, vector<16xi1> -> vector<16xf32>
        %add3A_961 = arith.addf %masked_cumsum3A_960, %gather3A_957 : vector<16xf32>
        %lt3A_962 = arith.constant 0 : i32
        %lt3A_963 = vector.broadcast %lt3A_962 : i32 to vector<16xi32>
        %lt3A_964 = arith.cmpi slt, %broadcast_in_dim3A_83, %lt3A_963 : vector<16xi32>
        %add3A_965 = arith.constant 16 : i32
        %add3A_966 = vector.broadcast %add3A_965 : i32 to vector<16xi32>
        %add3A_967 = arith.addi %broadcast_in_dim3A_83, %add3A_966 : vector<16xi32>
        %select_n3A_968 = arith.select %lt3A_964, %add3A_967, %broadcast_in_dim3A_83 : vector<16xi1>, vector<16xi32>
        %broadcast_in_dim3A_969 = vector.shape_cast %select_n3A_968 : vector<16xi32> to vector<16x1xi32>
        %gather3A_970 = vector.shape_cast %broadcast_in_dim3A_969 : vector<16x1xi32> to vector<16xi32>
        %gather3A_971 = tpu.dynamic_gather %add3A_961[%gather3A_970] in [0] : vector<16xf32>, vector<16xi32> -> vector<16xf32>
        %broadcast_in_dim3A_972 = arith.constant true
        %broadcast_in_dim3A_973 = vector.broadcast %broadcast_in_dim3A_972 : i1 to vector<16xi1>
        %masked_cumsum3A_974 = tpu.scan <sum>, %select_n3A_929 masked %broadcast_in_dim3A_973 : vector<16xf32>, vector<16xi1> -> vector<16xf32>
        %add3A_975 = arith.addf %masked_cumsum3A_974, %gather3A_971 : vector<16xf32>
        %lt3A_976 = arith.constant 0 : i32
        %lt3A_977 = vector.broadcast %lt3A_976 : i32 to vector<16xi32>
        %lt3A_978 = arith.cmpi slt, %broadcast_in_dim3A_83, %lt3A_977 : vector<16xi32>
        %add3A_979 = arith.constant 16 : i32
        %add3A_980 = vector.broadcast %add3A_979 : i32 to vector<16xi32>
        %add3A_981 = arith.addi %broadcast_in_dim3A_83, %add3A_980 : vector<16xi32>
        %select_n3A_982 = arith.select %lt3A_978, %add3A_981, %broadcast_in_dim3A_83 : vector<16xi1>, vector<16xi32>
        %broadcast_in_dim3A_983 = vector.shape_cast %select_n3A_982 : vector<16xi32> to vector<16x1xi32>
        %gather3A_984 = vector.shape_cast %broadcast_in_dim3A_983 : vector<16x1xi32> to vector<16xi32>
        %gather3A_985 = tpu.dynamic_gather %add3A_975[%gather3A_984] in [0] : vector<16xf32>, vector<16xi32> -> vector<16xf32>
        %div3A_986 = arith.constant 1.000000e+00 : f32
        %div3A_987 = vector.broadcast %div3A_986 : f32 to vector<16xf32>
        %div3A_988 = arith.divf %div3A_987, %gather3A_985 : vector<16xf32>
        %mul3A_989 = arith.mulf %add3A_933, %div3A_988 : vector<16xf32>
        tpu.vector_store_idx %arg28[%min3A_64], %mul3A_989 : memref<80xf32, #tpu.memory_space<vmem>>[vector<16xi32>], vector<16xf32>,
        %mul3A_990 = arith.mulf %add3A_947, %div3A_988 : vector<16xf32>
        tpu.vector_store_idx %arg28[%min3A_70], %mul3A_990 : memref<80xf32, #tpu.memory_space<vmem>>[vector<16xi32>], vector<16xf32>,
        %mul3A_991 = arith.mulf %add3A_961, %div3A_988 : vector<16xf32>
        tpu.vector_store_idx %arg28[%min3A_76], %mul3A_991 : memref<80xf32, #tpu.memory_space<vmem>>[vector<16xi32>], vector<16xf32>,
        %mul3A_992 = arith.mulf %add3A_975, %div3A_988 : vector<16xf32>
        tpu.vector_store_idx %arg28[%min3A_82], %mul3A_992 : memref<80xf32, #tpu.memory_space<vmem>>[vector<16xi32>], vector<16xf32>,
        %gather3A_993 = tpu.vector_load_idx %arg18[%broadcast_in_dim3A_869, %add3A_3] : memref<32x64xf32, #tpu.memory_space<vmem>>[vector<16xi32>, vector<16xi32>], vector<16xf32>,
        %add3A_994 = arith.constant 32 : i32
        %add3A_995 = vector.broadcast %add3A_994 : i32 to vector<16xi32>
        %add3A_996 = arith.addi %broadcast_in_dim3A_87, %add3A_995 : vector<16xi32>
        %gather3A_997 = tpu.vector_load_idx %arg28[%add3A_996] : memref<80xf32, #tpu.memory_space<vmem>>[vector<16xi32>], vector<16xf32>,
        %le3A_998 = arith.cmpf ole, %gather3A_997, %gather3A_993 : vector<16xf32>
        %select_n3A_999 = arith.select %le3A_998, %add3A_996, %broadcast_in_dim3A_87 : vector<16xi1>, vector<16xi32>
        %add3A_1000 = arith.constant 16 : i32
        %add3A_1001 = vector.broadcast %add3A_1000 : i32 to vector<16xi32>
        %add3A_1002 = arith.addi %select_n3A_999, %add3A_1001 : vector<16xi32>
        %gather3A_1003 = tpu.vector_load_idx %arg28[%add3A_1002] : memref<80xf32, #tpu.memory_space<vmem>>[vector<16xi32>], vector<16xf32>,
        %le3A_1004 = arith.cmpf ole, %gather3A_1003, %gather3A_993 : vector<16xf32>
        %select_n3A_1005 = arith.select %le3A_1004, %add3A_1002, %select_n3A_999 : vector<16xi1>, vector<16xi32>
        %add3A_1006 = arith.constant 8 : i32
        %add3A_1007 = vector.broadcast %add3A_1006 : i32 to vector<16xi32>
        %add3A_1008 = arith.addi %select_n3A_1005, %add3A_1007 : vector<16xi32>
        %gather3A_1009 = tpu.vector_load_idx %arg28[%add3A_1008] : memref<80xf32, #tpu.memory_space<vmem>>[vector<16xi32>], vector<16xf32>,
        %le3A_1010 = arith.cmpf ole, %gather3A_1009, %gather3A_993 : vector<16xf32>
        %select_n3A_1011 = arith.select %le3A_1010, %add3A_1008, %select_n3A_1005 : vector<16xi1>, vector<16xi32>
        %add3A_1012 = arith.constant 4 : i32
        %add3A_1013 = vector.broadcast %add3A_1012 : i32 to vector<16xi32>
        %add3A_1014 = arith.addi %select_n3A_1011, %add3A_1013 : vector<16xi32>
        %gather3A_1015 = tpu.vector_load_idx %arg28[%add3A_1014] : memref<80xf32, #tpu.memory_space<vmem>>[vector<16xi32>], vector<16xf32>,
        %le3A_1016 = arith.cmpf ole, %gather3A_1015, %gather3A_993 : vector<16xf32>
        %select_n3A_1017 = arith.select %le3A_1016, %add3A_1014, %select_n3A_1011 : vector<16xi1>, vector<16xi32>
        %add3A_1018 = arith.constant 2 : i32
        %add3A_1019 = vector.broadcast %add3A_1018 : i32 to vector<16xi32>
        %add3A_1020 = arith.addi %select_n3A_1017, %add3A_1019 : vector<16xi32>
        %min3A_1021 = arith.constant 61 : i32
        %min3A_1022 = vector.broadcast %min3A_1021 : i32 to vector<16xi32>
        %min3A_1023 = arith.minsi %add3A_1020, %min3A_1022 : vector<16xi32>
        %gather3A_1024 = tpu.vector_load_idx %arg28[%min3A_1023] : memref<80xf32, #tpu.memory_space<vmem>>[vector<16xi32>], vector<16xf32>,
        %le3A_1025 = arith.cmpf ole, %gather3A_1024, %gather3A_993 : vector<16xf32>
        %le3A_1026 = arith.constant 61 : i32
        %le3A_1027 = vector.broadcast %le3A_1026 : i32 to vector<16xi32>
        %le3A_1028 = arith.cmpi sle, %add3A_1020, %le3A_1027 : vector<16xi32>
        %and3A_1029 = arith.andi %le3A_1025, %le3A_1028 : vector<16xi1>
        %select_n3A_1030 = arith.select %and3A_1029, %add3A_1020, %select_n3A_1017 : vector<16xi1>, vector<16xi32>
        %add3A_1031 = arith.constant 1 : i32
        %add3A_1032 = vector.broadcast %add3A_1031 : i32 to vector<16xi32>
        %add3A_1033 = arith.addi %select_n3A_1030, %add3A_1032 : vector<16xi32>
        %min3A_1034 = arith.constant 61 : i32
        %min3A_1035 = vector.broadcast %min3A_1034 : i32 to vector<16xi32>
        %min3A_1036 = arith.minsi %add3A_1033, %min3A_1035 : vector<16xi32>
        %gather3A_1037 = tpu.vector_load_idx %arg28[%min3A_1036] : memref<80xf32, #tpu.memory_space<vmem>>[vector<16xi32>], vector<16xf32>,
        %le3A_1038 = arith.cmpf ole, %gather3A_1037, %gather3A_993 : vector<16xf32>
        %le3A_1039 = arith.constant 61 : i32
        %le3A_1040 = vector.broadcast %le3A_1039 : i32 to vector<16xi32>
        %le3A_1041 = arith.cmpi sle, %add3A_1033, %le3A_1040 : vector<16xi32>
        %and3A_1042 = arith.andi %le3A_1038, %le3A_1041 : vector<16xi1>
        %select_n3A_1043 = arith.select %and3A_1042, %add3A_1033, %select_n3A_1030 : vector<16xi1>, vector<16xi32>
        %gather3A_1044 = tpu.vector_load_idx %arg28[%select_n3A_1043] : memref<80xf32, #tpu.memory_space<vmem>>[vector<16xi32>], vector<16xf32>,
        %add3A_1045 = arith.constant 1 : i32
        %add3A_1046 = vector.broadcast %add3A_1045 : i32 to vector<16xi32>
        %add3A_1047 = arith.addi %select_n3A_1043, %add3A_1046 : vector<16xi32>
        %gather3A_1048 = tpu.vector_load_idx %arg28[%add3A_1047] : memref<80xf32, #tpu.memory_space<vmem>>[vector<16xi32>], vector<16xf32>,
        %gather3A_1049 = tpu.vector_load_idx %arg30[%select_n3A_1043] : memref<80xf32, #tpu.memory_space<vmem>>[vector<16xi32>], vector<16xf32>,
        %add3A_1050 = arith.constant 1 : i32
        %add3A_1051 = vector.broadcast %add3A_1050 : i32 to vector<16xi32>
        %add3A_1052 = arith.addi %select_n3A_1043, %add3A_1051 : vector<16xi32>
        %gather3A_1053 = tpu.vector_load_idx %arg30[%add3A_1052] : memref<80xf32, #tpu.memory_space<vmem>>[vector<16xi32>], vector<16xf32>,
        %sub3A_1054 = arith.subf %gather3A_1048, %gather3A_1044 : vector<16xf32>
        %lt3A_1055 = arith.constant 9.99999997E-7 : f32
        %lt3A_1056 = vector.broadcast %lt3A_1055 : f32 to vector<16xf32>
        %lt3A_1057 = arith.cmpf olt, %sub3A_1054, %lt3A_1056 : vector<16xf32>
        %jit3A_1058 = arith.constant 1.000000e+00 : f32
        %broadcast_in_dim3A_1059 = vector.broadcast %jit3A_1058 : f32 to vector<16xf32>
        %select_n3A_1060 = arith.select %lt3A_1057, %broadcast_in_dim3A_1059, %sub3A_1054 : vector<16xi1>, vector<16xf32>
        %sub3A_1061 = arith.subf %gather3A_993, %gather3A_1044 : vector<16xf32>
        %div3A_1062 = arith.divf %sub3A_1061, %select_n3A_1060 : vector<16xf32>
        %sub3A_1063 = arith.subf %gather3A_1053, %gather3A_1049 : vector<16xf32>
        %add3A_1064 = arith.constant 9.99999997E-7 : f32
        %add3A_1065 = vector.broadcast %add3A_1064 : f32 to vector<16xf32>
        %add3A_1066 = arith.addf %sub3A_1063, %add3A_1065 : vector<16xf32>
        %mul3A_1067 = arith.mulf %div3A_1062, %add3A_1066 : vector<16xf32>
        %add3A_1068 = arith.addf %gather3A_1049, %mul3A_1067 : vector<16xf32>
        %gather3A_1069 = tpu.vector_load_idx %arg18[%broadcast_in_dim3A_869, %add3A_6] : memref<32x64xf32, #tpu.memory_space<vmem>>[vector<16xi32>, vector<16xi32>], vector<16xf32>,
        %add3A_1070 = arith.constant 32 : i32
        %add3A_1071 = vector.broadcast %add3A_1070 : i32 to vector<16xi32>
        %add3A_1072 = arith.addi %broadcast_in_dim3A_87, %add3A_1071 : vector<16xi32>
        %gather3A_1073 = tpu.vector_load_idx %arg28[%add3A_1072] : memref<80xf32, #tpu.memory_space<vmem>>[vector<16xi32>], vector<16xf32>,
        %le3A_1074 = arith.cmpf ole, %gather3A_1073, %gather3A_1069 : vector<16xf32>
        %select_n3A_1075 = arith.select %le3A_1074, %add3A_1072, %broadcast_in_dim3A_87 : vector<16xi1>, vector<16xi32>
        %add3A_1076 = arith.constant 16 : i32
        %add3A_1077 = vector.broadcast %add3A_1076 : i32 to vector<16xi32>
        %add3A_1078 = arith.addi %select_n3A_1075, %add3A_1077 : vector<16xi32>
        %gather3A_1079 = tpu.vector_load_idx %arg28[%add3A_1078] : memref<80xf32, #tpu.memory_space<vmem>>[vector<16xi32>], vector<16xf32>,
        %le3A_1080 = arith.cmpf ole, %gather3A_1079, %gather3A_1069 : vector<16xf32>
        %select_n3A_1081 = arith.select %le3A_1080, %add3A_1078, %select_n3A_1075 : vector<16xi1>, vector<16xi32>
        %add3A_1082 = arith.constant 8 : i32
        %add3A_1083 = vector.broadcast %add3A_1082 : i32 to vector<16xi32>
        %add3A_1084 = arith.addi %select_n3A_1081, %add3A_1083 : vector<16xi32>
        %gather3A_1085 = tpu.vector_load_idx %arg28[%add3A_1084] : memref<80xf32, #tpu.memory_space<vmem>>[vector<16xi32>], vector<16xf32>,
        %le3A_1086 = arith.cmpf ole, %gather3A_1085, %gather3A_1069 : vector<16xf32>
        %select_n3A_1087 = arith.select %le3A_1086, %add3A_1084, %select_n3A_1081 : vector<16xi1>, vector<16xi32>
        %add3A_1088 = arith.constant 4 : i32
        %add3A_1089 = vector.broadcast %add3A_1088 : i32 to vector<16xi32>
        %add3A_1090 = arith.addi %select_n3A_1087, %add3A_1089 : vector<16xi32>
        %gather3A_1091 = tpu.vector_load_idx %arg28[%add3A_1090] : memref<80xf32, #tpu.memory_space<vmem>>[vector<16xi32>], vector<16xf32>,
        %le3A_1092 = arith.cmpf ole, %gather3A_1091, %gather3A_1069 : vector<16xf32>
        %select_n3A_1093 = arith.select %le3A_1092, %add3A_1090, %select_n3A_1087 : vector<16xi1>, vector<16xi32>
        %add3A_1094 = arith.constant 2 : i32
        %add3A_1095 = vector.broadcast %add3A_1094 : i32 to vector<16xi32>
        %add3A_1096 = arith.addi %select_n3A_1093, %add3A_1095 : vector<16xi32>
        %min3A_1097 = arith.constant 61 : i32
        %min3A_1098 = vector.broadcast %min3A_1097 : i32 to vector<16xi32>
        %min3A_1099 = arith.minsi %add3A_1096, %min3A_1098 : vector<16xi32>
        %gather3A_1100 = tpu.vector_load_idx %arg28[%min3A_1099] : memref<80xf32, #tpu.memory_space<vmem>>[vector<16xi32>], vector<16xf32>,
        %le3A_1101 = arith.cmpf ole, %gather3A_1100, %gather3A_1069 : vector<16xf32>
        %le3A_1102 = arith.constant 61 : i32
        %le3A_1103 = vector.broadcast %le3A_1102 : i32 to vector<16xi32>
        %le3A_1104 = arith.cmpi sle, %add3A_1096, %le3A_1103 : vector<16xi32>
        %and3A_1105 = arith.andi %le3A_1101, %le3A_1104 : vector<16xi1>
        %select_n3A_1106 = arith.select %and3A_1105, %add3A_1096, %select_n3A_1093 : vector<16xi1>, vector<16xi32>
        %add3A_1107 = arith.constant 1 : i32
        %add3A_1108 = vector.broadcast %add3A_1107 : i32 to vector<16xi32>
        %add3A_1109 = arith.addi %select_n3A_1106, %add3A_1108 : vector<16xi32>
        %min3A_1110 = arith.constant 61 : i32
        %min3A_1111 = vector.broadcast %min3A_1110 : i32 to vector<16xi32>
        %min3A_1112 = arith.minsi %add3A_1109, %min3A_1111 : vector<16xi32>
        %gather3A_1113 = tpu.vector_load_idx %arg28[%min3A_1112] : memref<80xf32, #tpu.memory_space<vmem>>[vector<16xi32>], vector<16xf32>,
        %le3A_1114 = arith.cmpf ole, %gather3A_1113, %gather3A_1069 : vector<16xf32>
        %le3A_1115 = arith.constant 61 : i32
        %le3A_1116 = vector.broadcast %le3A_1115 : i32 to vector<16xi32>
        %le3A_1117 = arith.cmpi sle, %add3A_1109, %le3A_1116 : vector<16xi32>
        %and3A_1118 = arith.andi %le3A_1114, %le3A_1117 : vector<16xi1>
        %select_n3A_1119 = arith.select %and3A_1118, %add3A_1109, %select_n3A_1106 : vector<16xi1>, vector<16xi32>
        %gather3A_1120 = tpu.vector_load_idx %arg28[%select_n3A_1119] : memref<80xf32, #tpu.memory_space<vmem>>[vector<16xi32>], vector<16xf32>,
        %add3A_1121 = arith.constant 1 : i32
        %add3A_1122 = vector.broadcast %add3A_1121 : i32 to vector<16xi32>
        %add3A_1123 = arith.addi %select_n3A_1119, %add3A_1122 : vector<16xi32>
        %gather3A_1124 = tpu.vector_load_idx %arg28[%add3A_1123] : memref<80xf32, #tpu.memory_space<vmem>>[vector<16xi32>], vector<16xf32>,
        %gather3A_1125 = tpu.vector_load_idx %arg30[%select_n3A_1119] : memref<80xf32, #tpu.memory_space<vmem>>[vector<16xi32>], vector<16xf32>,
        %add3A_1126 = arith.constant 1 : i32
        %add3A_1127 = vector.broadcast %add3A_1126 : i32 to vector<16xi32>
        %add3A_1128 = arith.addi %select_n3A_1119, %add3A_1127 : vector<16xi32>
        %gather3A_1129 = tpu.vector_load_idx %arg30[%add3A_1128] : memref<80xf32, #tpu.memory_space<vmem>>[vector<16xi32>], vector<16xf32>,
        %sub3A_1130 = arith.subf %gather3A_1124, %gather3A_1120 : vector<16xf32>
        %lt3A_1131 = arith.constant 9.99999997E-7 : f32
        %lt3A_1132 = vector.broadcast %lt3A_1131 : f32 to vector<16xf32>
        %lt3A_1133 = arith.cmpf olt, %sub3A_1130, %lt3A_1132 : vector<16xf32>
        %jit3A_1134 = arith.constant 1.000000e+00 : f32
        %broadcast_in_dim3A_1135 = vector.broadcast %jit3A_1134 : f32 to vector<16xf32>
        %select_n3A_1136 = arith.select %lt3A_1133, %broadcast_in_dim3A_1135, %sub3A_1130 : vector<16xi1>, vector<16xf32>
        %sub3A_1137 = arith.subf %gather3A_1069, %gather3A_1120 : vector<16xf32>
        %div3A_1138 = arith.divf %sub3A_1137, %select_n3A_1136 : vector<16xf32>
        %sub3A_1139 = arith.subf %gather3A_1129, %gather3A_1125 : vector<16xf32>
        %add3A_1140 = arith.constant 9.99999997E-7 : f32
        %add3A_1141 = vector.broadcast %add3A_1140 : f32 to vector<16xf32>
        %add3A_1142 = arith.addf %sub3A_1139, %add3A_1141 : vector<16xf32>
        %mul3A_1143 = arith.mulf %div3A_1138, %add3A_1142 : vector<16xf32>
        %add3A_1144 = arith.addf %gather3A_1125, %mul3A_1143 : vector<16xf32>
        %gather3A_1145 = tpu.vector_load_idx %arg18[%broadcast_in_dim3A_869, %add3A_9] : memref<32x64xf32, #tpu.memory_space<vmem>>[vector<16xi32>, vector<16xi32>], vector<16xf32>,
        %add3A_1146 = arith.constant 32 : i32
        %add3A_1147 = vector.broadcast %add3A_1146 : i32 to vector<16xi32>
        %add3A_1148 = arith.addi %broadcast_in_dim3A_87, %add3A_1147 : vector<16xi32>
        %gather3A_1149 = tpu.vector_load_idx %arg28[%add3A_1148] : memref<80xf32, #tpu.memory_space<vmem>>[vector<16xi32>], vector<16xf32>,
        %le3A_1150 = arith.cmpf ole, %gather3A_1149, %gather3A_1145 : vector<16xf32>
        %select_n3A_1151 = arith.select %le3A_1150, %add3A_1148, %broadcast_in_dim3A_87 : vector<16xi1>, vector<16xi32>
        %add3A_1152 = arith.constant 16 : i32
        %add3A_1153 = vector.broadcast %add3A_1152 : i32 to vector<16xi32>
        %add3A_1154 = arith.addi %select_n3A_1151, %add3A_1153 : vector<16xi32>
        %gather3A_1155 = tpu.vector_load_idx %arg28[%add3A_1154] : memref<80xf32, #tpu.memory_space<vmem>>[vector<16xi32>], vector<16xf32>,
        %le3A_1156 = arith.cmpf ole, %gather3A_1155, %gather3A_1145 : vector<16xf32>
        %select_n3A_1157 = arith.select %le3A_1156, %add3A_1154, %select_n3A_1151 : vector<16xi1>, vector<16xi32>
        %add3A_1158 = arith.constant 8 : i32
        %add3A_1159 = vector.broadcast %add3A_1158 : i32 to vector<16xi32>
        %add3A_1160 = arith.addi %select_n3A_1157, %add3A_1159 : vector<16xi32>
        %gather3A_1161 = tpu.vector_load_idx %arg28[%add3A_1160] : memref<80xf32, #tpu.memory_space<vmem>>[vector<16xi32>], vector<16xf32>,
        %le3A_1162 = arith.cmpf ole, %gather3A_1161, %gather3A_1145 : vector<16xf32>
        %select_n3A_1163 = arith.select %le3A_1162, %add3A_1160, %select_n3A_1157 : vector<16xi1>, vector<16xi32>
        %add3A_1164 = arith.constant 4 : i32
        %add3A_1165 = vector.broadcast %add3A_1164 : i32 to vector<16xi32>
        %add3A_1166 = arith.addi %select_n3A_1163, %add3A_1165 : vector<16xi32>
        %gather3A_1167 = tpu.vector_load_idx %arg28[%add3A_1166] : memref<80xf32, #tpu.memory_space<vmem>>[vector<16xi32>], vector<16xf32>,
        %le3A_1168 = arith.cmpf ole, %gather3A_1167, %gather3A_1145 : vector<16xf32>
        %select_n3A_1169 = arith.select %le3A_1168, %add3A_1166, %select_n3A_1163 : vector<16xi1>, vector<16xi32>
        %add3A_1170 = arith.constant 2 : i32
        %add3A_1171 = vector.broadcast %add3A_1170 : i32 to vector<16xi32>
        %add3A_1172 = arith.addi %select_n3A_1169, %add3A_1171 : vector<16xi32>
        %min3A_1173 = arith.constant 61 : i32
        %min3A_1174 = vector.broadcast %min3A_1173 : i32 to vector<16xi32>
        %min3A_1175 = arith.minsi %add3A_1172, %min3A_1174 : vector<16xi32>
        %gather3A_1176 = tpu.vector_load_idx %arg28[%min3A_1175] : memref<80xf32, #tpu.memory_space<vmem>>[vector<16xi32>], vector<16xf32>,
        %le3A_1177 = arith.cmpf ole, %gather3A_1176, %gather3A_1145 : vector<16xf32>
        %le3A_1178 = arith.constant 61 : i32
        %le3A_1179 = vector.broadcast %le3A_1178 : i32 to vector<16xi32>
        %le3A_1180 = arith.cmpi sle, %add3A_1172, %le3A_1179 : vector<16xi32>
        %and3A_1181 = arith.andi %le3A_1177, %le3A_1180 : vector<16xi1>
        %select_n3A_1182 = arith.select %and3A_1181, %add3A_1172, %select_n3A_1169 : vector<16xi1>, vector<16xi32>
        %add3A_1183 = arith.constant 1 : i32
        %add3A_1184 = vector.broadcast %add3A_1183 : i32 to vector<16xi32>
        %add3A_1185 = arith.addi %select_n3A_1182, %add3A_1184 : vector<16xi32>
        %min3A_1186 = arith.constant 61 : i32
        %min3A_1187 = vector.broadcast %min3A_1186 : i32 to vector<16xi32>
        %min3A_1188 = arith.minsi %add3A_1185, %min3A_1187 : vector<16xi32>
        %gather3A_1189 = tpu.vector_load_idx %arg28[%min3A_1188] : memref<80xf32, #tpu.memory_space<vmem>>[vector<16xi32>], vector<16xf32>,
        %le3A_1190 = arith.cmpf ole, %gather3A_1189, %gather3A_1145 : vector<16xf32>
        %le3A_1191 = arith.constant 61 : i32
        %le3A_1192 = vector.broadcast %le3A_1191 : i32 to vector<16xi32>
        %le3A_1193 = arith.cmpi sle, %add3A_1185, %le3A_1192 : vector<16xi32>
        %and3A_1194 = arith.andi %le3A_1190, %le3A_1193 : vector<16xi1>
        %select_n3A_1195 = arith.select %and3A_1194, %add3A_1185, %select_n3A_1182 : vector<16xi1>, vector<16xi32>
        %gather3A_1196 = tpu.vector_load_idx %arg28[%select_n3A_1195] : memref<80xf32, #tpu.memory_space<vmem>>[vector<16xi32>], vector<16xf32>,
        %add3A_1197 = arith.constant 1 : i32
        %add3A_1198 = vector.broadcast %add3A_1197 : i32 to vector<16xi32>
        %add3A_1199 = arith.addi %select_n3A_1195, %add3A_1198 : vector<16xi32>
        %gather3A_1200 = tpu.vector_load_idx %arg28[%add3A_1199] : memref<80xf32, #tpu.memory_space<vmem>>[vector<16xi32>], vector<16xf32>,
        %gather3A_1201 = tpu.vector_load_idx %arg30[%select_n3A_1195] : memref<80xf32, #tpu.memory_space<vmem>>[vector<16xi32>], vector<16xf32>,
        %add3A_1202 = arith.constant 1 : i32
        %add3A_1203 = vector.broadcast %add3A_1202 : i32 to vector<16xi32>
        %add3A_1204 = arith.addi %select_n3A_1195, %add3A_1203 : vector<16xi32>
        %gather3A_1205 = tpu.vector_load_idx %arg30[%add3A_1204] : memref<80xf32, #tpu.memory_space<vmem>>[vector<16xi32>], vector<16xf32>,
        %sub3A_1206 = arith.subf %gather3A_1200, %gather3A_1196 : vector<16xf32>
        %lt3A_1207 = arith.constant 9.99999997E-7 : f32
        %lt3A_1208 = vector.broadcast %lt3A_1207 : f32 to vector<16xf32>
        %lt3A_1209 = arith.cmpf olt, %sub3A_1206, %lt3A_1208 : vector<16xf32>
        %jit3A_1210 = arith.constant 1.000000e+00 : f32
        %broadcast_in_dim3A_1211 = vector.broadcast %jit3A_1210 : f32 to vector<16xf32>
        %select_n3A_1212 = arith.select %lt3A_1209, %broadcast_in_dim3A_1211, %sub3A_1206 : vector<16xi1>, vector<16xf32>
        %sub3A_1213 = arith.subf %gather3A_1145, %gather3A_1196 : vector<16xf32>
        %div3A_1214 = arith.divf %sub3A_1213, %select_n3A_1212 : vector<16xf32>
        %sub3A_1215 = arith.subf %gather3A_1205, %gather3A_1201 : vector<16xf32>
        %add3A_1216 = arith.constant 9.99999997E-7 : f32
        %add3A_1217 = vector.broadcast %add3A_1216 : f32 to vector<16xf32>
        %add3A_1218 = arith.addf %sub3A_1215, %add3A_1217 : vector<16xf32>
        %mul3A_1219 = arith.mulf %div3A_1214, %add3A_1218 : vector<16xf32>
        %add3A_1220 = arith.addf %gather3A_1201, %mul3A_1219 : vector<16xf32>
        %gather3A_1221 = tpu.vector_load_idx %arg18[%broadcast_in_dim3A_869, %add3A_12] : memref<32x64xf32, #tpu.memory_space<vmem>>[vector<16xi32>, vector<16xi32>], vector<16xf32>,
        %add3A_1222 = arith.constant 32 : i32
        %add3A_1223 = vector.broadcast %add3A_1222 : i32 to vector<16xi32>
        %add3A_1224 = arith.addi %broadcast_in_dim3A_87, %add3A_1223 : vector<16xi32>
        %gather3A_1225 = tpu.vector_load_idx %arg28[%add3A_1224] : memref<80xf32, #tpu.memory_space<vmem>>[vector<16xi32>], vector<16xf32>,
        %le3A_1226 = arith.cmpf ole, %gather3A_1225, %gather3A_1221 : vector<16xf32>
        %select_n3A_1227 = arith.select %le3A_1226, %add3A_1224, %broadcast_in_dim3A_87 : vector<16xi1>, vector<16xi32>
        %add3A_1228 = arith.constant 16 : i32
        %add3A_1229 = vector.broadcast %add3A_1228 : i32 to vector<16xi32>
        %add3A_1230 = arith.addi %select_n3A_1227, %add3A_1229 : vector<16xi32>
        %gather3A_1231 = tpu.vector_load_idx %arg28[%add3A_1230] : memref<80xf32, #tpu.memory_space<vmem>>[vector<16xi32>], vector<16xf32>,
        %le3A_1232 = arith.cmpf ole, %gather3A_1231, %gather3A_1221 : vector<16xf32>
        %select_n3A_1233 = arith.select %le3A_1232, %add3A_1230, %select_n3A_1227 : vector<16xi1>, vector<16xi32>
        %add3A_1234 = arith.constant 8 : i32
        %add3A_1235 = vector.broadcast %add3A_1234 : i32 to vector<16xi32>
        %add3A_1236 = arith.addi %select_n3A_1233, %add3A_1235 : vector<16xi32>
        %gather3A_1237 = tpu.vector_load_idx %arg28[%add3A_1236] : memref<80xf32, #tpu.memory_space<vmem>>[vector<16xi32>], vector<16xf32>,
        %le3A_1238 = arith.cmpf ole, %gather3A_1237, %gather3A_1221 : vector<16xf32>
        %select_n3A_1239 = arith.select %le3A_1238, %add3A_1236, %select_n3A_1233 : vector<16xi1>, vector<16xi32>
        %add3A_1240 = arith.constant 4 : i32
        %add3A_1241 = vector.broadcast %add3A_1240 : i32 to vector<16xi32>
        %add3A_1242 = arith.addi %select_n3A_1239, %add3A_1241 : vector<16xi32>
        %gather3A_1243 = tpu.vector_load_idx %arg28[%add3A_1242] : memref<80xf32, #tpu.memory_space<vmem>>[vector<16xi32>], vector<16xf32>,
        %le3A_1244 = arith.cmpf ole, %gather3A_1243, %gather3A_1221 : vector<16xf32>
        %select_n3A_1245 = arith.select %le3A_1244, %add3A_1242, %select_n3A_1239 : vector<16xi1>, vector<16xi32>
        %add3A_1246 = arith.constant 2 : i32
        %add3A_1247 = vector.broadcast %add3A_1246 : i32 to vector<16xi32>
        %add3A_1248 = arith.addi %select_n3A_1245, %add3A_1247 : vector<16xi32>
        %min3A_1249 = arith.constant 61 : i32
        %min3A_1250 = vector.broadcast %min3A_1249 : i32 to vector<16xi32>
        %min3A_1251 = arith.minsi %add3A_1248, %min3A_1250 : vector<16xi32>
        %gather3A_1252 = tpu.vector_load_idx %arg28[%min3A_1251] : memref<80xf32, #tpu.memory_space<vmem>>[vector<16xi32>], vector<16xf32>,
        %le3A_1253 = arith.cmpf ole, %gather3A_1252, %gather3A_1221 : vector<16xf32>
        %le3A_1254 = arith.constant 61 : i32
        %le3A_1255 = vector.broadcast %le3A_1254 : i32 to vector<16xi32>
        %le3A_1256 = arith.cmpi sle, %add3A_1248, %le3A_1255 : vector<16xi32>
        %and3A_1257 = arith.andi %le3A_1253, %le3A_1256 : vector<16xi1>
        %select_n3A_1258 = arith.select %and3A_1257, %add3A_1248, %select_n3A_1245 : vector<16xi1>, vector<16xi32>
        %add3A_1259 = arith.constant 1 : i32
        %add3A_1260 = vector.broadcast %add3A_1259 : i32 to vector<16xi32>
        %add3A_1261 = arith.addi %select_n3A_1258, %add3A_1260 : vector<16xi32>
        %min3A_1262 = arith.constant 61 : i32
        %min3A_1263 = vector.broadcast %min3A_1262 : i32 to vector<16xi32>
        %min3A_1264 = arith.minsi %add3A_1261, %min3A_1263 : vector<16xi32>
        %gather3A_1265 = tpu.vector_load_idx %arg28[%min3A_1264] : memref<80xf32, #tpu.memory_space<vmem>>[vector<16xi32>], vector<16xf32>,
        %le3A_1266 = arith.cmpf ole, %gather3A_1265, %gather3A_1221 : vector<16xf32>
        %le3A_1267 = arith.constant 61 : i32
        %le3A_1268 = vector.broadcast %le3A_1267 : i32 to vector<16xi32>
        %le3A_1269 = arith.cmpi sle, %add3A_1261, %le3A_1268 : vector<16xi32>
        %and3A_1270 = arith.andi %le3A_1266, %le3A_1269 : vector<16xi1>
        %select_n3A_1271 = arith.select %and3A_1270, %add3A_1261, %select_n3A_1258 : vector<16xi1>, vector<16xi32>
        %gather3A_1272 = tpu.vector_load_idx %arg28[%select_n3A_1271] : memref<80xf32, #tpu.memory_space<vmem>>[vector<16xi32>], vector<16xf32>,
        %add3A_1273 = arith.constant 1 : i32
        %add3A_1274 = vector.broadcast %add3A_1273 : i32 to vector<16xi32>
        %add3A_1275 = arith.addi %select_n3A_1271, %add3A_1274 : vector<16xi32>
        %gather3A_1276 = tpu.vector_load_idx %arg28[%add3A_1275] : memref<80xf32, #tpu.memory_space<vmem>>[vector<16xi32>], vector<16xf32>,
        %gather3A_1277 = tpu.vector_load_idx %arg30[%select_n3A_1271] : memref<80xf32, #tpu.memory_space<vmem>>[vector<16xi32>], vector<16xf32>,
        %add3A_1278 = arith.constant 1 : i32
        %add3A_1279 = vector.broadcast %add3A_1278 : i32 to vector<16xi32>
        %add3A_1280 = arith.addi %select_n3A_1271, %add3A_1279 : vector<16xi32>
        %gather3A_1281 = tpu.vector_load_idx %arg30[%add3A_1280] : memref<80xf32, #tpu.memory_space<vmem>>[vector<16xi32>], vector<16xf32>,
        %sub3A_1282 = arith.subf %gather3A_1276, %gather3A_1272 : vector<16xf32>
        %lt3A_1283 = arith.constant 9.99999997E-7 : f32
        %lt3A_1284 = vector.broadcast %lt3A_1283 : f32 to vector<16xf32>
        %lt3A_1285 = arith.cmpf olt, %sub3A_1282, %lt3A_1284 : vector<16xf32>
        %jit3A_1286 = arith.constant 1.000000e+00 : f32
        %broadcast_in_dim3A_1287 = vector.broadcast %jit3A_1286 : f32 to vector<16xf32>
        %select_n3A_1288 = arith.select %lt3A_1285, %broadcast_in_dim3A_1287, %sub3A_1282 : vector<16xi1>, vector<16xf32>
        %sub3A_1289 = arith.subf %gather3A_1221, %gather3A_1272 : vector<16xf32>
        %div3A_1290 = arith.divf %sub3A_1289, %select_n3A_1288 : vector<16xf32>
        %sub3A_1291 = arith.subf %gather3A_1281, %gather3A_1277 : vector<16xf32>
        %add3A_1292 = arith.constant 9.99999997E-7 : f32
        %add3A_1293 = vector.broadcast %add3A_1292 : f32 to vector<16xf32>
        %add3A_1294 = arith.addf %sub3A_1291, %add3A_1293 : vector<16xf32>
        %mul3A_1295 = arith.mulf %div3A_1290, %add3A_1294 : vector<16xf32>
        %add3A_1296 = arith.addf %gather3A_1277, %mul3A_1295 : vector<16xf32>
        %sort3A_1297 = arith.constant dense<true> : vector<16xi1>
        %sort3A_1298, %sort3A_1299, %sort3A_1300 = tpu.sort %add3A_1068, %add3A_1068 masked %sort3A_1297 : (vector<16xf32>, vector<16xf32>, vector<16xi1>) -> (vector<16xi1>, vector<16xf32>, vector<16xf32>)
        %sort3A_1301 = arith.constant dense<true> : vector<16xi1>
        %sort3A_1302, %sort3A_1303, %sort3A_1304 = tpu.sort %add3A_1144, %add3A_1144 masked %sort3A_1301 : (vector<16xf32>, vector<16xf32>, vector<16xi1>) -> (vector<16xi1>, vector<16xf32>, vector<16xf32>)
        %sort3A_1305 = arith.constant dense<true> : vector<16xi1>
        %sort3A_1306, %sort3A_1307, %sort3A_1308 = tpu.sort %add3A_1220, %add3A_1220 masked %sort3A_1305 : (vector<16xf32>, vector<16xf32>, vector<16xi1>) -> (vector<16xi1>, vector<16xf32>, vector<16xf32>)
        %sort3A_1309 = arith.constant dense<true> : vector<16xi1>
        %sort3A_1310, %sort3A_1311, %sort3A_1312 = tpu.sort %add3A_1296, %add3A_1296 masked %sort3A_1309 : (vector<16xf32>, vector<16xf32>, vector<16xi1>) -> (vector<16xi1>, vector<16xf32>, vector<16xf32>)
        %rev3A_1313 = arith.constant 15 : i32
        %rev3A_1314 = vector.broadcast %rev3A_1313 : i32 to vector<16xi32>
        %rev3A_1315 = tpu.iota {dimensions = array<i32: 0>} : vector<16xi32>
        %rev3A_1316 = arith.subi %rev3A_1314, %rev3A_1315 : vector<16xi32>
        %rev3A_1317 = tpu.dynamic_gather %sort3A_1303[%rev3A_1316] in [0] : vector<16xf32>, vector<16xi32> -> vector<16xf32>
        %min3A_1318 = arith.minimumf %sort3A_1299, %rev3A_1317 : vector<16xf32>
        %max3A_1319 = arith.maximumf %sort3A_1299, %rev3A_1317 : vector<16xf32>
        %sort3A_1320 = arith.constant dense<true> : vector<16xi1>
        %sort3A_1321, %sort3A_1322, %sort3A_1323 = tpu.sort %min3A_1318, %min3A_1318 masked %sort3A_1320 : (vector<16xf32>, vector<16xf32>, vector<16xi1>) -> (vector<16xi1>, vector<16xf32>, vector<16xf32>)
        %sort3A_1324 = arith.constant dense<true> : vector<16xi1>
        %sort3A_1325, %sort3A_1326, %sort3A_1327 = tpu.sort %max3A_1319, %max3A_1319 masked %sort3A_1324 : (vector<16xf32>, vector<16xf32>, vector<16xi1>) -> (vector<16xi1>, vector<16xf32>, vector<16xf32>)
        %rev3A_1328 = arith.constant 15 : i32
        %rev3A_1329 = vector.broadcast %rev3A_1328 : i32 to vector<16xi32>
        %rev3A_1330 = tpu.iota {dimensions = array<i32: 0>} : vector<16xi32>
        %rev3A_1331 = arith.subi %rev3A_1329, %rev3A_1330 : vector<16xi32>
        %rev3A_1332 = tpu.dynamic_gather %sort3A_1311[%rev3A_1331] in [0] : vector<16xf32>, vector<16xi32> -> vector<16xf32>
        %min3A_1333 = arith.minimumf %sort3A_1307, %rev3A_1332 : vector<16xf32>
        %max3A_1334 = arith.maximumf %sort3A_1307, %rev3A_1332 : vector<16xf32>
        %sort3A_1335 = arith.constant dense<true> : vector<16xi1>
        %sort3A_1336, %sort3A_1337, %sort3A_1338 = tpu.sort %min3A_1333, %min3A_1333 masked %sort3A_1335 : (vector<16xf32>, vector<16xf32>, vector<16xi1>) -> (vector<16xi1>, vector<16xf32>, vector<16xf32>)
        %sort3A_1339 = arith.constant dense<true> : vector<16xi1>
        %sort3A_1340, %sort3A_1341, %sort3A_1342 = tpu.sort %max3A_1334, %max3A_1334 masked %sort3A_1339 : (vector<16xf32>, vector<16xf32>, vector<16xi1>) -> (vector<16xi1>, vector<16xf32>, vector<16xf32>)
        %rev3A_1343 = arith.constant 15 : i32
        %rev3A_1344 = vector.broadcast %rev3A_1343 : i32 to vector<16xi32>
        %rev3A_1345 = tpu.iota {dimensions = array<i32: 0>} : vector<16xi32>
        %rev3A_1346 = arith.subi %rev3A_1344, %rev3A_1345 : vector<16xi32>
        %rev3A_1347 = tpu.dynamic_gather %sort3A_1341[%rev3A_1346] in [0] : vector<16xf32>, vector<16xi32> -> vector<16xf32>
        %rev3A_1348 = arith.constant 15 : i32
        %rev3A_1349 = vector.broadcast %rev3A_1348 : i32 to vector<16xi32>
        %rev3A_1350 = tpu.iota {dimensions = array<i32: 0>} : vector<16xi32>
        %rev3A_1351 = arith.subi %rev3A_1349, %rev3A_1350 : vector<16xi32>
        %rev3A_1352 = tpu.dynamic_gather %sort3A_1337[%rev3A_1351] in [0] : vector<16xf32>, vector<16xi32> -> vector<16xf32>
        %min3A_1353 = arith.minimumf %sort3A_1322, %rev3A_1347 : vector<16xf32>
        %min3A_1354 = arith.minimumf %sort3A_1326, %rev3A_1352 : vector<16xf32>
        %max3A_1355 = arith.maximumf %sort3A_1322, %rev3A_1347 : vector<16xf32>
        %max3A_1356 = arith.maximumf %sort3A_1326, %rev3A_1352 : vector<16xf32>
        %min3A_1357 = arith.minimumf %min3A_1353, %min3A_1354 : vector<16xf32>
        %max3A_1358 = arith.maximumf %min3A_1353, %min3A_1354 : vector<16xf32>
        %sort3A_1359 = arith.constant dense<true> : vector<16xi1>
        %sort3A_1360, %sort3A_1361, %sort3A_1362 = tpu.sort %min3A_1357, %min3A_1357 masked %sort3A_1359 : (vector<16xf32>, vector<16xf32>, vector<16xi1>) -> (vector<16xi1>, vector<16xf32>, vector<16xf32>)
        %sort3A_1363 = arith.constant dense<true> : vector<16xi1>
        %sort3A_1364, %sort3A_1365, %sort3A_1366 = tpu.sort %max3A_1358, %max3A_1358 masked %sort3A_1363 : (vector<16xf32>, vector<16xf32>, vector<16xi1>) -> (vector<16xi1>, vector<16xf32>, vector<16xf32>)
        %min3A_1367 = arith.minimumf %max3A_1355, %max3A_1356 : vector<16xf32>
        %max3A_1368 = arith.maximumf %max3A_1355, %max3A_1356 : vector<16xf32>
        %sort3A_1369 = arith.constant dense<true> : vector<16xi1>
        %sort3A_1370, %sort3A_1371, %sort3A_1372 = tpu.sort %min3A_1367, %min3A_1367 masked %sort3A_1369 : (vector<16xf32>, vector<16xf32>, vector<16xi1>) -> (vector<16xi1>, vector<16xf32>, vector<16xf32>)
        %sort3A_1373 = arith.constant dense<true> : vector<16xi1>
        %sort3A_1374, %sort3A_1375, %sort3A_1376 = tpu.sort %max3A_1368, %max3A_1368 masked %sort3A_1373 : (vector<16xf32>, vector<16xf32>, vector<16xi1>) -> (vector<16xi1>, vector<16xf32>, vector<16xf32>)
        %rev3A_1377 = arith.constant 15 : i32
        %rev3A_1378 = vector.broadcast %rev3A_1377 : i32 to vector<16xi32>
        %rev3A_1379 = tpu.iota {dimensions = array<i32: 0>} : vector<16xi32>
        %rev3A_1380 = arith.subi %rev3A_1378, %rev3A_1379 : vector<16xi32>
        %rev3A_1381 = tpu.dynamic_gather %gather3A_873[%rev3A_1380] in [0] : vector<16xf32>, vector<16xi32> -> vector<16xf32>
        %rev3A_1382 = arith.constant 15 : i32
        %rev3A_1383 = vector.broadcast %rev3A_1382 : i32 to vector<16xi32>
        %rev3A_1384 = tpu.iota {dimensions = array<i32: 0>} : vector<16xi32>
        %rev3A_1385 = arith.subi %rev3A_1383, %rev3A_1384 : vector<16xi32>
        %rev3A_1386 = tpu.dynamic_gather %gather3A_872[%rev3A_1385] in [0] : vector<16xf32>, vector<16xi32> -> vector<16xf32>
        %rev3A_1387 = arith.constant 15 : i32
        %rev3A_1388 = vector.broadcast %rev3A_1387 : i32 to vector<16xi32>
        %rev3A_1389 = tpu.iota {dimensions = array<i32: 0>} : vector<16xi32>
        %rev3A_1390 = arith.subi %rev3A_1388, %rev3A_1389 : vector<16xi32>
        %rev3A_1391 = tpu.dynamic_gather %gather3A_871[%rev3A_1390] in [0] : vector<16xf32>, vector<16xi32> -> vector<16xf32>
        %rev3A_1392 = arith.constant 15 : i32
        %rev3A_1393 = vector.broadcast %rev3A_1392 : i32 to vector<16xi32>
        %rev3A_1394 = tpu.iota {dimensions = array<i32: 0>} : vector<16xi32>
        %rev3A_1395 = arith.subi %rev3A_1393, %rev3A_1394 : vector<16xi32>
        %rev3A_1396 = tpu.dynamic_gather %gather3A_870[%rev3A_1395] in [0] : vector<16xf32>, vector<16xi32> -> vector<16xf32>
        %min3A_1397 = arith.minimumf %sort3A_1361, %rev3A_1381 : vector<16xf32>
        %min3A_1398 = arith.minimumf %sort3A_1365, %rev3A_1386 : vector<16xf32>
        %min3A_1399 = arith.minimumf %sort3A_1371, %rev3A_1391 : vector<16xf32>
        %min3A_1400 = arith.minimumf %sort3A_1375, %rev3A_1396 : vector<16xf32>
        %max3A_1401 = arith.maximumf %sort3A_1361, %rev3A_1381 : vector<16xf32>
        %max3A_1402 = arith.maximumf %sort3A_1365, %rev3A_1386 : vector<16xf32>
        %max3A_1403 = arith.maximumf %sort3A_1371, %rev3A_1391 : vector<16xf32>
        %max3A_1404 = arith.maximumf %sort3A_1375, %rev3A_1396 : vector<16xf32>
        %min3A_1405 = arith.minimumf %min3A_1397, %min3A_1399 : vector<16xf32>
        %min3A_1406 = arith.minimumf %min3A_1398, %min3A_1400 : vector<16xf32>
        %max3A_1407 = arith.maximumf %min3A_1397, %min3A_1399 : vector<16xf32>
        %max3A_1408 = arith.maximumf %min3A_1398, %min3A_1400 : vector<16xf32>
        %min3A_1409 = arith.minimumf %min3A_1405, %min3A_1406 : vector<16xf32>
        %max3A_1410 = arith.maximumf %min3A_1405, %min3A_1406 : vector<16xf32>
        %sort3A_1411 = arith.constant dense<true> : vector<16xi1>
        %sort3A_1412, %sort3A_1413, %sort3A_1414 = tpu.sort %min3A_1409, %min3A_1409 masked %sort3A_1411 : (vector<16xf32>, vector<16xf32>, vector<16xi1>) -> (vector<16xi1>, vector<16xf32>, vector<16xf32>)
        %sort3A_1415 = arith.constant dense<true> : vector<16xi1>
        %sort3A_1416, %sort3A_1417, %sort3A_1418 = tpu.sort %max3A_1410, %max3A_1410 masked %sort3A_1415 : (vector<16xf32>, vector<16xf32>, vector<16xi1>) -> (vector<16xi1>, vector<16xf32>, vector<16xf32>)
        %min3A_1419 = arith.minimumf %max3A_1407, %max3A_1408 : vector<16xf32>
        %max3A_1420 = arith.maximumf %max3A_1407, %max3A_1408 : vector<16xf32>
        %sort3A_1421 = arith.constant dense<true> : vector<16xi1>
        %sort3A_1422, %sort3A_1423, %sort3A_1424 = tpu.sort %min3A_1419, %min3A_1419 masked %sort3A_1421 : (vector<16xf32>, vector<16xf32>, vector<16xi1>) -> (vector<16xi1>, vector<16xf32>, vector<16xf32>)
        %sort3A_1425 = arith.constant dense<true> : vector<16xi1>
        %sort3A_1426, %sort3A_1427, %sort3A_1428 = tpu.sort %max3A_1420, %max3A_1420 masked %sort3A_1425 : (vector<16xf32>, vector<16xf32>, vector<16xi1>) -> (vector<16xi1>, vector<16xf32>, vector<16xf32>)
        %min3A_1429 = arith.minimumf %max3A_1401, %max3A_1403 : vector<16xf32>
        %min3A_1430 = arith.minimumf %max3A_1402, %max3A_1404 : vector<16xf32>
        %max3A_1431 = arith.maximumf %max3A_1401, %max3A_1403 : vector<16xf32>
        %max3A_1432 = arith.maximumf %max3A_1402, %max3A_1404 : vector<16xf32>
        %min3A_1433 = arith.minimumf %min3A_1429, %min3A_1430 : vector<16xf32>
        %max3A_1434 = arith.maximumf %min3A_1429, %min3A_1430 : vector<16xf32>
        %sort3A_1435 = arith.constant dense<true> : vector<16xi1>
        %sort3A_1436, %sort3A_1437, %sort3A_1438 = tpu.sort %min3A_1433, %min3A_1433 masked %sort3A_1435 : (vector<16xf32>, vector<16xf32>, vector<16xi1>) -> (vector<16xi1>, vector<16xf32>, vector<16xf32>)
        %sort3A_1439 = arith.constant dense<true> : vector<16xi1>
        %sort3A_1440, %sort3A_1441, %sort3A_1442 = tpu.sort %max3A_1434, %max3A_1434 masked %sort3A_1439 : (vector<16xf32>, vector<16xf32>, vector<16xi1>) -> (vector<16xi1>, vector<16xf32>, vector<16xf32>)
        %min3A_1443 = arith.minimumf %max3A_1431, %max3A_1432 : vector<16xf32>
        %max3A_1444 = arith.maximumf %max3A_1431, %max3A_1432 : vector<16xf32>
        %sort3A_1445 = arith.constant dense<true> : vector<16xi1>
        %sort3A_1446, %sort3A_1447, %sort3A_1448 = tpu.sort %min3A_1443, %min3A_1443 masked %sort3A_1445 : (vector<16xf32>, vector<16xf32>, vector<16xi1>) -> (vector<16xi1>, vector<16xf32>, vector<16xf32>)
        %sort3A_1449 = arith.constant dense<true> : vector<16xi1>
        %sort3A_1450, %sort3A_1451, %sort3A_1452 = tpu.sort %max3A_1444, %max3A_1444 masked %sort3A_1449 : (vector<16xf32>, vector<16xf32>, vector<16xi1>) -> (vector<16xi1>, vector<16xf32>, vector<16xf32>)
        %add3A_1453 = arith.constant 0 : i32
        %add3A_1454 = vector.broadcast %add3A_1453 : i32 to vector<16xi32>
        %add3A_1455 = arith.addi %add3A_3, %add3A_1454 : vector<16xi32>
        tpu.vector_store_idx %arg22[%broadcast_in_dim3A_869, %add3A_1455], %sort3A_1413 : memref<32x128xf32, #tpu.memory_space<vmem>>[vector<16xi32>, vector<16xi32>], vector<16xf32>,
        %add3A_1456 = arith.constant 0 : i32
        %add3A_1457 = vector.broadcast %add3A_1456 : i32 to vector<16xi32>
        %add3A_1458 = arith.addi %add3A_6, %add3A_1457 : vector<16xi32>
        tpu.vector_store_idx %arg22[%broadcast_in_dim3A_869, %add3A_1458], %sort3A_1417 : memref<32x128xf32, #tpu.memory_space<vmem>>[vector<16xi32>, vector<16xi32>], vector<16xf32>,
        %add3A_1459 = arith.constant 0 : i32
        %add3A_1460 = vector.broadcast %add3A_1459 : i32 to vector<16xi32>
        %add3A_1461 = arith.addi %add3A_9, %add3A_1460 : vector<16xi32>
        tpu.vector_store_idx %arg22[%broadcast_in_dim3A_869, %add3A_1461], %sort3A_1423 : memref<32x128xf32, #tpu.memory_space<vmem>>[vector<16xi32>, vector<16xi32>], vector<16xf32>,
        %add3A_1462 = arith.constant 0 : i32
        %add3A_1463 = vector.broadcast %add3A_1462 : i32 to vector<16xi32>
        %add3A_1464 = arith.addi %add3A_12, %add3A_1463 : vector<16xi32>
        tpu.vector_store_idx %arg22[%broadcast_in_dim3A_869, %add3A_1464], %sort3A_1427 : memref<32x128xf32, #tpu.memory_space<vmem>>[vector<16xi32>, vector<16xi32>], vector<16xf32>,
        %add3A_1465 = arith.constant 64 : i32
        %add3A_1466 = vector.broadcast %add3A_1465 : i32 to vector<16xi32>
        %add3A_1467 = arith.addi %add3A_3, %add3A_1466 : vector<16xi32>
        tpu.vector_store_idx %arg22[%broadcast_in_dim3A_869, %add3A_1467], %sort3A_1437 : memref<32x128xf32, #tpu.memory_space<vmem>>[vector<16xi32>, vector<16xi32>], vector<16xf32>,
        %add3A_1468 = arith.constant 64 : i32
        %add3A_1469 = vector.broadcast %add3A_1468 : i32 to vector<16xi32>
        %add3A_1470 = arith.addi %add3A_6, %add3A_1469 : vector<16xi32>
        tpu.vector_store_idx %arg22[%broadcast_in_dim3A_869, %add3A_1470], %sort3A_1441 : memref<32x128xf32, #tpu.memory_space<vmem>>[vector<16xi32>, vector<16xi32>], vector<16xf32>,
        %add3A_1471 = arith.constant 64 : i32
        %add3A_1472 = vector.broadcast %add3A_1471 : i32 to vector<16xi32>
        %add3A_1473 = arith.addi %add3A_9, %add3A_1472 : vector<16xi32>
        tpu.vector_store_idx %arg22[%broadcast_in_dim3A_869, %add3A_1473], %sort3A_1447 : memref<32x128xf32, #tpu.memory_space<vmem>>[vector<16xi32>, vector<16xi32>], vector<16xf32>,
        %add3A_1474 = arith.constant 64 : i32
        %add3A_1475 = vector.broadcast %add3A_1474 : i32 to vector<16xi32>
        %add3A_1476 = arith.addi %add3A_12, %add3A_1475 : vector<16xi32>
        tpu.vector_store_idx %arg22[%broadcast_in_dim3A_869, %add3A_1476], %sort3A_1451 : memref<32x128xf32, #tpu.memory_space<vmem>>[vector<16xi32>, vector<16xi32>], vector<16xf32>,
      }
      %scan3A_249 = arith.constant 16 : i32
      %mul3A_250 = arith.constant 2048 : i32
      %mul3A_251 = arith.muli %add3A, %mul3A_250 : i32
      %mul3A_252 = arith.constant 32 : i32
      %mul3A_253 = arith.muli %add3A_206, %mul3A_252 : i32
      %add3A_254 = arith.addi %mul3A_251, %mul3A_253 : i32
      %dma_start3A_255 = arith.constant 0 : i32
      %dma_start3A_256 = tpu.memref_slice %arg7[%add3A_254, %dma_start3A_255] : memref<65536x384xf32, #tpu.memory_space<hbm>> -> memref<32x384xf32, #tpu.memory_space<hbm>>
      %dma_start3A_257 = arith.constant 0 : i32
      %dma_start3A_258 = tpu.memref_slice %arg7[%add3A_254, %dma_start3A_257] : memref<65536x384xf32, #tpu.memory_space<hbm>> -> memref<32x384xf32, #tpu.memory_space<hbm>>
      tpu.enqueue_dma source(%arg21 : memref<32x384xf32, #tpu.memory_space<vmem>>) target(%dma_start3A_258 : memref<32x384xf32, #tpu.memory_space<hbm>>) target_semaphore(%arg26 : memref<!tpu.dma_semaphore, #tpu.memory_space<semaphore_mem>>)
      %dma_start3A_259 = arith.constant 0 : i32
      %dma_start3A_260 = tpu.memref_slice %arg8[%add3A_254, %dma_start3A_259] : memref<65536x128xf32, #tpu.memory_space<hbm>> -> memref<32x128xf32, #tpu.memory_space<hbm>>
      %dma_start3A_261 = arith.constant 0 : i32
      %dma_start3A_262 = tpu.memref_slice %arg8[%add3A_254, %dma_start3A_261] : memref<65536x128xf32, #tpu.memory_space<hbm>> -> memref<32x128xf32, #tpu.memory_space<hbm>>
      tpu.enqueue_dma source(%arg22 : memref<32x128xf32, #tpu.memory_space<vmem>>) target(%dma_start3A_262 : memref<32x128xf32, #tpu.memory_space<hbm>>) target_semaphore(%arg26 : memref<!tpu.dma_semaphore, #tpu.memory_space<semaphore_mem>>)
    }
    %scan3A_121 = arith.constant 32 : i32
    %mul3A_122 = arith.constant 2048 : i32
    %mul3A_123 = arith.muli %add3A, %mul3A_122 : i32
    %add3A_124 = arith.constant 1984 : i32
    %add3A_125 = arith.addi %mul3A_123, %add3A_124 : i32
    %dma_wait3A = arith.constant 0 : i32
    %dma_wait3A_126 = tpu.memref_slice %arg7[%add3A_125, %dma_wait3A] : memref<65536x384xf32, #tpu.memory_space<hbm>> -> memref<32x384xf32, #tpu.memory_space<hbm>>
    %dma_wait3A_127 = arith.constant 0 : i32
    %dma_wait3A_128 = tpu.memref_slice %arg7[%add3A_125, %dma_wait3A_127] : memref<65536x384xf32, #tpu.memory_space<hbm>> -> memref<32x384xf32, #tpu.memory_space<hbm>>
    tpu.wait_dma2 semaphore(%arg25 : memref<!tpu.dma_semaphore, #tpu.memory_space<semaphore_mem>>) src(%arg19 : memref<32x384xf32, #tpu.memory_space<vmem>>) dst(%dma_wait3A_128 : memref<32x384xf32, #tpu.memory_space<hbm>>)
    %dma_wait3A_129 = arith.constant 0 : i32
    %dma_wait3A_130 = tpu.memref_slice %arg8[%add3A_125, %dma_wait3A_129] : memref<65536x128xf32, #tpu.memory_space<hbm>> -> memref<32x128xf32, #tpu.memory_space<hbm>>
    %dma_wait3A_131 = arith.constant 0 : i32
    %dma_wait3A_132 = tpu.memref_slice %arg8[%add3A_125, %dma_wait3A_131] : memref<65536x128xf32, #tpu.memory_space<hbm>> -> memref<32x128xf32, #tpu.memory_space<hbm>>
    tpu.wait_dma2 semaphore(%arg25 : memref<!tpu.dma_semaphore, #tpu.memory_space<semaphore_mem>>) src(%arg20 : memref<32x128xf32, #tpu.memory_space<vmem>>) dst(%dma_wait3A_132 : memref<32x128xf32, #tpu.memory_space<hbm>>)
    %mul3A_133 = arith.constant 2048 : i32
    %mul3A_134 = arith.muli %add3A, %mul3A_133 : i32
    %add3A_135 = arith.constant 2016 : i32
    %add3A_136 = arith.addi %mul3A_134, %add3A_135 : i32
    %dma_wait3A_137 = arith.constant 0 : i32
    %dma_wait3A_138 = tpu.memref_slice %arg7[%add3A_136, %dma_wait3A_137] : memref<65536x384xf32, #tpu.memory_space<hbm>> -> memref<32x384xf32, #tpu.memory_space<hbm>>
    %dma_wait3A_139 = arith.constant 0 : i32
    %dma_wait3A_140 = tpu.memref_slice %arg7[%add3A_136, %dma_wait3A_139] : memref<65536x384xf32, #tpu.memory_space<hbm>> -> memref<32x384xf32, #tpu.memory_space<hbm>>
    tpu.wait_dma2 semaphore(%arg26 : memref<!tpu.dma_semaphore, #tpu.memory_space<semaphore_mem>>) src(%arg21 : memref<32x384xf32, #tpu.memory_space<vmem>>) dst(%dma_wait3A_140 : memref<32x384xf32, #tpu.memory_space<hbm>>)
    %dma_wait3A_141 = arith.constant 0 : i32
    %dma_wait3A_142 = tpu.memref_slice %arg8[%add3A_136, %dma_wait3A_141] : memref<65536x128xf32, #tpu.memory_space<hbm>> -> memref<32x128xf32, #tpu.memory_space<hbm>>
    %dma_wait3A_143 = arith.constant 0 : i32
    %dma_wait3A_144 = tpu.memref_slice %arg8[%add3A_136, %dma_wait3A_143] : memref<65536x128xf32, #tpu.memory_space<hbm>> -> memref<32x128xf32, #tpu.memory_space<hbm>>
    tpu.wait_dma2 semaphore(%arg26 : memref<!tpu.dma_semaphore, #tpu.memory_space<semaphore_mem>>) src(%arg22 : memref<32x128xf32, #tpu.memory_space<vmem>>) dst(%dma_wait3A_144 : memref<32x128xf32, #tpu.memory_space<hbm>>)
    return
  }
}

</mosaic_0001>

<sc_bundles>
// kernel: kernel.3.cloned.1.call-start
scs
__scs_entry_jumppad:
0x0: {  	(pc) =	sbr.rel $0x88, $3  }
0x1: {  	(tag) =	ssettag $0x0;
	lr =	simm.s32 $0x1  }
0x2: {  	[smem:$0x3F9C] =	sst lr;
	_ =	strace $0xD0000000  }
0x3: {  	_ = 	snop  }
0x4: {  	_ = 	snop  }
0x5: {  	_ = 	snop  }
0x6: {  	_ = 	snop  }
0x7: {  	_ = 	snop  }
__scs_overlays_trampoline_lowered:
0x8: {  	[smem:$0x3FAB] =	sst s0  }
0x9: {  	[smem:$0x3FAC] =	sst s1  }
0xa: {  	[smem:$0x3FAD] =	sst s2  }
0xb: {  	[smem:$0x3FAE] =	sst s3  }
0xc: {  	[smem:$0x3FAF] =	sst s4  }
0xd: {  	[smem:$0x3FB0] =	sst s5  }
0xe: {  	[smem:$0x3FB1] =	sst s6  }
0xf: {  	[smem:$0x3FB2] =	sst s7  }
0x10: {  	[smem:$0x3FB3] =	sst s8  }
0x11: {  	[smem:$0x3FB4] =	sst s9;
	s0 =	simm.s32 @!p0 $0x0  }
0x12: {  	s1 =	sld [smem:$0x3F9A];
	s0 =	simm.s32 @p0 $0x1  }
0x13: {  	[smem:$0x3FB5] =	sst s0;
	s0 =	simm.s32 @!p1 $0x0  }
0x14: {  	s2 =	sld [smem:$0x3F99];
	s0 =	simm.s32 @p1 $0x1  }
0x15: {  	[smem:$0x3FB6] =	sst s0;
	s0 =	simm.s32 @!p2 $0x0  }
0x16: {  	s3 =	sld [smem:$0x3FDB];
	s0 =	simm.s32 @p2 $0x1  }
0x17: {  	s4 =	simm.s32 $0x1BF5;
	[smem:$0x3FB8] =	sst s0  }
0x18: {  	s0 =	sld [smem:$0x3F9B];
	_ =	swait.ge [sflag:s4], $0x0  }
0x19: {  	s7 =	sld [smem:$0x3F9C]  }
0x1a: {  	s8 =	sadd.s32 $0xFFFFE003, lr  }
0x1b: {  	s9 =	sadd.s32 $0xFFFFFEF7, lr;
	s5 =	simm.s32 $0xFFFFFFFF;
	p2 =	slt.u32 s8, $0xFFFFF086  }
0x1c: {  	p1 =	slt.u32 s9, $0xF7A;
	s5 =	simm.s32 @!p2 $0x0  }
0x1d: {  	s5 =	simm.s32 @p1 $0x1;
	p0 =	seq.s32 s7, s2  }
0x1e: {  	s7 =	smul.u32 @!p0 $0xF7A, s2;
	p2 =	seq.s32 @!p0 s5, $0x0  }
0x1f: {  	s9 =	smul.u32 $0xF7A, s1;
	s8 =	simm.s32 @!p0 $0x1BF5;
	p2 =	por !p2, p0  }
0x20: {  	[sflag:s8] =	ssyncset.s32 @!p0 $0xFFFFF086;
	s6 =	sadd.s32 @!p0 s3, s7;
	s7 =	simm.s32 @!p0 $0x108  }
0x21: {  	s3 =	sadd.s32 s3, s9;
	s6 =	sadd.s32 @!p0 $0x88, s6;
	s7 =	simm.s32 @p2 $0x1082  }
0x22: {  	[simem:s7], [sflag:s8] =	dma.local @!p0 [hbm:s6], $0xF7A  }
0x23: {  	s9 =	sor.u32 $0xD0000000, s2;
	s6 =	simm.s32 $0x108;
	_ =	swait.ge @!p0 [sflag:s8], $0x0  }
0x24: {  	s3 =	sadd.s32 $0x88, s3;
	s6 =	simm.s32 @!p1 $0x1082;
	[sflag:s4] =	ssyncset.s32 $0xFFFFF086  }
0x25: {  	[simem:s6], [sflag:s4] =	dma.local [hbm:s3], $0xF7A  }
0x26: {  	[smem:$0x3F9C] =	sst s1;
	(tag) =	ssettag s2;
	_ =	strace s9  }
0x27: {  	s1 =	sld [smem:$0x3FAC]  }
0x28: {  	s2 =	sld [smem:$0x3FAD]  }
0x29: {  	s4 =	sld [smem:$0x3FAF]  }
0x2a: {  	p0 =	seq.s32 s5, $0x0;
	s5 =	sld [smem:$0x3FB0]  }
0x2b: {  	s6 =	sld [smem:$0x3FB1]  }
0x2c: {  	s7 =	sld [smem:$0x3FB2]  }
0x2d: {  	s3 =	simm.s32 $0x108;
	s8 =	sld [smem:$0x3FB3]  }
0x2e: {  	s3 =	simm.s32 @!p0 $0x1082;
	s9 =	sld [smem:$0x3FB4]  }
0x2f: {  	lr =	sadd.s32 s0, s3;
	s0 =	sld [smem:$0x3FAB]  }
0x30: {  	s3 =	sld [smem:$0x3FAE]  }
0x31: {  	[smem:$0x3FB7] =	sst s10  }
0x32: {  	s10 =	sld [smem:$0x3FB5];
	_ =	sdelay $0x3  }
0x33: {  	p0 =	seq.s32 s10, $0x1;
	s10 =	sld [smem:$0x3FB7];
	_ =	sdelay $0x3  }
0x34: {  	[smem:$0x3FB7] =	sst s10  }
0x35: {  	s10 =	sld [smem:$0x3FB6];
	_ =	sdelay $0x3  }
0x36: {  	p1 =	seq.s32 s10, $0x1;
	s10 =	sld [smem:$0x3FB7];
	_ =	sdelay $0x3  }
0x37: {  	[smem:$0x3FB7] =	sst s10  }
0x38: {  	s10 =	sld [smem:$0x3FB8]  }
0x39: {  	_ = 	snop;
	(pc) =	sbr.ind lr, $3  }
0x3a: {  	_ = 	snop  }
0x3b: {  	_ = 	snop  }
0x3c: {  	p2 =	seq.s32 s10, $0x1;
	s10 =	sld [smem:$0x3FB7]  }
0x3d: {  	_ =	shalt  }
0x3e: {  	_ =	shalt  }
0x3f: {  	_ =	shalt  }
0x40: {  	_ =	shalt  }
0x41: {  	_ =	shalt  }
0x42: {  	_ =	shalt  }
0x43: {  	_ =	shalt  }
0x44: {  	_ =	shalt  }
0x45: {  	_ =	shalt  }
0x46: {  	_ =	shalt  }
0x47: {  	_ =	shalt  }
0x48: {  	_ =	shalt  }
0x49: {  	_ =	shalt  }
0x4a: {  	_ =	shalt  }
0x4b: {  	_ =	shalt  }
0x4c: {  	_ =	shalt  }
0x4d: {  	_ =	shalt  }
0x4e: {  	_ =	shalt  }
0x4f: {  	_ =	shalt  }
0x50: {  	_ =	shalt  }
0x51: {  	_ =	shalt  }
0x52: {  	_ =	shalt  }
0x53: {  	_ =	shalt  }
0x54: {  	_ =	shalt  }
0x55: {  	_ =	shalt  }
0x56: {  	_ =	shalt  }
0x57: {  	_ =	shalt  }
0x58: {  	_ =	shalt  }
0x59: {  	_ =	shalt  }
0x5a: {  	_ =	shalt  }
0x5b: {  	_ =	shalt  }
0x5c: {  	_ =	shalt  }
0x5d: {  	_ =	shalt  }
0x5e: {  	_ =	shalt  }
0x5f: {  	_ =	shalt  }
0x60: {  	_ =	shalt  }
0x61: {  	_ =	shalt  }
0x62: {  	_ =	shalt  }
0x63: {  	_ =	shalt  }
0x64: {  	_ =	shalt  }
0x65: {  	_ =	shalt  }
0x66: {  	_ =	shalt  }
0x67: {  	_ =	shalt  }
0x68: {  	_ =	shalt  }
0x69: {  	_ =	shalt  }
0x6a: {  	_ =	shalt  }
0x6b: {  	_ =	shalt  }
0x6c: {  	_ =	shalt  }
0x6d: {  	_ =	shalt  }
0x6e: {  	_ =	shalt  }
0x6f: {  	_ =	shalt  }
0x70: {  	_ =	shalt  }
0x71: {  	_ =	shalt  }
0x72: {  	_ =	shalt  }
0x73: {  	_ =	shalt  }
0x74: {  	_ =	shalt  }
0x75: {  	_ =	shalt  }
0x76: {  	_ =	shalt  }
0x77: {  	_ =	shalt  }
0x78: {  	_ =	shalt  }
0x79: {  	_ =	shalt  }
0x7a: {  	_ =	shalt  }
0x7b: {  	_ =	shalt  }
0x7c: {  	_ =	shalt  }
0x7d: {  	_ =	shalt  }
0x7e: {  	_ =	shalt  }
0x7f: {  	_ =	shalt  }
0x80: {  	_ =	shalt  }
0x81: {  	_ =	shalt  }
0x82: {  	_ =	shalt  }
0x83: {  	_ =	shalt  }
0x84: {  	_ =	shalt  }
0x85: {  	_ =	shalt  }
0x86: {  	_ =	shalt  }
0x87: {  	_ =	shalt  }
.Lfunc_end0:
.L_simem_size_0:
called_computation.1_lowered:
.L_overlay_start_0:
0x88: {  	s2 =	sld [smem:$0x3FD9]  }
0x89: {  	s3 =	sld [smem:$0x3FFE];
	_ =	sdelay $0x1  }
0x8a: {  	s1 =	srdreg.scid  }
0x8b: {  	s0 =	sand.u32 $0x1, s1  }
0x8c: {  	s14 =	sshll.u32 s0, $0xA;
	s2 =	sadd.s32 s3, s2  }
0x8d: {  	s2 =	sadd.s32 s2, s14  }
0x8e: {  	[smem:$0x3FC3] =	sst s2  }
0x8f: {  	_ = 	snop  }
0x90: {  	s2 =	sld [smem:$0x3FD0];
	_ =	sdelay $0x2  }
0x91: {  	s15 =	simm.s32 $0xA;
	s4 =	simm.s32 $0x10  }
0x92: {  	[smem:s4], [sflag:s15] =	dma.local [hbm:s2], $0x1  }
0x93: {  	_ =	swait.eq [sflag:s15], $0x1  }
0x94: {  	s16 =	sld [smem:$0x10];
	[sflag:s15] =	ssyncset.done $0x0  }
0x95: {  	s17 =	sld [smem:$0x11];
	[sflag:s15] =	ssyncadd.s32 $0xFFFFFFFF  }
0x96: {  	s18 =	sld [smem:$0x12];
	(tm) =	ssettm $0x1  }
0x97: {  	s5 =	sld [smem:$0x3FFB];
	_ =	sdelay $0x3  }
0x98: {  	_ =	strace s5  }
0x99: {  	s5 =	sld [smem:$0x3FFC];
	_ =	sdelay $0x3  }
0x9a: {  	_ =	strace s5  }
0x9b: {  	s5 =	sld [smem:$0x3FFD];
	_ =	sdelay $0x3  }
0x9c: {  	_ =	strace s5  }
0x9d: {  	_ =	strace $0x8FFFFFFF  }
0x9e: {  	s19 =	sld [smem:$0x3FDB];
	_ =	sdelay $0x1  }
0x9f: {  	s6 =	simm.s32 $_scs_section_size  }
0xa0: {  	s7 =	simm.s32 $_size__tile_overlayer_lowered;
	s8 =	simm.s32 $_tile_overlayer_lowered  }
0xa1: {  	s22 =	simm.s32 $0x1BFF;
	s21 =	sshll.u32 s8, $0x1;
	s5 =	sadd.s32 s6, s19  }
0xa2: {  	s9 =	simm.s32 $0x0;
	s20 =	sshll.u32 s7, $0x1;
	s7 =	sadd.s32 s21, s5  }
0xa3: {  	[timem:s9], [sflag:s22] =	dma.local [hbm:s7], s20  }
0xa4: {  	_ =	swait.ge [sflag:s22], s20  }
0xa5: {  	s6 =	ssub.s32 $0x0, s20;
	[sflag:s22] =	ssyncset.done $0x0  }
0xa6: {  	[sflag:s22] =	ssyncadd.s32 s6;
	_ =	sdelay $0x1  }
0xa7: {  	s23 =	simm.s32 $0x1B8B  }
0xa8: {  	_ =	swait.ge [sflag:s23], $0x1  }
0xa9: {  	[sflag:s23] =	ssyncset.done $0x0  }
0xaa: {  	s25 =	simm.s32 $0x1B8E;
	s24 =	sld [smem:$0x3FFE];
	[sflag:s23] =	ssyncadd.s32 $0xFFFFFFFF  }
0xab: {  	s26 =	simm.s32 $execute0_lowered;
	[smem:$0x3FD2] =	sst s25  }
0xac: {  	s7 =	sshll.u32 s26, $0x1;
	_ =	strace $0x80000046;
	[dreg:$0x1] =	wrdreg $0xFFFFFFFF  }
0xad: {  	s28 =	simm.s32 $_size_execute0_lowered;
	s5 =	sadd.s32 s5, s7;
	[dreg:$0x0] =	wrdreg $0x0  }
0xae: {  	s7 =	sshll.u32 s28, $0x1;
	[dreg:$0x2] =	wrdreg s5  }
0xaf: {  	[dreg:$0x3] =	wrdreg s7  }
0xb0: {  	[dreg:$0x4] =	wrdreg $0xC0  }
0xb1: {  	_ =	task [dreg:s9], $0x5FFFF  }
0xb2: {  	[dreg:$0x1] =	wrdreg $0xFFFFFFFF  }
0xb3: {  	[dreg:$0x0] =	wrdreg $0x60  }
0xb4: {  	[dreg:$0x2] =	wrdreg s18  }
0xb5: {  	[dreg:$0x3] =	wrdreg s16  }
0xb6: {  	[dreg:$0x4] =	wrdreg s24  }
0xb7: {  	[dreg:$0x5] =	wrdreg s17  }
0xb8: {  	[dreg:$0x6] =	wrdreg $0x9  }
0xb9: {  	_ =	task.clear_ibuf [dreg:s9], $0x7FFFF;
	_ =	strace $0x90000046  }
0xba: {  	s29 =	simm.s32 $0x9;
	_ =	strace $0x80000048  }
0xbb: {  	_ =	swait.ge [sflag:s29], $0x1  }
0xbc: {  	[sflag:s29] =	ssyncadd.s32 $0xFFFFFFFF  }
0xbd: {  	_ =	strace $0x90000048  }
0xbe: {  	_ =	sfence  }
0xbf: {  	s30 =	sld [smem:$0x0];
	_ =	sdelay $0x2  }
0xc0: {  	s31 =	sshll.u32 s1, $0xD;
	s1 =	sshrl.u32 s1, $0x2  }
0xc1: {  	s3 =	sand.u32 $0x4000, s31;
	s1 =	sadd.s32 s1, s30  }
0xc2: {  	s0 =	sor.u32 s3, s0;
	s1 =	sshll.u32 s1, $0x11  }
0xc3: {  	s0 =	sor.u32 s1, s0  }
0xc4: {  	s0 =	sadd.s32 $0x8F2B, s0  }
0xc5: {  	[sflag:s0] =	ssyncadd.remote.s32 $0x1  }
0xc6: {  	_ =	sfence.sel $0xFFFF  }
0xc7: {  	[dreg:$0x0] =	wrdreg $0xFFFFFFFF;
	(pc) =	sbr.abs _section_cstart, $3  }
0xc8: {  	[dreg:$0x1] =	wrdreg $0xFFFFFFFF  }
0xc9: {  	_ =	task.clear_ibuf [dreg:s9], $0x2FFFF;
	_ =	strace $0x9FFFFFFF  }
0xca: {  	(tm) =	ssettm $0x7FFFFFFF  }
0xcb: {  	_ =	shalt  }
tec
execute0_lowered:
.L_overlay_start_1:
0x0: {  	(tag) =	ssettag $0x1  }
0x1: {  	s1 =	rddreg [dreg:$0x0]  }
0x2: {  	s2 =	rddreg [dreg:$0x1]  }
0x3: {  	s0 =	rddreg [dreg:$0x2];
	s4 =	simm.s32 $0x0;
	s5 =	srdreg.scid  }
0x4: {  	s3 =	stileid.u32;
	s20 =	simm.s32 $0x2000;
	s21 =	simm.s32 $0x3000  }
0x5: {  	s28 =	simm.s32 $0x8000;
	s29 =	simm.s32 $0x9000;
	s30 =	simm.s32 $0x12000  }
0x6: {  	s31 =	simm.s32 $0x12100;
	s16 =	simm.s32 $0x12180;
	s13 =	simm.s32 $0x2  }
0x7: {  	s14 =	simm.s32 $0x11000;
	s19 =	simm.s32 $0x4;
	s5 =	sand.u32 $0x1, s5  }
0x8: {  	v5 =	vimm.s32 $0x3C3B3A39;
	s12 =	simm.s32 $0x0;
	s9 =	sshll.u32 s3, $0xC;
	s10 =	sshll.u32 s5, $0xB  }
0x9: {  	v0 =	vlaneseq.u32;
	v6 =	vimm.s32 $0x34333231;
	v7 =	vimm.s32 $0x38373635;
	[smem:$0x7FF] =	sst s4;
	s6 =	sadd.s32 $0x2E00, s0;
	s9 =	sor.u32 s10, s9  }
0xa: {  	v1 =	vimm.f32 $0.0e+00;
	vm0 =	vcmask $0x1F10;
	v12 =	vimm.s32 $0x0;
	s7 =	sadd.s32 $0x102E00, s0;
	s8 =	sadd.s32 $0x202E00, s0;
	s11 =	sshll.u32 s9, $0x4  }
0xb: {  	s3 =	smov.u32 s2;
	v2 =	vor.u32 $0x10, v0;
	v3 =	vor.u32 $0x20, v0;
	v4 =	vor.u32 $0x30, v0;
	_ =	strace $0x80000047;
	s23 =	sadd.s32 s1, s11  }
0xc: {  	v8 =	vunpack.c.0.s8.s32 v5;
	v5 =	vimm.s32 $0x3F3F3E3D;
	v10 =	vunpack.c.0.s8.s32 v6;
	s5 =	ssub.s32 $0x2, s5;
	s2 =	sadd.s32 s2, s11;
	[dreg:$0x5] =	wrdreg s23  }
0xd: {  	v11 =	vunpack.c.0.s8.s32 v7;
	v6 =	vadd.s32 $0x11, v0;
	v7 =	vadd.s32 $0x21, v0;
	s10 =	sadd.s32 $0x302E00, s0;
	s24 =	sadd.s32 s6, s11;
	[dreg:$0x6] =	wrdreg s2  }
0xe: {  	v13 =	vmul.u32 $0xFFFFFFFF, v0;
	v14 =	vor.u32 $0x40, v0;
	v9 =	vunpack.c.0.s8.s32 v5;
	s22 =	sshrl.u32 s5, $0x1;
	s25 =	sadd.s32 s7, s11;
	[dreg:$0x7] =	wrdreg s24  }
0xf: {  	v15 =	vor.u32 $0x50, v0;
	v16 =	vor.u32 $0x60, v0;
	v17 =	vor.u32 $0x70, v0;
	s0 =	ssub.s32 s5, s22;
	s26 =	sadd.s32 s8, s11;
	[dreg:$0x8] =	wrdreg s25  }
0x10: {  	v5 =	vadd.s32 $0x1, v0;
	v13 =	vadd.s32 $0xF, v13;
	s22 =	simm.s32 $0x4000;
	v8 =	vsel vm0, v9, v8;
	s0 =	smax.u32 s0, $0x1;
	[dreg:$0x9] =	wrdreg s26  }
0x11: {  	v9 =	vsel vm0, v11, v10;
	vm0 =	vmmov $0x3fff;
	v10 =	vadd.s32 $0x31, v0;
	s5 =	simm.s32 $0x12080;
	s15 =	sor.u32 $0x400, s11;
	[dreg:$0xa] =	wrdreg s0  }
0x12: {  	v11 =	vimm.s32 $0x20;
	v8 =	vcombine.low v9, v8;
	v9 =	vimm.s32 $0xF;
	s23 =	simm.s32 $0x1;
	s26 =	simm.s32 $0x7000;
	s0 =	simm.s32 $0xD000  }
.LBB2_1:
0x13: {  	[dreg:$0xb] =	wrdreg s12;
	[tilespmem:$0x12000] =	vst v1  }
0x14: {  	[tilespmem:$0x12080] =	vst v1;
	s2 =	rddreg [dreg:$0x5]  }
0x15: {  	[tilespmem:s4], [sflag:$0x1] =	stream.linear.gather [hbm4b:s2+s4], $0x1000, $0x38;
	[tilespmem:$0x12200] =	vst v63  }
0x16: {  	s12 =	rddreg [dreg:$0x6];
	s17 =	simm.s32 $0x1000  }
0x17: {  	[tilespmem:s17], [sflag:$0x1] =	stream.linear.gather [hbm4b:s12+s4], $0x1000, $0x38;
	[tilespmem:$0x12200] =	vst v63  }
0x18: {  	s18 =	rddreg [dreg:$0x7]  }
0x19: {  	[tilespmem:s20], [sflag:$0x1] =	stream.linear.gather [hbm4b:s18+s4], $0x1000, $0x38;
	[tilespmem:$0x12200] =	vst v63  }
0x1a: {  	s24 =	rddreg [dreg:$0x8]  }
0x1b: {  	[tilespmem:s21], [sflag:$0x1] =	stream.linear.gather [hbm4b:s24+s4], $0x1000, $0x38;
	[tilespmem:$0x12200] =	vst v63  }
0x1c: {  	s25 =	rddreg [dreg:$0x9];
	s18 =	simm.s32 $0x0  }
0x1d: {  	[tilespmem:s22], [sflag:$0x1] =	stream.linear.gather [hbm4b:s25+s4], $0x1000, $0x38;
	[tilespmem:$0x12200] =	vst v63  }
.LBB2_2:
0x1e: {  	_ =	swait.ge [sflag:s23], $0x1000  }
0x1f: {  	[sflag:s23] =	ssyncset.done $0x0  }
0x20: {  	[sflag:s23] =	ssyncadd.s32 $0xFFFFF000  }
0x21: {  	_ =	swait.ge [sflag:s23], $0x1000  }
0x22: {  	[sflag:s23] =	ssyncset.done $0x0  }
0x23: {  	[sflag:s23] =	ssyncadd.s32 $0xFFFFF000  }
0x24: {  	_ =	swait.ge [sflag:s23], $0x1000  }
0x25: {  	[sflag:s23] =	ssyncset.done $0x0  }
0x26: {  	[sflag:s23] =	ssyncadd.s32 $0xFFFFF000  }
0x27: {  	_ =	swait.ge [sflag:s23], $0x1000  }
0x28: {  	[sflag:s23] =	ssyncset.done $0x0  }
0x29: {  	s24 =	sshllo.u32 s18, $0x1;
	[sflag:s23] =	ssyncadd.s32 $0xFFFFF000  }
0x2a: {  	s12 =	sshll.u32 s24, $0x9;
	_ =	swait.ge [sflag:s23], $0x1000  }
0x2b: {  	s12 =	sadd.s32 s11, s12;
	[sflag:s23] =	ssyncset.done $0x0  }
0x2c: {  	s2 =	simm.s32 $0x5000;
	s17 =	sadd.s32 s1, s12;
	[sflag:s23] =	ssyncadd.s32 $0xFFFFF000  }
0x2d: {  	[tilespmem:s2], [sflag:$0x2] =	stream.linear.gather [hbm4b:s17+s4], $0x1000, $0x38;
	[tilespmem:$0x12200] =	vst v63  }
0x2e: {  	s25 =	simm.s32 $0x6000;
	s2 =	sadd.s32 s3, s12  }
0x2f: {  	[tilespmem:s25], [sflag:$0x2] =	stream.linear.gather [hbm4b:s2+s4], $0x1000, $0x38;
	[tilespmem:$0x12200] =	vst v63  }
0x30: {  	s25 =	sadd.s32 s6, s12  }
0x31: {  	[tilespmem:s26], [sflag:$0x2] =	stream.linear.gather [hbm4b:s25+s4], $0x1000, $0x38;
	[tilespmem:$0x12200] =	vst v63  }
0x32: {  	s2 =	sadd.s32 s7, s12  }
0x33: {  	[tilespmem:s28], [sflag:$0x2] =	stream.linear.gather [hbm4b:s2+s4], $0x1000, $0x38;
	[tilespmem:$0x12200] =	vst v63  }
0x34: {  	p0 =	seq.s32 s18, $0x0;
	s12 =	sadd.s32 s8, s12  }
0x35: {  	[tilespmem:s29], [sflag:$0x2] =	stream.linear.gather [hbm4b:s12+s4], $0x1000, $0x38;
	[tilespmem:$0x12200] =	vst v63  }
0x36: {  	s12 =	simm.s32 @!p0 $0x3  }
0x37: {  	_ =	swait.ge @!p0 [sflag:s12], $0x3000  }
0x38: {  	[sflag:s12] =	ssyncset.done @!p0 $0x0  }
0x39: {  	[sflag:s12] =	ssyncadd.s32 @!p0 $0xFFFFD000  }
0x3a: {  	_ =	swait.ge @!p0 [sflag:s12], $0x1000  }
0x3b: {  	s25 =	sshll.u32 s18, $0x6;
	[sflag:s12] =	ssyncset.done @!p0 $0x0  }
0x3c: {  	s25 =	sadd.s32 s9, s25;
	[sflag:s12] =	ssyncadd.s32 @!p0 $0xFFFFF000;
	s12 =	simm.s32 $0x0  }
.LBB2_3:
0x3d: {  	s17 =	sshll.u32 s12, $0x7  }
0x3e: {  	v20 =	vor.u32 s17, v0  }
0x3f: {  	v26 =	vor.u32 s17, v5;
	_ =	sdelay $0x3  }
0x40: {  	v22 =	vld.idx.msk [tilespmem:v20+s20+$0x0], $0xffff  }
0x41: {  	v23 =	vld.idx.msk [tilespmem:v26+s20+$0x0], $0xffff;
	_ =	sdelay $0x1  }
0x42: {  	v19 =	vor.u32 s17, v3  }
0x43: {  	v21 =	vor.u32 s17, v2  }
0x44: {  	v18 =	vor.u32 s17, v4  }
0x45: {  	v27 =	vor.u32 s17, v6;
	v25 =	vadd.f32 v23, v22;
	_ =	sdelay $0x1  }
0x46: {  	v24 =	vld.idx.msk [tilespmem:v19+s20+$0x0], $0xffff;
	v28 =	vmul.f32 $5.000000000e-01, v25  }
0x47: {  	v23 =	vld.idx.msk [tilespmem:v21+s20+$0x0], $0xffff  }
0x48: {  	v25 =	vld.idx.msk [tilespmem:v18+s20+$0x0], $0xffff;
	[tilespmem:$0x12100] =	vst v28  }
0x49: {  	v28 =	vld.idx.msk [tilespmem:v27+s20+$0x0], $0xffff;
	_ =	sdelay $0x4  }
0x4a: {  	v29 =	vor.u32 s17, v7;
	v28 =	vadd.f32 v28, v23;
	_ =	sdelay $0x1  }
0x4b: {  	v28 =	vmul.f32 $5.000000000e-01, v28;
	_ =	sdelay $0x1  }
0x4c: {  	[tilespmem:$0x12110] =	vst v28  }
0x4d: {  	v28 =	vld.idx.msk [tilespmem:v29+s20+$0x0], $0xffff;
	_ =	sdelay $0x4  }
0x4e: {  	v30 =	vor.u32 s17, v8;
	v28 =	vadd.f32 v28, v24;
	_ =	sdelay $0x1  }
0x4f: {  	v28 =	vmul.f32 $5.000000000e-01, v28;
	_ =	sdelay $0x1  }
0x50: {  	[tilespmem:$0x12120] =	vst v28  }
0x51: {  	v28 =	vld.idx.msk [tilespmem:v30+s20+$0x0], $0xffff;
	_ =	sdelay $0x4  }
0x52: {  	v28 =	vadd.f32 v28, v25;
	_ =	sdelay $0x1  }
0x53: {  	v28 =	vmul.f32 $5.000000000e-01, v28;
	_ =	sdelay $0x1  }
0x54: {  	[tilespmem:$0x12130] =	vst v28  }
0x55: {  	v26 =	vld.idx.msk [tilespmem:v26+s21+$0x0], $0xffff;
	_ =	sdelay $0x3  }
0x56: {  	v27 =	vld.idx.msk [tilespmem:v27+s21+$0x0], $0xffff  }
0x57: {  	v26 =	vadd.f32 $9.999999970e-07, v26;
	_ =	sdelay $0x1  }
0x58: {  	(xrf2) =	vadd.scan.msk.f32 $0xffff, v26  }
0x59: {  	v43 =	vld.idx.msk [tilespmem:v29+s21+$0x0], $0xffff  }
0x5a: {  	v27 =	vadd.f32 $9.999999970e-07, v27;
	_ =	sdelay $0x1  }
0x5b: {  	v28 =	vld.idx.msk [tilespmem:v30+s21+$0x0], $0xffff;
	(xrf2) =	vadd.scan.msk.f32 $0xffff, v27;
	_ =	sdelay $0x1  }
0x5c: {  	v26 =	vadd.f32 $9.999999970e-07, v43;
	_ =	sdelay $0x1  }
0x5d: {  	(xrf2) =	vadd.scan.msk.f32 $0xffff, v26  }
0x5e: {  	v44 =	vadd.f32 $9.999999970e-07, v28  }
0x5f: {  	v45, _, _ =	vpop (xrf2)  }
0x60: {  	v26 =	vnsel vm0, $0x0, v44;
	v27 =	vadd.f32 $0.0e+00, v45  }
0x61: {  	(xrf2) =	vadd.scan.msk.f32 $0xffff, v26  }
0x62: {  	v46 =	vperm.xlane v27, v9  }
0x63: {  	v47, _, _ =	vpop (xrf2)  }
0x64: {  	v26 =	vadd.f32 v46, v47;
	_ =	sdelay $0x1  }
0x65: {  	v28 =	vperm.xlane v26, v9  }
0x66: {  	v48, _, _ =	vpop (xrf2)  }
0x67: {  	v28 =	vadd.f32 v28, v48;
	_ =	sdelay $0x1  }
0x68: {  	v29 =	vperm.xlane v28, v9  }
0x69: {  	v49, _, _ =	vpop (xrf2)  }
0x6a: {  	v29 =	vadd.f32 v49, v29;
	_ =	sdelay $0x1  }
0x6b: {  	v30 =	vperm.xlane v29, v9;
	_ =	sdelay $0x1  }
0x6c: {  	(erf) = vrcp.f32 v30;
	_ =	sdelay $0x8  }
0x6d: {  	v30 =	vpop (erf)  }
0x6e: {  	v27 =	vmul.f32 v30, v27  }
0x6f: {  	v26 =	vmul.f32 v30, v26  }
0x70: {  	v50 =	vmul.f32 v30, v28;
	[tilespmem:v5+s30+$0x0] =	vst.idx.msk $0xffff, v27  }
0x71: {  	v51 =	vmul.f32 v30, v29;
	[tilespmem:v6+s30+$0x0] =	vst.idx.msk $0xffff, v26  }
0x72: {  	[tilespmem:v7+s30+$0x0] =	vst.idx.msk $0xffff, v50  }
0x73: {  	[tilespmem:v10+s30+$0x0] =	vst.idx.msk $0xffff, v51  }
0x74: {  	v29 =	vld.idx.msk [tilespmem:v20+s22+$0x0], $0xffff  }
0x75: {  	v52 =	vld.idx.msk [tilespmem:v11+s30+$0x0], $0xffff;
	_ =	sdelay $0x1  }
0x76: {  	v28 =	vld.idx.msk [tilespmem:v21+s22+$0x0], $0xffff;
	_ =	sdelay $0x1  }
0x77: {  	v26 =	vld.idx.msk [tilespmem:v19+s22+$0x0], $0xffff  }
0x78: {  	vm1 =	vle.f32 v52, v29  }
0x79: {  	v27 =	vld.idx.msk [tilespmem:v18+s22+$0x0], $0xffff;
	v31 =	vsel vm1, $0x20, v12  }
0x7a: {  	vm1 =	vle.f32 v52, v28;
	v32 =	vor.u32 $0x10, v31  }
0x7b: {  	v33 =	vsel vm1, $0x20, v12  }
0x7c: {  	vm1 =	vle.f32 v52, v26;
	v34 =	vor.u32 $0x10, v33  }
0x7d: {  	v35 =	vsel vm1, $0x20, v12  }
0x7e: {  	vm1 =	vle.f32 v52, v27;
	v37 =	vor.u32 $0x10, v35  }
0x7f: {  	v30 =	vsel vm1, $0x20, v12;
	v36 =	vld.idx.msk [tilespmem:v32+s30+$0x0], $0xffff  }
0x80: {  	v39 =	vor.u32 $0x10, v30  }
0x81: {  	v38 =	vld.idx.msk [tilespmem:v34+s30+$0x0], $0xffff;
	_ =	sdelay $0x1  }
0x82: {  	v53 =	vld.idx.msk [tilespmem:v37+s30+$0x0], $0xffff  }
0x83: {  	vm1 =	vle.f32 v36, v29  }
0x84: {  	v54 =	vld.idx.msk [tilespmem:v39+s30+$0x0], $0xffff;
	v31 =	vsel vm1, v32, v31  }
0x85: {  	vm1 =	vle.f32 v38, v28;
	v32 =	vor.u32 $0x8, v31  }
0x86: {  	v33 =	vsel vm1, v34, v33  }
0x87: {  	vm1 =	vle.f32 v53, v26;
	v34 =	vor.u32 $0x8, v33  }
0x88: {  	v35 =	vsel vm1, v37, v35  }
0x89: {  	vm1 =	vle.f32 v54, v27;
	v37 =	vor.u32 $0x8, v35  }
0x8a: {  	v30 =	vsel vm1, v39, v30;
	v55 =	vld.idx.msk [tilespmem:v32+s30+$0x0], $0xffff  }
0x8b: {  	v39 =	vor.u32 $0x8, v30  }
0x8c: {  	v56 =	vld.idx.msk [tilespmem:v34+s30+$0x0], $0xffff;
	_ =	sdelay $0x1  }
0x8d: {  	v57 =	vld.idx.msk [tilespmem:v37+s30+$0x0], $0xffff  }
0x8e: {  	vm1 =	vle.f32 v55, v29  }
0x8f: {  	v58 =	vld.idx.msk [tilespmem:v39+s30+$0x0], $0xffff;
	v31 =	vsel vm1, v32, v31  }
0x90: {  	vm1 =	vle.f32 v56, v28;
	v32 =	vor.u32 $0x4, v31  }
0x91: {  	v33 =	vsel vm1, v34, v33  }
0x92: {  	vm1 =	vle.f32 v57, v26;
	v34 =	vor.u32 $0x4, v33  }
0x93: {  	v35 =	vsel vm1, v37, v35  }
0x94: {  	vm1 =	vle.f32 v58, v27;
	v37 =	vor.u32 $0x4, v35  }
0x95: {  	v30 =	vsel vm1, v39, v30;
	v59 =	vld.idx.msk [tilespmem:v32+s30+$0x0], $0xffff  }
0x96: {  	v39 =	vor.u32 $0x4, v30  }
0x97: {  	v60 =	vld.idx.msk [tilespmem:v34+s30+$0x0], $0xffff;
	_ =	sdelay $0x1  }
0x98: {  	v61 =	vld.idx.msk [tilespmem:v37+s30+$0x0], $0xffff  }
0x99: {  	vm1 =	vle.f32 v59, v29  }
0x9a: {  	v62 =	vld.idx.msk [tilespmem:v39+s30+$0x0], $0xffff;
	v31 =	vsel vm1, v32, v31  }
0x9b: {  	vm1 =	vle.f32 v60, v28;
	v32 =	vadd.s32 $0x2, v31  }
0x9c: {  	v33 =	vsel vm1, v34, v33;
	v40 =	vmin.u32 v32, $0x3D  }
0x9d: {  	vm1 =	vle.f32 v61, v26;
	v34 =	vadd.s32 $0x2, v33  }
0x9e: {  	v35 =	vsel vm1, v37, v35;
	v41 =	vmin.u32 v34, $0x3D  }
0x9f: {  	vm1 =	vle.f32 v62, v27;
	v63 =	vadd.s32 $0x2, v35  }
0xa0: {  	v30 =	vsel vm1, v39, v30;
	v45 =	vmin.u32 v63, $0x3D  }
0xa1: {  	v39 =	vadd.s32 $0x2, v30;
	v44 =	vld.idx.msk [tilespmem:v40+s30+$0x0], $0xffff  }
0xa2: {  	v47 =	vmin.u32 v39, $0x3D  }
0xa3: {  	v46 =	vld.idx.msk [tilespmem:v41+s30+$0x0], $0xffff;
	_ =	sdelay $0x1  }
0xa4: {  	v48 =	vld.idx.msk [tilespmem:v45+s30+$0x0], $0xffff  }
0xa5: {  	vm2 =	vlt.u32 v31, $0x3C;
	vm1 =	vle.f32 v44, v29  }
0xa6: {  	v49 =	vld.idx.msk [tilespmem:v47+s30+$0x0], $0xffff;
	vm1 =	vmand vm1, vm2  }
0xa7: {  	vm2 =	vlt.u32 v33, $0x3C;
	v31 =	vsel vm1, v32, v31;
	vm1 =	vle.f32 v46, v28  }
0xa8: {  	v50 =	vadd.s32 $0x1, v31;
	vm1 =	vmand vm1, vm2;
	vm2 =	vlt.u32 v35, $0x3C  }
0xa9: {  	v51 =	vmin.u32 v50, $0x3D;
	v33 =	vsel vm1, v34, v33;
	vm1 =	vle.f32 v48, v26  }
0xaa: {  	v34 =	vadd.s32 $0x1, v33;
	vm1 =	vmand vm1, vm2;
	vm2 =	vlt.u32 v30, $0x3C  }
0xab: {  	v52 =	vmin.u32 v34, $0x3D;
	v35 =	vsel vm1, v63, v35;
	vm1 =	vle.f32 v49, v27  }
0xac: {  	v53 =	vadd.s32 $0x1, v35;
	vm1 =	vmand vm1, vm2  }
0xad: {  	v54 =	vmin.u32 v53, $0x3D;
	v30 =	vsel vm1, v39, v30  }
0xae: {  	v55 =	vld.idx.msk [tilespmem:v51+s30+$0x0], $0xffff;
	v56 =	vadd.s32 $0x1, v30  }
0xaf: {  	v57 =	vmin.u32 v56, $0x3D  }
0xb0: {  	v37 =	vld.idx.msk [tilespmem:v52+s30+$0x0], $0xffff;
	_ =	sdelay $0x1  }
0xb1: {  	v36 =	vld.idx.msk [tilespmem:v54+s30+$0x0], $0xffff  }
0xb2: {  	vm2 =	vlt.u32 v31, $0x3D;
	vm1 =	vle.f32 v55, v29  }
0xb3: {  	vm1 =	vmand vm1, vm2;
	v58 =	vld.idx.msk [tilespmem:v57+s30+$0x0], $0xffff  }
0xb4: {  	vm2 =	vlt.u32 v33, $0x3D;
	v31 =	vsel vm1, v50, v31;
	vm1 =	vle.f32 v37, v28  }
0xb5: {  	v59 =	vadd.s32 $0x1, v31;
	vm1 =	vmand vm1, vm2  }
0xb6: {  	vm2 =	vlt.u32 v35, $0x3D;
	v33 =	vsel vm1, v34, v33;
	vm1 =	vle.f32 v36, v26  }
0xb7: {  	v34 =	vadd.s32 $0x1, v33;
	vm1 =	vmand vm1, vm2  }
0xb8: {  	vm2 =	vlt.u32 v30, $0x3D;
	v32 =	vsel vm1, v53, v35;
	vm1 =	vle.f32 v58, v27  }
0xb9: {  	v60 =	vld.idx.msk [tilespmem:v31+s30+$0x0], $0xffff;
	v61 =	vadd.s32 $0x1, v32;
	vm1 =	vmand vm1, vm2  }
0xba: {  	v62 =	vld.idx.msk [tilespmem:v59+s30+$0x0], $0xffff;
	v30 =	vsel vm1, v56, v30  }
0xbb: {  	v63 =	vld.idx.msk [tilespmem:v33+s30+$0x0], $0xffff;
	v40 =	vadd.s32 $0x1, v30  }
0xbc: {  	v48 =	vld.idx.msk [tilespmem:v34+s30+$0x0], $0xffff  }
0xbd: {  	v42 =	vld.idx.msk [tilespmem:v32+s30+$0x0], $0xffff  }
0xbe: {  	v43 =	vld.idx.msk [tilespmem:v61+s30+$0x0], $0xffff  }
0xbf: {  	v44 =	vld.idx.msk [tilespmem:v30+s30+$0x0], $0xffff  }
0xc0: {  	v45 =	vld.idx.msk [tilespmem:v40+s30+$0x0], $0xffff;
	_ =	sdelay $0x1  }
0xc1: {  	v38 =	vsub.f32 v62, v60  }
0xc2: {  	v41 =	vsub.f32 v48, v63  }
0xc3: {  	vm1 =	vlt.f32 v38, $9.999999970e-07;
	v43 =	vsub.f32 v43, v42  }
0xc4: {  	v31 =	vld.idx.msk [tilespmem:v31+s31+$0x0], $0xffff;
	v38 =	vsel vm1, $0x3F800000, v38;
	vm1 =	vlt.f32 v41, $9.999999970e-07;
	v45 =	vsub.f32 v45, v44  }
0xc5: {  	v37 =	vld.idx.msk [tilespmem:v59+s31+$0x0], $0xffff;
	(erf) = vrcp.f32 v38;
	v49 =	vsel vm1, $0x3F800000, v41;
	vm1 =	vlt.f32 v43, $9.999999970e-07  }
0xc6: {  	v33 =	vld.idx.msk [tilespmem:v33+s31+$0x0], $0xffff;
	(erf) = vrcp.f32 v49;
	v50 =	vsel vm1, $0x3F800000, v43;
	vm1 =	vlt.f32 v45, $9.999999970e-07  }
0xc7: {  	v34 =	vld.idx.msk [tilespmem:v34+s31+$0x0], $0xffff;
	(erf) = vrcp.f32 v50;
	v51 =	vsel vm1, $0x3F800000, v45  }
0xc8: {  	v32 =	vld.idx.msk [tilespmem:v32+s31+$0x0], $0xffff;
	(erf) = vrcp.f32 v51  }
0xc9: {  	v36 =	vld.idx.msk [tilespmem:v61+s31+$0x0], $0xffff  }
0xca: {  	v30 =	vld.idx.msk [tilespmem:v30+s31+$0x0], $0xffff  }
0xcb: {  	v52 =	vld.idx.msk [tilespmem:v40+s31+$0x0], $0xffff  }
0xcc: {  	v29 =	vsub.f32 v29, v60;
	v37 =	vsub.f32 v37, v31  }
0xcd: {  	v28 =	vsub.f32 v28, v63;
	v34 =	vsub.f32 v34, v33  }
0xce: {  	v53 =	vadd.f32 $9.999999970e-07, v37;
	v26 =	vsub.f32 v26, v42;
	v54 =	vpop (erf)  }
0xcf: {  	v34 =	vadd.f32 $9.999999970e-07, v34;
	v36 =	vsub.f32 v36, v32;
	v29 =	vmul.f32 v54, v29;
	v55 =	vpop (erf)  }
0xd0: {  	v27 =	vsub.f32 v27, v44;
	v38 =	vsub.f32 v52, v30;
	v28 =	vmul.f32 v55, v28;
	v56 =	vpop (erf)  }
0xd1: {  	v57 =	vadd.f32 $9.999999970e-07, v36;
	v29 =	vmul.f32 v29, v53;
	v26 =	vmul.f32 v56, v26;
	v58 =	vpop (erf)  }
0xd2: {  	v59 =	vadd.f32 $9.999999970e-07, v38;
	v28 =	vmul.f32 v28, v34;
	v27 =	vmul.f32 v58, v27  }
0xd3: {  	v29 =	vadd.f32 v29, v31;
	v26 =	vmul.f32 v26, v57  }
0xd4: {  	v28 =	vadd.f32 v28, v33;
	v27 =	vmul.f32 v27, v59  }
0xd5: {  	(xrf1) =	vsort.ascd.msk.f32 $0xffff, v29, v29;
	v26 =	vadd.f32 v26, v32  }
0xd6: {  	(xrf1) =	vsort.ascd.msk.f32 $0xffff, v28, v28;
	v27 =	vadd.f32 v27, v30  }
0xd7: {  	(xrf1) =	vsort.ascd.msk.f32 $0xffff, v26, v26  }
0xd8: {  	(xrf1) =	vsort.ascd.msk.f32 $0xffff, v27, v27;
	_ =	sdelay $0xa  }
0xd9: {  	v60, _, _ =	vpop (xrf1)  }
0xda: {  	v61, _, _ =	vpop (xrf1)  }
0xdb: {  	v27 =	vperm.xlane v61, v13;
	v62, _, _ =	vpop (xrf1)  }
0xdc: {  	v63, _, _ =	vpop (xrf1)  }
0xdd: {  	v33 =	vmin.f32 v60, v27;
	v29 =	vperm.xlane v63, v13  }
0xde: {  	v26 =	vmax.f32 v60, v27;
	(xrf1) =	vsort.ascd.msk.f32 $0xffff, v33, v33  }
0xdf: {  	(xrf1) =	vsort.ascd.msk.f32 $0xffff, v26, v26;
	v34 =	vmin.f32 v62, v29  }
0xe0: {  	v35 =	vmax.f32 v62, v29;
	(xrf1) =	vsort.ascd.msk.f32 $0xffff, v34, v34  }
0xe1: {  	(xrf1) =	vsort.ascd.msk.f32 $0xffff, v35, v35;
	_ =	sdelay $0xa  }
0xe2: {  	v36, _, _ =	vpop (xrf1)  }
0xe3: {  	v37, _, _ =	vpop (xrf1)  }
0xe4: {  	v38, _, _ =	vpop (xrf1)  }
0xe5: {  	v39, _, _ =	vpop (xrf1)  }
0xe6: {  	v28 =	vperm.xlane v38, v13;
	v29 =	vperm.xlane v39, v13;
	_ =	sdelay $0x1  }
0xe7: {  	v41 =	vmin.f32 v37, v28;
	v40 =	vmin.f32 v36, v29  }
0xe8: {  	v27 =	vmax.f32 v37, v28;
	v42 =	vmin.f32 v40, v41  }
0xe9: {  	v26 =	vmax.f32 v36, v29;
	v43 =	vmax.f32 v40, v41;
	(xrf1) =	vsort.ascd.msk.f32 $0xffff, v42, v42  }
0xea: {  	v44 =	vmin.f32 v26, v27;
	(xrf1) =	vsort.ascd.msk.f32 $0xffff, v43, v43  }
0xeb: {  	v26 =	vmax.f32 v26, v27;
	(xrf1) =	vsort.ascd.msk.f32 $0xffff, v44, v44  }
0xec: {  	(xrf1) =	vsort.ascd.msk.f32 $0xffff, v26, v26;
	_ =	sdelay $0xa  }
0xed: {  	v45, _, _ =	vpop (xrf1)  }
0xee: {  	v24 =	vperm.xlane v24, v13;
	v25 =	vperm.xlane v25, v13;
	v46, _, _ =	vpop (xrf1)  }
0xef: {  	v22 =	vperm.xlane v22, v13;
	v23 =	vperm.xlane v23, v13;
	v28, _, _ =	vpop (xrf1)  }
0xf0: {  	v48 =	vmin.f32 v45, v25;
	v25 =	vmax.f32 v45, v25;
	v49 =	vmin.f32 v46, v24;
	v47, _, _ =	vpop (xrf1)  }
0xf1: {  	v24 =	vmax.f32 v46, v24;
	v50 =	vmin.f32 v28, v23;
	v51 =	vmin.f32 v47, v22  }
0xf2: {  	v23 =	vmax.f32 v28, v23;
	v52 =	vmin.f32 v48, v50;
	v53 =	vmin.f32 v49, v51  }
0xf3: {  	v22 =	vmax.f32 v47, v22;
	v54 =	vmax.f32 v48, v50;
	v55 =	vmin.f32 v52, v53  }
0xf4: {  	v56 =	vmax.f32 v49, v51;
	v26 =	vmax.f32 v52, v53;
	(xrf1) =	vsort.ascd.msk.f32 $0xffff, v55, v55  }
0xf5: {  	v59 =	vmin.f32 v25, v23;
	v57 =	vmin.f32 v54, v56;
	(xrf1) =	vsort.ascd.msk.f32 $0xffff, v26, v26  }
0xf6: {  	v60 =	vmin.f32 v24, v22;
	v58 =	vmax.f32 v54, v56;
	(xrf1) =	vsort.ascd.msk.f32 $0xffff, v57, v57  }
0xf7: {  	v23 =	vmax.f32 v25, v23;
	v61 =	vmin.f32 v59, v60;
	(xrf1) =	vsort.ascd.msk.f32 $0xffff, v58, v58  }
0xf8: {  	v22 =	vmax.f32 v24, v22;
	v62 =	vmax.f32 v59, v60;
	(xrf1) =	vsort.ascd.msk.f32 $0xffff, v61, v61  }
0xf9: {  	v63 =	vmin.f32 v23, v22;
	(xrf1) =	vsort.ascd.msk.f32 $0xffff, v62, v62  }
0xfa: {  	v22 =	vmax.f32 v23, v22;
	(xrf1) =	vsort.ascd.msk.f32 $0xffff, v63, v63  }
0xfb: {  	(xrf1) =	vsort.ascd.msk.f32 $0xffff, v22, v22;
	_ =	sdelay $0x6  }
0xfc: {  	v29 =	vor.u32 s17, v14;
	v28, _, _ =	vpop (xrf1)  }
0xfd: {  	v31 =	vor.u32 s17, v15;
	v30, _, _ =	vpop (xrf1);
	[tilespmem:v20+s0+$0x0] =	vst.idx.msk $0xffff, v28  }
0xfe: {  	v33 =	vor.u32 s17, v16;
	v32, _, _ =	vpop (xrf1);
	[tilespmem:v21+s0+$0x0] =	vst.idx.msk $0xffff, v30  }
0xff: {  	v34, _, _ =	vpop (xrf1);
	[tilespmem:v19+s0+$0x0] =	vst.idx.msk $0xffff, v32;
	v19 =	vor.u32 s17, v17;
	s17 =	sadd.s32 $0x80, s17  }
0x100: {  	v35, _, _ =	vpop (xrf1);
	[tilespmem:v18+s0+$0x0] =	vst.idx.msk $0xffff, v34;
	v18 =	vor.u32 s17, v0  }
0x101: {  	v37 =	vor.u32 s17, v5;
	v36, _, _ =	vpop (xrf1);
	[tilespmem:v29+s0+$0x0] =	vst.idx.msk $0xffff, v35  }
0x102: {  	v38, _, _ =	vpop (xrf1);
	[tilespmem:v31+s0+$0x0] =	vst.idx.msk $0xffff, v36  }
0x103: {  	v39, _, _ =	vpop (xrf1);
	[tilespmem:v33+s0+$0x0] =	vst.idx.msk $0xffff, v38  }
0x104: {  	[tilespmem:v19+s0+$0x0] =	vst.idx.msk $0xffff, v39  }
0x105: {  	v22 =	vld.idx.msk [tilespmem:v18+s20+$0x0], $0xffff  }
0x106: {  	v23 =	vld.idx.msk [tilespmem:v37+s20+$0x0], $0xffff;
	_ =	sdelay $0x1  }
0x107: {  	v20 =	vor.u32 s17, v3  }
0x108: {  	v19 =	vor.u32 s17, v4  }
0x109: {  	v21 =	vor.u32 s17, v2  }
0x10a: {  	v41 =	vor.u32 s17, v6;
	v40 =	vadd.f32 v23, v22;
	_ =	sdelay $0x1  }
0x10b: {  	v24 =	vld.idx.msk [tilespmem:v20+s20+$0x0], $0xffff;
	v42 =	vmul.f32 $5.000000000e-01, v40  }
0x10c: {  	v25 =	vld.idx.msk [tilespmem:v19+s20+$0x0], $0xffff  }
0x10d: {  	v23 =	vld.idx.msk [tilespmem:v21+s20+$0x0], $0xffff;
	[tilespmem:$0x12180] =	vst v42  }
0x10e: {  	v28 =	vld.idx.msk [tilespmem:v41+s20+$0x0], $0xffff;
	_ =	sdelay $0x4  }
0x10f: {  	v43 =	vor.u32 s17, v7;
	v28 =	vadd.f32 v28, v23;
	_ =	sdelay $0x1  }
0x110: {  	v28 =	vmul.f32 $5.000000000e-01, v28;
	_ =	sdelay $0x1  }
0x111: {  	[tilespmem:$0x12190] =	vst v28  }
0x112: {  	v28 =	vld.idx.msk [tilespmem:v43+s20+$0x0], $0xffff;
	_ =	sdelay $0x4  }
0x113: {  	v44 =	vor.u32 s17, v8;
	v28 =	vadd.f32 v28, v24;
	_ =	sdelay $0x1  }
0x114: {  	v28 =	vmul.f32 $5.000000000e-01, v28;
	_ =	sdelay $0x1  }
0x115: {  	[tilespmem:$0x121A0] =	vst v28  }
0x116: {  	v28 =	vld.idx.msk [tilespmem:v44+s20+$0x0], $0xffff;
	_ =	sdelay $0x4  }
0x117: {  	v28 =	vadd.f32 v28, v25;
	_ =	sdelay $0x1  }
0x118: {  	v28 =	vmul.f32 $5.000000000e-01, v28;
	_ =	sdelay $0x1  }
0x119: {  	[tilespmem:$0x121B0] =	vst v28  }
0x11a: {  	v26 =	vld.idx.msk [tilespmem:v37+s21+$0x0], $0xffff;
	_ =	sdelay $0x3  }
0x11b: {  	v27 =	vld.idx.msk [tilespmem:v41+s21+$0x0], $0xffff  }
0x11c: {  	v26 =	vadd.f32 $9.999999970e-07, v26;
	_ =	sdelay $0x1  }
0x11d: {  	(xrf2) =	vadd.scan.msk.f32 $0xffff, v26  }
0x11e: {  	v45 =	vld.idx.msk [tilespmem:v43+s21+$0x0], $0xffff  }
0x11f: {  	v27 =	vadd.f32 $9.999999970e-07, v27;
	_ =	sdelay $0x1  }
0x120: {  	v28 =	vld.idx.msk [tilespmem:v44+s21+$0x0], $0xffff;
	(xrf2) =	vadd.scan.msk.f32 $0xffff, v27;
	_ =	sdelay $0x1  }
0x121: {  	v26 =	vadd.f32 $9.999999970e-07, v45;
	_ =	sdelay $0x1  }
0x122: {  	(xrf2) =	vadd.scan.msk.f32 $0xffff, v26  }
0x123: {  	v46 =	vadd.f32 $9.999999970e-07, v28  }
0x124: {  	v47, _, _ =	vpop (xrf2)  }
0x125: {  	v26 =	vnsel vm0, $0x0, v46;
	v27 =	vadd.f32 $0.0e+00, v47  }
0x126: {  	(xrf2) =	vadd.scan.msk.f32 $0xffff, v26  }
0x127: {  	v48 =	vperm.xlane v27, v9  }
0x128: {  	v49, _, _ =	vpop (xrf2)  }
0x129: {  	v26 =	vadd.f32 v48, v49;
	_ =	sdelay $0x1  }
0x12a: {  	v28 =	vperm.xlane v26, v9  }
0x12b: {  	v50, _, _ =	vpop (xrf2)  }
0x12c: {  	v28 =	vadd.f32 v28, v50;
	_ =	sdelay $0x1  }
0x12d: {  	v29 =	vperm.xlane v28, v9  }
0x12e: {  	v51, _, _ =	vpop (xrf2)  }
0x12f: {  	v29 =	vadd.f32 v51, v29;
	_ =	sdelay $0x1  }
0x130: {  	v30 =	vperm.xlane v29, v9;
	_ =	sdelay $0x1  }
0x131: {  	(erf) = vrcp.f32 v30;
	_ =	sdelay $0x8  }
0x132: {  	v30 =	vpop (erf)  }
0x133: {  	v27 =	vmul.f32 v30, v27  }
0x134: {  	v26 =	vmul.f32 v30, v26  }
0x135: {  	v52 =	vmul.f32 v30, v28;
	[tilespmem:v5+s5+$0x0] =	vst.idx.msk $0xffff, v27  }
0x136: {  	v53 =	vmul.f32 v30, v29;
	[tilespmem:v6+s5+$0x0] =	vst.idx.msk $0xffff, v26  }
0x137: {  	[tilespmem:v7+s5+$0x0] =	vst.idx.msk $0xffff, v52  }
0x138: {  	[tilespmem:v10+s5+$0x0] =	vst.idx.msk $0xffff, v53  }
0x139: {  	v28 =	vld.idx.msk [tilespmem:v18+s22+$0x0], $0xffff  }
0x13a: {  	v54 =	vld.idx.msk [tilespmem:v11+s5+$0x0], $0xffff;
	_ =	sdelay $0x1  }
0x13b: {  	v29 =	vld.idx.msk [tilespmem:v21+s22+$0x0], $0xffff;
	_ =	sdelay $0x1  }
0x13c: {  	v26 =	vld.idx.msk [tilespmem:v20+s22+$0x0], $0xffff  }
0x13d: {  	vm1 =	vle.f32 v54, v28  }
0x13e: {  	v27 =	vld.idx.msk [tilespmem:v19+s22+$0x0], $0xffff;
	v55 =	vsel vm1, $0x20, v12  }
0x13f: {  	vm1 =	vle.f32 v54, v29;
	v56 =	vor.u32 $0x10, v55  }
0x140: {  	v57 =	vsel vm1, $0x20, v12  }
0x141: {  	vm1 =	vle.f32 v54, v26;
	v58 =	vor.u32 $0x10, v57  }
0x142: {  	v59 =	vsel vm1, $0x20, v12  }
0x143: {  	vm1 =	vle.f32 v54, v27;
	v61 =	vor.u32 $0x10, v59  }
0x144: {  	v30 =	vsel vm1, $0x20, v12;
	v60 =	vld.idx.msk [tilespmem:v56+s5+$0x0], $0xffff  }
0x145: {  	v63 =	vor.u32 $0x10, v30  }
0x146: {  	v62 =	vld.idx.msk [tilespmem:v58+s5+$0x0], $0xffff;
	_ =	sdelay $0x1  }
0x147: {  	v42 =	vld.idx.msk [tilespmem:v61+s5+$0x0], $0xffff  }
0x148: {  	vm1 =	vle.f32 v60, v28  }
0x149: {  	v43 =	vld.idx.msk [tilespmem:v63+s5+$0x0], $0xffff;
	v31 =	vsel vm1, v56, v55  }
0x14a: {  	vm1 =	vle.f32 v62, v29;
	v32 =	vor.u32 $0x8, v31  }
0x14b: {  	v33 =	vsel vm1, v58, v57  }
0x14c: {  	vm1 =	vle.f32 v42, v26;
	v34 =	vor.u32 $0x8, v33  }
0x14d: {  	v35 =	vsel vm1, v61, v59  }
0x14e: {  	vm1 =	vle.f32 v43, v27;
	v37 =	vor.u32 $0x8, v35  }
0x14f: {  	v30 =	vsel vm1, v63, v30;
	v44 =	vld.idx.msk [tilespmem:v32+s5+$0x0], $0xffff  }
0x150: {  	v39 =	vor.u32 $0x8, v30  }
0x151: {  	v45 =	vld.idx.msk [tilespmem:v34+s5+$0x0], $0xffff;
	_ =	sdelay $0x1  }
0x152: {  	v46 =	vld.idx.msk [tilespmem:v37+s5+$0x0], $0xffff  }
0x153: {  	vm1 =	vle.f32 v44, v28  }
0x154: {  	v47 =	vld.idx.msk [tilespmem:v39+s5+$0x0], $0xffff;
	v31 =	vsel vm1, v32, v31  }
0x155: {  	vm1 =	vle.f32 v45, v29;
	v32 =	vor.u32 $0x4, v31  }
0x156: {  	v33 =	vsel vm1, v34, v33  }
0x157: {  	vm1 =	vle.f32 v46, v26;
	v34 =	vor.u32 $0x4, v33  }
0x158: {  	v35 =	vsel vm1, v37, v35  }
0x159: {  	vm1 =	vle.f32 v47, v27;
	v37 =	vor.u32 $0x4, v35  }
0x15a: {  	v30 =	vsel vm1, v39, v30;
	v48 =	vld.idx.msk [tilespmem:v32+s5+$0x0], $0xffff  }
0x15b: {  	v39 =	vor.u32 $0x4, v30  }
0x15c: {  	v49 =	vld.idx.msk [tilespmem:v34+s5+$0x0], $0xffff;
	_ =	sdelay $0x1  }
0x15d: {  	v50 =	vld.idx.msk [tilespmem:v37+s5+$0x0], $0xffff  }
0x15e: {  	vm1 =	vle.f32 v48, v28  }
0x15f: {  	v51 =	vld.idx.msk [tilespmem:v39+s5+$0x0], $0xffff;
	v31 =	vsel vm1, v32, v31  }
0x160: {  	vm1 =	vle.f32 v49, v29;
	v32 =	vadd.s32 $0x2, v31  }
0x161: {  	v33 =	vsel vm1, v34, v33;
	v52 =	vmin.u32 v32, $0x3D  }
0x162: {  	vm1 =	vle.f32 v50, v26;
	v34 =	vadd.s32 $0x2, v33  }
0x163: {  	v35 =	vsel vm1, v37, v35;
	v53 =	vmin.u32 v34, $0x3D  }
0x164: {  	vm1 =	vle.f32 v51, v27;
	v54 =	vadd.s32 $0x2, v35  }
0x165: {  	v30 =	vsel vm1, v39, v30;
	v56 =	vmin.u32 v54, $0x3D  }
0x166: {  	v39 =	vadd.s32 $0x2, v30;
	v55 =	vld.idx.msk [tilespmem:v52+s5+$0x0], $0xffff  }
0x167: {  	v58 =	vmin.u32 v39, $0x3D  }
0x168: {  	v57 =	vld.idx.msk [tilespmem:v53+s5+$0x0], $0xffff;
	_ =	sdelay $0x1  }
0x169: {  	v59 =	vld.idx.msk [tilespmem:v56+s5+$0x0], $0xffff  }
0x16a: {  	vm2 =	vlt.u32 v31, $0x3C;
	vm1 =	vle.f32 v55, v28  }
0x16b: {  	v60 =	vld.idx.msk [tilespmem:v58+s5+$0x0], $0xffff;
	vm1 =	vmand vm1, vm2  }
0x16c: {  	vm2 =	vlt.u32 v33, $0x3C;
	v31 =	vsel vm1, v32, v31;
	vm1 =	vle.f32 v57, v29  }
0x16d: {  	v61 =	vadd.s32 $0x1, v31;
	vm1 =	vmand vm1, vm2;
	vm2 =	vlt.u32 v35, $0x3C  }
0x16e: {  	v62 =	vmin.u32 v61, $0x3D;
	v33 =	vsel vm1, v34, v33;
	vm1 =	vle.f32 v59, v26  }
0x16f: {  	v34 =	vadd.s32 $0x1, v33;
	vm1 =	vmand vm1, vm2;
	vm2 =	vlt.u32 v30, $0x3C  }
0x170: {  	v63 =	vmin.u32 v34, $0x3D;
	v35 =	vsel vm1, v54, v35;
	vm1 =	vle.f32 v60, v27  }
0x171: {  	v44 =	vadd.s32 $0x1, v35;
	vm1 =	vmand vm1, vm2  }
0x172: {  	v45 =	vmin.u32 v44, $0x3D;
	v30 =	vsel vm1, v39, v30  }
0x173: {  	v46 =	vld.idx.msk [tilespmem:v62+s5+$0x0], $0xffff;
	v47 =	vadd.s32 $0x1, v30  }
0x174: {  	v48 =	vmin.u32 v47, $0x3D  }
0x175: {  	v37 =	vld.idx.msk [tilespmem:v63+s5+$0x0], $0xffff;
	_ =	sdelay $0x1  }
0x176: {  	v36 =	vld.idx.msk [tilespmem:v45+s5+$0x0], $0xffff  }
0x177: {  	vm2 =	vlt.u32 v31, $0x3D;
	vm1 =	vle.f32 v46, v28  }
0x178: {  	vm1 =	vmand vm1, vm2;
	v49 =	vld.idx.msk [tilespmem:v48+s5+$0x0], $0xffff  }
0x179: {  	vm2 =	vlt.u32 v33, $0x3D;
	v31 =	vsel vm1, v61, v31;
	vm1 =	vle.f32 v37, v29  }
0x17a: {  	v50 =	vadd.s32 $0x1, v31;
	vm1 =	vmand vm1, vm2  }
0x17b: {  	vm2 =	vlt.u32 v35, $0x3D;
	v33 =	vsel vm1, v34, v33;
	vm1 =	vle.f32 v36, v26  }
0x17c: {  	v34 =	vadd.s32 $0x1, v33;
	vm1 =	vmand vm1, vm2  }
0x17d: {  	vm2 =	vlt.u32 v30, $0x3D;
	v32 =	vsel vm1, v44, v35;
	vm1 =	vle.f32 v49, v27  }
0x17e: {  	v51 =	vld.idx.msk [tilespmem:v31+s5+$0x0], $0xffff;
	v52 =	vadd.s32 $0x1, v32;
	vm1 =	vmand vm1, vm2  }
0x17f: {  	v53 =	vld.idx.msk [tilespmem:v50+s5+$0x0], $0xffff;
	v30 =	vsel vm1, v47, v30  }
0x180: {  	v54 =	vld.idx.msk [tilespmem:v33+s5+$0x0], $0xffff;
	v40 =	vadd.s32 $0x1, v30  }
0x181: {  	v55 =	vld.idx.msk [tilespmem:v34+s5+$0x0], $0xffff  }
0x182: {  	v56 =	vld.idx.msk [tilespmem:v32+s5+$0x0], $0xffff  }
0x183: {  	v57 =	vld.idx.msk [tilespmem:v52+s5+$0x0], $0xffff  }
0x184: {  	v58 =	vld.idx.msk [tilespmem:v30+s5+$0x0], $0xffff  }
0x185: {  	v59 =	vld.idx.msk [tilespmem:v40+s5+$0x0], $0xffff;
	_ =	sdelay $0x1  }
0x186: {  	v38 =	vsub.f32 v53, v51  }
0x187: {  	v41 =	vsub.f32 v55, v54  }
0x188: {  	vm1 =	vlt.f32 v38, $9.999999970e-07;
	v43 =	vsub.f32 v57, v56  }
0x189: {  	v31 =	vld.idx.msk [tilespmem:v31+s16+$0x0], $0xffff;
	v38 =	vsel vm1, $0x3F800000, v38;
	vm1 =	vlt.f32 v41, $9.999999970e-07;
	v45 =	vsub.f32 v59, v58  }
0x18a: {  	v37 =	vld.idx.msk [tilespmem:v50+s16+$0x0], $0xffff;
	(erf) = vrcp.f32 v38;
	v60 =	vsel vm1, $0x3F800000, v41;
	vm1 =	vlt.f32 v43, $9.999999970e-07  }
0x18b: {  	v33 =	vld.idx.msk [tilespmem:v33+s16+$0x0], $0xffff;
	(erf) = vrcp.f32 v60;
	v61 =	vsel vm1, $0x3F800000, v43;
	vm1 =	vlt.f32 v45, $9.999999970e-07  }
0x18c: {  	v34 =	vld.idx.msk [tilespmem:v34+s16+$0x0], $0xffff;
	(erf) = vrcp.f32 v61;
	v62 =	vsel vm1, $0x3F800000, v45  }
0x18d: {  	v32 =	vld.idx.msk [tilespmem:v32+s16+$0x0], $0xffff;
	(erf) = vrcp.f32 v62  }
0x18e: {  	v36 =	vld.idx.msk [tilespmem:v52+s16+$0x0], $0xffff  }
0x18f: {  	v30 =	vld.idx.msk [tilespmem:v30+s16+$0x0], $0xffff  }
0x190: {  	v63 =	vld.idx.msk [tilespmem:v40+s16+$0x0], $0xffff  }
0x191: {  	v28 =	vsub.f32 v28, v51;
	v37 =	vsub.f32 v37, v31  }
0x192: {  	v29 =	vsub.f32 v29, v54;
	v34 =	vsub.f32 v34, v33  }
0x193: {  	v26 =	vsub.f32 v26, v56;
	v36 =	vsub.f32 v36, v32;
	v45 =	vpop (erf)  }
0x194: {  	v34 =	vadd.f32 $9.999999970e-07, v34;
	v43 =	vadd.f32 $9.999999970e-07, v37;
	v28 =	vmul.f32 v45, v28;
	v46 =	vpop (erf)  }
0x195: {  	v27 =	vsub.f32 v27, v58;
	v38 =	vsub.f32 v63, v30;
	v29 =	vmul.f32 v46, v29;
	v47 =	vpop (erf)  }
0x196: {  	v48 =	vadd.f32 $9.999999970e-07, v36;
	v28 =	vmul.f32 v28, v43;
	v26 =	vmul.f32 v47, v26;
	v49 =	vpop (erf)  }
0x197: {  	v50 =	vadd.f32 $9.999999970e-07, v38;
	v29 =	vmul.f32 v29, v34;
	v27 =	vmul.f32 v49, v27  }
0x198: {  	v28 =	vadd.f32 v28, v31;
	v26 =	vmul.f32 v26, v48  }
0x199: {  	v29 =	vadd.f32 v29, v33;
	v27 =	vmul.f32 v27, v50  }
0x19a: {  	(xrf1) =	vsort.ascd.msk.f32 $0xffff, v28, v28;
	v26 =	vadd.f32 v26, v32  }
0x19b: {  	(xrf1) =	vsort.ascd.msk.f32 $0xffff, v29, v29;
	v27 =	vadd.f32 v27, v30  }
0x19c: {  	(xrf1) =	vsort.ascd.msk.f32 $0xffff, v26, v26  }
0x19d: {  	(xrf1) =	vsort.ascd.msk.f32 $0xffff, v27, v27;
	_ =	sdelay $0xa  }
0x19e: {  	v51, _, _ =	vpop (xrf1)  }
0x19f: {  	v52, _, _ =	vpop (xrf1)  }
0x1a0: {  	v27 =	vperm.xlane v52, v13;
	v53, _, _ =	vpop (xrf1)  }
0x1a1: {  	v54, _, _ =	vpop (xrf1)  }
0x1a2: {  	v55 =	vmin.f32 v51, v27;
	v29 =	vperm.xlane v54, v13  }
0x1a3: {  	v26 =	vmax.f32 v51, v27;
	(xrf1) =	vsort.ascd.msk.f32 $0xffff, v55, v55  }
0x1a4: {  	(xrf1) =	vsort.ascd.msk.f32 $0xffff, v26, v26;
	v56 =	vmin.f32 v53, v29  }
0x1a5: {  	v57 =	vmax.f32 v53, v29;
	(xrf1) =	vsort.ascd.msk.f32 $0xffff, v56, v56  }
0x1a6: {  	(xrf1) =	vsort.ascd.msk.f32 $0xffff, v57, v57;
	_ =	sdelay $0xa  }
0x1a7: {  	v58, _, _ =	vpop (xrf1)  }
0x1a8: {  	v59, _, _ =	vpop (xrf1)  }
0x1a9: {  	v60, _, _ =	vpop (xrf1)  }
0x1aa: {  	v61, _, _ =	vpop (xrf1)  }
0x1ab: {  	v28 =	vperm.xlane v60, v13;
	v29 =	vperm.xlane v61, v13;
	_ =	sdelay $0x1  }
0x1ac: {  	v63 =	vmin.f32 v59, v28;
	v62 =	vmin.f32 v58, v29  }
0x1ad: {  	v27 =	vmax.f32 v59, v28;
	v33 =	vmin.f32 v62, v63  }
0x1ae: {  	v26 =	vmax.f32 v58, v29;
	v34 =	vmax.f32 v62, v63;
	(xrf1) =	vsort.ascd.msk.f32 $0xffff, v33, v33  }
0x1af: {  	v35 =	vmin.f32 v26, v27;
	(xrf1) =	vsort.ascd.msk.f32 $0xffff, v34, v34  }
0x1b0: {  	v26 =	vmax.f32 v26, v27;
	(xrf1) =	vsort.ascd.msk.f32 $0xffff, v35, v35  }
0x1b1: {  	(xrf1) =	vsort.ascd.msk.f32 $0xffff, v26, v26;
	_ =	sdelay $0xa  }
0x1b2: {  	v36, _, _ =	vpop (xrf1)  }
0x1b3: {  	v24 =	vperm.xlane v24, v13;
	v25 =	vperm.xlane v25, v13;
	v37, _, _ =	vpop (xrf1)  }
0x1b4: {  	v22 =	vperm.xlane v22, v13;
	v23 =	vperm.xlane v23, v13;
	v28, _, _ =	vpop (xrf1)  }
0x1b5: {  	v39 =	vmin.f32 v36, v25;
	v25 =	vmax.f32 v36, v25;
	v40 =	vmin.f32 v37, v24;
	v38, _, _ =	vpop (xrf1)  }
0x1b6: {  	v24 =	vmax.f32 v37, v24;
	v41 =	vmin.f32 v28, v23;
	v42 =	vmin.f32 v38, v22  }
0x1b7: {  	v23 =	vmax.f32 v28, v23;
	v43 =	vmin.f32 v39, v41;
	v44 =	vmin.f32 v40, v42  }
0x1b8: {  	v22 =	vmax.f32 v38, v22;
	v45 =	vmax.f32 v39, v41;
	v46 =	vmin.f32 v43, v44  }
0x1b9: {  	v47 =	vmax.f32 v40, v42;
	v26 =	vmax.f32 v43, v44;
	(xrf1) =	vsort.ascd.msk.f32 $0xffff, v46, v46  }
0x1ba: {  	v50 =	vmin.f32 v25, v23;
	v48 =	vmin.f32 v45, v47;
	(xrf1) =	vsort.ascd.msk.f32 $0xffff, v26, v26  }
0x1bb: {  	v51 =	vmin.f32 v24, v22;
	v49 =	vmax.f32 v45, v47;
	(xrf1) =	vsort.ascd.msk.f32 $0xffff, v48, v48  }
0x1bc: {  	v23 =	vmax.f32 v25, v23;
	v52 =	vmin.f32 v50, v51;
	(xrf1) =	vsort.ascd.msk.f32 $0xffff, v49, v49  }
0x1bd: {  	v22 =	vmax.f32 v24, v22;
	v53 =	vmax.f32 v50, v51;
	(xrf1) =	vsort.ascd.msk.f32 $0xffff, v52, v52  }
0x1be: {  	v54 =	vmin.f32 v23, v22;
	(xrf1) =	vsort.ascd.msk.f32 $0xffff, v53, v53  }
0x1bf: {  	v22 =	vmax.f32 v23, v22;
	(xrf1) =	vsort.ascd.msk.f32 $0xffff, v54, v54  }
0x1c0: {  	(xrf1) =	vsort.ascd.msk.f32 $0xffff, v22, v22;
	_ =	sdelay $0x6  }
0x1c1: {  	v56 =	vor.u32 s17, v14;
	v55, _, _ =	vpop (xrf1)  }
0x1c2: {  	v57, _, _ =	vpop (xrf1);
	[tilespmem:v18+s0+$0x0] =	vst.idx.msk $0xffff, v55;
	v18 =	vor.u32 s17, v15  }
0x1c3: {  	v59 =	vor.u32 s17, v16;
	v58, _, _ =	vpop (xrf1);
	[tilespmem:v21+s0+$0x0] =	vst.idx.msk $0xffff, v57  }
0x1c4: {  	p0 =	sne.s32 s12, $0x1E;
	v61 =	vor.u32 s17, v17;
	v60, _, _ =	vpop (xrf1);
	[tilespmem:v20+s0+$0x0] =	vst.idx.msk $0xffff, v58  }
.Ltmp0:
0x1c5: {  	v62, _, _ =	vpop (xrf1);
	[tilespmem:v19+s0+$0x0] =	vst.idx.msk $0xffff, v60;
	(pc) =	sbr.rel @p0 .LBB2_3-.Ltmp0, $4  }
0x1c6: {  	v19, _, _ =	vpop (xrf1);
	[tilespmem:v56+s0+$0x0] =	vst.idx.msk $0xffff, v62  }
0x1c7: {  	v63, _, _ =	vpop (xrf1);
	[tilespmem:v18+s0+$0x0] =	vst.idx.msk $0xffff, v19  }
0x1c8: {  	v18, _, _ =	vpop (xrf1);
	[tilespmem:v59+s0+$0x0] =	vst.idx.msk $0xffff, v63  }
0x1c9: {  	s12 =	sadd.s32 $0x2, s12;
	[tilespmem:v61+s0+$0x0] =	vst.idx.msk $0xffff, v18  }
0x1ca: {  	s12 =	sshrl.u32 s25, $0x3  }
0x1cb: {  	s12 =	smul.u32 $0x180, s12;
	_ =	sdelay $0x1  }
0x1cc: {  	s2 =	simm.s32 $0xA000;
	s12 =	sadd.s32 s10, s12  }
0x1cd: {  	[hbm4b:s12+s4] =	stream.linear.scatter [tilespmem:s2], [sflag:$0x3], $0x3000, $0x38;
	[tilespmem:$0x12200] =	vst v63  }
0x1ce: {  	s17 =	rddreg [dreg:$0x3];
	s2 =	sshll.u32 s25, $0x4  }
0x1cf: {  	s12 =	sadd.s32 s17, s2  }
0x1d0: {  	[hbm4b:s12+s4] =	stream.linear.scatter [tilespmem:s0], [sflag:$0x3], $0x1000, $0x38;
	[tilespmem:$0x12200] =	vst v63  }
0x1d1: {  	_ =	swait.ge [sflag:s13], $0x1000  }
0x1d2: {  	[sflag:s13] =	ssyncset.done $0x0  }
0x1d3: {  	[sflag:s13] =	ssyncadd.s32 $0xFFFFF000  }
0x1d4: {  	_ =	swait.ge [sflag:s13], $0x1000  }
0x1d5: {  	[sflag:s13] =	ssyncset.done $0x0  }
0x1d6: {  	[sflag:s13] =	ssyncadd.s32 $0xFFFFF000  }
0x1d7: {  	_ =	swait.ge [sflag:s13], $0x1000  }
0x1d8: {  	[sflag:s13] =	ssyncset.done $0x0  }
0x1d9: {  	[sflag:s13] =	ssyncadd.s32 $0xFFFFF000  }
0x1da: {  	_ =	swait.ge [sflag:s13], $0x1000  }
0x1db: {  	[sflag:s13] =	ssyncset.done $0x0  }
0x1dc: {  	p0 =	seq.s32 s18, $0x1F;
	[sflag:s13] =	ssyncadd.s32 $0xFFFFF000  }
0x1dd: {  	s12 =	sshll.u32 @!p0 s18, $0xA;
	_ =	swait.ge [sflag:s13], $0x1000  }
0x1de: {  	s12 =	sadd.s32 @!p0 s12, s15;
	[sflag:s13] =	ssyncset.done $0x0  }
0x1df: {  	s25 =	simm.s32 @!p0 $0x0;
	s17 =	sadd.s32 @!p0 s1, s12;
	[sflag:s13] =	ssyncadd.s32 $0xFFFFF000  }
0x1e0: {  	[tilespmem:s25], [sflag:$0x1] =	stream.linear.gather @!p0 [hbm4b:s17+s25], $0x1000, $0x38;
	[tilespmem:$0x12200] =	vst v63  }
0x1e1: {  	s2 =	smov.u32 s1;
	s1 =	simm.s32 @!p0 $0x1000;
	s17 =	sadd.s32 @!p0 s3, s12  }
0x1e2: {  	[tilespmem:s1], [sflag:$0x1] =	stream.linear.gather @!p0 [hbm4b:s17+s25], $0x1000, $0x38;
	[tilespmem:$0x12200] =	vst v63  }
0x1e3: {  	s1 =	sadd.s32 @!p0 s6, s12;
	s17 =	simm.s32 @!p0 $0x2000  }
0x1e4: {  	[tilespmem:s17], [sflag:$0x1] =	stream.linear.gather @!p0 [hbm4b:s1+s25], $0x1000, $0x38;
	[tilespmem:$0x12200] =	vst v63  }
0x1e5: {  	s1 =	sadd.s32 @!p0 s7, s12;
	s17 =	simm.s32 @!p0 $0x3000  }
0x1e6: {  	[tilespmem:s17], [sflag:$0x1] =	stream.linear.gather @!p0 [hbm4b:s1+s25], $0x1000, $0x38;
	[tilespmem:$0x12200] =	vst v63  }
0x1e7: {  	p1 =	seq.s32 @!p0 s18, $0x0;
	s1 =	sadd.s32 @!p0 s8, s12;
	s12 =	simm.s32 @!p0 $0x4000  }
0x1e8: {  	[tilespmem:s12], [sflag:$0x1] =	stream.linear.gather @!p0 [hbm4b:s1+s25], $0x1000, $0x38;
	[tilespmem:$0x12200] =	vst v63  }
0x1e9: {  	p0 =	por p0, !p1  }
0x1ea: {  	_ =	swait.ge @p0 [sflag:s19], $0x3000  }
0x1eb: {  	[sflag:s19] =	ssyncset.done @p0 $0x0  }
0x1ec: {  	[sflag:s19] =	ssyncadd.s32 @p0 $0xFFFFD000  }
0x1ed: {  	_ =	swait.ge @p0 [sflag:s19], $0x1000  }
0x1ee: {  	s25 =	sshll.u32 s24, $0x5;
	[sflag:s19] =	ssyncset.done @p0 $0x0  }
0x1ef: {  	s12 =	simm.s32 $0x0;
	s24 =	sadd.s32 s9, s25;
	[sflag:s19] =	ssyncadd.s32 @p0 $0xFFFFF000  }
.LBB2_5:
0x1f0: {  	s17 =	sshll.u32 s12, $0x7  }
0x1f1: {  	v20 =	vor.u32 s17, v0  }
0x1f2: {  	v26 =	vor.u32 s17, v5;
	_ =	sdelay $0x3  }
0x1f3: {  	v22 =	vld.idx.msk [tilespmem:v20+s26+$0x0], $0xffff  }
0x1f4: {  	v23 =	vld.idx.msk [tilespmem:v26+s26+$0x0], $0xffff;
	_ =	sdelay $0x1  }
0x1f5: {  	v19 =	vor.u32 s17, v3  }
0x1f6: {  	v21 =	vor.u32 s17, v2  }
0x1f7: {  	v18 =	vor.u32 s17, v4  }
0x1f8: {  	v27 =	vor.u32 s17, v6;
	v25 =	vadd.f32 v23, v22;
	_ =	sdelay $0x1  }
0x1f9: {  	v24 =	vld.idx.msk [tilespmem:v19+s26+$0x0], $0xffff;
	v28 =	vmul.f32 $5.000000000e-01, v25  }
0x1fa: {  	v23 =	vld.idx.msk [tilespmem:v21+s26+$0x0], $0xffff  }
0x1fb: {  	v25 =	vld.idx.msk [tilespmem:v18+s26+$0x0], $0xffff;
	[tilespmem:$0x12100] =	vst v28  }
0x1fc: {  	v28 =	vld.idx.msk [tilespmem:v27+s26+$0x0], $0xffff;
	_ =	sdelay $0x4  }
0x1fd: {  	v29 =	vor.u32 s17, v7;
	v28 =	vadd.f32 v28, v23;
	_ =	sdelay $0x1  }
0x1fe: {  	v28 =	vmul.f32 $5.000000000e-01, v28;
	_ =	sdelay $0x1  }
0x1ff: {  	[tilespmem:$0x12110] =	vst v28  }
0x200: {  	v28 =	vld.idx.msk [tilespmem:v29+s26+$0x0], $0xffff;
	_ =	sdelay $0x4  }
0x201: {  	v30 =	vor.u32 s17, v8;
	v28 =	vadd.f32 v28, v24;
	_ =	sdelay $0x1  }
0x202: {  	v28 =	vmul.f32 $5.000000000e-01, v28;
	_ =	sdelay $0x1  }
0x203: {  	[tilespmem:$0x12120] =	vst v28  }
0x204: {  	v28 =	vld.idx.msk [tilespmem:v30+s26+$0x0], $0xffff;
	_ =	sdelay $0x4  }
0x205: {  	v28 =	vadd.f32 v28, v25;
	_ =	sdelay $0x1  }
0x206: {  	v28 =	vmul.f32 $5.000000000e-01, v28;
	_ =	sdelay $0x1  }
0x207: {  	[tilespmem:$0x12130] =	vst v28  }
0x208: {  	v26 =	vld.idx.msk [tilespmem:v26+s28+$0x0], $0xffff;
	_ =	sdelay $0x3  }
0x209: {  	v27 =	vld.idx.msk [tilespmem:v27+s28+$0x0], $0xffff  }
0x20a: {  	v26 =	vadd.f32 $9.999999970e-07, v26;
	_ =	sdelay $0x1  }
0x20b: {  	(xrf2) =	vadd.scan.msk.f32 $0xffff, v26  }
0x20c: {  	v43 =	vld.idx.msk [tilespmem:v29+s28+$0x0], $0xffff  }
0x20d: {  	v27 =	vadd.f32 $9.999999970e-07, v27;
	_ =	sdelay $0x1  }
0x20e: {  	v28 =	vld.idx.msk [tilespmem:v30+s28+$0x0], $0xffff;
	(xrf2) =	vadd.scan.msk.f32 $0xffff, v27;
	_ =	sdelay $0x1  }
0x20f: {  	v26 =	vadd.f32 $9.999999970e-07, v43;
	_ =	sdelay $0x1  }
0x210: {  	(xrf2) =	vadd.scan.msk.f32 $0xffff, v26  }
0x211: {  	v44 =	vadd.f32 $9.999999970e-07, v28  }
0x212: {  	v45, _, _ =	vpop (xrf2)  }
0x213: {  	v26 =	vnsel vm0, $0x0, v44;
	v27 =	vadd.f32 $0.0e+00, v45  }
0x214: {  	(xrf2) =	vadd.scan.msk.f32 $0xffff, v26  }
0x215: {  	v46 =	vperm.xlane v27, v9  }
0x216: {  	v47, _, _ =	vpop (xrf2)  }
0x217: {  	v26 =	vadd.f32 v46, v47;
	_ =	sdelay $0x1  }
0x218: {  	v28 =	vperm.xlane v26, v9  }
0x219: {  	v48, _, _ =	vpop (xrf2)  }
0x21a: {  	v28 =	vadd.f32 v28, v48;
	_ =	sdelay $0x1  }
0x21b: {  	v29 =	vperm.xlane v28, v9  }
0x21c: {  	v49, _, _ =	vpop (xrf2)  }
0x21d: {  	v29 =	vadd.f32 v49, v29;
	_ =	sdelay $0x1  }
0x21e: {  	v30 =	vperm.xlane v29, v9;
	_ =	sdelay $0x1  }
0x21f: {  	(erf) = vrcp.f32 v30;
	_ =	sdelay $0x8  }
0x220: {  	v30 =	vpop (erf)  }
0x221: {  	v27 =	vmul.f32 v30, v27  }
0x222: {  	v26 =	vmul.f32 v30, v26  }
0x223: {  	v50 =	vmul.f32 v30, v28;
	[tilespmem:v5+s30+$0x0] =	vst.idx.msk $0xffff, v27  }
0x224: {  	v51 =	vmul.f32 v30, v29;
	[tilespmem:v6+s30+$0x0] =	vst.idx.msk $0xffff, v26  }
0x225: {  	[tilespmem:v7+s30+$0x0] =	vst.idx.msk $0xffff, v50  }
0x226: {  	[tilespmem:v10+s30+$0x0] =	vst.idx.msk $0xffff, v51  }
0x227: {  	v29 =	vld.idx.msk [tilespmem:v20+s29+$0x0], $0xffff  }
0x228: {  	v52 =	vld.idx.msk [tilespmem:v11+s30+$0x0], $0xffff;
	_ =	sdelay $0x1  }
0x229: {  	v28 =	vld.idx.msk [tilespmem:v21+s29+$0x0], $0xffff;
	_ =	sdelay $0x1  }
0x22a: {  	v26 =	vld.idx.msk [tilespmem:v19+s29+$0x0], $0xffff  }
0x22b: {  	vm1 =	vle.f32 v52, v29  }
0x22c: {  	v27 =	vld.idx.msk [tilespmem:v18+s29+$0x0], $0xffff;
	v31 =	vsel vm1, $0x20, v12  }
0x22d: {  	vm1 =	vle.f32 v52, v28;
	v32 =	vor.u32 $0x10, v31  }
0x22e: {  	v33 =	vsel vm1, $0x20, v12  }
0x22f: {  	vm1 =	vle.f32 v52, v26;
	v34 =	vor.u32 $0x10, v33  }
0x230: {  	v35 =	vsel vm1, $0x20, v12  }
0x231: {  	vm1 =	vle.f32 v52, v27;
	v37 =	vor.u32 $0x10, v35  }
0x232: {  	v30 =	vsel vm1, $0x20, v12;
	v36 =	vld.idx.msk [tilespmem:v32+s30+$0x0], $0xffff  }
0x233: {  	v39 =	vor.u32 $0x10, v30  }
0x234: {  	v38 =	vld.idx.msk [tilespmem:v34+s30+$0x0], $0xffff;
	_ =	sdelay $0x1  }
0x235: {  	v53 =	vld.idx.msk [tilespmem:v37+s30+$0x0], $0xffff  }
0x236: {  	vm1 =	vle.f32 v36, v29  }
0x237: {  	v54 =	vld.idx.msk [tilespmem:v39+s30+$0x0], $0xffff;
	v31 =	vsel vm1, v32, v31  }
0x238: {  	vm1 =	vle.f32 v38, v28;
	v32 =	vor.u32 $0x8, v31  }
0x239: {  	v33 =	vsel vm1, v34, v33  }
0x23a: {  	vm1 =	vle.f32 v53, v26;
	v34 =	vor.u32 $0x8, v33  }
0x23b: {  	v35 =	vsel vm1, v37, v35  }
0x23c: {  	vm1 =	vle.f32 v54, v27;
	v37 =	vor.u32 $0x8, v35  }
0x23d: {  	v30 =	vsel vm1, v39, v30;
	v55 =	vld.idx.msk [tilespmem:v32+s30+$0x0], $0xffff  }
0x23e: {  	v39 =	vor.u32 $0x8, v30  }
0x23f: {  	v56 =	vld.idx.msk [tilespmem:v34+s30+$0x0], $0xffff;
	_ =	sdelay $0x1  }
0x240: {  	v57 =	vld.idx.msk [tilespmem:v37+s30+$0x0], $0xffff  }
0x241: {  	vm1 =	vle.f32 v55, v29  }
0x242: {  	v58 =	vld.idx.msk [tilespmem:v39+s30+$0x0], $0xffff;
	v31 =	vsel vm1, v32, v31  }
0x243: {  	vm1 =	vle.f32 v56, v28;
	v32 =	vor.u32 $0x4, v31  }
0x244: {  	v33 =	vsel vm1, v34, v33  }
0x245: {  	vm1 =	vle.f32 v57, v26;
	v34 =	vor.u32 $0x4, v33  }
0x246: {  	v35 =	vsel vm1, v37, v35  }
0x247: {  	vm1 =	vle.f32 v58, v27;
	v37 =	vor.u32 $0x4, v35  }
0x248: {  	v30 =	vsel vm1, v39, v30;
	v59 =	vld.idx.msk [tilespmem:v32+s30+$0x0], $0xffff  }
0x249: {  	v39 =	vor.u32 $0x4, v30  }
0x24a: {  	v60 =	vld.idx.msk [tilespmem:v34+s30+$0x0], $0xffff;
	_ =	sdelay $0x1  }
0x24b: {  	v61 =	vld.idx.msk [tilespmem:v37+s30+$0x0], $0xffff  }
0x24c: {  	vm1 =	vle.f32 v59, v29  }
0x24d: {  	v62 =	vld.idx.msk [tilespmem:v39+s30+$0x0], $0xffff;
	v31 =	vsel vm1, v32, v31  }
0x24e: {  	vm1 =	vle.f32 v60, v28;
	v32 =	vadd.s32 $0x2, v31  }
0x24f: {  	v33 =	vsel vm1, v34, v33;
	v40 =	vmin.u32 v32, $0x3D  }
0x250: {  	vm1 =	vle.f32 v61, v26;
	v34 =	vadd.s32 $0x2, v33  }
0x251: {  	v35 =	vsel vm1, v37, v35;
	v41 =	vmin.u32 v34, $0x3D  }
0x252: {  	vm1 =	vle.f32 v62, v27;
	v63 =	vadd.s32 $0x2, v35  }
0x253: {  	v30 =	vsel vm1, v39, v30;
	v45 =	vmin.u32 v63, $0x3D  }
0x254: {  	v39 =	vadd.s32 $0x2, v30;
	v44 =	vld.idx.msk [tilespmem:v40+s30+$0x0], $0xffff  }
0x255: {  	v47 =	vmin.u32 v39, $0x3D  }
0x256: {  	v46 =	vld.idx.msk [tilespmem:v41+s30+$0x0], $0xffff;
	_ =	sdelay $0x1  }
0x257: {  	v48 =	vld.idx.msk [tilespmem:v45+s30+$0x0], $0xffff  }
0x258: {  	vm2 =	vlt.u32 v31, $0x3C;
	vm1 =	vle.f32 v44, v29  }
0x259: {  	v49 =	vld.idx.msk [tilespmem:v47+s30+$0x0], $0xffff;
	vm1 =	vmand vm1, vm2  }
0x25a: {  	vm2 =	vlt.u32 v33, $0x3C;
	v31 =	vsel vm1, v32, v31;
	vm1 =	vle.f32 v46, v28  }
0x25b: {  	v50 =	vadd.s32 $0x1, v31;
	vm1 =	vmand vm1, vm2;
	vm2 =	vlt.u32 v35, $0x3C  }
0x25c: {  	v51 =	vmin.u32 v50, $0x3D;
	v33 =	vsel vm1, v34, v33;
	vm1 =	vle.f32 v48, v26  }
0x25d: {  	v34 =	vadd.s32 $0x1, v33;
	vm1 =	vmand vm1, vm2;
	vm2 =	vlt.u32 v30, $0x3C  }
0x25e: {  	v52 =	vmin.u32 v34, $0x3D;
	v35 =	vsel vm1, v63, v35;
	vm1 =	vle.f32 v49, v27  }
0x25f: {  	v53 =	vadd.s32 $0x1, v35;
	vm1 =	vmand vm1, vm2  }
0x260: {  	v54 =	vmin.u32 v53, $0x3D;
	v30 =	vsel vm1, v39, v30  }
0x261: {  	v55 =	vld.idx.msk [tilespmem:v51+s30+$0x0], $0xffff;
	v56 =	vadd.s32 $0x1, v30  }
0x262: {  	v57 =	vmin.u32 v56, $0x3D  }
0x263: {  	v37 =	vld.idx.msk [tilespmem:v52+s30+$0x0], $0xffff;
	_ =	sdelay $0x1  }
0x264: {  	v36 =	vld.idx.msk [tilespmem:v54+s30+$0x0], $0xffff  }
0x265: {  	vm2 =	vlt.u32 v31, $0x3D;
	vm1 =	vle.f32 v55, v29  }
0x266: {  	vm1 =	vmand vm1, vm2;
	v58 =	vld.idx.msk [tilespmem:v57+s30+$0x0], $0xffff  }
0x267: {  	vm2 =	vlt.u32 v33, $0x3D;
	v31 =	vsel vm1, v50, v31;
	vm1 =	vle.f32 v37, v28  }
0x268: {  	v59 =	vadd.s32 $0x1, v31;
	vm1 =	vmand vm1, vm2  }
0x269: {  	vm2 =	vlt.u32 v35, $0x3D;
	v33 =	vsel vm1, v34, v33;
	vm1 =	vle.f32 v36, v26  }
0x26a: {  	v34 =	vadd.s32 $0x1, v33;
	vm1 =	vmand vm1, vm2  }
0x26b: {  	vm2 =	vlt.u32 v30, $0x3D;
	v32 =	vsel vm1, v53, v35;
	vm1 =	vle.f32 v58, v27  }
0x26c: {  	v60 =	vld.idx.msk [tilespmem:v31+s30+$0x0], $0xffff;
	v61 =	vadd.s32 $0x1, v32;
	vm1 =	vmand vm1, vm2  }
0x26d: {  	v62 =	vld.idx.msk [tilespmem:v59+s30+$0x0], $0xffff;
	v30 =	vsel vm1, v56, v30  }
0x26e: {  	v63 =	vld.idx.msk [tilespmem:v33+s30+$0x0], $0xffff;
	v40 =	vadd.s32 $0x1, v30  }
0x26f: {  	v48 =	vld.idx.msk [tilespmem:v34+s30+$0x0], $0xffff  }
0x270: {  	v42 =	vld.idx.msk [tilespmem:v32+s30+$0x0], $0xffff  }
0x271: {  	v43 =	vld.idx.msk [tilespmem:v61+s30+$0x0], $0xffff  }
0x272: {  	v44 =	vld.idx.msk [tilespmem:v30+s30+$0x0], $0xffff  }
0x273: {  	v45 =	vld.idx.msk [tilespmem:v40+s30+$0x0], $0xffff;
	_ =	sdelay $0x1  }
0x274: {  	v38 =	vsub.f32 v62, v60  }
0x275: {  	v41 =	vsub.f32 v48, v63  }
0x276: {  	vm1 =	vlt.f32 v38, $9.999999970e-07;
	v43 =	vsub.f32 v43, v42  }
0x277: {  	v31 =	vld.idx.msk [tilespmem:v31+s31+$0x0], $0xffff;
	v38 =	vsel vm1, $0x3F800000, v38;
	vm1 =	vlt.f32 v41, $9.999999970e-07;
	v45 =	vsub.f32 v45, v44  }
0x278: {  	v37 =	vld.idx.msk [tilespmem:v59+s31+$0x0], $0xffff;
	(erf) = vrcp.f32 v38;
	v49 =	vsel vm1, $0x3F800000, v41;
	vm1 =	vlt.f32 v43, $9.999999970e-07  }
0x279: {  	v33 =	vld.idx.msk [tilespmem:v33+s31+$0x0], $0xffff;
	(erf) = vrcp.f32 v49;
	v50 =	vsel vm1, $0x3F800000, v43;
	vm1 =	vlt.f32 v45, $9.999999970e-07  }
0x27a: {  	v34 =	vld.idx.msk [tilespmem:v34+s31+$0x0], $0xffff;
	(erf) = vrcp.f32 v50;
	v51 =	vsel vm1, $0x3F800000, v45  }
0x27b: {  	v32 =	vld.idx.msk [tilespmem:v32+s31+$0x0], $0xffff;
	(erf) = vrcp.f32 v51  }
0x27c: {  	v36 =	vld.idx.msk [tilespmem:v61+s31+$0x0], $0xffff  }
0x27d: {  	v30 =	vld.idx.msk [tilespmem:v30+s31+$0x0], $0xffff  }
0x27e: {  	v52 =	vld.idx.msk [tilespmem:v40+s31+$0x0], $0xffff  }
0x27f: {  	v29 =	vsub.f32 v29, v60;
	v37 =	vsub.f32 v37, v31  }
0x280: {  	v28 =	vsub.f32 v28, v63;
	v34 =	vsub.f32 v34, v33  }
0x281: {  	v53 =	vadd.f32 $9.999999970e-07, v37;
	v26 =	vsub.f32 v26, v42;
	v54 =	vpop (erf)  }
0x282: {  	v34 =	vadd.f32 $9.999999970e-07, v34;
	v36 =	vsub.f32 v36, v32;
	v29 =	vmul.f32 v54, v29;
	v55 =	vpop (erf)  }
0x283: {  	v27 =	vsub.f32 v27, v44;
	v38 =	vsub.f32 v52, v30;
	v28 =	vmul.f32 v55, v28;
	v56 =	vpop (erf)  }
0x284: {  	v57 =	vadd.f32 $9.999999970e-07, v36;
	v29 =	vmul.f32 v29, v53;
	v26 =	vmul.f32 v56, v26;
	v58 =	vpop (erf)  }
0x285: {  	v59 =	vadd.f32 $9.999999970e-07, v38;
	v28 =	vmul.f32 v28, v34;
	v27 =	vmul.f32 v58, v27  }
0x286: {  	v29 =	vadd.f32 v29, v31;
	v26 =	vmul.f32 v26, v57  }
0x287: {  	v28 =	vadd.f32 v28, v33;
	v27 =	vmul.f32 v27, v59  }
0x288: {  	(xrf1) =	vsort.ascd.msk.f32 $0xffff, v29, v29;
	v26 =	vadd.f32 v26, v32  }
0x289: {  	(xrf1) =	vsort.ascd.msk.f32 $0xffff, v28, v28;
	v27 =	vadd.f32 v27, v30  }
0x28a: {  	(xrf1) =	vsort.ascd.msk.f32 $0xffff, v26, v26  }
0x28b: {  	(xrf1) =	vsort.ascd.msk.f32 $0xffff, v27, v27;
	_ =	sdelay $0xa  }
0x28c: {  	v60, _, _ =	vpop (xrf1)  }
0x28d: {  	v61, _, _ =	vpop (xrf1)  }
0x28e: {  	v27 =	vperm.xlane v61, v13;
	v62, _, _ =	vpop (xrf1)  }
0x28f: {  	v63, _, _ =	vpop (xrf1)  }
0x290: {  	v33 =	vmin.f32 v60, v27;
	v29 =	vperm.xlane v63, v13  }
0x291: {  	v26 =	vmax.f32 v60, v27;
	(xrf1) =	vsort.ascd.msk.f32 $0xffff, v33, v33  }
0x292: {  	(xrf1) =	vsort.ascd.msk.f32 $0xffff, v26, v26;
	v34 =	vmin.f32 v62, v29  }
0x293: {  	v35 =	vmax.f32 v62, v29;
	(xrf1) =	vsort.ascd.msk.f32 $0xffff, v34, v34  }
0x294: {  	(xrf1) =	vsort.ascd.msk.f32 $0xffff, v35, v35;
	_ =	sdelay $0xa  }
0x295: {  	v36, _, _ =	vpop (xrf1)  }
0x296: {  	v37, _, _ =	vpop (xrf1)  }
0x297: {  	v38, _, _ =	vpop (xrf1)  }
0x298: {  	v39, _, _ =	vpop (xrf1)  }
0x299: {  	v28 =	vperm.xlane v38, v13;
	v29 =	vperm.xlane v39, v13;
	_ =	sdelay $0x1  }
0x29a: {  	v41 =	vmin.f32 v37, v28;
	v40 =	vmin.f32 v36, v29  }
0x29b: {  	v27 =	vmax.f32 v37, v28;
	v42 =	vmin.f32 v40, v41  }
0x29c: {  	v26 =	vmax.f32 v36, v29;
	v43 =	vmax.f32 v40, v41;
	(xrf1) =	vsort.ascd.msk.f32 $0xffff, v42, v42  }
0x29d: {  	v44 =	vmin.f32 v26, v27;
	(xrf1) =	vsort.ascd.msk.f32 $0xffff, v43, v43  }
0x29e: {  	v26 =	vmax.f32 v26, v27;
	(xrf1) =	vsort.ascd.msk.f32 $0xffff, v44, v44  }
0x29f: {  	(xrf1) =	vsort.ascd.msk.f32 $0xffff, v26, v26;
	_ =	sdelay $0xa  }
0x2a0: {  	v45, _, _ =	vpop (xrf1)  }
0x2a1: {  	v24 =	vperm.xlane v24, v13;
	v25 =	vperm.xlane v25, v13;
	v46, _, _ =	vpop (xrf1)  }
0x2a2: {  	v22 =	vperm.xlane v22, v13;
	v23 =	vperm.xlane v23, v13;
	v28, _, _ =	vpop (xrf1)  }
0x2a3: {  	v48 =	vmin.f32 v45, v25;
	v25 =	vmax.f32 v45, v25;
	v49 =	vmin.f32 v46, v24;
	v47, _, _ =	vpop (xrf1)  }
0x2a4: {  	v24 =	vmax.f32 v46, v24;
	v50 =	vmin.f32 v28, v23;
	v51 =	vmin.f32 v47, v22  }
0x2a5: {  	v23 =	vmax.f32 v28, v23;
	v52 =	vmin.f32 v48, v50;
	v53 =	vmin.f32 v49, v51  }
0x2a6: {  	v22 =	vmax.f32 v47, v22;
	v54 =	vmax.f32 v48, v50;
	v55 =	vmin.f32 v52, v53  }
0x2a7: {  	v56 =	vmax.f32 v49, v51;
	v26 =	vmax.f32 v52, v53;
	(xrf1) =	vsort.ascd.msk.f32 $0xffff, v55, v55  }
0x2a8: {  	v59 =	vmin.f32 v25, v23;
	v57 =	vmin.f32 v54, v56;
	(xrf1) =	vsort.ascd.msk.f32 $0xffff, v26, v26  }
0x2a9: {  	v60 =	vmin.f32 v24, v22;
	v58 =	vmax.f32 v54, v56;
	(xrf1) =	vsort.ascd.msk.f32 $0xffff, v57, v57  }
0x2aa: {  	v23 =	vmax.f32 v25, v23;
	v61 =	vmin.f32 v59, v60;
	(xrf1) =	vsort.ascd.msk.f32 $0xffff, v58, v58  }
0x2ab: {  	v22 =	vmax.f32 v24, v22;
	v62 =	vmax.f32 v59, v60;
	(xrf1) =	vsort.ascd.msk.f32 $0xffff, v61, v61  }
0x2ac: {  	v63 =	vmin.f32 v23, v22;
	(xrf1) =	vsort.ascd.msk.f32 $0xffff, v62, v62  }
0x2ad: {  	v22 =	vmax.f32 v23, v22;
	(xrf1) =	vsort.ascd.msk.f32 $0xffff, v63, v63  }
0x2ae: {  	(xrf1) =	vsort.ascd.msk.f32 $0xffff, v22, v22;
	_ =	sdelay $0x6  }
0x2af: {  	v29 =	vor.u32 s17, v14;
	v28, _, _ =	vpop (xrf1)  }
0x2b0: {  	v31 =	vor.u32 s17, v15;
	v30, _, _ =	vpop (xrf1);
	[tilespmem:v20+s14+$0x0] =	vst.idx.msk $0xffff, v28  }
0x2b1: {  	v33 =	vor.u32 s17, v16;
	v32, _, _ =	vpop (xrf1);
	[tilespmem:v21+s14+$0x0] =	vst.idx.msk $0xffff, v30  }
0x2b2: {  	v34, _, _ =	vpop (xrf1);
	[tilespmem:v19+s14+$0x0] =	vst.idx.msk $0xffff, v32;
	v19 =	vor.u32 s17, v17;
	s17 =	sadd.s32 $0x80, s17  }
0x2b3: {  	v35, _, _ =	vpop (xrf1);
	[tilespmem:v18+s14+$0x0] =	vst.idx.msk $0xffff, v34;
	v18 =	vor.u32 s17, v0  }
0x2b4: {  	v37 =	vor.u32 s17, v5;
	v36, _, _ =	vpop (xrf1);
	[tilespmem:v29+s14+$0x0] =	vst.idx.msk $0xffff, v35  }
0x2b5: {  	v38, _, _ =	vpop (xrf1);
	[tilespmem:v31+s14+$0x0] =	vst.idx.msk $0xffff, v36  }
0x2b6: {  	v39, _, _ =	vpop (xrf1);
	[tilespmem:v33+s14+$0x0] =	vst.idx.msk $0xffff, v38  }
0x2b7: {  	[tilespmem:v19+s14+$0x0] =	vst.idx.msk $0xffff, v39  }
0x2b8: {  	v22 =	vld.idx.msk [tilespmem:v18+s26+$0x0], $0xffff  }
0x2b9: {  	v23 =	vld.idx.msk [tilespmem:v37+s26+$0x0], $0xffff;
	_ =	sdelay $0x1  }
0x2ba: {  	v20 =	vor.u32 s17, v3  }
0x2bb: {  	v19 =	vor.u32 s17, v4  }
0x2bc: {  	v21 =	vor.u32 s17, v2  }
0x2bd: {  	v41 =	vor.u32 s17, v6;
	v40 =	vadd.f32 v23, v22;
	_ =	sdelay $0x1  }
0x2be: {  	v24 =	vld.idx.msk [tilespmem:v20+s26+$0x0], $0xffff;
	v42 =	vmul.f32 $5.000000000e-01, v40  }
0x2bf: {  	v25 =	vld.idx.msk [tilespmem:v19+s26+$0x0], $0xffff  }
0x2c0: {  	v23 =	vld.idx.msk [tilespmem:v21+s26+$0x0], $0xffff;
	[tilespmem:$0x12180] =	vst v42  }
0x2c1: {  	v28 =	vld.idx.msk [tilespmem:v41+s26+$0x0], $0xffff;
	_ =	sdelay $0x4  }
0x2c2: {  	v43 =	vor.u32 s17, v7;
	v28 =	vadd.f32 v28, v23;
	_ =	sdelay $0x1  }
0x2c3: {  	v28 =	vmul.f32 $5.000000000e-01, v28;
	_ =	sdelay $0x1  }
0x2c4: {  	[tilespmem:$0x12190] =	vst v28  }
0x2c5: {  	v28 =	vld.idx.msk [tilespmem:v43+s26+$0x0], $0xffff;
	_ =	sdelay $0x4  }
0x2c6: {  	v44 =	vor.u32 s17, v8;
	v28 =	vadd.f32 v28, v24;
	_ =	sdelay $0x1  }
0x2c7: {  	v28 =	vmul.f32 $5.000000000e-01, v28;
	_ =	sdelay $0x1  }
0x2c8: {  	[tilespmem:$0x121A0] =	vst v28  }
0x2c9: {  	v28 =	vld.idx.msk [tilespmem:v44+s26+$0x0], $0xffff;
	_ =	sdelay $0x4  }
0x2ca: {  	v28 =	vadd.f32 v28, v25;
	_ =	sdelay $0x1  }
0x2cb: {  	v28 =	vmul.f32 $5.000000000e-01, v28;
	_ =	sdelay $0x1  }
0x2cc: {  	[tilespmem:$0x121B0] =	vst v28  }
0x2cd: {  	v26 =	vld.idx.msk [tilespmem:v37+s28+$0x0], $0xffff;
	_ =	sdelay $0x3  }
0x2ce: {  	v27 =	vld.idx.msk [tilespmem:v41+s28+$0x0], $0xffff  }
0x2cf: {  	v26 =	vadd.f32 $9.999999970e-07, v26;
	_ =	sdelay $0x1  }
0x2d0: {  	(xrf2) =	vadd.scan.msk.f32 $0xffff, v26  }
0x2d1: {  	v45 =	vld.idx.msk [tilespmem:v43+s28+$0x0], $0xffff  }
0x2d2: {  	v27 =	vadd.f32 $9.999999970e-07, v27;
	_ =	sdelay $0x1  }
0x2d3: {  	v28 =	vld.idx.msk [tilespmem:v44+s28+$0x0], $0xffff;
	(xrf2) =	vadd.scan.msk.f32 $0xffff, v27;
	_ =	sdelay $0x1  }
0x2d4: {  	v26 =	vadd.f32 $9.999999970e-07, v45;
	_ =	sdelay $0x1  }
0x2d5: {  	(xrf2) =	vadd.scan.msk.f32 $0xffff, v26  }
0x2d6: {  	v46 =	vadd.f32 $9.999999970e-07, v28  }
0x2d7: {  	v47, _, _ =	vpop (xrf2)  }
0x2d8: {  	v26 =	vnsel vm0, $0x0, v46;
	v27 =	vadd.f32 $0.0e+00, v47  }
0x2d9: {  	(xrf2) =	vadd.scan.msk.f32 $0xffff, v26  }
0x2da: {  	v48 =	vperm.xlane v27, v9  }
0x2db: {  	v49, _, _ =	vpop (xrf2)  }
0x2dc: {  	v26 =	vadd.f32 v48, v49;
	_ =	sdelay $0x1  }
0x2dd: {  	v28 =	vperm.xlane v26, v9  }
0x2de: {  	v50, _, _ =	vpop (xrf2)  }
0x2df: {  	v28 =	vadd.f32 v28, v50;
	_ =	sdelay $0x1  }
0x2e0: {  	v29 =	vperm.xlane v28, v9  }
0x2e1: {  	v51, _, _ =	vpop (xrf2)  }
0x2e2: {  	v29 =	vadd.f32 v51, v29;
	_ =	sdelay $0x1  }
0x2e3: {  	v30 =	vperm.xlane v29, v9;
	_ =	sdelay $0x1  }
0x2e4: {  	(erf) = vrcp.f32 v30;
	_ =	sdelay $0x8  }
0x2e5: {  	v30 =	vpop (erf)  }
0x2e6: {  	v27 =	vmul.f32 v30, v27  }
0x2e7: {  	v26 =	vmul.f32 v30, v26  }
0x2e8: {  	v52 =	vmul.f32 v30, v28;
	[tilespmem:v5+s5+$0x0] =	vst.idx.msk $0xffff, v27  }
0x2e9: {  	v53 =	vmul.f32 v30, v29;
	[tilespmem:v6+s5+$0x0] =	vst.idx.msk $0xffff, v26  }
0x2ea: {  	[tilespmem:v7+s5+$0x0] =	vst.idx.msk $0xffff, v52  }
0x2eb: {  	[tilespmem:v10+s5+$0x0] =	vst.idx.msk $0xffff, v53  }
0x2ec: {  	v28 =	vld.idx.msk [tilespmem:v18+s29+$0x0], $0xffff  }
0x2ed: {  	v54 =	vld.idx.msk [tilespmem:v11+s5+$0x0], $0xffff;
	_ =	sdelay $0x1  }
0x2ee: {  	v29 =	vld.idx.msk [tilespmem:v21+s29+$0x0], $0xffff;
	_ =	sdelay $0x1  }
0x2ef: {  	v26 =	vld.idx.msk [tilespmem:v20+s29+$0x0], $0xffff  }
0x2f0: {  	vm1 =	vle.f32 v54, v28  }
0x2f1: {  	v27 =	vld.idx.msk [tilespmem:v19+s29+$0x0], $0xffff;
	v55 =	vsel vm1, $0x20, v12  }
0x2f2: {  	vm1 =	vle.f32 v54, v29;
	v56 =	vor.u32 $0x10, v55  }
0x2f3: {  	v57 =	vsel vm1, $0x20, v12  }
0x2f4: {  	vm1 =	vle.f32 v54, v26;
	v58 =	vor.u32 $0x10, v57  }
0x2f5: {  	v59 =	vsel vm1, $0x20, v12  }
0x2f6: {  	vm1 =	vle.f32 v54, v27;
	v61 =	vor.u32 $0x10, v59  }
0x2f7: {  	v30 =	vsel vm1, $0x20, v12;
	v60 =	vld.idx.msk [tilespmem:v56+s5+$0x0], $0xffff  }
0x2f8: {  	v63 =	vor.u32 $0x10, v30  }
0x2f9: {  	v62 =	vld.idx.msk [tilespmem:v58+s5+$0x0], $0xffff;
	_ =	sdelay $0x1  }
0x2fa: {  	v42 =	vld.idx.msk [tilespmem:v61+s5+$0x0], $0xffff  }
0x2fb: {  	vm1 =	vle.f32 v60, v28  }
0x2fc: {  	v43 =	vld.idx.msk [tilespmem:v63+s5+$0x0], $0xffff;
	v31 =	vsel vm1, v56, v55  }
0x2fd: {  	vm1 =	vle.f32 v62, v29;
	v32 =	vor.u32 $0x8, v31  }
0x2fe: {  	v33 =	vsel vm1, v58, v57  }
0x2ff: {  	vm1 =	vle.f32 v42, v26;
	v34 =	vor.u32 $0x8, v33  }
0x300: {  	v35 =	vsel vm1, v61, v59  }
0x301: {  	vm1 =	vle.f32 v43, v27;
	v37 =	vor.u32 $0x8, v35  }
0x302: {  	v30 =	vsel vm1, v63, v30;
	v44 =	vld.idx.msk [tilespmem:v32+s5+$0x0], $0xffff  }
0x303: {  	v39 =	vor.u32 $0x8, v30  }
0x304: {  	v45 =	vld.idx.msk [tilespmem:v34+s5+$0x0], $0xffff;
	_ =	sdelay $0x1  }
0x305: {  	v46 =	vld.idx.msk [tilespmem:v37+s5+$0x0], $0xffff  }
0x306: {  	vm1 =	vle.f32 v44, v28  }
0x307: {  	v47 =	vld.idx.msk [tilespmem:v39+s5+$0x0], $0xffff;
	v31 =	vsel vm1, v32, v31  }
0x308: {  	vm1 =	vle.f32 v45, v29;
	v32 =	vor.u32 $0x4, v31  }
0x309: {  	v33 =	vsel vm1, v34, v33  }
0x30a: {  	vm1 =	vle.f32 v46, v26;
	v34 =	vor.u32 $0x4, v33  }
0x30b: {  	v35 =	vsel vm1, v37, v35  }
0x30c: {  	vm1 =	vle.f32 v47, v27;
	v37 =	vor.u32 $0x4, v35  }
0x30d: {  	v30 =	vsel vm1, v39, v30;
	v48 =	vld.idx.msk [tilespmem:v32+s5+$0x0], $0xffff  }
0x30e: {  	v39 =	vor.u32 $0x4, v30  }
0x30f: {  	v49 =	vld.idx.msk [tilespmem:v34+s5+$0x0], $0xffff;
	_ =	sdelay $0x1  }
0x310: {  	v50 =	vld.idx.msk [tilespmem:v37+s5+$0x0], $0xffff  }
0x311: {  	vm1 =	vle.f32 v48, v28  }
0x312: {  	v51 =	vld.idx.msk [tilespmem:v39+s5+$0x0], $0xffff;
	v31 =	vsel vm1, v32, v31  }
0x313: {  	vm1 =	vle.f32 v49, v29;
	v32 =	vadd.s32 $0x2, v31  }
0x314: {  	v33 =	vsel vm1, v34, v33;
	v52 =	vmin.u32 v32, $0x3D  }
0x315: {  	vm1 =	vle.f32 v50, v26;
	v34 =	vadd.s32 $0x2, v33  }
0x316: {  	v35 =	vsel vm1, v37, v35;
	v53 =	vmin.u32 v34, $0x3D  }
0x317: {  	vm1 =	vle.f32 v51, v27;
	v54 =	vadd.s32 $0x2, v35  }
0x318: {  	v30 =	vsel vm1, v39, v30;
	v56 =	vmin.u32 v54, $0x3D  }
0x319: {  	v39 =	vadd.s32 $0x2, v30;
	v55 =	vld.idx.msk [tilespmem:v52+s5+$0x0], $0xffff  }
0x31a: {  	v58 =	vmin.u32 v39, $0x3D  }
0x31b: {  	v57 =	vld.idx.msk [tilespmem:v53+s5+$0x0], $0xffff;
	_ =	sdelay $0x1  }
0x31c: {  	v59 =	vld.idx.msk [tilespmem:v56+s5+$0x0], $0xffff  }
0x31d: {  	vm2 =	vlt.u32 v31, $0x3C;
	vm1 =	vle.f32 v55, v28  }
0x31e: {  	v60 =	vld.idx.msk [tilespmem:v58+s5+$0x0], $0xffff;
	vm1 =	vmand vm1, vm2  }
0x31f: {  	vm2 =	vlt.u32 v33, $0x3C;
	v31 =	vsel vm1, v32, v31;
	vm1 =	vle.f32 v57, v29  }
0x320: {  	v61 =	vadd.s32 $0x1, v31;
	vm1 =	vmand vm1, vm2;
	vm2 =	vlt.u32 v35, $0x3C  }
0x321: {  	v62 =	vmin.u32 v61, $0x3D;
	v33 =	vsel vm1, v34, v33;
	vm1 =	vle.f32 v59, v26  }
0x322: {  	v34 =	vadd.s32 $0x1, v33;
	vm1 =	vmand vm1, vm2;
	vm2 =	vlt.u32 v30, $0x3C  }
0x323: {  	v63 =	vmin.u32 v34, $0x3D;
	v35 =	vsel vm1, v54, v35;
	vm1 =	vle.f32 v60, v27  }
0x324: {  	v44 =	vadd.s32 $0x1, v35;
	vm1 =	vmand vm1, vm2  }
0x325: {  	v45 =	vmin.u32 v44, $0x3D;
	v30 =	vsel vm1, v39, v30  }
0x326: {  	v46 =	vld.idx.msk [tilespmem:v62+s5+$0x0], $0xffff;
	v47 =	vadd.s32 $0x1, v30  }
0x327: {  	v48 =	vmin.u32 v47, $0x3D  }
0x328: {  	v37 =	vld.idx.msk [tilespmem:v63+s5+$0x0], $0xffff;
	_ =	sdelay $0x1  }
0x329: {  	v36 =	vld.idx.msk [tilespmem:v45+s5+$0x0], $0xffff  }
0x32a: {  	vm2 =	vlt.u32 v31, $0x3D;
	vm1 =	vle.f32 v46, v28  }
0x32b: {  	vm1 =	vmand vm1, vm2;
	v49 =	vld.idx.msk [tilespmem:v48+s5+$0x0], $0xffff  }
0x32c: {  	vm2 =	vlt.u32 v33, $0x3D;
	v31 =	vsel vm1, v61, v31;
	vm1 =	vle.f32 v37, v29  }
0x32d: {  	v50 =	vadd.s32 $0x1, v31;
	vm1 =	vmand vm1, vm2  }
0x32e: {  	vm2 =	vlt.u32 v35, $0x3D;
	v33 =	vsel vm1, v34, v33;
	vm1 =	vle.f32 v36, v26  }
0x32f: {  	v34 =	vadd.s32 $0x1, v33;
	vm1 =	vmand vm1, vm2  }
0x330: {  	vm2 =	vlt.u32 v30, $0x3D;
	v32 =	vsel vm1, v44, v35;
	vm1 =	vle.f32 v49, v27  }
0x331: {  	v51 =	vld.idx.msk [tilespmem:v31+s5+$0x0], $0xffff;
	v52 =	vadd.s32 $0x1, v32;
	vm1 =	vmand vm1, vm2  }
0x332: {  	v53 =	vld.idx.msk [tilespmem:v50+s5+$0x0], $0xffff;
	v30 =	vsel vm1, v47, v30  }
0x333: {  	v54 =	vld.idx.msk [tilespmem:v33+s5+$0x0], $0xffff;
	v40 =	vadd.s32 $0x1, v30  }
0x334: {  	v55 =	vld.idx.msk [tilespmem:v34+s5+$0x0], $0xffff  }
0x335: {  	v56 =	vld.idx.msk [tilespmem:v32+s5+$0x0], $0xffff  }
0x336: {  	v57 =	vld.idx.msk [tilespmem:v52+s5+$0x0], $0xffff  }
0x337: {  	v58 =	vld.idx.msk [tilespmem:v30+s5+$0x0], $0xffff  }
0x338: {  	v59 =	vld.idx.msk [tilespmem:v40+s5+$0x0], $0xffff;
	_ =	sdelay $0x1  }
0x339: {  	v38 =	vsub.f32 v53, v51  }
0x33a: {  	v41 =	vsub.f32 v55, v54  }
0x33b: {  	vm1 =	vlt.f32 v38, $9.999999970e-07;
	v43 =	vsub.f32 v57, v56  }
0x33c: {  	v31 =	vld.idx.msk [tilespmem:v31+s16+$0x0], $0xffff;
	v38 =	vsel vm1, $0x3F800000, v38;
	vm1 =	vlt.f32 v41, $9.999999970e-07;
	v45 =	vsub.f32 v59, v58  }
0x33d: {  	v37 =	vld.idx.msk [tilespmem:v50+s16+$0x0], $0xffff;
	(erf) = vrcp.f32 v38;
	v60 =	vsel vm1, $0x3F800000, v41;
	vm1 =	vlt.f32 v43, $9.999999970e-07  }
0x33e: {  	v33 =	vld.idx.msk [tilespmem:v33+s16+$0x0], $0xffff;
	(erf) = vrcp.f32 v60;
	v61 =	vsel vm1, $0x3F800000, v43;
	vm1 =	vlt.f32 v45, $9.999999970e-07  }
0x33f: {  	v34 =	vld.idx.msk [tilespmem:v34+s16+$0x0], $0xffff;
	(erf) = vrcp.f32 v61;
	v62 =	vsel vm1, $0x3F800000, v45  }
0x340: {  	v32 =	vld.idx.msk [tilespmem:v32+s16+$0x0], $0xffff;
	(erf) = vrcp.f32 v62  }
0x341: {  	v36 =	vld.idx.msk [tilespmem:v52+s16+$0x0], $0xffff  }
0x342: {  	v30 =	vld.idx.msk [tilespmem:v30+s16+$0x0], $0xffff  }
0x343: {  	v63 =	vld.idx.msk [tilespmem:v40+s16+$0x0], $0xffff  }
0x344: {  	v28 =	vsub.f32 v28, v51;
	v37 =	vsub.f32 v37, v31  }
0x345: {  	v29 =	vsub.f32 v29, v54;
	v34 =	vsub.f32 v34, v33  }
0x346: {  	v26 =	vsub.f32 v26, v56;
	v36 =	vsub.f32 v36, v32;
	v45 =	vpop (erf)  }
0x347: {  	v34 =	vadd.f32 $9.999999970e-07, v34;
	v43 =	vadd.f32 $9.999999970e-07, v37;
	v28 =	vmul.f32 v45, v28;
	v46 =	vpop (erf)  }
0x348: {  	v27 =	vsub.f32 v27, v58;
	v38 =	vsub.f32 v63, v30;
	v29 =	vmul.f32 v46, v29;
	v47 =	vpop (erf)  }
0x349: {  	v48 =	vadd.f32 $9.999999970e-07, v36;
	v28 =	vmul.f32 v28, v43;
	v26 =	vmul.f32 v47, v26;
	v49 =	vpop (erf)  }
0x34a: {  	v50 =	vadd.f32 $9.999999970e-07, v38;
	v29 =	vmul.f32 v29, v34;
	v27 =	vmul.f32 v49, v27  }
0x34b: {  	v28 =	vadd.f32 v28, v31;
	v26 =	vmul.f32 v26, v48  }
0x34c: {  	v29 =	vadd.f32 v29, v33;
	v27 =	vmul.f32 v27, v50  }
0x34d: {  	(xrf1) =	vsort.ascd.msk.f32 $0xffff, v28, v28;
	v26 =	vadd.f32 v26, v32  }
0x34e: {  	(xrf1) =	vsort.ascd.msk.f32 $0xffff, v29, v29;
	v27 =	vadd.f32 v27, v30  }
0x34f: {  	(xrf1) =	vsort.ascd.msk.f32 $0xffff, v26, v26  }
0x350: {  	(xrf1) =	vsort.ascd.msk.f32 $0xffff, v27, v27;
	_ =	sdelay $0xa  }
0x351: {  	v51, _, _ =	vpop (xrf1)  }
0x352: {  	v52, _, _ =	vpop (xrf1)  }
0x353: {  	v27 =	vperm.xlane v52, v13;
	v53, _, _ =	vpop (xrf1)  }
0x354: {  	v54, _, _ =	vpop (xrf1)  }
0x355: {  	v55 =	vmin.f32 v51, v27;
	v29 =	vperm.xlane v54, v13  }
0x356: {  	v26 =	vmax.f32 v51, v27;
	(xrf1) =	vsort.ascd.msk.f32 $0xffff, v55, v55  }
0x357: {  	(xrf1) =	vsort.ascd.msk.f32 $0xffff, v26, v26;
	v56 =	vmin.f32 v53, v29  }
0x358: {  	v57 =	vmax.f32 v53, v29;
	(xrf1) =	vsort.ascd.msk.f32 $0xffff, v56, v56  }
0x359: {  	(xrf1) =	vsort.ascd.msk.f32 $0xffff, v57, v57;
	_ =	sdelay $0xa  }
0x35a: {  	v58, _, _ =	vpop (xrf1)  }
0x35b: {  	v59, _, _ =	vpop (xrf1)  }
0x35c: {  	v60, _, _ =	vpop (xrf1)  }
0x35d: {  	v61, _, _ =	vpop (xrf1)  }
0x35e: {  	v28 =	vperm.xlane v60, v13;
	v29 =	vperm.xlane v61, v13;
	_ =	sdelay $0x1  }
0x35f: {  	v63 =	vmin.f32 v59, v28;
	v62 =	vmin.f32 v58, v29  }
0x360: {  	v27 =	vmax.f32 v59, v28;
	v33 =	vmin.f32 v62, v63  }
0x361: {  	v26 =	vmax.f32 v58, v29;
	v34 =	vmax.f32 v62, v63;
	(xrf1) =	vsort.ascd.msk.f32 $0xffff, v33, v33  }
0x362: {  	v35 =	vmin.f32 v26, v27;
	(xrf1) =	vsort.ascd.msk.f32 $0xffff, v34, v34  }
0x363: {  	v26 =	vmax.f32 v26, v27;
	(xrf1) =	vsort.ascd.msk.f32 $0xffff, v35, v35  }
0x364: {  	(xrf1) =	vsort.ascd.msk.f32 $0xffff, v26, v26;
	_ =	sdelay $0xa  }
0x365: {  	v36, _, _ =	vpop (xrf1)  }
0x366: {  	v24 =	vperm.xlane v24, v13;
	v25 =	vperm.xlane v25, v13;
	v37, _, _ =	vpop (xrf1)  }
0x367: {  	v22 =	vperm.xlane v22, v13;
	v23 =	vperm.xlane v23, v13;
	v28, _, _ =	vpop (xrf1)  }
0x368: {  	v39 =	vmin.f32 v36, v25;
	v25 =	vmax.f32 v36, v25;
	v40 =	vmin.f32 v37, v24;
	v38, _, _ =	vpop (xrf1)  }
0x369: {  	v24 =	vmax.f32 v37, v24;
	v41 =	vmin.f32 v28, v23;
	v42 =	vmin.f32 v38, v22  }
0x36a: {  	v23 =	vmax.f32 v28, v23;
	v43 =	vmin.f32 v39, v41;
	v44 =	vmin.f32 v40, v42  }
0x36b: {  	v22 =	vmax.f32 v38, v22;
	v45 =	vmax.f32 v39, v41;
	v46 =	vmin.f32 v43, v44  }
0x36c: {  	v47 =	vmax.f32 v40, v42;
	v26 =	vmax.f32 v43, v44;
	(xrf1) =	vsort.ascd.msk.f32 $0xffff, v46, v46  }
0x36d: {  	v50 =	vmin.f32 v25, v23;
	v48 =	vmin.f32 v45, v47;
	(xrf1) =	vsort.ascd.msk.f32 $0xffff, v26, v26  }
0x36e: {  	v51 =	vmin.f32 v24, v22;
	v49 =	vmax.f32 v45, v47;
	(xrf1) =	vsort.ascd.msk.f32 $0xffff, v48, v48  }
0x36f: {  	v23 =	vmax.f32 v25, v23;
	v52 =	vmin.f32 v50, v51;
	(xrf1) =	vsort.ascd.msk.f32 $0xffff, v49, v49  }
0x370: {  	v22 =	vmax.f32 v24, v22;
	v53 =	vmax.f32 v50, v51;
	(xrf1) =	vsort.ascd.msk.f32 $0xffff, v52, v52  }
0x371: {  	v54 =	vmin.f32 v23, v22;
	(xrf1) =	vsort.ascd.msk.f32 $0xffff, v53, v53  }
0x372: {  	v22 =	vmax.f32 v23, v22;
	(xrf1) =	vsort.ascd.msk.f32 $0xffff, v54, v54  }
0x373: {  	(xrf1) =	vsort.ascd.msk.f32 $0xffff, v22, v22;
	_ =	sdelay $0x6  }
0x374: {  	v56 =	vor.u32 s17, v14;
	v55, _, _ =	vpop (xrf1)  }
0x375: {  	v57, _, _ =	vpop (xrf1);
	[tilespmem:v18+s14+$0x0] =	vst.idx.msk $0xffff, v55;
	v18 =	vor.u32 s17, v15  }
0x376: {  	v59 =	vor.u32 s17, v16;
	v58, _, _ =	vpop (xrf1);
	[tilespmem:v21+s14+$0x0] =	vst.idx.msk $0xffff, v57  }
0x377: {  	p0 =	sne.s32 s12, $0x1E;
	v61 =	vor.u32 s17, v17;
	v60, _, _ =	vpop (xrf1);
	[tilespmem:v20+s14+$0x0] =	vst.idx.msk $0xffff, v58  }
.Ltmp1:
0x378: {  	v62, _, _ =	vpop (xrf1);
	[tilespmem:v19+s14+$0x0] =	vst.idx.msk $0xffff, v60;
	(pc) =	sbr.rel @p0 .LBB2_5-.Ltmp1, $4  }
0x379: {  	v19, _, _ =	vpop (xrf1);
	[tilespmem:v56+s14+$0x0] =	vst.idx.msk $0xffff, v62  }
0x37a: {  	v63, _, _ =	vpop (xrf1);
	[tilespmem:v18+s14+$0x0] =	vst.idx.msk $0xffff, v19  }
0x37b: {  	v18, _, _ =	vpop (xrf1);
	[tilespmem:v59+s14+$0x0] =	vst.idx.msk $0xffff, v63  }
0x37c: {  	s12 =	sadd.s32 $0x2, s12;
	[tilespmem:v61+s14+$0x0] =	vst.idx.msk $0xffff, v18  }
0x37d: {  	s1 =	sshrl.u32 s24, $0x3  }
0x37e: {  	s18 =	sadd.s32 $0x1, s18;
	s1 =	smul.u32 $0x180, s1  }
0x37f: {  	s12 =	simm.s32 $0xE000;
	s24 =	sshll.u32 s24, $0x4;
	p0 =	sne.s32 s18, $0x20  }
.Ltmp2:
0x380: {  	s25 =	rddreg [dreg:$0x3];
	s1 =	sadd.s32 s10, s1;
	(pc) =	sbr.rel @p0 .LBB2_2-.Ltmp2, $4  }
0x381: {  	[hbm4b:s1+s4] =	stream.linear.scatter [tilespmem:s12], [sflag:$0x4], $0x3000, $0x38;
	[tilespmem:$0x12200] =	vst v63  }
0x382: {  	s1 =	sadd.s32 s25, s24  }
0x383: {  	[hbm4b:s1+s4] =	stream.linear.scatter [tilespmem:s14], [sflag:$0x4], $0x1000, $0x38;
	[tilespmem:$0x12200] =	vst v63  }
0x384: {  	s1 =	smov.u32 s2  }
0x385: {  	s2 =	simm.s32 $0x3  }
0x386: {  	_ =	swait.ge [sflag:s2], $0x3000  }
0x387: {  	[sflag:s2] =	ssyncset.done $0x0  }
0x388: {  	[sflag:s2] =	ssyncadd.s32 $0xFFFFD000  }
0x389: {  	_ =	swait.ge [sflag:s2], $0x1000  }
0x38a: {  	[sflag:s2] =	ssyncset.done $0x0  }
0x38b: {  	[sflag:s2] =	ssyncadd.s32 $0xFFFFF000  }
0x38c: {  	_ =	swait.ge [sflag:s19], $0x3000  }
0x38d: {  	[sflag:s19] =	ssyncset.done $0x0  }
0x38e: {  	[sflag:s19] =	ssyncadd.s32 $0xFFFFD000  }
0x38f: {  	_ =	swait.ge [sflag:s19], $0x1000  }
0x390: {  	s12 =	rddreg [dreg:$0xb]  }
0x391: {  	s25 =	rddreg [dreg:$0xa];
	s12 =	sadd.s32 $0x1, s12  }
0x392: {  	p0 =	sne.s32 s12, s25  }
.Ltmp3:
0x393: {  	_ = 	snop;
	(pc) =	sbr.rel @p0 .LBB2_1-.Ltmp3, $3  }
0x394: {  	_ =	sdelay $0x1  }
0x395: {  	[sflag:s19] =	ssyncset.done $0x0  }
0x396: {  	[sflag:s19] =	ssyncadd.s32 $0xFFFFF000  }
0x397: {  	_ =	sfence.sel $0x180000  }
0x398: {  	[bflag:$0x0] =	sbarrier.arrive $0xFFFF  }
0x399: {  	_ =	strace $0x90000047  }
0x39a: {  	s0 =	stileid.u32;
	[bflag:$0x2] =	sbarrier.arrive $0xFFFF  }
0x39b: {  	p0 =	sne.s32 s0, $0x0;
	s0 =	rddreg [dreg:$0x4]  }
0x39c: {  	s0 =	sadd.s32 @!p0 $0x100000, s0  }
0x39d: {  	[sflag:s0] =	ssyncadd.tile.s32 @!p0 $0x1;
	_ =	shalt  }
.Lfunc_end2:
_tile_overlayer_lowered:
.L_overlay_start_2:
0x39e: {  	(tag) =	ssettag $0x2  }
0x39f: {  	s0 =	rddreg [dreg:$0x0];
	s2 =	stileid.u32  }
0x3a0: {  	s1 =	rddreg [dreg:$0x1];
	p0 =	sne.s32 s2, $0x0  }
0x3a1: {  	s3 =	rddreg [dreg:$0x2];
	[bflag:$0x3] =	sbarrier.arrive $0xFFFF;
	s2 =	simm.s32 @!p0 $0x1C05  }
0x3a2: {  	[timem:s3], [sflag:s2] =	dma.local @!p0 [hbm:s0], s1  }
0x3a3: {  	s0 =	simm.s32 @!p0 $0x5  }
0x3a4: {  	_ =	swait.ge @!p0 [sflag:s0], s1  }
0x3a5: {  	s1 =	ssub.s32 @!p0 $0x0, s1;
	[sflag:s0] =	ssyncset.done @!p0 $0x0  }
0x3a6: {  	[sflag:s0] =	ssyncadd.s32 @!p0 s1  }
0x3a7: {  	[bflag:$0x3] =	sbarrier.arrive $0xFFFF  }
0x3a8: {  	_ =	shalt  }

// kernel: sparse-core-data-format-call.cloned.1.call-start
scs
called_computation_lowered:
.L_overlay_start_0:
0x0: {  	s2 =	sld [smem:$0x3FD9]  }
0x1: {  	s3 =	sld [smem:$0x3FFE];
	_ =	sdelay $0x1  }
0x2: {  	s1 =	srdreg.scid  }
0x3: {  	s0 =	sand.u32 $0x1, s1  }
0x4: {  	s15 =	sshll.u32 s0, $0xA;
	s2 =	sadd.s32 s3, s2  }
0x5: {  	s2 =	sadd.s32 s2, s15  }
0x6: {  	[smem:$0x3FC3] =	sst s2  }
0x7: {  	_ = 	snop  }
0x8: {  	s2 =	sld [smem:$0x3FD0];
	_ =	sdelay $0x2  }
0x9: {  	s16 =	simm.s32 $0xA;
	s4 =	simm.s32 $0x10  }
0xa: {  	[smem:s4], [sflag:s16] =	dma.local [hbm:s2], $0x1  }
0xb: {  	_ =	swait.eq [sflag:s16], $0x1  }
0xc: {  	[sflag:s16] =	ssyncset.done $0x0  }
0xd: {  	[sflag:s16] =	ssyncadd.s32 $0xFFFFFFFF  }
0xe: {  	s17 =	sld [smem:$0x10];
	(tm) =	ssettm $0x1  }
0xf: {  	s18 =	sld [smem:$0x3FFB];
	_ =	sdelay $0x3  }
0x10: {  	_ =	strace s18  }
0x11: {  	s3 =	sld [smem:$0x3FFC];
	_ =	sdelay $0x3  }
0x12: {  	_ =	strace s3  }
0x13: {  	s3 =	sld [smem:$0x3FFD];
	_ =	sdelay $0x3  }
0x14: {  	_ =	strace s3  }
0x15: {  	_ =	strace $0x8FFFFFFF  }
0x16: {  	s19 =	sld [smem:$0x3FDB];
	_ =	sdelay $0x1  }
0x17: {  	s20 =	simm.s32 $_scs_section_size  }
0x18: {  	s5 =	simm.s32 $_size__tile_overlayer_lowered;
	s6 =	simm.s32 $_tile_overlayer_lowered  }
0x19: {  	s23 =	simm.s32 $0x1BFF;
	s22 =	sshll.u32 s6, $0x1;
	s3 =	sadd.s32 s20, s19  }
0x1a: {  	s7 =	simm.s32 $0x0;
	s21 =	sshll.u32 s5, $0x1;
	s5 =	sadd.s32 s22, s3  }
0x1b: {  	[timem:s7], [sflag:s23] =	dma.local [hbm:s5], s21  }
0x1c: {  	_ =	swait.ge [sflag:s23], s21  }
0x1d: {  	s4 =	ssub.s32 $0x0, s21;
	[sflag:s23] =	ssyncset.done $0x0  }
0x1e: {  	[sflag:s23] =	ssyncadd.s32 s4;
	_ =	sdelay $0x1  }
0x1f: {  	s24 =	simm.s32 $0x1B8B  }
0x20: {  	_ =	swait.ge [sflag:s24], $0x1  }
0x21: {  	[sflag:s24] =	ssyncset.done $0x0  }
0x22: {  	s26 =	simm.s32 $0x1B8E;
	s25 =	sld [smem:$0x3FFE];
	[sflag:s24] =	ssyncadd.s32 $0xFFFFFFFF  }
0x23: {  	s27 =	simm.s32 $execute0_lowered;
	[smem:$0x3FD2] =	sst s26  }
0x24: {  	s5 =	sshll.u32 s27, $0x1;
	_ =	strace $0x80000049;
	[dreg:$0x1] =	wrdreg $0xFFFFFFFF  }
0x25: {  	s28 =	simm.s32 $_size_execute0_lowered;
	s3 =	sadd.s32 s3, s5;
	[dreg:$0x0] =	wrdreg $0x0  }
0x26: {  	s5 =	sshll.u32 s28, $0x1;
	[dreg:$0x2] =	wrdreg s3  }
0x27: {  	[dreg:$0x3] =	wrdreg s5  }
0x28: {  	[dreg:$0x4] =	wrdreg $0xC0  }
0x29: {  	_ =	task [dreg:s7], $0x5FFFF  }
0x2a: {  	[dreg:$0x1] =	wrdreg $0xFFFFFFFF  }
0x2b: {  	[dreg:$0x0] =	wrdreg $0x60  }
0x2c: {  	[dreg:$0x2] =	wrdreg s25  }
0x2d: {  	[dreg:$0x3] =	wrdreg s17  }
0x2e: {  	[dreg:$0x4] =	wrdreg $0x9  }
0x2f: {  	_ =	task.clear_ibuf [dreg:s7], $0x5FFFF;
	_ =	strace $0x90000049  }
0x30: {  	s29 =	simm.s32 $0x9;
	_ =	strace $0x8000004B  }
0x31: {  	_ =	swait.ge [sflag:s29], $0x1  }
0x32: {  	[sflag:s29] =	ssyncadd.s32 $0xFFFFFFFF  }
0x33: {  	_ =	strace $0x9000004B  }
0x34: {  	_ =	sfence  }
0x35: {  	s30 =	sld [smem:$0x0];
	_ =	sdelay $0x2  }
0x36: {  	s31 =	sshll.u32 s1, $0xD;
	s1 =	sshrl.u32 s1, $0x2  }
0x37: {  	s3 =	sand.u32 $0x4000, s31;
	s1 =	sadd.s32 s1, s30  }
0x38: {  	s0 =	sor.u32 s3, s0;
	s1 =	sshll.u32 s1, $0x11  }
0x39: {  	s0 =	sor.u32 s1, s0  }
0x3a: {  	s0 =	sadd.s32 $0x8F2B, s0  }
0x3b: {  	[sflag:s0] =	ssyncadd.remote.s32 $0x1  }
0x3c: {  	_ =	sfence.sel $0xFFFF  }
0x3d: {  	[dreg:$0x0] =	wrdreg $0xFFFFFFFF;
	(pc) =	sbr.abs _section_cstart, $3  }
0x3e: {  	[dreg:$0x1] =	wrdreg $0xFFFFFFFF  }
0x3f: {  	_ =	task.clear_ibuf [dreg:s7], $0x2FFFF;
	_ =	strace $0x9FFFFFFF  }
0x40: {  	(tm) =	ssettm $0x7FFFFFFF  }
0x41: {  	_ =	shalt  }
tec
execute0_lowered:
.L_overlay_start_1:
0x0: {  	(tag) =	ssettag $0x1  }
0x1: {  	s0 =	srdreg.scid  }
0x2: {  	s1 =	sshll.u32 s0, $0x4  }
0x3: {  	s0 =	stileid.u32;
	s1 =	sand.u32 $0x10, s1  }
0x4: {  	s6 =	rddreg [dreg:$0x0];
	s1 =	sor.u32 s0, s1  }
0x5: {  	s4 =	simm.s32 $0x1;
	s7 =	simm.s32 $0x2;
	s2 =	sshll.u32 s1, $0x7  }
0x6: {  	s14 =	simm.s32 $0x0;
	s13 =	simm.s32 $0x0;
	s1 =	ssub.s32 $0x10000, s2  }
0x7: {  	s12 =	simm.s32 $0x0;
	s9 =	simm.s32 $0x0;
	s3 =	sand.u32 $0xF80, s1  }
0x8: {  	s10 =	simm.s32 $0x0;
	s5 =	sshrl.u32 s1, $0xC;
	p0 =	sne.s32 s3, $0x0  }
.Ltmp0:
0x9: {  	s1 =	rddreg [dreg:$0x2];
	s4 =	simm.s32 @!p0 $0x0;
	(pc) =	sbr.rel .LBB1_1-.Ltmp0, $4  }
0xa: {  	s11 =	simm.s32 $0x0;
	s3 =	rddreg [dreg:$0x1];
	s5 =	sadd.s32 s4, s5  }
0xb: {  	_ =	strace $0x8000004A;
	s4 =	simm.s32 $0x1;
	s5 =	smul.u32 $0x3, s5  }
0xc: {  	s6 =	sadd.s32 $0x2E00, s6;
	s8 =	smov.u32 s2;
	[sflag:s4] =	ssyncpa.u1 $0x0  }
0xd: {  	p0 =	por $0x0, $0x0;
	[sflag:s7] =	ssyncpa.u1 $0x0;
	s7 =	sadd.s32 $0x1, s5  }
.LBB1_4:
0xe: {  	v5 =	vld [tilespmem:s18+$0xFFFFFFD0];
	[tilespmem:s17+$0x2040 ss:$0x81] =	vst.msk $0xffff, v1  }
0xf: {  	v58 =	vld [tilespmem:s18+$0xFFFFFFE0];
	[tilespmem:s17+$0x2850 ss:$0x81] =	vst.msk $0xffff, v2  }
0x10: {  	s19 =	sshra.s32 s19, $0x2;
	v59 =	vld [tilespmem:s18+$0xFFFFFFF0];
	[tilespmem:s17+$0x3060 ss:$0x81] =	vst.msk $0xffff, v3  }
0x11: {  	v60 =	vld [tilespmem:s18+$0x0];
	[tilespmem:s17+$0x0 ss:$0x81] =	vst.msk $0xffff, v0;
	s16 =	sadd.s32 s19, s16  }
0x12: {  	v61 =	vld [tilespmem:s18+$0x10];
	[tilespmem:s16+$0x3870 ss:$0x81] =	vst.msk $0xffff, v4  }
0x13: {  	v62 =	vld [tilespmem:s18+$0x20];
	s14 =	sshll.u32 s14, $0x7;
	s28 =	sshll.u32 s12, $0x3;
	[tilespmem:s16+$0x810 ss:$0x81] =	vst.msk $0xffff, v5  }
0x14: {  	v63 =	vld [tilespmem:s18+$0xFFFFFFC0];
	s29 =	sand.u32 $0x7FFC00, s14;
	s17 =	sand.u32 $0x7FFC00, s28;
	[tilespmem:s16+$0x1020 ss:$0x81] =	vst.msk $0xffff, v58  }
0x15: {  	s14 =	sand.u32 $0x380, s14;
	s17 =	sadd.s32 s17, s29;
	[tilespmem:s16+$0x1830 ss:$0x81] =	vst.msk $0xffff, v59  }
0x16: {  	s13 =	sshll.u32 s13, $0x14;
	s30 =	sshrl.u32 s12, $0x3;
	s14 =	sor.u32 s14, s17;
	[tilespmem:s16+$0x2040 ss:$0x81] =	vst.msk $0xffff, v60  }
0x17: {  	s13 =	sadd.s32 s3, s13;
	s17 =	sand.u32 $0xF, s30;
	s14 =	sshrl.u32 s14, $0x3;
	[tilespmem:s16+$0x2850 ss:$0x81] =	vst.msk $0xffff, v61  }
0x18: {  	s13 =	sadd.s32 s17, s13;
	[tilespmem:s16+$0x3060 ss:$0x81] =	vst.msk $0xffff, v62;
	s14 =	sand.u32 $0xFFFF0, s14  }
0x19: {  	s31 =	sand.u32 $0x7, s12;
	[tilespmem:s16+$0x0 ss:$0x81] =	vst.msk $0xffff, v63;
	s13 =	sadd.s32 s14, s13  }
0x1a: {  	[hbm4b:s13+s31] =	stream.linear.scatter [tilespmem:s15], [sflag:$0x2], $0x4000, $0x20;
	[tilespmem:$0x10100] =	vst v63  }
.LBB1_5:
0x1b: {  	s15 =	sadd.s32 $0x1000, s8  }
0x1c: {  	s12 =	simm.s32 $0x1;
	p2 =	sgt.s32 s15, $0xFFFF  }
0x1d: {  	s12 =	simm.s32 @!p2 $0x0  }
0x1e: {  	s16 =	sadd.s32 s12, s9  }
0x1f: {  	s18 =	smov.u32 s10;
	s12 =	sadd.s32 $0x80, s10;
	p3 =	sgt.s32 s16, $0x2  }
0x20: {  	s18 =	smov.u32 @p3 s12  }
0x21: {  	s15 =	smov.u32 @p2 s2;
	p2 =	sgt.s32 s18, $0x7F  }
0x22: {  	p1 =	slt.u32 s11, $0x2;
	s18 =	simm.s32 @p2 $0x0;
	p2 =	sne.s32 s11, s7  }
.Ltmp1:
0x23: {  	s17 =	simm.s32 @!p1 $0x2;
	(pc) =	sbr.rel @!p2 .LBB1_6-.Ltmp1, $4  }
0x24: {  	s14 =	smov.u32 s8;
	s13 =	smov.u32 s9;
	_ =	swait.ge @!p1 [sflag:s17], $0x4000  }
0x25: {  	p0 =	por !p0, !p0;
	[sflag:s17] =	ssyncset.done @!p1 $0x0;
	s8 =	smov.u32 s15  }
0x26: {  	[sflag:s17] =	ssyncadd.s32 @!p1 $0xFFFFC000;
	s16 =	simm.s32 @p3 $0x0;
	s12 =	smov.u32 s10  }
0x27: {  	s9 =	smov.u32 s16;
	s11 =	sadd.s32 $0x1, s11;
	s10 =	smov.u32 s18  }
.LBB1_1:
0x28: {  	p1 =	sge.u32 s11, s5  }
0x29: {  	s15 =	sshll.u32 @!p1 s9, $0x7  }
0x2a: {  	s16 =	sand.u32 @!p1 $0x78, s8;
	s17 =	sshll.u32 @!p1 s8, $0x2;
	s15 =	sand.u32 @!p1 $0x180, s15  }
0x2b: {  	s31 =	sadd.s32 $0xFFFFFFFF, s11;
	s17 =	sand.u32 @!p1 $0xFE00, s17;
	s15 =	sor.u32 @!p1 s15, s16  }
0x2c: {  	s16 =	sshll.u32 @!p1 s10, $0xF;
	s15 =	sor.u32 @!p1 s17, s15;
	s17 =	sshrl.u32 @!p1 s8, $0x1  }
0x2d: {  	s18 =	sxor.u32 @!p1 $0xFFFFFFFF, s11;
	s16 =	sadd.s32 @!p1 s6, s16;
	s17 =	sand.u32 @!p1 $0x6000, s17  }
0x2e: {  	s18 =	sshll.u32 @!p1 s18, $0xE;
	s16 =	sadd.s32 @!p1 s17, s16;
	s17 =	sand.u32 @!p1 $0x7, s8  }
0x2f: {  	s18 =	sand.u32 @!p1 $0x4000, s18;
	s15 =	sshrl.u32 @!p1 s15, $0x3;
	s17 =	sshll.u32 @!p1 s17, $0x12  }
0x30: {  	s15 =	sadd.s32 @!p1 s15, s16;
	s16 =	sor.u32 @!p1 $0x80, s17;
	s17 =	simm.s32 @!p1 $0x40000  }
0x31: {  	[tilespmem:s18], [sflag:$0x1] =	stream.strided.gather @!p1 [hbm4b:s15+s16], $0x4000, s17, s16, $0x38;
	[tilespmem:$0x10100] =	vst v63  }
0x32: {  	p1 =	sge.u32 s31, s5  }
.Ltmp2:
0x33: {  	_ = 	snop;
	(pc) =	sbr.rel @p1 .LBB1_5-.Ltmp2, $1  }
0x34: {  	_ =	sdelay $0x3  }
0x35: {  	s15 =	simm.s32 $0x1  }
0x36: {  	_ =	swait.ge [sflag:s4], $0x4000;
	s15 =	simm.s32 @!p0 $0x0  }
0x37: {  	[sflag:s4] =	ssyncset.done $0x0;
	s16 =	sshll.u32 s15, $0xE  }
0x38: {  	[sflag:s4] =	ssyncadd.s32 $0xFFFFC000;
	s18 =	sor.u32 $0x40, s16  }
0x39: {  	s15 =	smul.u32 $0x10200, s15;
	v0 =	vld [tilespmem:s18+$0x30]  }
0x3a: {  	v3 =	vld [tilespmem:s18+$0xFFFFFFD0]  }
0x3b: {  	s15 =	sshrl.u32 s15, $0x2;
	v4 =	vld [tilespmem:s18+$0xFFFFFFE0]  }
0x3c: {  	v5 =	vld [tilespmem:s18+$0xFFFFFFF0];
	s16 =	sor.u32 $0x8000, s15  }
0x3d: {  	s31 =	sand.u32 $0x1, s11;
	v1 =	vld [tilespmem:s18+$0x0];
	s17 =	sadd.s32 $0x0, s16  }
0x3e: {  	v2 =	vld [tilespmem:s18+$0x10];
	s15 =	smul.u32 $0x10200, s31;
	[tilespmem:s17+$0x3870 ss:$0x81] =	vst.msk $0xffff, v0  }
0x3f: {  	[tilespmem:s17+$0x810 ss:$0x81] =	vst.msk $0xffff, v3;
	v3 =	vld [tilespmem:s18+$0x20]  }
0x40: {  	s15 =	sshrl.u32 s15, $0x2;
	v0 =	vld [tilespmem:s18+$0xFFFFFFC0];
	[tilespmem:s17+$0x1020 ss:$0x81] =	vst.msk $0xffff, v4;
	s18 =	sadd.s32 $0x80, s18  }
0x41: {  	s19 =	simm.s32 $0x4;
	s20 =	simm.s32 $0x8;
	s15 =	sor.u32 $0x8000, s15;
	[tilespmem:s17+$0x1830 ss:$0x81] =	vst.msk $0xffff, v5;
	v4 =	vld [tilespmem:s18+$0x30]  }
.LBB1_3:
0x42: {  	p1 =	sne.s32 s20, $0x1FC;
	v5 =	vld [tilespmem:s18+$0xFFFFFFD0];
	[tilespmem:s17+$0x2040 ss:$0x81] =	vst.msk $0xffff, v1  }
0x43: {  	v6 =	vld [tilespmem:s18+$0xFFFFFFE0];
	[tilespmem:s17+$0x2850 ss:$0x81] =	vst.msk $0xffff, v2  }
0x44: {  	s21 =	sshra.s32 s19, $0x2;
	s19 =	smov.u32 s20;
	v7 =	vld [tilespmem:s18+$0xFFFFFFF0];
	[tilespmem:s17+$0x3060 ss:$0x81] =	vst.msk $0xffff, v3  }
.Ltmp3:
0x45: {  	v1 =	vld [tilespmem:s18+$0x0];
	[tilespmem:s17+$0x0 ss:$0x81] =	vst.msk $0xffff, v0;
	s17 =	sadd.s32 s21, s16;
	(pc) =	sbr.rel @p1 .LBB1_3-.Ltmp3, $4  }
0x46: {  	v2 =	vld [tilespmem:s18+$0x10];
	[tilespmem:s17+$0x3870 ss:$0x81] =	vst.msk $0xffff, v4  }
0x47: {  	[tilespmem:s17+$0x810 ss:$0x81] =	vst.msk $0xffff, v5;
	v3 =	vld [tilespmem:s18+$0x20]  }
0x48: {  	v0 =	vld [tilespmem:s18+$0xFFFFFFC0];
	[tilespmem:s17+$0x1020 ss:$0x81] =	vst.msk $0xffff, v6;
	s18 =	sadd.s32 $0x80, s18  }
0x49: {  	s20 =	sadd.s32 $0x4, s20;
	v4 =	vld [tilespmem:s18+$0x30];
	[tilespmem:s17+$0x1830 ss:$0x81] =	vst.msk $0xffff, v7  }
.Ltmp4:
0x4a: {  	_ = 	snop;
	(pc) =	sbr.rel .LBB1_4-.Ltmp4, $1  }
0x4b: {  	_ =	sdelay $0x3  }
.LBB1_6:
0x4c: {  	_ =	sfence.sel $0x180000  }
0x4d: {  	s2 =	simm.s32 $0x1;
	[bflag:$0x0] =	sbarrier.arrive $0xFFFF  }
0x4e: {  	s31 =	simm.s32 $0x2;
	[sflag:s2] =	ssyncpa.u1 $0x1  }
0x4f: {  	[sflag:s31] =	ssyncpa.u1 $0x1  }
0x50: {  	p0 =	sne.s32 s0, $0x0;
	_ =	strace $0x9000004A  }
0x51: {  	s0 =	sadd.s32 @!p0 $0x100000, s1;
	[bflag:$0x2] =	sbarrier.arrive $0xFFFF  }
0x52: {  	[sflag:s0] =	ssyncadd.tile.s32 @!p0 $0x1;
	_ =	shalt  }
.Lfunc_end1:
_tile_overlayer_lowered:
.L_overlay_start_2:
0x53: {  	(tag) =	ssettag $0x2  }
0x54: {  	s0 =	rddreg [dreg:$0x0];
	s2 =	stileid.u32  }
0x55: {  	s1 =	rddreg [dreg:$0x1];
	p0 =	sne.s32 s2, $0x0  }
0x56: {  	s3 =	rddreg [dreg:$0x2];
	[bflag:$0x3] =	sbarrier.arrive $0xFFFF;
	s2 =	simm.s32 @!p0 $0x1C01  }
0x57: {  	[timem:s3], [sflag:s2] =	dma.local @!p0 [hbm:s0], s1  }
0x58: {  	s0 =	simm.s32 @!p0 $0x1  }
0x59: {  	_ =	swait.ge @!p0 [sflag:s0], s1  }
0x5a: {  	s1 =	ssub.s32 @!p0 $0x0, s1;
	[sflag:s0] =	ssyncset.done @!p0 $0x0  }
0x5b: {  	[sflag:s0] =	ssyncadd.s32 @!p0 s1  }
0x5c: {  	[bflag:$0x3] =	sbarrier.arrive $0xFFFF  }
0x5d: {  	_ =	shalt  }

</sc_bundles>
